<compile_context>
chip_gen: v7x
topology: tpu7x:2x2x1
jax: 0.10.2.dev20260603
libtpu: 0.0.44.dev20260713+nightly
codegen_flags: <defaults>
</compile_context>

<pallas_src>
import functools

import jax
import jax.numpy as jnp
from jax import lax
from jax.experimental import pallas as pl
from jax.experimental.pallas import tpu as pltpu
from jax.experimental.pallas import tpu_sc as plsc

EDGE = 25
CELLS = EDGE * EDGE
CPAD = 632
NUM_ROT = 6
D = 128
B = 1024
NW = 32
CHUNK = 128
ROWS = B * CPAD
NCHUNK = ROWS // CHUNK
CH_PER_W = NCHUNK // NW
VSCALE = 0.5
NCH = 147


def _sc_gather_fn():
    mesh = plsc.VectorSubcoreMesh(core_axis_name="c", subcore_axis_name="s")
    n = CH_PER_W

    NBUF = 3

    @functools.partial(
        pl.kernel,
        out_type=jax.ShapeDtypeStruct((ROWS, D), jnp.float32),
        mesh=mesh,
        scratch_types=[
            pltpu.VMEM((NBUF, CHUNK), jnp.int32),
            pltpu.VMEM((NBUF, CHUNK), jnp.int32),
            pltpu.VMEM((CHUNK, D), jnp.float32),
            pltpu.VMEM((CHUNK, D), jnp.float32),
            pltpu.VMEM((CHUNK, D), jnp.float32),
            pltpu.VMEM((CHUNK, D), jnp.float32),
            pltpu.VMEM((CHUNK, D), jnp.float32),
            pltpu.VMEM((CHUNK, D), jnp.float32),
            pltpu.SemaphoreType.DMA,
            pltpu.SemaphoreType.DMA,
            pltpu.SemaphoreType.DMA,
            pltpu.SemaphoreType.DMA,
            pltpu.SemaphoreType.DMA,
            pltpu.SemaphoreType.DMA,
            pltpu.SemaphoreType.DMA,
            pltpu.SemaphoreType.DMA,
            pltpu.SemaphoreType.DMA,
        ],
    )
    def sc_gather(si_hbm, di_hbm, st_hbm, dy_hbm, out_hbm,
                  si_v, di_v, rs0, rs1, rs2, rd0, rd1, rd2,
                  isem0, isem1, isem2, gsem0, gsem1, gsem2,
                  ssem0, ssem1, ssem2):
        wid = lax.axis_index("s") * 2 + lax.axis_index("c")
        w0 = wid * n
        rs = (rs0, rs1, rs2)
        rd = (rd0, rd1, rd2)
        isem = (isem0, isem1, isem2)
        gsem = (gsem0, gsem1, gsem2)
        ssem = (ssem0, ssem1, ssem2)

        def issue_idx(j, b):
            pltpu.async_copy(si_hbm.at[w0 + j], si_v.at[b], isem[b])
            pltpu.async_copy(di_hbm.at[w0 + j], di_v.at[b], isem[b])

        def wait_idx(b):
            pltpu.make_async_copy(si_hbm.at[0], si_v.at[b], isem[b]).wait()
            pltpu.make_async_copy(di_hbm.at[0], di_v.at[b], isem[b]).wait()

        def issue_gathers(b):
            pltpu.async_copy(st_hbm.at[si_v.at[b]], rs[b], gsem[b])
            pltpu.async_copy(dy_hbm.at[di_v.at[b]], rd[b], gsem[b])

        def wait_gathers(b):
            pltpu.make_async_copy(st_hbm.at[pl.ds(0, CHUNK)], rs[b],
                                  gsem[b]).wait()
            pltpu.make_async_copy(st_hbm.at[pl.ds(0, CHUNK)], rd[b],
                                  gsem[b]).wait()

        def issue_store(j, b):
            pltpu.async_copy(rs[b], out_hbm.at[pl.ds((w0 + j) * CHUNK, CHUNK)],
                             ssem[b])

        def wait_store(b):
            pltpu.make_async_copy(rs[b], out_hbm.at[pl.ds(0, CHUNK)],
                                  ssem[b]).wait()

        def add_rows(b):
            def add_row(r, carry):
                for v in range(D // 16):
                    sl = pl.ds(v * 16, 16)
                    rs[b][r, sl] = rs[b][r, sl] + rd[b][r, sl]
                return carry
            lax.fori_loop(0, CHUNK, add_row, 0)

        def step(j, b, skip_store_wait=False, last_idx=False):
            b2 = (b + 2) % NBUF
            wait_idx(b2)
            if not skip_store_wait:
                wait_store(b2)
            issue_gathers(b2)
            wait_gathers(b)
            if last_idx:
                @pl.when(j + NBUF < n)
                def _():
                    issue_idx(j + NBUF, b)
            else:
                issue_idx(j + NBUF, b)
            add_rows(b)
            issue_store(j, b)

        for j in range(NBUF):
            issue_idx(j, j)
        wait_idx(0)
        issue_gathers(0)
        wait_idx(1)
        issue_gathers(1)
        step(0, 0, skip_store_wait=True)
        step(1, 1)
        step(2, 2)

        def body(i, carry):
            for b in range(NBUF):
                step(NBUF * i + b, b, last_idx=True)
            return carry

        lax.fori_loop(1, (n - 2) // NBUF, body, 0)

        for j, b in ((n - 2, (n - 2) % NBUF), (n - 1, (n - 1) % NBUF)):
            wait_gathers(b)
            add_rows(b)
            issue_store(j, b)
        for b in range(NBUF):
            wait_store(b)

    return sc_gather


NB = 8


def _tc_body(rot_ref, g_ref, obst_ref, ocur_ref, omem_ref, pvis_ref,
             lead_ref, foll_ref, out_ref):
    b0 = pl.program_id(0) * NB
    i0 = lax.broadcasted_iota(jnp.int32, (D, D), 0)
    i1 = lax.broadcasted_iota(jnp.int32, (D, D), 1)
    ident = jnp.where(i0 == i1, 1.0, 0.0).astype(jnp.float32)

    for nbi in range(NB):
        rot = rot_ref[b0 + nbi]
        g = g_ref[nbi]
        xt = lax.dot_general(ident, g, (((1,), (1,)), ((), ())),
                             preferred_element_type=jnp.float32)

        m = omem_ref[nbi]
        out_ref[nbi, pl.ds(0, D), :] = xt[:, :CELLS] * m
        out_ref[nbi, pl.ds(D, 1), :] = obst_ref[nbi] * m
        out_ref[nbi, pl.ds(D + 1, 1), :] = ocur_ref[nbi] * m
        out_ref[nbi, pl.ds(D + 2, 1), :] = m * m

        pv = pvis_ref[nbi]
        shifted = jnp.zeros((NUM_ROT, CELLS), jnp.float32)
        for s in range(NUM_ROT):
            rolled = pv if s == 0 else jnp.concatenate(
                [pv[NUM_ROT - s:], pv[:NUM_ROT - s]], axis=0)
            shifted = shifted + jnp.where(rot == s, rolled, 0.0)
        out_ref[nbi, pl.ds(D + 3, NUM_ROT), :] = shifted * (VSCALE * m)
        out_ref[nbi, pl.ds(D + 9, 1), :] = (
            jnp.sum(pv, axis=0, keepdims=True) * m)
        out_ref[nbi, pl.ds(D + 10, 1), :] = lead_ref[nbi] * m
        out_ref[nbi, pl.ds(D + 11, 1), :] = foll_ref[nbi] * m
        out_ref[nbi, pl.ds(D + 12, 1), :] = jnp.ones((1, CELLS), jnp.float32)
        rows = lax.broadcasted_iota(jnp.int32, (NUM_ROT, CELLS), 0)
        out_ref[nbi, pl.ds(D + 13, NUM_ROT), :] = jnp.where(rows == rot,
                                                            1.0, 0.0)


def _tc_assemble(rot, g, obst, ocur, omem, pvis, lead, foll):
    return pl.pallas_call(
        _tc_body,
        grid=(B // NB,),
        in_specs=[
            pl.BlockSpec(memory_space=pltpu.SMEM),
            pl.BlockSpec((NB, CPAD, D), lambda b: (b, 0, 0)),
            pl.BlockSpec((NB, 1, CELLS), lambda b: (b, 0, 0)),
            pl.BlockSpec((NB, 1, CELLS), lambda b: (b, 0, 0)),
            pl.BlockSpec((NB, 1, CELLS), lambda b: (b, 0, 0)),
            pl.BlockSpec((NB, NUM_ROT, CELLS), lambda b: (b, 0, 0)),
            pl.BlockSpec((NB, 1, CELLS), lambda b: (b, 0, 0)),
            pl.BlockSpec((NB, 1, CELLS), lambda b: (b, 0, 0)),
        ],
        out_specs=pl.BlockSpec((NB, NCH, CELLS), lambda b: (b, 0, 0)),
        out_shape=jax.ShapeDtypeStruct((B, NCH, CELLS), jnp.float32),
    )(rot, g, obst, ocur, omem, pvis, lead, foll)


@jax.jit
def kernel(static_indices, dynamic_indices, obstacle_mask,
           observability_current, observability_in_memory,
           previous_visitations, leader_location, follower_location,
           current_rotations, static_table, dynamic_table):
    si = jnp.pad(static_indices.reshape(B, CELLS),
                 ((0, 0), (0, CPAD - CELLS))).reshape(NCHUNK, CHUNK)
    di = jnp.pad(dynamic_indices.reshape(B, CELLS),
                 ((0, 0), (0, CPAD - CELLS))).reshape(NCHUNK, CHUNK)

    g = _sc_gather_fn()(si, di, static_table, dynamic_table)
    g = g.reshape(B, CPAD, D)

    out = _tc_assemble(
        current_rotations, g,
        obstacle_mask.reshape(B, 1, CELLS),
        observability_current.reshape(B, 1, CELLS),
        observability_in_memory.reshape(B, 1, CELLS),
        previous_visitations.reshape(B, NUM_ROT, CELLS),
        leader_location.reshape(B, 1, CELLS),
        follower_location.reshape(B, 1, CELLS),
    )
    return out.reshape(B, NCH, EDGE, EDGE)

# --- scband reference (transcript-rebuilt; emitter-appended) ---
"""Pipeline reference for scband-environment-embedder-2783138808252 (READ-ONLY COPY).

The authoritative reference and input builder live on the scoring server;
editing this copy changes nothing except your own understanding.
"""

import jax, jax.numpy as jnp
import numpy as np

EDGE_WIDTH = 25
NUM_ROT = 6
EMB_DIM = 128
V_STATIC = 100000
V_DYNAMIC = 100000
BATCH = 1024
VISITATION_SCALE = 0.5


def setup_inputs(seed: int = 0) -> dict:
    key = jax.random.key(seed)
    ks = jax.random.split(key, 12)
    return {
        "static_indices": jax.random.randint(ks[0], (BATCH, EDGE_WIDTH, EDGE_WIDTH), 0, V_STATIC, dtype=jnp.int32),
        "dynamic_indices": jax.random.randint(ks[1], (BATCH, EDGE_WIDTH, EDGE_WIDTH), 0, V_DYNAMIC, dtype=jnp.int32),
        "obstacle_mask": jax.random.uniform(ks[2], (BATCH, EDGE_WIDTH, EDGE_WIDTH), dtype=jnp.float32),
        "observability_current": jax.random.uniform(ks[3], (BATCH, EDGE_WIDTH, EDGE_WIDTH), dtype=jnp.float32),
        "observability_in_memory": jax.random.uniform(ks[4], (BATCH, EDGE_WIDTH, EDGE_WIDTH), dtype=jnp.float32),
        "previous_visitations": jax.random.uniform(ks[5], (BATCH, NUM_ROT, EDGE_WIDTH, EDGE_WIDTH), dtype=jnp.float32),
        "leader_location": jax.random.uniform(ks[6], (BATCH, EDGE_WIDTH, EDGE_WIDTH), dtype=jnp.float32),
        "follower_location": jax.random.uniform(ks[7], (BATCH, EDGE_WIDTH, EDGE_WIDTH), dtype=jnp.float32),
        "current_rotations": jax.random.randint(ks[8], (BATCH,), 0, NUM_ROT, dtype=jnp.int32),
        "static_table": jax.random.normal(ks[9], (V_STATIC, EMB_DIM), dtype=jnp.float32) * 0.02,
        "dynamic_table": jax.random.normal(ks[10], (V_DYNAMIC, EMB_DIM), dtype=jnp.float32) * 0.02,
    }


def _shuffle_voxels_to_egocentric(vox, rotations):
    # vox: [B, R, H, W]; shifted[:, j] = vox[:, (j - rot) % R]
    r = vox.shape[1]
    j = jnp.arange(r)
    idx = (j[None, :] - rotations[:, None]) % r  # [B, R]
    return jnp.take_along_axis(vox, idx[:, :, None, None], axis=1)


def reference(static_indices, dynamic_indices, obstacle_mask, observability_current,
              observability_in_memory, previous_visitations, leader_location,
              follower_location, current_rotations, static_table, dynamic_table):
    # static / dynamic property embedders: per-cell embedding lookup -> [B, D, H, W]
    emb_static = jnp.transpose(jnp.take(static_table, static_indices, axis=0), (0, 3, 1, 2))
    emb_dynamic = jnp.transpose(jnp.take(dynamic_table, dynamic_indices, axis=0), (0, 3, 1, 2))
    # non-hierarchical: sum of static and dynamic embeddings
    embedded_env = emb_static + emb_dynamic

    obs_mem = observability_in_memory[:, None, :, :]
    prev_vis = previous_visitations * VISITATION_SCALE
    prev_vis = _shuffle_voxels_to_egocentric(prev_vis, current_rotations)
    all_vis = jnp.sum(previous_visitations, axis=1, keepdims=True)

    embedded = jnp.concatenate([
        embedded_env,
        obstacle_mask[:, None, :, :],
        observability_current[:, None, :, :],
        obs_mem,
        prev_vis,
        all_vis,
        leader_location[:, None, :, :],
        follower_location[:, None, :, :],
    ], axis=1)

    environment_tensor = embedded * obs_mem

    # utility channels: constant ones channel + compass one-hot over rotations
    b = environment_tensor.shape[0]
    env_channel = jnp.ones((b, 1, EDGE_WIDTH, EDGE_WIDTH), environment_tensor.dtype)
    compass = jax.nn.one_hot(current_rotations, NUM_ROT, dtype=environment_tensor.dtype)[:, :, None, None] \
        * jnp.ones((1, 1, EDGE_WIDTH, EDGE_WIDTH), environment_tensor.dtype)
    return jnp.concatenate([environment_tensor, env_channel, compass], axis=1)


if False:  # reference __main__ guard neutralized (emitter)
    out = reference(**setup_inputs())
    print(out.shape)

if __name__ == "__main__":
    import jax
    _d = setup_inputs()
    print(jax.jit(kernel)(*tuple(_d.values())))

</pallas_src>

<mosaic_0001>
#map = affine_map<(d0, d1) -> (0, 0)>
module attributes {stable_mosaic.version = 14 : i64} {
  func.func @sc_gather(%arg0: i32, %arg1: i32, %arg2: memref<5056x128xi32, #tpu.memory_space<hbm>>, %arg3: memref<5056x128xi32, #tpu.memory_space<hbm>>, %arg4: memref<100000x128xf32, #tpu.memory_space<hbm>>, %arg5: memref<100000x128xf32, #tpu.memory_space<hbm>>, %arg6: memref<647168x128xf32, #tpu.memory_space<hbm>>, %arg7: memref<3x128xi32, #tpu.memory_space<vmem>>, %arg8: memref<3x128xi32, #tpu.memory_space<vmem>>, %arg9: memref<128x128xf32, #tpu.memory_space<vmem>>, %arg10: memref<128x128xf32, #tpu.memory_space<vmem>>, %arg11: memref<128x128xf32, #tpu.memory_space<vmem>>, %arg12: memref<128x128xf32, #tpu.memory_space<vmem>>, %arg13: memref<128x128xf32, #tpu.memory_space<vmem>>, %arg14: memref<128x128xf32, #tpu.memory_space<vmem>>, %arg15: memref<!tpu.dma_semaphore, #tpu.memory_space<semaphore_mem>>, %arg16: memref<!tpu.dma_semaphore, #tpu.memory_space<semaphore_mem>>, %arg17: memref<!tpu.dma_semaphore, #tpu.memory_space<semaphore_mem>>, %arg18: memref<!tpu.dma_semaphore, #tpu.memory_space<semaphore_mem>>, %arg19: memref<!tpu.dma_semaphore, #tpu.memory_space<semaphore_mem>>, %arg20: memref<!tpu.dma_semaphore, #tpu.memory_space<semaphore_mem>>, %arg21: memref<!tpu.dma_semaphore, #tpu.memory_space<semaphore_mem>>, %arg22: memref<!tpu.dma_semaphore, #tpu.memory_space<semaphore_mem>>, %arg23: memref<!tpu.dma_semaphore, #tpu.memory_space<semaphore_mem>>) attributes {dimension_semantics = [#tpu.dimension_semantics<core_parallel>, #tpu.dimension_semantics<subcore_parallel>], iteration_bounds = array<i64: 2, 16>, scalar_prefetch = 0 : i64, scratch_operands = 17 : i64, tpu.core_type = #tpu.core_type<sc_vector_subcore>, window_params = [{transform_indices = #map}, {transform_indices = #map}, {transform_indices = #map}, {transform_indices = #map}, {transform_indices = #map}]} {
    %mul3A = arith.constant 2 : i32
    %mul3A_0 = arith.muli %arg1, %mul3A : i32
    %add3A = arith.addi %mul3A_0, %arg0 : i32
    %mul3A_1 = arith.constant 158 : i32
    %mul3A_2 = arith.muli %add3A, %mul3A_1 : i32
    %add3A_3 = arith.constant 0 : i32
    %add3A_4 = arith.addi %mul3A_2, %add3A_3 : i32
    %dma_start3A = arith.constant 0 : i32
    %dma_start3A_5 = arith.constant 0 : i32
    %dma_start3A_6 = tpu.memref_slice %arg7[%dma_start3A, %dma_start3A_5] : memref<3x128xi32, #tpu.memory_space<vmem>> -> memref<1x128xi32, #tpu.memory_space<vmem>>
    %dma_start3A_7 = tpu.memref_squeeze %dma_start3A_6 : memref<1x128xi32, #tpu.memory_space<vmem>> -> memref<128xi32, #tpu.memory_space<vmem>>
    %dma_start3A_8 = arith.constant 0 : i32
    %dma_start3A_9 = tpu.memref_slice %arg2[%add3A_4, %dma_start3A_8] : memref<5056x128xi32, #tpu.memory_space<hbm>> -> memref<1x128xi32, #tpu.memory_space<hbm>>
    %dma_start3A_10 = tpu.memref_squeeze %dma_start3A_9 : memref<1x128xi32, #tpu.memory_space<hbm>> -> memref<128xi32, #tpu.memory_space<hbm>>
    %dma_start3A_11 = arith.constant 0 : i32
    %dma_start3A_12 = tpu.memref_slice %arg7[%dma_start3A, %dma_start3A_11] : memref<3x128xi32, #tpu.memory_space<vmem>> -> memref<1x128xi32, #tpu.memory_space<vmem>>
    %dma_start3A_13 = tpu.memref_squeeze %dma_start3A_12 : memref<1x128xi32, #tpu.memory_space<vmem>> -> memref<128xi32, #tpu.memory_space<vmem>>
    %dma_start3A_14 = arith.constant 0 : i32
    %dma_start3A_15 = tpu.memref_slice %arg2[%add3A_4, %dma_start3A_14] : memref<5056x128xi32, #tpu.memory_space<hbm>> -> memref<1x128xi32, #tpu.memory_space<hbm>>
    %dma_start3A_16 = tpu.memref_squeeze %dma_start3A_15 : memref<1x128xi32, #tpu.memory_space<hbm>> -> memref<128xi32, #tpu.memory_space<hbm>>
    tpu.enqueue_dma source(%dma_start3A_16 : memref<128xi32, #tpu.memory_space<hbm>>) target(%dma_start3A_13 : memref<128xi32, #tpu.memory_space<vmem>>) target_semaphore(%arg15 : memref<!tpu.dma_semaphore, #tpu.memory_space<semaphore_mem>>)
    %add3A_17 = arith.constant 0 : i32
    %add3A_18 = arith.addi %mul3A_2, %add3A_17 : i32
    %dma_start3A_19 = arith.constant 0 : i32
    %dma_start3A_20 = arith.constant 0 : i32
    %dma_start3A_21 = tpu.memref_slice %arg8[%dma_start3A_19, %dma_start3A_20] : memref<3x128xi32, #tpu.memory_space<vmem>> -> memref<1x128xi32, #tpu.memory_space<vmem>>
    %dma_start3A_22 = tpu.memref_squeeze %dma_start3A_21 : memref<1x128xi32, #tpu.memory_space<vmem>> -> memref<128xi32, #tpu.memory_space<vmem>>
    %dma_start3A_23 = arith.constant 0 : i32
    %dma_start3A_24 = tpu.memref_slice %arg3[%add3A_18, %dma_start3A_23] : memref<5056x128xi32, #tpu.memory_space<hbm>> -> memref<1x128xi32, #tpu.memory_space<hbm>>
    %dma_start3A_25 = tpu.memref_squeeze %dma_start3A_24 : memref<1x128xi32, #tpu.memory_space<hbm>> -> memref<128xi32, #tpu.memory_space<hbm>>
    %dma_start3A_26 = arith.constant 0 : i32
    %dma_start3A_27 = tpu.memref_slice %arg8[%dma_start3A_19, %dma_start3A_26] : memref<3x128xi32, #tpu.memory_space<vmem>> -> memref<1x128xi32, #tpu.memory_space<vmem>>
    %dma_start3A_28 = tpu.memref_squeeze %dma_start3A_27 : memref<1x128xi32, #tpu.memory_space<vmem>> -> memref<128xi32, #tpu.memory_space<vmem>>
    %dma_start3A_29 = arith.constant 0 : i32
    %dma_start3A_30 = tpu.memref_slice %arg3[%add3A_18, %dma_start3A_29] : memref<5056x128xi32, #tpu.memory_space<hbm>> -> memref<1x128xi32, #tpu.memory_space<hbm>>
    %dma_start3A_31 = tpu.memref_squeeze %dma_start3A_30 : memref<1x128xi32, #tpu.memory_space<hbm>> -> memref<128xi32, #tpu.memory_space<hbm>>
    tpu.enqueue_dma source(%dma_start3A_31 : memref<128xi32, #tpu.memory_space<hbm>>) target(%dma_start3A_28 : memref<128xi32, #tpu.memory_space<vmem>>) target_semaphore(%arg15 : memref<!tpu.dma_semaphore, #tpu.memory_space<semaphore_mem>>)
    %add3A_32 = arith.constant 1 : i32
    %add3A_33 = arith.addi %mul3A_2, %add3A_32 : i32
    %dma_start3A_34 = arith.constant 1 : i32
    %dma_start3A_35 = arith.constant 0 : i32
    %dma_start3A_36 = tpu.memref_slice %arg7[%dma_start3A_34, %dma_start3A_35] : memref<3x128xi32, #tpu.memory_space<vmem>> -> memref<1x128xi32, #tpu.memory_space<vmem>>
    %dma_start3A_37 = tpu.memref_squeeze %dma_start3A_36 : memref<1x128xi32, #tpu.memory_space<vmem>> -> memref<128xi32, #tpu.memory_space<vmem>>
    %dma_start3A_38 = arith.constant 0 : i32
    %dma_start3A_39 = tpu.memref_slice %arg2[%add3A_33, %dma_start3A_38] : memref<5056x128xi32, #tpu.memory_space<hbm>> -> memref<1x128xi32, #tpu.memory_space<hbm>>
    %dma_start3A_40 = tpu.memref_squeeze %dma_start3A_39 : memref<1x128xi32, #tpu.memory_space<hbm>> -> memref<128xi32, #tpu.memory_space<hbm>>
    %dma_start3A_41 = arith.constant 0 : i32
    %dma_start3A_42 = tpu.memref_slice %arg7[%dma_start3A_34, %dma_start3A_41] : memref<3x128xi32, #tpu.memory_space<vmem>> -> memref<1x128xi32, #tpu.memory_space<vmem>>
    %dma_start3A_43 = tpu.memref_squeeze %dma_start3A_42 : memref<1x128xi32, #tpu.memory_space<vmem>> -> memref<128xi32, #tpu.memory_space<vmem>>
    %dma_start3A_44 = arith.constant 0 : i32
    %dma_start3A_45 = tpu.memref_slice %arg2[%add3A_33, %dma_start3A_44] : memref<5056x128xi32, #tpu.memory_space<hbm>> -> memref<1x128xi32, #tpu.memory_space<hbm>>
    %dma_start3A_46 = tpu.memref_squeeze %dma_start3A_45 : memref<1x128xi32, #tpu.memory_space<hbm>> -> memref<128xi32, #tpu.memory_space<hbm>>
    tpu.enqueue_dma source(%dma_start3A_46 : memref<128xi32, #tpu.memory_space<hbm>>) target(%dma_start3A_43 : memref<128xi32, #tpu.memory_space<vmem>>) target_semaphore(%arg16 : memref<!tpu.dma_semaphore, #tpu.memory_space<semaphore_mem>>)
    %add3A_47 = arith.constant 1 : i32
    %add3A_48 = arith.addi %mul3A_2, %add3A_47 : i32
    %dma_start3A_49 = arith.constant 1 : i32
    %dma_start3A_50 = arith.constant 0 : i32
    %dma_start3A_51 = tpu.memref_slice %arg8[%dma_start3A_49, %dma_start3A_50] : memref<3x128xi32, #tpu.memory_space<vmem>> -> memref<1x128xi32, #tpu.memory_space<vmem>>
    %dma_start3A_52 = tpu.memref_squeeze %dma_start3A_51 : memref<1x128xi32, #tpu.memory_space<vmem>> -> memref<128xi32, #tpu.memory_space<vmem>>
    %dma_start3A_53 = arith.constant 0 : i32
    %dma_start3A_54 = tpu.memref_slice %arg3[%add3A_48, %dma_start3A_53] : memref<5056x128xi32, #tpu.memory_space<hbm>> -> memref<1x128xi32, #tpu.memory_space<hbm>>
    %dma_start3A_55 = tpu.memref_squeeze %dma_start3A_54 : memref<1x128xi32, #tpu.memory_space<hbm>> -> memref<128xi32, #tpu.memory_space<hbm>>
    %dma_start3A_56 = arith.constant 0 : i32
    %dma_start3A_57 = tpu.memref_slice %arg8[%dma_start3A_49, %dma_start3A_56] : memref<3x128xi32, #tpu.memory_space<vmem>> -> memref<1x128xi32, #tpu.memory_space<vmem>>
    %dma_start3A_58 = tpu.memref_squeeze %dma_start3A_57 : memref<1x128xi32, #tpu.memory_space<vmem>> -> memref<128xi32, #tpu.memory_space<vmem>>
    %dma_start3A_59 = arith.constant 0 : i32
    %dma_start3A_60 = tpu.memref_slice %arg3[%add3A_48, %dma_start3A_59] : memref<5056x128xi32, #tpu.memory_space<hbm>> -> memref<1x128xi32, #tpu.memory_space<hbm>>
    %dma_start3A_61 = tpu.memref_squeeze %dma_start3A_60 : memref<1x128xi32, #tpu.memory_space<hbm>> -> memref<128xi32, #tpu.memory_space<hbm>>
    tpu.enqueue_dma source(%dma_start3A_61 : memref<128xi32, #tpu.memory_space<hbm>>) target(%dma_start3A_58 : memref<128xi32, #tpu.memory_space<vmem>>) target_semaphore(%arg16 : memref<!tpu.dma_semaphore, #tpu.memory_space<semaphore_mem>>)
    %add3A_62 = arith.constant 2 : i32
    %add3A_63 = arith.addi %mul3A_2, %add3A_62 : i32
    %dma_start3A_64 = arith.constant 2 : i32
    %dma_start3A_65 = arith.constant 0 : i32
    %dma_start3A_66 = tpu.memref_slice %arg7[%dma_start3A_64, %dma_start3A_65] : memref<3x128xi32, #tpu.memory_space<vmem>> -> memref<1x128xi32, #tpu.memory_space<vmem>>
    %dma_start3A_67 = tpu.memref_squeeze %dma_start3A_66 : memref<1x128xi32, #tpu.memory_space<vmem>> -> memref<128xi32, #tpu.memory_space<vmem>>
    %dma_start3A_68 = arith.constant 0 : i32
    %dma_start3A_69 = tpu.memref_slice %arg2[%add3A_63, %dma_start3A_68] : memref<5056x128xi32, #tpu.memory_space<hbm>> -> memref<1x128xi32, #tpu.memory_space<hbm>>
    %dma_start3A_70 = tpu.memref_squeeze %dma_start3A_69 : memref<1x128xi32, #tpu.memory_space<hbm>> -> memref<128xi32, #tpu.memory_space<hbm>>
    %dma_start3A_71 = arith.constant 0 : i32
    %dma_start3A_72 = tpu.memref_slice %arg7[%dma_start3A_64, %dma_start3A_71] : memref<3x128xi32, #tpu.memory_space<vmem>> -> memref<1x128xi32, #tpu.memory_space<vmem>>
    %dma_start3A_73 = tpu.memref_squeeze %dma_start3A_72 : memref<1x128xi32, #tpu.memory_space<vmem>> -> memref<128xi32, #tpu.memory_space<vmem>>
    %dma_start3A_74 = arith.constant 0 : i32
    %dma_start3A_75 = tpu.memref_slice %arg2[%add3A_63, %dma_start3A_74] : memref<5056x128xi32, #tpu.memory_space<hbm>> -> memref<1x128xi32, #tpu.memory_space<hbm>>
    %dma_start3A_76 = tpu.memref_squeeze %dma_start3A_75 : memref<1x128xi32, #tpu.memory_space<hbm>> -> memref<128xi32, #tpu.memory_space<hbm>>
    tpu.enqueue_dma source(%dma_start3A_76 : memref<128xi32, #tpu.memory_space<hbm>>) target(%dma_start3A_73 : memref<128xi32, #tpu.memory_space<vmem>>) target_semaphore(%arg17 : memref<!tpu.dma_semaphore, #tpu.memory_space<semaphore_mem>>)
    %add3A_77 = arith.constant 2 : i32
    %add3A_78 = arith.addi %mul3A_2, %add3A_77 : i32
    %dma_start3A_79 = arith.constant 2 : i32
    %dma_start3A_80 = arith.constant 0 : i32
    %dma_start3A_81 = tpu.memref_slice %arg8[%dma_start3A_79, %dma_start3A_80] : memref<3x128xi32, #tpu.memory_space<vmem>> -> memref<1x128xi32, #tpu.memory_space<vmem>>
    %dma_start3A_82 = tpu.memref_squeeze %dma_start3A_81 : memref<1x128xi32, #tpu.memory_space<vmem>> -> memref<128xi32, #tpu.memory_space<vmem>>
    %dma_start3A_83 = arith.constant 0 : i32
    %dma_start3A_84 = tpu.memref_slice %arg3[%add3A_78, %dma_start3A_83] : memref<5056x128xi32, #tpu.memory_space<hbm>> -> memref<1x128xi32, #tpu.memory_space<hbm>>
    %dma_start3A_85 = tpu.memref_squeeze %dma_start3A_84 : memref<1x128xi32, #tpu.memory_space<hbm>> -> memref<128xi32, #tpu.memory_space<hbm>>
    %dma_start3A_86 = arith.constant 0 : i32
    %dma_start3A_87 = tpu.memref_slice %arg8[%dma_start3A_79, %dma_start3A_86] : memref<3x128xi32, #tpu.memory_space<vmem>> -> memref<1x128xi32, #tpu.memory_space<vmem>>
    %dma_start3A_88 = tpu.memref_squeeze %dma_start3A_87 : memref<1x128xi32, #tpu.memory_space<vmem>> -> memref<128xi32, #tpu.memory_space<vmem>>
    %dma_start3A_89 = arith.constant 0 : i32
    %dma_start3A_90 = tpu.memref_slice %arg3[%add3A_78, %dma_start3A_89] : memref<5056x128xi32, #tpu.memory_space<hbm>> -> memref<1x128xi32, #tpu.memory_space<hbm>>
    %dma_start3A_91 = tpu.memref_squeeze %dma_start3A_90 : memref<1x128xi32, #tpu.memory_space<hbm>> -> memref<128xi32, #tpu.memory_space<hbm>>
    tpu.enqueue_dma source(%dma_start3A_91 : memref<128xi32, #tpu.memory_space<hbm>>) target(%dma_start3A_88 : memref<128xi32, #tpu.memory_space<vmem>>) target_semaphore(%arg17 : memref<!tpu.dma_semaphore, #tpu.memory_space<semaphore_mem>>)
    %dma_wait3A = arith.constant 0 : i32
    %dma_wait3A_92 = arith.constant 0 : i32
    %dma_wait3A_93 = arith.constant 0 : i32
    %dma_wait3A_94 = tpu.memref_slice %arg7[%dma_wait3A_92, %dma_wait3A_93] : memref<3x128xi32, #tpu.memory_space<vmem>> -> memref<1x128xi32, #tpu.memory_space<vmem>>
    %dma_wait3A_95 = tpu.memref_squeeze %dma_wait3A_94 : memref<1x128xi32, #tpu.memory_space<vmem>> -> memref<128xi32, #tpu.memory_space<vmem>>
    %dma_wait3A_96 = arith.constant 0 : i32
    %dma_wait3A_97 = tpu.memref_slice %arg2[%dma_wait3A, %dma_wait3A_96] : memref<5056x128xi32, #tpu.memory_space<hbm>> -> memref<1x128xi32, #tpu.memory_space<hbm>>
    %dma_wait3A_98 = tpu.memref_squeeze %dma_wait3A_97 : memref<1x128xi32, #tpu.memory_space<hbm>> -> memref<128xi32, #tpu.memory_space<hbm>>
    %dma_wait3A_99 = arith.constant 0 : i32
    %dma_wait3A_100 = tpu.memref_slice %arg7[%dma_wait3A_92, %dma_wait3A_99] : memref<3x128xi32, #tpu.memory_space<vmem>> -> memref<1x128xi32, #tpu.memory_space<vmem>>
    %dma_wait3A_101 = tpu.memref_squeeze %dma_wait3A_100 : memref<1x128xi32, #tpu.memory_space<vmem>> -> memref<128xi32, #tpu.memory_space<vmem>>
    %dma_wait3A_102 = arith.constant 0 : i32
    %dma_wait3A_103 = tpu.memref_slice %arg2[%dma_wait3A, %dma_wait3A_102] : memref<5056x128xi32, #tpu.memory_space<hbm>> -> memref<1x128xi32, #tpu.memory_space<hbm>>
    %dma_wait3A_104 = tpu.memref_squeeze %dma_wait3A_103 : memref<1x128xi32, #tpu.memory_space<hbm>> -> memref<128xi32, #tpu.memory_space<hbm>>
    tpu.wait_dma2 semaphore(%arg15 : memref<!tpu.dma_semaphore, #tpu.memory_space<semaphore_mem>>) src(%dma_wait3A_104 : memref<128xi32, #tpu.memory_space<hbm>>) dst(%dma_wait3A_101 : memref<128xi32, #tpu.memory_space<vmem>>)
    %dma_wait3A_105 = arith.constant 0 : i32
    %dma_wait3A_106 = arith.constant 0 : i32
    %dma_wait3A_107 = arith.constant 0 : i32
    %dma_wait3A_108 = tpu.memref_slice %arg8[%dma_wait3A_106, %dma_wait3A_107] : memref<3x128xi32, #tpu.memory_space<vmem>> -> memref<1x128xi32, #tpu.memory_space<vmem>>
    %dma_wait3A_109 = tpu.memref_squeeze %dma_wait3A_108 : memref<1x128xi32, #tpu.memory_space<vmem>> -> memref<128xi32, #tpu.memory_space<vmem>>
    %dma_wait3A_110 = arith.constant 0 : i32
    %dma_wait3A_111 = tpu.memref_slice %arg3[%dma_wait3A_105, %dma_wait3A_110] : memref<5056x128xi32, #tpu.memory_space<hbm>> -> memref<1x128xi32, #tpu.memory_space<hbm>>
    %dma_wait3A_112 = tpu.memref_squeeze %dma_wait3A_111 : memref<1x128xi32, #tpu.memory_space<hbm>> -> memref<128xi32, #tpu.memory_space<hbm>>
    %dma_wait3A_113 = arith.constant 0 : i32
    %dma_wait3A_114 = tpu.memref_slice %arg8[%dma_wait3A_106, %dma_wait3A_113] : memref<3x128xi32, #tpu.memory_space<vmem>> -> memref<1x128xi32, #tpu.memory_space<vmem>>
    %dma_wait3A_115 = tpu.memref_squeeze %dma_wait3A_114 : memref<1x128xi32, #tpu.memory_space<vmem>> -> memref<128xi32, #tpu.memory_space<vmem>>
    %dma_wait3A_116 = arith.constant 0 : i32
    %dma_wait3A_117 = tpu.memref_slice %arg3[%dma_wait3A_105, %dma_wait3A_116] : memref<5056x128xi32, #tpu.memory_space<hbm>> -> memref<1x128xi32, #tpu.memory_space<hbm>>
    %dma_wait3A_118 = tpu.memref_squeeze %dma_wait3A_117 : memref<1x128xi32, #tpu.memory_space<hbm>> -> memref<128xi32, #tpu.memory_space<hbm>>
    tpu.wait_dma2 semaphore(%arg15 : memref<!tpu.dma_semaphore, #tpu.memory_space<semaphore_mem>>) src(%dma_wait3A_118 : memref<128xi32, #tpu.memory_space<hbm>>) dst(%dma_wait3A_115 : memref<128xi32, #tpu.memory_space<vmem>>)
    %dma_start3A_119 = arith.constant 0 : i32
    %dma_start3A_120 = arith.constant 0 : i32
    %dma_start3A_121 = tpu.memref_slice %arg7[%dma_start3A_119, %dma_start3A_120] : memref<3x128xi32, #tpu.memory_space<vmem>> -> memref<1x128xi32, #tpu.memory_space<vmem>>
    %dma_start3A_122 = tpu.memref_squeeze %dma_start3A_121 : memref<1x128xi32, #tpu.memory_space<vmem>> -> memref<128xi32, #tpu.memory_space<vmem>>
    %dma_start3A_123 = arith.constant 0 : i32
    %dma_start3A_124 = arith.constant 0 : i32
    %dma_start3A_125 = tpu.memref_slice %arg4[%dma_start3A_123, %dma_start3A_124] : memref<100000x128xf32, #tpu.memory_space<hbm>> -> memref<100000x128xf32, #tpu.memory_space<hbm>>
    tpu.enqueue_indirect_dma source(%dma_start3A_125 : memref<100000x128xf32, #tpu.memory_space<hbm>>) target(%arg9 : memref<128x128xf32, #tpu.memory_space<vmem>>) offsets(%dma_start3A_122 : memref<128xi32, #tpu.memory_space<vmem>>) semaphore(%arg18 : memref<!tpu.dma_semaphore, #tpu.memory_space<semaphore_mem>>)
    %dma_start3A_126 = arith.constant 0 : i32
    %dma_start3A_127 = arith.constant 0 : i32
    %dma_start3A_128 = tpu.memref_slice %arg8[%dma_start3A_126, %dma_start3A_127] : memref<3x128xi32, #tpu.memory_space<vmem>> -> memref<1x128xi32, #tpu.memory_space<vmem>>
    %dma_start3A_129 = tpu.memref_squeeze %dma_start3A_128 : memref<1x128xi32, #tpu.memory_space<vmem>> -> memref<128xi32, #tpu.memory_space<vmem>>
    %dma_start3A_130 = arith.constant 0 : i32
    %dma_start3A_131 = arith.constant 0 : i32
    %dma_start3A_132 = tpu.memref_slice %arg5[%dma_start3A_130, %dma_start3A_131] : memref<100000x128xf32, #tpu.memory_space<hbm>> -> memref<100000x128xf32, #tpu.memory_space<hbm>>
    tpu.enqueue_indirect_dma source(%dma_start3A_132 : memref<100000x128xf32, #tpu.memory_space<hbm>>) target(%arg12 : memref<128x128xf32, #tpu.memory_space<vmem>>) offsets(%dma_start3A_129 : memref<128xi32, #tpu.memory_space<vmem>>) semaphore(%arg18 : memref<!tpu.dma_semaphore, #tpu.memory_space<semaphore_mem>>)
    %dma_wait3A_133 = arith.constant 0 : i32
    %dma_wait3A_134 = arith.constant 1 : i32
    %dma_wait3A_135 = arith.constant 0 : i32
    %dma_wait3A_136 = tpu.memref_slice %arg7[%dma_wait3A_134, %dma_wait3A_135] : memref<3x128xi32, #tpu.memory_space<vmem>> -> memref<1x128xi32, #tpu.memory_space<vmem>>
    %dma_wait3A_137 = tpu.memref_squeeze %dma_wait3A_136 : memref<1x128xi32, #tpu.memory_space<vmem>> -> memref<128xi32, #tpu.memory_space<vmem>>
    %dma_wait3A_138 = arith.constant 0 : i32
    %dma_wait3A_139 = tpu.memref_slice %arg2[%dma_wait3A_133, %dma_wait3A_138] : memref<5056x128xi32, #tpu.memory_space<hbm>> -> memref<1x128xi32, #tpu.memory_space<hbm>>
    %dma_wait3A_140 = tpu.memref_squeeze %dma_wait3A_139 : memref<1x128xi32, #tpu.memory_space<hbm>> -> memref<128xi32, #tpu.memory_space<hbm>>
    %dma_wait3A_141 = arith.constant 0 : i32
    %dma_wait3A_142 = tpu.memref_slice %arg7[%dma_wait3A_134, %dma_wait3A_141] : memref<3x128xi32, #tpu.memory_space<vmem>> -> memref<1x128xi32, #tpu.memory_space<vmem>>
    %dma_wait3A_143 = tpu.memref_squeeze %dma_wait3A_142 : memref<1x128xi32, #tpu.memory_space<vmem>> -> memref<128xi32, #tpu.memory_space<vmem>>
    %dma_wait3A_144 = arith.constant 0 : i32
    %dma_wait3A_145 = tpu.memref_slice %arg2[%dma_wait3A_133, %dma_wait3A_144] : memref<5056x128xi32, #tpu.memory_space<hbm>> -> memref<1x128xi32, #tpu.memory_space<hbm>>
    %dma_wait3A_146 = tpu.memref_squeeze %dma_wait3A_145 : memref<1x128xi32, #tpu.memory_space<hbm>> -> memref<128xi32, #tpu.memory_space<hbm>>
    tpu.wait_dma2 semaphore(%arg16 : memref<!tpu.dma_semaphore, #tpu.memory_space<semaphore_mem>>) src(%dma_wait3A_146 : memref<128xi32, #tpu.memory_space<hbm>>) dst(%dma_wait3A_143 : memref<128xi32, #tpu.memory_space<vmem>>)
    %dma_wait3A_147 = arith.constant 0 : i32
    %dma_wait3A_148 = arith.constant 1 : i32
    %dma_wait3A_149 = arith.constant 0 : i32
    %dma_wait3A_150 = tpu.memref_slice %arg8[%dma_wait3A_148, %dma_wait3A_149] : memref<3x128xi32, #tpu.memory_space<vmem>> -> memref<1x128xi32, #tpu.memory_space<vmem>>
    %dma_wait3A_151 = tpu.memref_squeeze %dma_wait3A_150 : memref<1x128xi32, #tpu.memory_space<vmem>> -> memref<128xi32, #tpu.memory_space<vmem>>
    %dma_wait3A_152 = arith.constant 0 : i32
    %dma_wait3A_153 = tpu.memref_slice %arg3[%dma_wait3A_147, %dma_wait3A_152] : memref<5056x128xi32, #tpu.memory_space<hbm>> -> memref<1x128xi32, #tpu.memory_space<hbm>>
    %dma_wait3A_154 = tpu.memref_squeeze %dma_wait3A_153 : memref<1x128xi32, #tpu.memory_space<hbm>> -> memref<128xi32, #tpu.memory_space<hbm>>
    %dma_wait3A_155 = arith.constant 0 : i32
    %dma_wait3A_156 = tpu.memref_slice %arg8[%dma_wait3A_148, %dma_wait3A_155] : memref<3x128xi32, #tpu.memory_space<vmem>> -> memref<1x128xi32, #tpu.memory_space<vmem>>
    %dma_wait3A_157 = tpu.memref_squeeze %dma_wait3A_156 : memref<1x128xi32, #tpu.memory_space<vmem>> -> memref<128xi32, #tpu.memory_space<vmem>>
    %dma_wait3A_158 = arith.constant 0 : i32
    %dma_wait3A_159 = tpu.memref_slice %arg3[%dma_wait3A_147, %dma_wait3A_158] : memref<5056x128xi32, #tpu.memory_space<hbm>> -> memref<1x128xi32, #tpu.memory_space<hbm>>
    %dma_wait3A_160 = tpu.memref_squeeze %dma_wait3A_159 : memref<1x128xi32, #tpu.memory_space<hbm>> -> memref<128xi32, #tpu.memory_space<hbm>>
    tpu.wait_dma2 semaphore(%arg16 : memref<!tpu.dma_semaphore, #tpu.memory_space<semaphore_mem>>) src(%dma_wait3A_160 : memref<128xi32, #tpu.memory_space<hbm>>) dst(%dma_wait3A_157 : memref<128xi32, #tpu.memory_space<vmem>>)
    %dma_start3A_161 = arith.constant 1 : i32
    %dma_start3A_162 = arith.constant 0 : i32
    %dma_start3A_163 = tpu.memref_slice %arg7[%dma_start3A_161, %dma_start3A_162] : memref<3x128xi32, #tpu.memory_space<vmem>> -> memref<1x128xi32, #tpu.memory_space<vmem>>
    %dma_start3A_164 = tpu.memref_squeeze %dma_start3A_163 : memref<1x128xi32, #tpu.memory_space<vmem>> -> memref<128xi32, #tpu.memory_space<vmem>>
    %dma_start3A_165 = arith.constant 0 : i32
    %dma_start3A_166 = arith.constant 0 : i32
    %dma_start3A_167 = tpu.memref_slice %arg4[%dma_start3A_165, %dma_start3A_166] : memref<100000x128xf32, #tpu.memory_space<hbm>> -> memref<100000x128xf32, #tpu.memory_space<hbm>>
    tpu.enqueue_indirect_dma source(%dma_start3A_167 : memref<100000x128xf32, #tpu.memory_space<hbm>>) target(%arg10 : memref<128x128xf32, #tpu.memory_space<vmem>>) offsets(%dma_start3A_164 : memref<128xi32, #tpu.memory_space<vmem>>) semaphore(%arg19 : memref<!tpu.dma_semaphore, #tpu.memory_space<semaphore_mem>>)
    %dma_start3A_168 = arith.constant 1 : i32
    %dma_start3A_169 = arith.constant 0 : i32
    %dma_start3A_170 = tpu.memref_slice %arg8[%dma_start3A_168, %dma_start3A_169] : memref<3x128xi32, #tpu.memory_space<vmem>> -> memref<1x128xi32, #tpu.memory_space<vmem>>
    %dma_start3A_171 = tpu.memref_squeeze %dma_start3A_170 : memref<1x128xi32, #tpu.memory_space<vmem>> -> memref<128xi32, #tpu.memory_space<vmem>>
    %dma_start3A_172 = arith.constant 0 : i32
    %dma_start3A_173 = arith.constant 0 : i32
    %dma_start3A_174 = tpu.memref_slice %arg5[%dma_start3A_172, %dma_start3A_173] : memref<100000x128xf32, #tpu.memory_space<hbm>> -> memref<100000x128xf32, #tpu.memory_space<hbm>>
    tpu.enqueue_indirect_dma source(%dma_start3A_174 : memref<100000x128xf32, #tpu.memory_space<hbm>>) target(%arg13 : memref<128x128xf32, #tpu.memory_space<vmem>>) offsets(%dma_start3A_171 : memref<128xi32, #tpu.memory_space<vmem>>) semaphore(%arg19 : memref<!tpu.dma_semaphore, #tpu.memory_space<semaphore_mem>>)
    %dma_wait3A_175 = arith.constant 0 : i32
    %dma_wait3A_176 = arith.constant 2 : i32
    %dma_wait3A_177 = arith.constant 0 : i32
    %dma_wait3A_178 = tpu.memref_slice %arg7[%dma_wait3A_176, %dma_wait3A_177] : memref<3x128xi32, #tpu.memory_space<vmem>> -> memref<1x128xi32, #tpu.memory_space<vmem>>
    %dma_wait3A_179 = tpu.memref_squeeze %dma_wait3A_178 : memref<1x128xi32, #tpu.memory_space<vmem>> -> memref<128xi32, #tpu.memory_space<vmem>>
    %dma_wait3A_180 = arith.constant 0 : i32
    %dma_wait3A_181 = tpu.memref_slice %arg2[%dma_wait3A_175, %dma_wait3A_180] : memref<5056x128xi32, #tpu.memory_space<hbm>> -> memref<1x128xi32, #tpu.memory_space<hbm>>
    %dma_wait3A_182 = tpu.memref_squeeze %dma_wait3A_181 : memref<1x128xi32, #tpu.memory_space<hbm>> -> memref<128xi32, #tpu.memory_space<hbm>>
    %dma_wait3A_183 = arith.constant 0 : i32
    %dma_wait3A_184 = tpu.memref_slice %arg7[%dma_wait3A_176, %dma_wait3A_183] : memref<3x128xi32, #tpu.memory_space<vmem>> -> memref<1x128xi32, #tpu.memory_space<vmem>>
    %dma_wait3A_185 = tpu.memref_squeeze %dma_wait3A_184 : memref<1x128xi32, #tpu.memory_space<vmem>> -> memref<128xi32, #tpu.memory_space<vmem>>
    %dma_wait3A_186 = arith.constant 0 : i32
    %dma_wait3A_187 = tpu.memref_slice %arg2[%dma_wait3A_175, %dma_wait3A_186] : memref<5056x128xi32, #tpu.memory_space<hbm>> -> memref<1x128xi32, #tpu.memory_space<hbm>>
    %dma_wait3A_188 = tpu.memref_squeeze %dma_wait3A_187 : memref<1x128xi32, #tpu.memory_space<hbm>> -> memref<128xi32, #tpu.memory_space<hbm>>
    tpu.wait_dma2 semaphore(%arg17 : memref<!tpu.dma_semaphore, #tpu.memory_space<semaphore_mem>>) src(%dma_wait3A_188 : memref<128xi32, #tpu.memory_space<hbm>>) dst(%dma_wait3A_185 : memref<128xi32, #tpu.memory_space<vmem>>)
    %dma_wait3A_189 = arith.constant 0 : i32
    %dma_wait3A_190 = arith.constant 2 : i32
    %dma_wait3A_191 = arith.constant 0 : i32
    %dma_wait3A_192 = tpu.memref_slice %arg8[%dma_wait3A_190, %dma_wait3A_191] : memref<3x128xi32, #tpu.memory_space<vmem>> -> memref<1x128xi32, #tpu.memory_space<vmem>>
    %dma_wait3A_193 = tpu.memref_squeeze %dma_wait3A_192 : memref<1x128xi32, #tpu.memory_space<vmem>> -> memref<128xi32, #tpu.memory_space<vmem>>
    %dma_wait3A_194 = arith.constant 0 : i32
    %dma_wait3A_195 = tpu.memref_slice %arg3[%dma_wait3A_189, %dma_wait3A_194] : memref<5056x128xi32, #tpu.memory_space<hbm>> -> memref<1x128xi32, #tpu.memory_space<hbm>>
    %dma_wait3A_196 = tpu.memref_squeeze %dma_wait3A_195 : memref<1x128xi32, #tpu.memory_space<hbm>> -> memref<128xi32, #tpu.memory_space<hbm>>
    %dma_wait3A_197 = arith.constant 0 : i32
    %dma_wait3A_198 = tpu.memref_slice %arg8[%dma_wait3A_190, %dma_wait3A_197] : memref<3x128xi32, #tpu.memory_space<vmem>> -> memref<1x128xi32, #tpu.memory_space<vmem>>
    %dma_wait3A_199 = tpu.memref_squeeze %dma_wait3A_198 : memref<1x128xi32, #tpu.memory_space<vmem>> -> memref<128xi32, #tpu.memory_space<vmem>>
    %dma_wait3A_200 = arith.constant 0 : i32
    %dma_wait3A_201 = tpu.memref_slice %arg3[%dma_wait3A_189, %dma_wait3A_200] : memref<5056x128xi32, #tpu.memory_space<hbm>> -> memref<1x128xi32, #tpu.memory_space<hbm>>
    %dma_wait3A_202 = tpu.memref_squeeze %dma_wait3A_201 : memref<1x128xi32, #tpu.memory_space<hbm>> -> memref<128xi32, #tpu.memory_space<hbm>>
    tpu.wait_dma2 semaphore(%arg17 : memref<!tpu.dma_semaphore, #tpu.memory_space<semaphore_mem>>) src(%dma_wait3A_202 : memref<128xi32, #tpu.memory_space<hbm>>) dst(%dma_wait3A_199 : memref<128xi32, #tpu.memory_space<vmem>>)
    %dma_start3A_203 = arith.constant 2 : i32
    %dma_start3A_204 = arith.constant 0 : i32
    %dma_start3A_205 = tpu.memref_slice %arg7[%dma_start3A_203, %dma_start3A_204] : memref<3x128xi32, #tpu.memory_space<vmem>> -> memref<1x128xi32, #tpu.memory_space<vmem>>
    %dma_start3A_206 = tpu.memref_squeeze %dma_start3A_205 : memref<1x128xi32, #tpu.memory_space<vmem>> -> memref<128xi32, #tpu.memory_space<vmem>>
    %dma_start3A_207 = arith.constant 0 : i32
    %dma_start3A_208 = arith.constant 0 : i32
    %dma_start3A_209 = tpu.memref_slice %arg4[%dma_start3A_207, %dma_start3A_208] : memref<100000x128xf32, #tpu.memory_space<hbm>> -> memref<100000x128xf32, #tpu.memory_space<hbm>>
    tpu.enqueue_indirect_dma source(%dma_start3A_209 : memref<100000x128xf32, #tpu.memory_space<hbm>>) target(%arg11 : memref<128x128xf32, #tpu.memory_space<vmem>>) offsets(%dma_start3A_206 : memref<128xi32, #tpu.memory_space<vmem>>) semaphore(%arg20 : memref<!tpu.dma_semaphore, #tpu.memory_space<semaphore_mem>>)
    %dma_start3A_210 = arith.constant 2 : i32
    %dma_start3A_211 = arith.constant 0 : i32
    %dma_start3A_212 = tpu.memref_slice %arg8[%dma_start3A_210, %dma_start3A_211] : memref<3x128xi32, #tpu.memory_space<vmem>> -> memref<1x128xi32, #tpu.memory_space<vmem>>
    %dma_start3A_213 = tpu.memref_squeeze %dma_start3A_212 : memref<1x128xi32, #tpu.memory_space<vmem>> -> memref<128xi32, #tpu.memory_space<vmem>>
    %dma_start3A_214 = arith.constant 0 : i32
    %dma_start3A_215 = arith.constant 0 : i32
    %dma_start3A_216 = tpu.memref_slice %arg5[%dma_start3A_214, %dma_start3A_215] : memref<100000x128xf32, #tpu.memory_space<hbm>> -> memref<100000x128xf32, #tpu.memory_space<hbm>>
    tpu.enqueue_indirect_dma source(%dma_start3A_216 : memref<100000x128xf32, #tpu.memory_space<hbm>>) target(%arg14 : memref<128x128xf32, #tpu.memory_space<vmem>>) offsets(%dma_start3A_213 : memref<128xi32, #tpu.memory_space<vmem>>) semaphore(%arg20 : memref<!tpu.dma_semaphore, #tpu.memory_space<semaphore_mem>>)
    %dma_wait3A_217 = arith.constant 0 : i32
    %dma_wait3A_218 = arith.constant 0 : i32
    %dma_wait3A_219 = tpu.memref_slice %arg4[%dma_wait3A_217, %dma_wait3A_218] : memref<100000x128xf32, #tpu.memory_space<hbm>> -> memref<128x128xf32, #tpu.memory_space<hbm>>
    %dma_wait3A_220 = arith.constant 0 : i32
    %dma_wait3A_221 = arith.constant 0 : i32
    %dma_wait3A_222 = tpu.memref_slice %arg4[%dma_wait3A_220, %dma_wait3A_221] : memref<100000x128xf32, #tpu.memory_space<hbm>> -> memref<128x128xf32, #tpu.memory_space<hbm>>
    tpu.wait_dma2 semaphore(%arg18 : memref<!tpu.dma_semaphore, #tpu.memory_space<semaphore_mem>>) src(%dma_wait3A_222 : memref<128x128xf32, #tpu.memory_space<hbm>>) dst(%arg9 : memref<128x128xf32, #tpu.memory_space<vmem>>)
    %dma_wait3A_223 = arith.constant 0 : i32
    %dma_wait3A_224 = arith.constant 0 : i32
    %dma_wait3A_225 = tpu.memref_slice %arg4[%dma_wait3A_223, %dma_wait3A_224] : memref<100000x128xf32, #tpu.memory_space<hbm>> -> memref<128x128xf32, #tpu.memory_space<hbm>>
    %dma_wait3A_226 = arith.constant 0 : i32
    %dma_wait3A_227 = arith.constant 0 : i32
    %dma_wait3A_228 = tpu.memref_slice %arg4[%dma_wait3A_226, %dma_wait3A_227] : memref<100000x128xf32, #tpu.memory_space<hbm>> -> memref<128x128xf32, #tpu.memory_space<hbm>>
    tpu.wait_dma2 semaphore(%arg18 : memref<!tpu.dma_semaphore, #tpu.memory_space<semaphore_mem>>) src(%dma_wait3A_228 : memref<128x128xf32, #tpu.memory_space<hbm>>) dst(%arg12 : memref<128x128xf32, #tpu.memory_space<vmem>>)
    %add3A_229 = arith.constant 3 : i32
    %add3A_230 = arith.addi %mul3A_2, %add3A_229 : i32
    %dma_start3A_231 = arith.constant 0 : i32
    %dma_start3A_232 = arith.constant 0 : i32
    %dma_start3A_233 = tpu.memref_slice %arg7[%dma_start3A_231, %dma_start3A_232] : memref<3x128xi32, #tpu.memory_space<vmem>> -> memref<1x128xi32, #tpu.memory_space<vmem>>
    %dma_start3A_234 = tpu.memref_squeeze %dma_start3A_233 : memref<1x128xi32, #tpu.memory_space<vmem>> -> memref<128xi32, #tpu.memory_space<vmem>>
    %dma_start3A_235 = arith.constant 0 : i32
    %dma_start3A_236 = tpu.memref_slice %arg2[%add3A_230, %dma_start3A_235] : memref<5056x128xi32, #tpu.memory_space<hbm>> -> memref<1x128xi32, #tpu.memory_space<hbm>>
    %dma_start3A_237 = tpu.memref_squeeze %dma_start3A_236 : memref<1x128xi32, #tpu.memory_space<hbm>> -> memref<128xi32, #tpu.memory_space<hbm>>
    %dma_start3A_238 = arith.constant 0 : i32
    %dma_start3A_239 = tpu.memref_slice %arg7[%dma_start3A_231, %dma_start3A_238] : memref<3x128xi32, #tpu.memory_space<vmem>> -> memref<1x128xi32, #tpu.memory_space<vmem>>
    %dma_start3A_240 = tpu.memref_squeeze %dma_start3A_239 : memref<1x128xi32, #tpu.memory_space<vmem>> -> memref<128xi32, #tpu.memory_space<vmem>>
    %dma_start3A_241 = arith.constant 0 : i32
    %dma_start3A_242 = tpu.memref_slice %arg2[%add3A_230, %dma_start3A_241] : memref<5056x128xi32, #tpu.memory_space<hbm>> -> memref<1x128xi32, #tpu.memory_space<hbm>>
    %dma_start3A_243 = tpu.memref_squeeze %dma_start3A_242 : memref<1x128xi32, #tpu.memory_space<hbm>> -> memref<128xi32, #tpu.memory_space<hbm>>
    tpu.enqueue_dma source(%dma_start3A_243 : memref<128xi32, #tpu.memory_space<hbm>>) target(%dma_start3A_240 : memref<128xi32, #tpu.memory_space<vmem>>) target_semaphore(%arg15 : memref<!tpu.dma_semaphore, #tpu.memory_space<semaphore_mem>>)
    %add3A_244 = arith.constant 3 : i32
    %add3A_245 = arith.addi %mul3A_2, %add3A_244 : i32
    %dma_start3A_246 = arith.constant 0 : i32
    %dma_start3A_247 = arith.constant 0 : i32
    %dma_start3A_248 = tpu.memref_slice %arg8[%dma_start3A_246, %dma_start3A_247] : memref<3x128xi32, #tpu.memory_space<vmem>> -> memref<1x128xi32, #tpu.memory_space<vmem>>
    %dma_start3A_249 = tpu.memref_squeeze %dma_start3A_248 : memref<1x128xi32, #tpu.memory_space<vmem>> -> memref<128xi32, #tpu.memory_space<vmem>>
    %dma_start3A_250 = arith.constant 0 : i32
    %dma_start3A_251 = tpu.memref_slice %arg3[%add3A_245, %dma_start3A_250] : memref<5056x128xi32, #tpu.memory_space<hbm>> -> memref<1x128xi32, #tpu.memory_space<hbm>>
    %dma_start3A_252 = tpu.memref_squeeze %dma_start3A_251 : memref<1x128xi32, #tpu.memory_space<hbm>> -> memref<128xi32, #tpu.memory_space<hbm>>
    %dma_start3A_253 = arith.constant 0 : i32
    %dma_start3A_254 = tpu.memref_slice %arg8[%dma_start3A_246, %dma_start3A_253] : memref<3x128xi32, #tpu.memory_space<vmem>> -> memref<1x128xi32, #tpu.memory_space<vmem>>
    %dma_start3A_255 = tpu.memref_squeeze %dma_start3A_254 : memref<1x128xi32, #tpu.memory_space<vmem>> -> memref<128xi32, #tpu.memory_space<vmem>>
    %dma_start3A_256 = arith.constant 0 : i32
    %dma_start3A_257 = tpu.memref_slice %arg3[%add3A_245, %dma_start3A_256] : memref<5056x128xi32, #tpu.memory_space<hbm>> -> memref<1x128xi32, #tpu.memory_space<hbm>>
    %dma_start3A_258 = tpu.memref_squeeze %dma_start3A_257 : memref<1x128xi32, #tpu.memory_space<hbm>> -> memref<128xi32, #tpu.memory_space<hbm>>
    tpu.enqueue_dma source(%dma_start3A_258 : memref<128xi32, #tpu.memory_space<hbm>>) target(%dma_start3A_255 : memref<128xi32, #tpu.memory_space<vmem>>) target_semaphore(%arg15 : memref<!tpu.dma_semaphore, #tpu.memory_space<semaphore_mem>>)
    %scan3A = arith.constant 0 : i32
    %scan3A_259 = arith.constant 0 : i32
    %scan3A_260 = arith.constant 128 : i32
    %scan3A_261 = arith.addi %scan3A_259, %scan3A_260 : i32
    %scan3A_262 = arith.constant 1 : i32
    scf.for %scan3A_556 = %scan3A_259 to %scan3A_261 step %scan3A_262  : i32 {
      %get3A = arith.index_cast %scan3A_556 : i32 to index
      %get3A_557 = arith.constant 0 : index
      %get3A_558 = tpu.vector_load %arg9[%get3A, %get3A_557] {strides = array<i32>} : memref<128x128xf32, #tpu.memory_space<vmem>>, vector<1x16xf32>,
      %get3A_559 = vector.shape_cast %get3A_558 : vector<1x16xf32> to vector<16xf32>
      %get3A_560 = arith.index_cast %scan3A_556 : i32 to index
      %get3A_561 = arith.constant 0 : index
      %get3A_562 = tpu.vector_load %arg12[%get3A_560, %get3A_561] {strides = array<i32>} : memref<128x128xf32, #tpu.memory_space<vmem>>, vector<1x16xf32>,
      %get3A_563 = vector.shape_cast %get3A_562 : vector<1x16xf32> to vector<16xf32>
      %add3A_564 = arith.addf %get3A_559, %get3A_563 : vector<16xf32>
      %swap3A = arith.index_cast %scan3A_556 : i32 to index
      %swap3A_565 = arith.constant 0 : index
      %swap3A_566 = tpu.vector_load %arg9[%swap3A, %swap3A_565] {strides = array<i32>} : memref<128x128xf32, #tpu.memory_space<vmem>>, vector<1x16xf32>,
      %swap3A_567 = vector.shape_cast %swap3A_566 : vector<1x16xf32> to vector<16xf32>
      %swap3A_568 = vector.shape_cast %add3A_564 : vector<16xf32> to vector<1x16xf32>
      tpu.vector_store %arg9[%swap3A, %swap3A_565], %swap3A_568 {strides = array<i32>} : memref<128x128xf32, #tpu.memory_space<vmem>>, vector<1x16xf32>,
      %get3A_569 = arith.index_cast %scan3A_556 : i32 to index
      %get3A_570 = arith.constant 16 : index
      %get3A_571 = tpu.vector_load %arg9[%get3A_569, %get3A_570] {strides = array<i32>} : memref<128x128xf32, #tpu.memory_space<vmem>>, vector<1x16xf32>,
      %get3A_572 = vector.shape_cast %get3A_571 : vector<1x16xf32> to vector<16xf32>
      %get3A_573 = arith.index_cast %scan3A_556 : i32 to index
      %get3A_574 = arith.constant 16 : index
      %get3A_575 = tpu.vector_load %arg12[%get3A_573, %get3A_574] {strides = array<i32>} : memref<128x128xf32, #tpu.memory_space<vmem>>, vector<1x16xf32>,
      %get3A_576 = vector.shape_cast %get3A_575 : vector<1x16xf32> to vector<16xf32>
      %add3A_577 = arith.addf %get3A_572, %get3A_576 : vector<16xf32>
      %swap3A_578 = arith.index_cast %scan3A_556 : i32 to index
      %swap3A_579 = arith.constant 16 : index
      %swap3A_580 = tpu.vector_load %arg9[%swap3A_578, %swap3A_579] {strides = array<i32>} : memref<128x128xf32, #tpu.memory_space<vmem>>, vector<1x16xf32>,
      %swap3A_581 = vector.shape_cast %swap3A_580 : vector<1x16xf32> to vector<16xf32>
      %swap3A_582 = vector.shape_cast %add3A_577 : vector<16xf32> to vector<1x16xf32>
      tpu.vector_store %arg9[%swap3A_578, %swap3A_579], %swap3A_582 {strides = array<i32>} : memref<128x128xf32, #tpu.memory_space<vmem>>, vector<1x16xf32>,
      %get3A_583 = arith.index_cast %scan3A_556 : i32 to index
      %get3A_584 = arith.constant 32 : index
      %get3A_585 = tpu.vector_load %arg9[%get3A_583, %get3A_584] {strides = array<i32>} : memref<128x128xf32, #tpu.memory_space<vmem>>, vector<1x16xf32>,
      %get3A_586 = vector.shape_cast %get3A_585 : vector<1x16xf32> to vector<16xf32>
      %get3A_587 = arith.index_cast %scan3A_556 : i32 to index
      %get3A_588 = arith.constant 32 : index
      %get3A_589 = tpu.vector_load %arg12[%get3A_587, %get3A_588] {strides = array<i32>} : memref<128x128xf32, #tpu.memory_space<vmem>>, vector<1x16xf32>,
      %get3A_590 = vector.shape_cast %get3A_589 : vector<1x16xf32> to vector<16xf32>
      %add3A_591 = arith.addf %get3A_586, %get3A_590 : vector<16xf32>
      %swap3A_592 = arith.index_cast %scan3A_556 : i32 to index
      %swap3A_593 = arith.constant 32 : index
      %swap3A_594 = tpu.vector_load %arg9[%swap3A_592, %swap3A_593] {strides = array<i32>} : memref<128x128xf32, #tpu.memory_space<vmem>>, vector<1x16xf32>,
      %swap3A_595 = vector.shape_cast %swap3A_594 : vector<1x16xf32> to vector<16xf32>
      %swap3A_596 = vector.shape_cast %add3A_591 : vector<16xf32> to vector<1x16xf32>
      tpu.vector_store %arg9[%swap3A_592, %swap3A_593], %swap3A_596 {strides = array<i32>} : memref<128x128xf32, #tpu.memory_space<vmem>>, vector<1x16xf32>,
      %get3A_597 = arith.index_cast %scan3A_556 : i32 to index
      %get3A_598 = arith.constant 48 : index
      %get3A_599 = tpu.vector_load %arg9[%get3A_597, %get3A_598] {strides = array<i32>} : memref<128x128xf32, #tpu.memory_space<vmem>>, vector<1x16xf32>,
      %get3A_600 = vector.shape_cast %get3A_599 : vector<1x16xf32> to vector<16xf32>
      %get3A_601 = arith.index_cast %scan3A_556 : i32 to index
      %get3A_602 = arith.constant 48 : index
      %get3A_603 = tpu.vector_load %arg12[%get3A_601, %get3A_602] {strides = array<i32>} : memref<128x128xf32, #tpu.memory_space<vmem>>, vector<1x16xf32>,
      %get3A_604 = vector.shape_cast %get3A_603 : vector<1x16xf32> to vector<16xf32>
      %add3A_605 = arith.addf %get3A_600, %get3A_604 : vector<16xf32>
      %swap3A_606 = arith.index_cast %scan3A_556 : i32 to index
      %swap3A_607 = arith.constant 48 : index
      %swap3A_608 = tpu.vector_load %arg9[%swap3A_606, %swap3A_607] {strides = array<i32>} : memref<128x128xf32, #tpu.memory_space<vmem>>, vector<1x16xf32>,
      %swap3A_609 = vector.shape_cast %swap3A_608 : vector<1x16xf32> to vector<16xf32>
      %swap3A_610 = vector.shape_cast %add3A_605 : vector<16xf32> to vector<1x16xf32>
      tpu.vector_store %arg9[%swap3A_606, %swap3A_607], %swap3A_610 {strides = array<i32>} : memref<128x128xf32, #tpu.memory_space<vmem>>, vector<1x16xf32>,
      %get3A_611 = arith.index_cast %scan3A_556 : i32 to index
      %get3A_612 = arith.constant 64 : index
      %get3A_613 = tpu.vector_load %arg9[%get3A_611, %get3A_612] {strides = array<i32>} : memref<128x128xf32, #tpu.memory_space<vmem>>, vector<1x16xf32>,
      %get3A_614 = vector.shape_cast %get3A_613 : vector<1x16xf32> to vector<16xf32>
      %get3A_615 = arith.index_cast %scan3A_556 : i32 to index
      %get3A_616 = arith.constant 64 : index
      %get3A_617 = tpu.vector_load %arg12[%get3A_615, %get3A_616] {strides = array<i32>} : memref<128x128xf32, #tpu.memory_space<vmem>>, vector<1x16xf32>,
      %get3A_618 = vector.shape_cast %get3A_617 : vector<1x16xf32> to vector<16xf32>
      %add3A_619 = arith.addf %get3A_614, %get3A_618 : vector<16xf32>
      %swap3A_620 = arith.index_cast %scan3A_556 : i32 to index
      %swap3A_621 = arith.constant 64 : index
      %swap3A_622 = tpu.vector_load %arg9[%swap3A_620, %swap3A_621] {strides = array<i32>} : memref<128x128xf32, #tpu.memory_space<vmem>>, vector<1x16xf32>,
      %swap3A_623 = vector.shape_cast %swap3A_622 : vector<1x16xf32> to vector<16xf32>
      %swap3A_624 = vector.shape_cast %add3A_619 : vector<16xf32> to vector<1x16xf32>
      tpu.vector_store %arg9[%swap3A_620, %swap3A_621], %swap3A_624 {strides = array<i32>} : memref<128x128xf32, #tpu.memory_space<vmem>>, vector<1x16xf32>,
      %get3A_625 = arith.index_cast %scan3A_556 : i32 to index
      %get3A_626 = arith.constant 80 : index
      %get3A_627 = tpu.vector_load %arg9[%get3A_625, %get3A_626] {strides = array<i32>} : memref<128x128xf32, #tpu.memory_space<vmem>>, vector<1x16xf32>,
      %get3A_628 = vector.shape_cast %get3A_627 : vector<1x16xf32> to vector<16xf32>
      %get3A_629 = arith.index_cast %scan3A_556 : i32 to index
      %get3A_630 = arith.constant 80 : index
      %get3A_631 = tpu.vector_load %arg12[%get3A_629, %get3A_630] {strides = array<i32>} : memref<128x128xf32, #tpu.memory_space<vmem>>, vector<1x16xf32>,
      %get3A_632 = vector.shape_cast %get3A_631 : vector<1x16xf32> to vector<16xf32>
      %add3A_633 = arith.addf %get3A_628, %get3A_632 : vector<16xf32>
      %swap3A_634 = arith.index_cast %scan3A_556 : i32 to index
      %swap3A_635 = arith.constant 80 : index
      %swap3A_636 = tpu.vector_load %arg9[%swap3A_634, %swap3A_635] {strides = array<i32>} : memref<128x128xf32, #tpu.memory_space<vmem>>, vector<1x16xf32>,
      %swap3A_637 = vector.shape_cast %swap3A_636 : vector<1x16xf32> to vector<16xf32>
      %swap3A_638 = vector.shape_cast %add3A_633 : vector<16xf32> to vector<1x16xf32>
      tpu.vector_store %arg9[%swap3A_634, %swap3A_635], %swap3A_638 {strides = array<i32>} : memref<128x128xf32, #tpu.memory_space<vmem>>, vector<1x16xf32>,
      %get3A_639 = arith.index_cast %scan3A_556 : i32 to index
      %get3A_640 = arith.constant 96 : index
      %get3A_641 = tpu.vector_load %arg9[%get3A_639, %get3A_640] {strides = array<i32>} : memref<128x128xf32, #tpu.memory_space<vmem>>, vector<1x16xf32>,
      %get3A_642 = vector.shape_cast %get3A_641 : vector<1x16xf32> to vector<16xf32>
      %get3A_643 = arith.index_cast %scan3A_556 : i32 to index
      %get3A_644 = arith.constant 96 : index
      %get3A_645 = tpu.vector_load %arg12[%get3A_643, %get3A_644] {strides = array<i32>} : memref<128x128xf32, #tpu.memory_space<vmem>>, vector<1x16xf32>,
      %get3A_646 = vector.shape_cast %get3A_645 : vector<1x16xf32> to vector<16xf32>
      %add3A_647 = arith.addf %get3A_642, %get3A_646 : vector<16xf32>
      %swap3A_648 = arith.index_cast %scan3A_556 : i32 to index
      %swap3A_649 = arith.constant 96 : index
      %swap3A_650 = tpu.vector_load %arg9[%swap3A_648, %swap3A_649] {strides = array<i32>} : memref<128x128xf32, #tpu.memory_space<vmem>>, vector<1x16xf32>,
      %swap3A_651 = vector.shape_cast %swap3A_650 : vector<1x16xf32> to vector<16xf32>
      %swap3A_652 = vector.shape_cast %add3A_647 : vector<16xf32> to vector<1x16xf32>
      tpu.vector_store %arg9[%swap3A_648, %swap3A_649], %swap3A_652 {strides = array<i32>} : memref<128x128xf32, #tpu.memory_space<vmem>>, vector<1x16xf32>,
      %get3A_653 = arith.index_cast %scan3A_556 : i32 to index
      %get3A_654 = arith.constant 112 : index
      %get3A_655 = tpu.vector_load %arg9[%get3A_653, %get3A_654] {strides = array<i32>} : memref<128x128xf32, #tpu.memory_space<vmem>>, vector<1x16xf32>,
      %get3A_656 = vector.shape_cast %get3A_655 : vector<1x16xf32> to vector<16xf32>
      %get3A_657 = arith.index_cast %scan3A_556 : i32 to index
      %get3A_658 = arith.constant 112 : index
      %get3A_659 = tpu.vector_load %arg12[%get3A_657, %get3A_658] {strides = array<i32>} : memref<128x128xf32, #tpu.memory_space<vmem>>, vector<1x16xf32>,
      %get3A_660 = vector.shape_cast %get3A_659 : vector<1x16xf32> to vector<16xf32>
      %add3A_661 = arith.addf %get3A_656, %get3A_660 : vector<16xf32>
      %swap3A_662 = arith.index_cast %scan3A_556 : i32 to index
      %swap3A_663 = arith.constant 112 : index
      %swap3A_664 = tpu.vector_load %arg9[%swap3A_662, %swap3A_663] {strides = array<i32>} : memref<128x128xf32, #tpu.memory_space<vmem>>, vector<1x16xf32>,
      %swap3A_665 = vector.shape_cast %swap3A_664 : vector<1x16xf32> to vector<16xf32>
      %swap3A_666 = vector.shape_cast %add3A_661 : vector<16xf32> to vector<1x16xf32>
      tpu.vector_store %arg9[%swap3A_662, %swap3A_663], %swap3A_666 {strides = array<i32>} : memref<128x128xf32, #tpu.memory_space<vmem>>, vector<1x16xf32>,
    }
    %scan3A_263 = arith.constant 128 : i32
    %add3A_264 = arith.constant 0 : i32
    %add3A_265 = arith.addi %mul3A_2, %add3A_264 : i32
    %mul3A_266 = arith.constant 128 : i32
    %mul3A_267 = arith.muli %add3A_265, %mul3A_266 : i32
    %dma_start3A_268 = arith.constant 0 : i32
    %dma_start3A_269 = tpu.memref_slice %arg6[%mul3A_267, %dma_start3A_268] : memref<647168x128xf32, #tpu.memory_space<hbm>> -> memref<128x128xf32, #tpu.memory_space<hbm>>
    %dma_start3A_270 = arith.constant 0 : i32
    %dma_start3A_271 = tpu.memref_slice %arg6[%mul3A_267, %dma_start3A_270] : memref<647168x128xf32, #tpu.memory_space<hbm>> -> memref<128x128xf32, #tpu.memory_space<hbm>>
    tpu.enqueue_dma source(%arg9 : memref<128x128xf32, #tpu.memory_space<vmem>>) target(%dma_start3A_271 : memref<128x128xf32, #tpu.memory_space<hbm>>) target_semaphore(%arg21 : memref<!tpu.dma_semaphore, #tpu.memory_space<semaphore_mem>>)
    %dma_wait3A_272 = arith.constant 0 : i32
    %dma_wait3A_273 = arith.constant 0 : i32
    %dma_wait3A_274 = arith.constant 0 : i32
    %dma_wait3A_275 = tpu.memref_slice %arg7[%dma_wait3A_273, %dma_wait3A_274] : memref<3x128xi32, #tpu.memory_space<vmem>> -> memref<1x128xi32, #tpu.memory_space<vmem>>
    %dma_wait3A_276 = tpu.memref_squeeze %dma_wait3A_275 : memref<1x128xi32, #tpu.memory_space<vmem>> -> memref<128xi32, #tpu.memory_space<vmem>>
    %dma_wait3A_277 = arith.constant 0 : i32
    %dma_wait3A_278 = tpu.memref_slice %arg2[%dma_wait3A_272, %dma_wait3A_277] : memref<5056x128xi32, #tpu.memory_space<hbm>> -> memref<1x128xi32, #tpu.memory_space<hbm>>
    %dma_wait3A_279 = tpu.memref_squeeze %dma_wait3A_278 : memref<1x128xi32, #tpu.memory_space<hbm>> -> memref<128xi32, #tpu.memory_space<hbm>>
    %dma_wait3A_280 = arith.constant 0 : i32
    %dma_wait3A_281 = tpu.memref_slice %arg7[%dma_wait3A_273, %dma_wait3A_280] : memref<3x128xi32, #tpu.memory_space<vmem>> -> memref<1x128xi32, #tpu.memory_space<vmem>>
    %dma_wait3A_282 = tpu.memref_squeeze %dma_wait3A_281 : memref<1x128xi32, #tpu.memory_space<vmem>> -> memref<128xi32, #tpu.memory_space<vmem>>
    %dma_wait3A_283 = arith.constant 0 : i32
    %dma_wait3A_284 = tpu.memref_slice %arg2[%dma_wait3A_272, %dma_wait3A_283] : memref<5056x128xi32, #tpu.memory_space<hbm>> -> memref<1x128xi32, #tpu.memory_space<hbm>>
    %dma_wait3A_285 = tpu.memref_squeeze %dma_wait3A_284 : memref<1x128xi32, #tpu.memory_space<hbm>> -> memref<128xi32, #tpu.memory_space<hbm>>
    tpu.wait_dma2 semaphore(%arg15 : memref<!tpu.dma_semaphore, #tpu.memory_space<semaphore_mem>>) src(%dma_wait3A_285 : memref<128xi32, #tpu.memory_space<hbm>>) dst(%dma_wait3A_282 : memref<128xi32, #tpu.memory_space<vmem>>)
    %dma_wait3A_286 = arith.constant 0 : i32
    %dma_wait3A_287 = arith.constant 0 : i32
    %dma_wait3A_288 = arith.constant 0 : i32
    %dma_wait3A_289 = tpu.memref_slice %arg8[%dma_wait3A_287, %dma_wait3A_288] : memref<3x128xi32, #tpu.memory_space<vmem>> -> memref<1x128xi32, #tpu.memory_space<vmem>>
    %dma_wait3A_290 = tpu.memref_squeeze %dma_wait3A_289 : memref<1x128xi32, #tpu.memory_space<vmem>> -> memref<128xi32, #tpu.memory_space<vmem>>
    %dma_wait3A_291 = arith.constant 0 : i32
    %dma_wait3A_292 = tpu.memref_slice %arg3[%dma_wait3A_286, %dma_wait3A_291] : memref<5056x128xi32, #tpu.memory_space<hbm>> -> memref<1x128xi32, #tpu.memory_space<hbm>>
    %dma_wait3A_293 = tpu.memref_squeeze %dma_wait3A_292 : memref<1x128xi32, #tpu.memory_space<hbm>> -> memref<128xi32, #tpu.memory_space<hbm>>
    %dma_wait3A_294 = arith.constant 0 : i32
    %dma_wait3A_295 = tpu.memref_slice %arg8[%dma_wait3A_287, %dma_wait3A_294] : memref<3x128xi32, #tpu.memory_space<vmem>> -> memref<1x128xi32, #tpu.memory_space<vmem>>
    %dma_wait3A_296 = tpu.memref_squeeze %dma_wait3A_295 : memref<1x128xi32, #tpu.memory_space<vmem>> -> memref<128xi32, #tpu.memory_space<vmem>>
    %dma_wait3A_297 = arith.constant 0 : i32
    %dma_wait3A_298 = tpu.memref_slice %arg3[%dma_wait3A_286, %dma_wait3A_297] : memref<5056x128xi32, #tpu.memory_space<hbm>> -> memref<1x128xi32, #tpu.memory_space<hbm>>
    %dma_wait3A_299 = tpu.memref_squeeze %dma_wait3A_298 : memref<1x128xi32, #tpu.memory_space<hbm>> -> memref<128xi32, #tpu.memory_space<hbm>>
    tpu.wait_dma2 semaphore(%arg15 : memref<!tpu.dma_semaphore, #tpu.memory_space<semaphore_mem>>) src(%dma_wait3A_299 : memref<128xi32, #tpu.memory_space<hbm>>) dst(%dma_wait3A_296 : memref<128xi32, #tpu.memory_space<vmem>>)
    %dma_wait3A_300 = arith.constant 0 : i32
    %dma_wait3A_301 = arith.constant 0 : i32
    %dma_wait3A_302 = tpu.memref_slice %arg6[%dma_wait3A_300, %dma_wait3A_301] : memref<647168x128xf32, #tpu.memory_space<hbm>> -> memref<128x128xf32, #tpu.memory_space<hbm>>
    %dma_wait3A_303 = arith.constant 0 : i32
    %dma_wait3A_304 = arith.constant 0 : i32
    %dma_wait3A_305 = tpu.memref_slice %arg6[%dma_wait3A_303, %dma_wait3A_304] : memref<647168x128xf32, #tpu.memory_space<hbm>> -> memref<128x128xf32, #tpu.memory_space<hbm>>
    tpu.wait_dma2 semaphore(%arg21 : memref<!tpu.dma_semaphore, #tpu.memory_space<semaphore_mem>>) src(%arg9 : memref<128x128xf32, #tpu.memory_space<vmem>>) dst(%dma_wait3A_305 : memref<128x128xf32, #tpu.memory_space<hbm>>)
    %dma_start3A_306 = arith.constant 0 : i32
    %dma_start3A_307 = arith.constant 0 : i32
    %dma_start3A_308 = tpu.memref_slice %arg7[%dma_start3A_306, %dma_start3A_307] : memref<3x128xi32, #tpu.memory_space<vmem>> -> memref<1x128xi32, #tpu.memory_space<vmem>>
    %dma_start3A_309 = tpu.memref_squeeze %dma_start3A_308 : memref<1x128xi32, #tpu.memory_space<vmem>> -> memref<128xi32, #tpu.memory_space<vmem>>
    %dma_start3A_310 = arith.constant 0 : i32
    %dma_start3A_311 = arith.constant 0 : i32
    %dma_start3A_312 = tpu.memref_slice %arg4[%dma_start3A_310, %dma_start3A_311] : memref<100000x128xf32, #tpu.memory_space<hbm>> -> memref<100000x128xf32, #tpu.memory_space<hbm>>
    tpu.enqueue_indirect_dma source(%dma_start3A_312 : memref<100000x128xf32, #tpu.memory_space<hbm>>) target(%arg9 : memref<128x128xf32, #tpu.memory_space<vmem>>) offsets(%dma_start3A_309 : memref<128xi32, #tpu.memory_space<vmem>>) semaphore(%arg18 : memref<!tpu.dma_semaphore, #tpu.memory_space<semaphore_mem>>)
    %dma_start3A_313 = arith.constant 0 : i32
    %dma_start3A_314 = arith.constant 0 : i32
    %dma_start3A_315 = tpu.memref_slice %arg8[%dma_start3A_313, %dma_start3A_314] : memref<3x128xi32, #tpu.memory_space<vmem>> -> memref<1x128xi32, #tpu.memory_space<vmem>>
    %dma_start3A_316 = tpu.memref_squeeze %dma_start3A_315 : memref<1x128xi32, #tpu.memory_space<vmem>> -> memref<128xi32, #tpu.memory_space<vmem>>
    %dma_start3A_317 = arith.constant 0 : i32
    %dma_start3A_318 = arith.constant 0 : i32
    %dma_start3A_319 = tpu.memref_slice %arg5[%dma_start3A_317, %dma_start3A_318] : memref<100000x128xf32, #tpu.memory_space<hbm>> -> memref<100000x128xf32, #tpu.memory_space<hbm>>
    tpu.enqueue_indirect_dma source(%dma_start3A_319 : memref<100000x128xf32, #tpu.memory_space<hbm>>) target(%arg12 : memref<128x128xf32, #tpu.memory_space<vmem>>) offsets(%dma_start3A_316 : memref<128xi32, #tpu.memory_space<vmem>>) semaphore(%arg18 : memref<!tpu.dma_semaphore, #tpu.memory_space<semaphore_mem>>)
    %dma_wait3A_320 = arith.constant 0 : i32
    %dma_wait3A_321 = arith.constant 0 : i32
    %dma_wait3A_322 = tpu.memref_slice %arg4[%dma_wait3A_320, %dma_wait3A_321] : memref<100000x128xf32, #tpu.memory_space<hbm>> -> memref<128x128xf32, #tpu.memory_space<hbm>>
    %dma_wait3A_323 = arith.constant 0 : i32
    %dma_wait3A_324 = arith.constant 0 : i32
    %dma_wait3A_325 = tpu.memref_slice %arg4[%dma_wait3A_323, %dma_wait3A_324] : memref<100000x128xf32, #tpu.memory_space<hbm>> -> memref<128x128xf32, #tpu.memory_space<hbm>>
    tpu.wait_dma2 semaphore(%arg19 : memref<!tpu.dma_semaphore, #tpu.memory_space<semaphore_mem>>) src(%dma_wait3A_325 : memref<128x128xf32, #tpu.memory_space<hbm>>) dst(%arg10 : memref<128x128xf32, #tpu.memory_space<vmem>>)
    %dma_wait3A_326 = arith.constant 0 : i32
    %dma_wait3A_327 = arith.constant 0 : i32
    %dma_wait3A_328 = tpu.memref_slice %arg4[%dma_wait3A_326, %dma_wait3A_327] : memref<100000x128xf32, #tpu.memory_space<hbm>> -> memref<128x128xf32, #tpu.memory_space<hbm>>
    %dma_wait3A_329 = arith.constant 0 : i32
    %dma_wait3A_330 = arith.constant 0 : i32
    %dma_wait3A_331 = tpu.memref_slice %arg4[%dma_wait3A_329, %dma_wait3A_330] : memref<100000x128xf32, #tpu.memory_space<hbm>> -> memref<128x128xf32, #tpu.memory_space<hbm>>
    tpu.wait_dma2 semaphore(%arg19 : memref<!tpu.dma_semaphore, #tpu.memory_space<semaphore_mem>>) src(%dma_wait3A_331 : memref<128x128xf32, #tpu.memory_space<hbm>>) dst(%arg13 : memref<128x128xf32, #tpu.memory_space<vmem>>)
    %add3A_332 = arith.constant 4 : i32
    %add3A_333 = arith.addi %mul3A_2, %add3A_332 : i32
    %dma_start3A_334 = arith.constant 1 : i32
    %dma_start3A_335 = arith.constant 0 : i32
    %dma_start3A_336 = tpu.memref_slice %arg7[%dma_start3A_334, %dma_start3A_335] : memref<3x128xi32, #tpu.memory_space<vmem>> -> memref<1x128xi32, #tpu.memory_space<vmem>>
    %dma_start3A_337 = tpu.memref_squeeze %dma_start3A_336 : memref<1x128xi32, #tpu.memory_space<vmem>> -> memref<128xi32, #tpu.memory_space<vmem>>
    %dma_start3A_338 = arith.constant 0 : i32
    %dma_start3A_339 = tpu.memref_slice %arg2[%add3A_333, %dma_start3A_338] : memref<5056x128xi32, #tpu.memory_space<hbm>> -> memref<1x128xi32, #tpu.memory_space<hbm>>
    %dma_start3A_340 = tpu.memref_squeeze %dma_start3A_339 : memref<1x128xi32, #tpu.memory_space<hbm>> -> memref<128xi32, #tpu.memory_space<hbm>>
    %dma_start3A_341 = arith.constant 0 : i32
    %dma_start3A_342 = tpu.memref_slice %arg7[%dma_start3A_334, %dma_start3A_341] : memref<3x128xi32, #tpu.memory_space<vmem>> -> memref<1x128xi32, #tpu.memory_space<vmem>>
    %dma_start3A_343 = tpu.memref_squeeze %dma_start3A_342 : memref<1x128xi32, #tpu.memory_space<vmem>> -> memref<128xi32, #tpu.memory_space<vmem>>
    %dma_start3A_344 = arith.constant 0 : i32
    %dma_start3A_345 = tpu.memref_slice %arg2[%add3A_333, %dma_start3A_344] : memref<5056x128xi32, #tpu.memory_space<hbm>> -> memref<1x128xi32, #tpu.memory_space<hbm>>
    %dma_start3A_346 = tpu.memref_squeeze %dma_start3A_345 : memref<1x128xi32, #tpu.memory_space<hbm>> -> memref<128xi32, #tpu.memory_space<hbm>>
    tpu.enqueue_dma source(%dma_start3A_346 : memref<128xi32, #tpu.memory_space<hbm>>) target(%dma_start3A_343 : memref<128xi32, #tpu.memory_space<vmem>>) target_semaphore(%arg16 : memref<!tpu.dma_semaphore, #tpu.memory_space<semaphore_mem>>)
    %add3A_347 = arith.constant 4 : i32
    %add3A_348 = arith.addi %mul3A_2, %add3A_347 : i32
    %dma_start3A_349 = arith.constant 1 : i32
    %dma_start3A_350 = arith.constant 0 : i32
    %dma_start3A_351 = tpu.memref_slice %arg8[%dma_start3A_349, %dma_start3A_350] : memref<3x128xi32, #tpu.memory_space<vmem>> -> memref<1x128xi32, #tpu.memory_space<vmem>>
    %dma_start3A_352 = tpu.memref_squeeze %dma_start3A_351 : memref<1x128xi32, #tpu.memory_space<vmem>> -> memref<128xi32, #tpu.memory_space<vmem>>
    %dma_start3A_353 = arith.constant 0 : i32
    %dma_start3A_354 = tpu.memref_slice %arg3[%add3A_348, %dma_start3A_353] : memref<5056x128xi32, #tpu.memory_space<hbm>> -> memref<1x128xi32, #tpu.memory_space<hbm>>
    %dma_start3A_355 = tpu.memref_squeeze %dma_start3A_354 : memref<1x128xi32, #tpu.memory_space<hbm>> -> memref<128xi32, #tpu.memory_space<hbm>>
    %dma_start3A_356 = arith.constant 0 : i32
    %dma_start3A_357 = tpu.memref_slice %arg8[%dma_start3A_349, %dma_start3A_356] : memref<3x128xi32, #tpu.memory_space<vmem>> -> memref<1x128xi32, #tpu.memory_space<vmem>>
    %dma_start3A_358 = tpu.memref_squeeze %dma_start3A_357 : memref<1x128xi32, #tpu.memory_space<vmem>> -> memref<128xi32, #tpu.memory_space<vmem>>
    %dma_start3A_359 = arith.constant 0 : i32
    %dma_start3A_360 = tpu.memref_slice %arg3[%add3A_348, %dma_start3A_359] : memref<5056x128xi32, #tpu.memory_space<hbm>> -> memref<1x128xi32, #tpu.memory_space<hbm>>
    %dma_start3A_361 = tpu.memref_squeeze %dma_start3A_360 : memref<1x128xi32, #tpu.memory_space<hbm>> -> memref<128xi32, #tpu.memory_space<hbm>>
    tpu.enqueue_dma source(%dma_start3A_361 : memref<128xi32, #tpu.memory_space<hbm>>) target(%dma_start3A_358 : memref<128xi32, #tpu.memory_space<vmem>>) target_semaphore(%arg16 : memref<!tpu.dma_semaphore, #tpu.memory_space<semaphore_mem>>)
    %scan3A_362 = arith.constant 0 : i32
    %scan3A_363 = arith.constant 0 : i32
    %scan3A_364 = arith.constant 128 : i32
    %scan3A_365 = arith.addi %scan3A_363, %scan3A_364 : i32
    %scan3A_366 = arith.constant 1 : i32
    scf.for %scan3A_556 = %scan3A_363 to %scan3A_365 step %scan3A_366  : i32 {
      %get3A = arith.index_cast %scan3A_556 : i32 to index
      %get3A_557 = arith.constant 0 : index
      %get3A_558 = tpu.vector_load %arg10[%get3A, %get3A_557] {strides = array<i32>} : memref<128x128xf32, #tpu.memory_space<vmem>>, vector<1x16xf32>,
      %get3A_559 = vector.shape_cast %get3A_558 : vector<1x16xf32> to vector<16xf32>
      %get3A_560 = arith.index_cast %scan3A_556 : i32 to index
      %get3A_561 = arith.constant 0 : index
      %get3A_562 = tpu.vector_load %arg13[%get3A_560, %get3A_561] {strides = array<i32>} : memref<128x128xf32, #tpu.memory_space<vmem>>, vector<1x16xf32>,
      %get3A_563 = vector.shape_cast %get3A_562 : vector<1x16xf32> to vector<16xf32>
      %add3A_564 = arith.addf %get3A_559, %get3A_563 : vector<16xf32>
      %swap3A = arith.index_cast %scan3A_556 : i32 to index
      %swap3A_565 = arith.constant 0 : index
      %swap3A_566 = tpu.vector_load %arg10[%swap3A, %swap3A_565] {strides = array<i32>} : memref<128x128xf32, #tpu.memory_space<vmem>>, vector<1x16xf32>,
      %swap3A_567 = vector.shape_cast %swap3A_566 : vector<1x16xf32> to vector<16xf32>
      %swap3A_568 = vector.shape_cast %add3A_564 : vector<16xf32> to vector<1x16xf32>
      tpu.vector_store %arg10[%swap3A, %swap3A_565], %swap3A_568 {strides = array<i32>} : memref<128x128xf32, #tpu.memory_space<vmem>>, vector<1x16xf32>,
      %get3A_569 = arith.index_cast %scan3A_556 : i32 to index
      %get3A_570 = arith.constant 16 : index
      %get3A_571 = tpu.vector_load %arg10[%get3A_569, %get3A_570] {strides = array<i32>} : memref<128x128xf32, #tpu.memory_space<vmem>>, vector<1x16xf32>,
      %get3A_572 = vector.shape_cast %get3A_571 : vector<1x16xf32> to vector<16xf32>
      %get3A_573 = arith.index_cast %scan3A_556 : i32 to index
      %get3A_574 = arith.constant 16 : index
      %get3A_575 = tpu.vector_load %arg13[%get3A_573, %get3A_574] {strides = array<i32>} : memref<128x128xf32, #tpu.memory_space<vmem>>, vector<1x16xf32>,
      %get3A_576 = vector.shape_cast %get3A_575 : vector<1x16xf32> to vector<16xf32>
      %add3A_577 = arith.addf %get3A_572, %get3A_576 : vector<16xf32>
      %swap3A_578 = arith.index_cast %scan3A_556 : i32 to index
      %swap3A_579 = arith.constant 16 : index
      %swap3A_580 = tpu.vector_load %arg10[%swap3A_578, %swap3A_579] {strides = array<i32>} : memref<128x128xf32, #tpu.memory_space<vmem>>, vector<1x16xf32>,
      %swap3A_581 = vector.shape_cast %swap3A_580 : vector<1x16xf32> to vector<16xf32>
      %swap3A_582 = vector.shape_cast %add3A_577 : vector<16xf32> to vector<1x16xf32>
      tpu.vector_store %arg10[%swap3A_578, %swap3A_579], %swap3A_582 {strides = array<i32>} : memref<128x128xf32, #tpu.memory_space<vmem>>, vector<1x16xf32>,
      %get3A_583 = arith.index_cast %scan3A_556 : i32 to index
      %get3A_584 = arith.constant 32 : index
      %get3A_585 = tpu.vector_load %arg10[%get3A_583, %get3A_584] {strides = array<i32>} : memref<128x128xf32, #tpu.memory_space<vmem>>, vector<1x16xf32>,
      %get3A_586 = vector.shape_cast %get3A_585 : vector<1x16xf32> to vector<16xf32>
      %get3A_587 = arith.index_cast %scan3A_556 : i32 to index
      %get3A_588 = arith.constant 32 : index
      %get3A_589 = tpu.vector_load %arg13[%get3A_587, %get3A_588] {strides = array<i32>} : memref<128x128xf32, #tpu.memory_space<vmem>>, vector<1x16xf32>,
      %get3A_590 = vector.shape_cast %get3A_589 : vector<1x16xf32> to vector<16xf32>
      %add3A_591 = arith.addf %get3A_586, %get3A_590 : vector<16xf32>
      %swap3A_592 = arith.index_cast %scan3A_556 : i32 to index
      %swap3A_593 = arith.constant 32 : index
      %swap3A_594 = tpu.vector_load %arg10[%swap3A_592, %swap3A_593] {strides = array<i32>} : memref<128x128xf32, #tpu.memory_space<vmem>>, vector<1x16xf32>,
      %swap3A_595 = vector.shape_cast %swap3A_594 : vector<1x16xf32> to vector<16xf32>
      %swap3A_596 = vector.shape_cast %add3A_591 : vector<16xf32> to vector<1x16xf32>
      tpu.vector_store %arg10[%swap3A_592, %swap3A_593], %swap3A_596 {strides = array<i32>} : memref<128x128xf32, #tpu.memory_space<vmem>>, vector<1x16xf32>,
      %get3A_597 = arith.index_cast %scan3A_556 : i32 to index
      %get3A_598 = arith.constant 48 : index
      %get3A_599 = tpu.vector_load %arg10[%get3A_597, %get3A_598] {strides = array<i32>} : memref<128x128xf32, #tpu.memory_space<vmem>>, vector<1x16xf32>,
      %get3A_600 = vector.shape_cast %get3A_599 : vector<1x16xf32> to vector<16xf32>
      %get3A_601 = arith.index_cast %scan3A_556 : i32 to index
      %get3A_602 = arith.constant 48 : index
      %get3A_603 = tpu.vector_load %arg13[%get3A_601, %get3A_602] {strides = array<i32>} : memref<128x128xf32, #tpu.memory_space<vmem>>, vector<1x16xf32>,
      %get3A_604 = vector.shape_cast %get3A_603 : vector<1x16xf32> to vector<16xf32>
      %add3A_605 = arith.addf %get3A_600, %get3A_604 : vector<16xf32>
      %swap3A_606 = arith.index_cast %scan3A_556 : i32 to index
      %swap3A_607 = arith.constant 48 : index
      %swap3A_608 = tpu.vector_load %arg10[%swap3A_606, %swap3A_607] {strides = array<i32>} : memref<128x128xf32, #tpu.memory_space<vmem>>, vector<1x16xf32>,
      %swap3A_609 = vector.shape_cast %swap3A_608 : vector<1x16xf32> to vector<16xf32>
      %swap3A_610 = vector.shape_cast %add3A_605 : vector<16xf32> to vector<1x16xf32>
      tpu.vector_store %arg10[%swap3A_606, %swap3A_607], %swap3A_610 {strides = array<i32>} : memref<128x128xf32, #tpu.memory_space<vmem>>, vector<1x16xf32>,
      %get3A_611 = arith.index_cast %scan3A_556 : i32 to index
      %get3A_612 = arith.constant 64 : index
      %get3A_613 = tpu.vector_load %arg10[%get3A_611, %get3A_612] {strides = array<i32>} : memref<128x128xf32, #tpu.memory_space<vmem>>, vector<1x16xf32>,
      %get3A_614 = vector.shape_cast %get3A_613 : vector<1x16xf32> to vector<16xf32>
      %get3A_615 = arith.index_cast %scan3A_556 : i32 to index
      %get3A_616 = arith.constant 64 : index
      %get3A_617 = tpu.vector_load %arg13[%get3A_615, %get3A_616] {strides = array<i32>} : memref<128x128xf32, #tpu.memory_space<vmem>>, vector<1x16xf32>,
      %get3A_618 = vector.shape_cast %get3A_617 : vector<1x16xf32> to vector<16xf32>
      %add3A_619 = arith.addf %get3A_614, %get3A_618 : vector<16xf32>
      %swap3A_620 = arith.index_cast %scan3A_556 : i32 to index
      %swap3A_621 = arith.constant 64 : index
      %swap3A_622 = tpu.vector_load %arg10[%swap3A_620, %swap3A_621] {strides = array<i32>} : memref<128x128xf32, #tpu.memory_space<vmem>>, vector<1x16xf32>,
      %swap3A_623 = vector.shape_cast %swap3A_622 : vector<1x16xf32> to vector<16xf32>
      %swap3A_624 = vector.shape_cast %add3A_619 : vector<16xf32> to vector<1x16xf32>
      tpu.vector_store %arg10[%swap3A_620, %swap3A_621], %swap3A_624 {strides = array<i32>} : memref<128x128xf32, #tpu.memory_space<vmem>>, vector<1x16xf32>,
      %get3A_625 = arith.index_cast %scan3A_556 : i32 to index
      %get3A_626 = arith.constant 80 : index
      %get3A_627 = tpu.vector_load %arg10[%get3A_625, %get3A_626] {strides = array<i32>} : memref<128x128xf32, #tpu.memory_space<vmem>>, vector<1x16xf32>,
      %get3A_628 = vector.shape_cast %get3A_627 : vector<1x16xf32> to vector<16xf32>
      %get3A_629 = arith.index_cast %scan3A_556 : i32 to index
      %get3A_630 = arith.constant 80 : index
      %get3A_631 = tpu.vector_load %arg13[%get3A_629, %get3A_630] {strides = array<i32>} : memref<128x128xf32, #tpu.memory_space<vmem>>, vector<1x16xf32>,
      %get3A_632 = vector.shape_cast %get3A_631 : vector<1x16xf32> to vector<16xf32>
      %add3A_633 = arith.addf %get3A_628, %get3A_632 : vector<16xf32>
      %swap3A_634 = arith.index_cast %scan3A_556 : i32 to index
      %swap3A_635 = arith.constant 80 : index
      %swap3A_636 = tpu.vector_load %arg10[%swap3A_634, %swap3A_635] {strides = array<i32>} : memref<128x128xf32, #tpu.memory_space<vmem>>, vector<1x16xf32>,
      %swap3A_637 = vector.shape_cast %swap3A_636 : vector<1x16xf32> to vector<16xf32>
      %swap3A_638 = vector.shape_cast %add3A_633 : vector<16xf32> to vector<1x16xf32>
      tpu.vector_store %arg10[%swap3A_634, %swap3A_635], %swap3A_638 {strides = array<i32>} : memref<128x128xf32, #tpu.memory_space<vmem>>, vector<1x16xf32>,
      %get3A_639 = arith.index_cast %scan3A_556 : i32 to index
      %get3A_640 = arith.constant 96 : index
      %get3A_641 = tpu.vector_load %arg10[%get3A_639, %get3A_640] {strides = array<i32>} : memref<128x128xf32, #tpu.memory_space<vmem>>, vector<1x16xf32>,
      %get3A_642 = vector.shape_cast %get3A_641 : vector<1x16xf32> to vector<16xf32>
      %get3A_643 = arith.index_cast %scan3A_556 : i32 to index
      %get3A_644 = arith.constant 96 : index
      %get3A_645 = tpu.vector_load %arg13[%get3A_643, %get3A_644] {strides = array<i32>} : memref<128x128xf32, #tpu.memory_space<vmem>>, vector<1x16xf32>,
      %get3A_646 = vector.shape_cast %get3A_645 : vector<1x16xf32> to vector<16xf32>
      %add3A_647 = arith.addf %get3A_642, %get3A_646 : vector<16xf32>
      %swap3A_648 = arith.index_cast %scan3A_556 : i32 to index
      %swap3A_649 = arith.constant 96 : index
      %swap3A_650 = tpu.vector_load %arg10[%swap3A_648, %swap3A_649] {strides = array<i32>} : memref<128x128xf32, #tpu.memory_space<vmem>>, vector<1x16xf32>,
      %swap3A_651 = vector.shape_cast %swap3A_650 : vector<1x16xf32> to vector<16xf32>
      %swap3A_652 = vector.shape_cast %add3A_647 : vector<16xf32> to vector<1x16xf32>
      tpu.vector_store %arg10[%swap3A_648, %swap3A_649], %swap3A_652 {strides = array<i32>} : memref<128x128xf32, #tpu.memory_space<vmem>>, vector<1x16xf32>,
      %get3A_653 = arith.index_cast %scan3A_556 : i32 to index
      %get3A_654 = arith.constant 112 : index
      %get3A_655 = tpu.vector_load %arg10[%get3A_653, %get3A_654] {strides = array<i32>} : memref<128x128xf32, #tpu.memory_space<vmem>>, vector<1x16xf32>,
      %get3A_656 = vector.shape_cast %get3A_655 : vector<1x16xf32> to vector<16xf32>
      %get3A_657 = arith.index_cast %scan3A_556 : i32 to index
      %get3A_658 = arith.constant 112 : index
      %get3A_659 = tpu.vector_load %arg13[%get3A_657, %get3A_658] {strides = array<i32>} : memref<128x128xf32, #tpu.memory_space<vmem>>, vector<1x16xf32>,
      %get3A_660 = vector.shape_cast %get3A_659 : vector<1x16xf32> to vector<16xf32>
      %add3A_661 = arith.addf %get3A_656, %get3A_660 : vector<16xf32>
      %swap3A_662 = arith.index_cast %scan3A_556 : i32 to index
      %swap3A_663 = arith.constant 112 : index
      %swap3A_664 = tpu.vector_load %arg10[%swap3A_662, %swap3A_663] {strides = array<i32>} : memref<128x128xf32, #tpu.memory_space<vmem>>, vector<1x16xf32>,
      %swap3A_665 = vector.shape_cast %swap3A_664 : vector<1x16xf32> to vector<16xf32>
      %swap3A_666 = vector.shape_cast %add3A_661 : vector<16xf32> to vector<1x16xf32>
      tpu.vector_store %arg10[%swap3A_662, %swap3A_663], %swap3A_666 {strides = array<i32>} : memref<128x128xf32, #tpu.memory_space<vmem>>, vector<1x16xf32>,
    }
    %scan3A_367 = arith.constant 128 : i32
    %add3A_368 = arith.constant 1 : i32
    %add3A_369 = arith.addi %mul3A_2, %add3A_368 : i32
    %mul3A_370 = arith.constant 128 : i32
    %mul3A_371 = arith.muli %add3A_369, %mul3A_370 : i32
    %dma_start3A_372 = arith.constant 0 : i32
    %dma_start3A_373 = tpu.memref_slice %arg6[%mul3A_371, %dma_start3A_372] : memref<647168x128xf32, #tpu.memory_space<hbm>> -> memref<128x128xf32, #tpu.memory_space<hbm>>
    %dma_start3A_374 = arith.constant 0 : i32
    %dma_start3A_375 = tpu.memref_slice %arg6[%mul3A_371, %dma_start3A_374] : memref<647168x128xf32, #tpu.memory_space<hbm>> -> memref<128x128xf32, #tpu.memory_space<hbm>>
    tpu.enqueue_dma source(%arg10 : memref<128x128xf32, #tpu.memory_space<vmem>>) target(%dma_start3A_375 : memref<128x128xf32, #tpu.memory_space<hbm>>) target_semaphore(%arg22 : memref<!tpu.dma_semaphore, #tpu.memory_space<semaphore_mem>>)
    %dma_wait3A_376 = arith.constant 0 : i32
    %dma_wait3A_377 = arith.constant 1 : i32
    %dma_wait3A_378 = arith.constant 0 : i32
    %dma_wait3A_379 = tpu.memref_slice %arg7[%dma_wait3A_377, %dma_wait3A_378] : memref<3x128xi32, #tpu.memory_space<vmem>> -> memref<1x128xi32, #tpu.memory_space<vmem>>
    %dma_wait3A_380 = tpu.memref_squeeze %dma_wait3A_379 : memref<1x128xi32, #tpu.memory_space<vmem>> -> memref<128xi32, #tpu.memory_space<vmem>>
    %dma_wait3A_381 = arith.constant 0 : i32
    %dma_wait3A_382 = tpu.memref_slice %arg2[%dma_wait3A_376, %dma_wait3A_381] : memref<5056x128xi32, #tpu.memory_space<hbm>> -> memref<1x128xi32, #tpu.memory_space<hbm>>
    %dma_wait3A_383 = tpu.memref_squeeze %dma_wait3A_382 : memref<1x128xi32, #tpu.memory_space<hbm>> -> memref<128xi32, #tpu.memory_space<hbm>>
    %dma_wait3A_384 = arith.constant 0 : i32
    %dma_wait3A_385 = tpu.memref_slice %arg7[%dma_wait3A_377, %dma_wait3A_384] : memref<3x128xi32, #tpu.memory_space<vmem>> -> memref<1x128xi32, #tpu.memory_space<vmem>>
    %dma_wait3A_386 = tpu.memref_squeeze %dma_wait3A_385 : memref<1x128xi32, #tpu.memory_space<vmem>> -> memref<128xi32, #tpu.memory_space<vmem>>
    %dma_wait3A_387 = arith.constant 0 : i32
    %dma_wait3A_388 = tpu.memref_slice %arg2[%dma_wait3A_376, %dma_wait3A_387] : memref<5056x128xi32, #tpu.memory_space<hbm>> -> memref<1x128xi32, #tpu.memory_space<hbm>>
    %dma_wait3A_389 = tpu.memref_squeeze %dma_wait3A_388 : memref<1x128xi32, #tpu.memory_space<hbm>> -> memref<128xi32, #tpu.memory_space<hbm>>
    tpu.wait_dma2 semaphore(%arg16 : memref<!tpu.dma_semaphore, #tpu.memory_space<semaphore_mem>>) src(%dma_wait3A_389 : memref<128xi32, #tpu.memory_space<hbm>>) dst(%dma_wait3A_386 : memref<128xi32, #tpu.memory_space<vmem>>)
    %dma_wait3A_390 = arith.constant 0 : i32
    %dma_wait3A_391 = arith.constant 1 : i32
    %dma_wait3A_392 = arith.constant 0 : i32
    %dma_wait3A_393 = tpu.memref_slice %arg8[%dma_wait3A_391, %dma_wait3A_392] : memref<3x128xi32, #tpu.memory_space<vmem>> -> memref<1x128xi32, #tpu.memory_space<vmem>>
    %dma_wait3A_394 = tpu.memref_squeeze %dma_wait3A_393 : memref<1x128xi32, #tpu.memory_space<vmem>> -> memref<128xi32, #tpu.memory_space<vmem>>
    %dma_wait3A_395 = arith.constant 0 : i32
    %dma_wait3A_396 = tpu.memref_slice %arg3[%dma_wait3A_390, %dma_wait3A_395] : memref<5056x128xi32, #tpu.memory_space<hbm>> -> memref<1x128xi32, #tpu.memory_space<hbm>>
    %dma_wait3A_397 = tpu.memref_squeeze %dma_wait3A_396 : memref<1x128xi32, #tpu.memory_space<hbm>> -> memref<128xi32, #tpu.memory_space<hbm>>
    %dma_wait3A_398 = arith.constant 0 : i32
    %dma_wait3A_399 = tpu.memref_slice %arg8[%dma_wait3A_391, %dma_wait3A_398] : memref<3x128xi32, #tpu.memory_space<vmem>> -> memref<1x128xi32, #tpu.memory_space<vmem>>
    %dma_wait3A_400 = tpu.memref_squeeze %dma_wait3A_399 : memref<1x128xi32, #tpu.memory_space<vmem>> -> memref<128xi32, #tpu.memory_space<vmem>>
    %dma_wait3A_401 = arith.constant 0 : i32
    %dma_wait3A_402 = tpu.memref_slice %arg3[%dma_wait3A_390, %dma_wait3A_401] : memref<5056x128xi32, #tpu.memory_space<hbm>> -> memref<1x128xi32, #tpu.memory_space<hbm>>
    %dma_wait3A_403 = tpu.memref_squeeze %dma_wait3A_402 : memref<1x128xi32, #tpu.memory_space<hbm>> -> memref<128xi32, #tpu.memory_space<hbm>>
    tpu.wait_dma2 semaphore(%arg16 : memref<!tpu.dma_semaphore, #tpu.memory_space<semaphore_mem>>) src(%dma_wait3A_403 : memref<128xi32, #tpu.memory_space<hbm>>) dst(%dma_wait3A_400 : memref<128xi32, #tpu.memory_space<vmem>>)
    %dma_wait3A_404 = arith.constant 0 : i32
    %dma_wait3A_405 = arith.constant 0 : i32
    %dma_wait3A_406 = tpu.memref_slice %arg6[%dma_wait3A_404, %dma_wait3A_405] : memref<647168x128xf32, #tpu.memory_space<hbm>> -> memref<128x128xf32, #tpu.memory_space<hbm>>
    %dma_wait3A_407 = arith.constant 0 : i32
    %dma_wait3A_408 = arith.constant 0 : i32
    %dma_wait3A_409 = tpu.memref_slice %arg6[%dma_wait3A_407, %dma_wait3A_408] : memref<647168x128xf32, #tpu.memory_space<hbm>> -> memref<128x128xf32, #tpu.memory_space<hbm>>
    tpu.wait_dma2 semaphore(%arg22 : memref<!tpu.dma_semaphore, #tpu.memory_space<semaphore_mem>>) src(%arg10 : memref<128x128xf32, #tpu.memory_space<vmem>>) dst(%dma_wait3A_409 : memref<128x128xf32, #tpu.memory_space<hbm>>)
    %dma_start3A_410 = arith.constant 1 : i32
    %dma_start3A_411 = arith.constant 0 : i32
    %dma_start3A_412 = tpu.memref_slice %arg7[%dma_start3A_410, %dma_start3A_411] : memref<3x128xi32, #tpu.memory_space<vmem>> -> memref<1x128xi32, #tpu.memory_space<vmem>>
    %dma_start3A_413 = tpu.memref_squeeze %dma_start3A_412 : memref<1x128xi32, #tpu.memory_space<vmem>> -> memref<128xi32, #tpu.memory_space<vmem>>
    %dma_start3A_414 = arith.constant 0 : i32
    %dma_start3A_415 = arith.constant 0 : i32
    %dma_start3A_416 = tpu.memref_slice %arg4[%dma_start3A_414, %dma_start3A_415] : memref<100000x128xf32, #tpu.memory_space<hbm>> -> memref<100000x128xf32, #tpu.memory_space<hbm>>
    tpu.enqueue_indirect_dma source(%dma_start3A_416 : memref<100000x128xf32, #tpu.memory_space<hbm>>) target(%arg10 : memref<128x128xf32, #tpu.memory_space<vmem>>) offsets(%dma_start3A_413 : memref<128xi32, #tpu.memory_space<vmem>>) semaphore(%arg19 : memref<!tpu.dma_semaphore, #tpu.memory_space<semaphore_mem>>)
    %dma_start3A_417 = arith.constant 1 : i32
    %dma_start3A_418 = arith.constant 0 : i32
    %dma_start3A_419 = tpu.memref_slice %arg8[%dma_start3A_417, %dma_start3A_418] : memref<3x128xi32, #tpu.memory_space<vmem>> -> memref<1x128xi32, #tpu.memory_space<vmem>>
    %dma_start3A_420 = tpu.memref_squeeze %dma_start3A_419 : memref<1x128xi32, #tpu.memory_space<vmem>> -> memref<128xi32, #tpu.memory_space<vmem>>
    %dma_start3A_421 = arith.constant 0 : i32
    %dma_start3A_422 = arith.constant 0 : i32
    %dma_start3A_423 = tpu.memref_slice %arg5[%dma_start3A_421, %dma_start3A_422] : memref<100000x128xf32, #tpu.memory_space<hbm>> -> memref<100000x128xf32, #tpu.memory_space<hbm>>
    tpu.enqueue_indirect_dma source(%dma_start3A_423 : memref<100000x128xf32, #tpu.memory_space<hbm>>) target(%arg13 : memref<128x128xf32, #tpu.memory_space<vmem>>) offsets(%dma_start3A_420 : memref<128xi32, #tpu.memory_space<vmem>>) semaphore(%arg19 : memref<!tpu.dma_semaphore, #tpu.memory_space<semaphore_mem>>)
    %dma_wait3A_424 = arith.constant 0 : i32
    %dma_wait3A_425 = arith.constant 0 : i32
    %dma_wait3A_426 = tpu.memref_slice %arg4[%dma_wait3A_424, %dma_wait3A_425] : memref<100000x128xf32, #tpu.memory_space<hbm>> -> memref<128x128xf32, #tpu.memory_space<hbm>>
    %dma_wait3A_427 = arith.constant 0 : i32
    %dma_wait3A_428 = arith.constant 0 : i32
    %dma_wait3A_429 = tpu.memref_slice %arg4[%dma_wait3A_427, %dma_wait3A_428] : memref<100000x128xf32, #tpu.memory_space<hbm>> -> memref<128x128xf32, #tpu.memory_space<hbm>>
    tpu.wait_dma2 semaphore(%arg20 : memref<!tpu.dma_semaphore, #tpu.memory_space<semaphore_mem>>) src(%dma_wait3A_429 : memref<128x128xf32, #tpu.memory_space<hbm>>) dst(%arg11 : memref<128x128xf32, #tpu.memory_space<vmem>>)
    %dma_wait3A_430 = arith.constant 0 : i32
    %dma_wait3A_431 = arith.constant 0 : i32
    %dma_wait3A_432 = tpu.memref_slice %arg4[%dma_wait3A_430, %dma_wait3A_431] : memref<100000x128xf32, #tpu.memory_space<hbm>> -> memref<128x128xf32, #tpu.memory_space<hbm>>
    %dma_wait3A_433 = arith.constant 0 : i32
    %dma_wait3A_434 = arith.constant 0 : i32
    %dma_wait3A_435 = tpu.memref_slice %arg4[%dma_wait3A_433, %dma_wait3A_434] : memref<100000x128xf32, #tpu.memory_space<hbm>> -> memref<128x128xf32, #tpu.memory_space<hbm>>
    tpu.wait_dma2 semaphore(%arg20 : memref<!tpu.dma_semaphore, #tpu.memory_space<semaphore_mem>>) src(%dma_wait3A_435 : memref<128x128xf32, #tpu.memory_space<hbm>>) dst(%arg14 : memref<128x128xf32, #tpu.memory_space<vmem>>)
    %add3A_436 = arith.constant 5 : i32
    %add3A_437 = arith.addi %mul3A_2, %add3A_436 : i32
    %dma_start3A_438 = arith.constant 2 : i32
    %dma_start3A_439 = arith.constant 0 : i32
    %dma_start3A_440 = tpu.memref_slice %arg7[%dma_start3A_438, %dma_start3A_439] : memref<3x128xi32, #tpu.memory_space<vmem>> -> memref<1x128xi32, #tpu.memory_space<vmem>>
    %dma_start3A_441 = tpu.memref_squeeze %dma_start3A_440 : memref<1x128xi32, #tpu.memory_space<vmem>> -> memref<128xi32, #tpu.memory_space<vmem>>
    %dma_start3A_442 = arith.constant 0 : i32
    %dma_start3A_443 = tpu.memref_slice %arg2[%add3A_437, %dma_start3A_442] : memref<5056x128xi32, #tpu.memory_space<hbm>> -> memref<1x128xi32, #tpu.memory_space<hbm>>
    %dma_start3A_444 = tpu.memref_squeeze %dma_start3A_443 : memref<1x128xi32, #tpu.memory_space<hbm>> -> memref<128xi32, #tpu.memory_space<hbm>>
    %dma_start3A_445 = arith.constant 0 : i32
    %dma_start3A_446 = tpu.memref_slice %arg7[%dma_start3A_438, %dma_start3A_445] : memref<3x128xi32, #tpu.memory_space<vmem>> -> memref<1x128xi32, #tpu.memory_space<vmem>>
    %dma_start3A_447 = tpu.memref_squeeze %dma_start3A_446 : memref<1x128xi32, #tpu.memory_space<vmem>> -> memref<128xi32, #tpu.memory_space<vmem>>
    %dma_start3A_448 = arith.constant 0 : i32
    %dma_start3A_449 = tpu.memref_slice %arg2[%add3A_437, %dma_start3A_448] : memref<5056x128xi32, #tpu.memory_space<hbm>> -> memref<1x128xi32, #tpu.memory_space<hbm>>
    %dma_start3A_450 = tpu.memref_squeeze %dma_start3A_449 : memref<1x128xi32, #tpu.memory_space<hbm>> -> memref<128xi32, #tpu.memory_space<hbm>>
    tpu.enqueue_dma source(%dma_start3A_450 : memref<128xi32, #tpu.memory_space<hbm>>) target(%dma_start3A_447 : memref<128xi32, #tpu.memory_space<vmem>>) target_semaphore(%arg17 : memref<!tpu.dma_semaphore, #tpu.memory_space<semaphore_mem>>)
    %add3A_451 = arith.constant 5 : i32
    %add3A_452 = arith.addi %mul3A_2, %add3A_451 : i32
    %dma_start3A_453 = arith.constant 2 : i32
    %dma_start3A_454 = arith.constant 0 : i32
    %dma_start3A_455 = tpu.memref_slice %arg8[%dma_start3A_453, %dma_start3A_454] : memref<3x128xi32, #tpu.memory_space<vmem>> -> memref<1x128xi32, #tpu.memory_space<vmem>>
    %dma_start3A_456 = tpu.memref_squeeze %dma_start3A_455 : memref<1x128xi32, #tpu.memory_space<vmem>> -> memref<128xi32, #tpu.memory_space<vmem>>
    %dma_start3A_457 = arith.constant 0 : i32
    %dma_start3A_458 = tpu.memref_slice %arg3[%add3A_452, %dma_start3A_457] : memref<5056x128xi32, #tpu.memory_space<hbm>> -> memref<1x128xi32, #tpu.memory_space<hbm>>
    %dma_start3A_459 = tpu.memref_squeeze %dma_start3A_458 : memref<1x128xi32, #tpu.memory_space<hbm>> -> memref<128xi32, #tpu.memory_space<hbm>>
    %dma_start3A_460 = arith.constant 0 : i32
    %dma_start3A_461 = tpu.memref_slice %arg8[%dma_start3A_453, %dma_start3A_460] : memref<3x128xi32, #tpu.memory_space<vmem>> -> memref<1x128xi32, #tpu.memory_space<vmem>>
    %dma_start3A_462 = tpu.memref_squeeze %dma_start3A_461 : memref<1x128xi32, #tpu.memory_space<vmem>> -> memref<128xi32, #tpu.memory_space<vmem>>
    %dma_start3A_463 = arith.constant 0 : i32
    %dma_start3A_464 = tpu.memref_slice %arg3[%add3A_452, %dma_start3A_463] : memref<5056x128xi32, #tpu.memory_space<hbm>> -> memref<1x128xi32, #tpu.memory_space<hbm>>
    %dma_start3A_465 = tpu.memref_squeeze %dma_start3A_464 : memref<1x128xi32, #tpu.memory_space<hbm>> -> memref<128xi32, #tpu.memory_space<hbm>>
    tpu.enqueue_dma source(%dma_start3A_465 : memref<128xi32, #tpu.memory_space<hbm>>) target(%dma_start3A_462 : memref<128xi32, #tpu.memory_space<vmem>>) target_semaphore(%arg17 : memref<!tpu.dma_semaphore, #tpu.memory_space<semaphore_mem>>)
    %scan3A_466 = arith.constant 0 : i32
    %scan3A_467 = arith.constant 0 : i32
    %scan3A_468 = arith.constant 128 : i32
    %scan3A_469 = arith.addi %scan3A_467, %scan3A_468 : i32
    %scan3A_470 = arith.constant 1 : i32
    scf.for %scan3A_556 = %scan3A_467 to %scan3A_469 step %scan3A_470  : i32 {
      %get3A = arith.index_cast %scan3A_556 : i32 to index
      %get3A_557 = arith.constant 0 : index
      %get3A_558 = tpu.vector_load %arg11[%get3A, %get3A_557] {strides = array<i32>} : memref<128x128xf32, #tpu.memory_space<vmem>>, vector<1x16xf32>,
      %get3A_559 = vector.shape_cast %get3A_558 : vector<1x16xf32> to vector<16xf32>
      %get3A_560 = arith.index_cast %scan3A_556 : i32 to index
      %get3A_561 = arith.constant 0 : index
      %get3A_562 = tpu.vector_load %arg14[%get3A_560, %get3A_561] {strides = array<i32>} : memref<128x128xf32, #tpu.memory_space<vmem>>, vector<1x16xf32>,
      %get3A_563 = vector.shape_cast %get3A_562 : vector<1x16xf32> to vector<16xf32>
      %add3A_564 = arith.addf %get3A_559, %get3A_563 : vector<16xf32>
      %swap3A = arith.index_cast %scan3A_556 : i32 to index
      %swap3A_565 = arith.constant 0 : index
      %swap3A_566 = tpu.vector_load %arg11[%swap3A, %swap3A_565] {strides = array<i32>} : memref<128x128xf32, #tpu.memory_space<vmem>>, vector<1x16xf32>,
      %swap3A_567 = vector.shape_cast %swap3A_566 : vector<1x16xf32> to vector<16xf32>
      %swap3A_568 = vector.shape_cast %add3A_564 : vector<16xf32> to vector<1x16xf32>
      tpu.vector_store %arg11[%swap3A, %swap3A_565], %swap3A_568 {strides = array<i32>} : memref<128x128xf32, #tpu.memory_space<vmem>>, vector<1x16xf32>,
      %get3A_569 = arith.index_cast %scan3A_556 : i32 to index
      %get3A_570 = arith.constant 16 : index
      %get3A_571 = tpu.vector_load %arg11[%get3A_569, %get3A_570] {strides = array<i32>} : memref<128x128xf32, #tpu.memory_space<vmem>>, vector<1x16xf32>,
      %get3A_572 = vector.shape_cast %get3A_571 : vector<1x16xf32> to vector<16xf32>
      %get3A_573 = arith.index_cast %scan3A_556 : i32 to index
      %get3A_574 = arith.constant 16 : index
      %get3A_575 = tpu.vector_load %arg14[%get3A_573, %get3A_574] {strides = array<i32>} : memref<128x128xf32, #tpu.memory_space<vmem>>, vector<1x16xf32>,
      %get3A_576 = vector.shape_cast %get3A_575 : vector<1x16xf32> to vector<16xf32>
      %add3A_577 = arith.addf %get3A_572, %get3A_576 : vector<16xf32>
      %swap3A_578 = arith.index_cast %scan3A_556 : i32 to index
      %swap3A_579 = arith.constant 16 : index
      %swap3A_580 = tpu.vector_load %arg11[%swap3A_578, %swap3A_579] {strides = array<i32>} : memref<128x128xf32, #tpu.memory_space<vmem>>, vector<1x16xf32>,
      %swap3A_581 = vector.shape_cast %swap3A_580 : vector<1x16xf32> to vector<16xf32>
      %swap3A_582 = vector.shape_cast %add3A_577 : vector<16xf32> to vector<1x16xf32>
      tpu.vector_store %arg11[%swap3A_578, %swap3A_579], %swap3A_582 {strides = array<i32>} : memref<128x128xf32, #tpu.memory_space<vmem>>, vector<1x16xf32>,
      %get3A_583 = arith.index_cast %scan3A_556 : i32 to index
      %get3A_584 = arith.constant 32 : index
      %get3A_585 = tpu.vector_load %arg11[%get3A_583, %get3A_584] {strides = array<i32>} : memref<128x128xf32, #tpu.memory_space<vmem>>, vector<1x16xf32>,
      %get3A_586 = vector.shape_cast %get3A_585 : vector<1x16xf32> to vector<16xf32>
      %get3A_587 = arith.index_cast %scan3A_556 : i32 to index
      %get3A_588 = arith.constant 32 : index
      %get3A_589 = tpu.vector_load %arg14[%get3A_587, %get3A_588] {strides = array<i32>} : memref<128x128xf32, #tpu.memory_space<vmem>>, vector<1x16xf32>,
      %get3A_590 = vector.shape_cast %get3A_589 : vector<1x16xf32> to vector<16xf32>
      %add3A_591 = arith.addf %get3A_586, %get3A_590 : vector<16xf32>
      %swap3A_592 = arith.index_cast %scan3A_556 : i32 to index
      %swap3A_593 = arith.constant 32 : index
      %swap3A_594 = tpu.vector_load %arg11[%swap3A_592, %swap3A_593] {strides = array<i32>} : memref<128x128xf32, #tpu.memory_space<vmem>>, vector<1x16xf32>,
      %swap3A_595 = vector.shape_cast %swap3A_594 : vector<1x16xf32> to vector<16xf32>
      %swap3A_596 = vector.shape_cast %add3A_591 : vector<16xf32> to vector<1x16xf32>
      tpu.vector_store %arg11[%swap3A_592, %swap3A_593], %swap3A_596 {strides = array<i32>} : memref<128x128xf32, #tpu.memory_space<vmem>>, vector<1x16xf32>,
      %get3A_597 = arith.index_cast %scan3A_556 : i32 to index
      %get3A_598 = arith.constant 48 : index
      %get3A_599 = tpu.vector_load %arg11[%get3A_597, %get3A_598] {strides = array<i32>} : memref<128x128xf32, #tpu.memory_space<vmem>>, vector<1x16xf32>,
      %get3A_600 = vector.shape_cast %get3A_599 : vector<1x16xf32> to vector<16xf32>
      %get3A_601 = arith.index_cast %scan3A_556 : i32 to index
      %get3A_602 = arith.constant 48 : index
      %get3A_603 = tpu.vector_load %arg14[%get3A_601, %get3A_602] {strides = array<i32>} : memref<128x128xf32, #tpu.memory_space<vmem>>, vector<1x16xf32>,
      %get3A_604 = vector.shape_cast %get3A_603 : vector<1x16xf32> to vector<16xf32>
      %add3A_605 = arith.addf %get3A_600, %get3A_604 : vector<16xf32>
      %swap3A_606 = arith.index_cast %scan3A_556 : i32 to index
      %swap3A_607 = arith.constant 48 : index
      %swap3A_608 = tpu.vector_load %arg11[%swap3A_606, %swap3A_607] {strides = array<i32>} : memref<128x128xf32, #tpu.memory_space<vmem>>, vector<1x16xf32>,
      %swap3A_609 = vector.shape_cast %swap3A_608 : vector<1x16xf32> to vector<16xf32>
      %swap3A_610 = vector.shape_cast %add3A_605 : vector<16xf32> to vector<1x16xf32>
      tpu.vector_store %arg11[%swap3A_606, %swap3A_607], %swap3A_610 {strides = array<i32>} : memref<128x128xf32, #tpu.memory_space<vmem>>, vector<1x16xf32>,
      %get3A_611 = arith.index_cast %scan3A_556 : i32 to index
      %get3A_612 = arith.constant 64 : index
      %get3A_613 = tpu.vector_load %arg11[%get3A_611, %get3A_612] {strides = array<i32>} : memref<128x128xf32, #tpu.memory_space<vmem>>, vector<1x16xf32>,
      %get3A_614 = vector.shape_cast %get3A_613 : vector<1x16xf32> to vector<16xf32>
      %get3A_615 = arith.index_cast %scan3A_556 : i32 to index
      %get3A_616 = arith.constant 64 : index
      %get3A_617 = tpu.vector_load %arg14[%get3A_615, %get3A_616] {strides = array<i32>} : memref<128x128xf32, #tpu.memory_space<vmem>>, vector<1x16xf32>,
      %get3A_618 = vector.shape_cast %get3A_617 : vector<1x16xf32> to vector<16xf32>
      %add3A_619 = arith.addf %get3A_614, %get3A_618 : vector<16xf32>
      %swap3A_620 = arith.index_cast %scan3A_556 : i32 to index
      %swap3A_621 = arith.constant 64 : index
      %swap3A_622 = tpu.vector_load %arg11[%swap3A_620, %swap3A_621] {strides = array<i32>} : memref<128x128xf32, #tpu.memory_space<vmem>>, vector<1x16xf32>,
      %swap3A_623 = vector.shape_cast %swap3A_622 : vector<1x16xf32> to vector<16xf32>
      %swap3A_624 = vector.shape_cast %add3A_619 : vector<16xf32> to vector<1x16xf32>
      tpu.vector_store %arg11[%swap3A_620, %swap3A_621], %swap3A_624 {strides = array<i32>} : memref<128x128xf32, #tpu.memory_space<vmem>>, vector<1x16xf32>,
      %get3A_625 = arith.index_cast %scan3A_556 : i32 to index
      %get3A_626 = arith.constant 80 : index
      %get3A_627 = tpu.vector_load %arg11[%get3A_625, %get3A_626] {strides = array<i32>} : memref<128x128xf32, #tpu.memory_space<vmem>>, vector<1x16xf32>,
      %get3A_628 = vector.shape_cast %get3A_627 : vector<1x16xf32> to vector<16xf32>
      %get3A_629 = arith.index_cast %scan3A_556 : i32 to index
      %get3A_630 = arith.constant 80 : index
      %get3A_631 = tpu.vector_load %arg14[%get3A_629, %get3A_630] {strides = array<i32>} : memref<128x128xf32, #tpu.memory_space<vmem>>, vector<1x16xf32>,
      %get3A_632 = vector.shape_cast %get3A_631 : vector<1x16xf32> to vector<16xf32>
      %add3A_633 = arith.addf %get3A_628, %get3A_632 : vector<16xf32>
      %swap3A_634 = arith.index_cast %scan3A_556 : i32 to index
      %swap3A_635 = arith.constant 80 : index
      %swap3A_636 = tpu.vector_load %arg11[%swap3A_634, %swap3A_635] {strides = array<i32>} : memref<128x128xf32, #tpu.memory_space<vmem>>, vector<1x16xf32>,
      %swap3A_637 = vector.shape_cast %swap3A_636 : vector<1x16xf32> to vector<16xf32>
      %swap3A_638 = vector.shape_cast %add3A_633 : vector<16xf32> to vector<1x16xf32>
      tpu.vector_store %arg11[%swap3A_634, %swap3A_635], %swap3A_638 {strides = array<i32>} : memref<128x128xf32, #tpu.memory_space<vmem>>, vector<1x16xf32>,
      %get3A_639 = arith.index_cast %scan3A_556 : i32 to index
      %get3A_640 = arith.constant 96 : index
      %get3A_641 = tpu.vector_load %arg11[%get3A_639, %get3A_640] {strides = array<i32>} : memref<128x128xf32, #tpu.memory_space<vmem>>, vector<1x16xf32>,
      %get3A_642 = vector.shape_cast %get3A_641 : vector<1x16xf32> to vector<16xf32>
      %get3A_643 = arith.index_cast %scan3A_556 : i32 to index
      %get3A_644 = arith.constant 96 : index
      %get3A_645 = tpu.vector_load %arg14[%get3A_643, %get3A_644] {strides = array<i32>} : memref<128x128xf32, #tpu.memory_space<vmem>>, vector<1x16xf32>,
      %get3A_646 = vector.shape_cast %get3A_645 : vector<1x16xf32> to vector<16xf32>
      %add3A_647 = arith.addf %get3A_642, %get3A_646 : vector<16xf32>
      %swap3A_648 = arith.index_cast %scan3A_556 : i32 to index
      %swap3A_649 = arith.constant 96 : index
      %swap3A_650 = tpu.vector_load %arg11[%swap3A_648, %swap3A_649] {strides = array<i32>} : memref<128x128xf32, #tpu.memory_space<vmem>>, vector<1x16xf32>,
      %swap3A_651 = vector.shape_cast %swap3A_650 : vector<1x16xf32> to vector<16xf32>
      %swap3A_652 = vector.shape_cast %add3A_647 : vector<16xf32> to vector<1x16xf32>
      tpu.vector_store %arg11[%swap3A_648, %swap3A_649], %swap3A_652 {strides = array<i32>} : memref<128x128xf32, #tpu.memory_space<vmem>>, vector<1x16xf32>,
      %get3A_653 = arith.index_cast %scan3A_556 : i32 to index
      %get3A_654 = arith.constant 112 : index
      %get3A_655 = tpu.vector_load %arg11[%get3A_653, %get3A_654] {strides = array<i32>} : memref<128x128xf32, #tpu.memory_space<vmem>>, vector<1x16xf32>,
      %get3A_656 = vector.shape_cast %get3A_655 : vector<1x16xf32> to vector<16xf32>
      %get3A_657 = arith.index_cast %scan3A_556 : i32 to index
      %get3A_658 = arith.constant 112 : index
      %get3A_659 = tpu.vector_load %arg14[%get3A_657, %get3A_658] {strides = array<i32>} : memref<128x128xf32, #tpu.memory_space<vmem>>, vector<1x16xf32>,
      %get3A_660 = vector.shape_cast %get3A_659 : vector<1x16xf32> to vector<16xf32>
      %add3A_661 = arith.addf %get3A_656, %get3A_660 : vector<16xf32>
      %swap3A_662 = arith.index_cast %scan3A_556 : i32 to index
      %swap3A_663 = arith.constant 112 : index
      %swap3A_664 = tpu.vector_load %arg11[%swap3A_662, %swap3A_663] {strides = array<i32>} : memref<128x128xf32, #tpu.memory_space<vmem>>, vector<1x16xf32>,
      %swap3A_665 = vector.shape_cast %swap3A_664 : vector<1x16xf32> to vector<16xf32>
      %swap3A_666 = vector.shape_cast %add3A_661 : vector<16xf32> to vector<1x16xf32>
      tpu.vector_store %arg11[%swap3A_662, %swap3A_663], %swap3A_666 {strides = array<i32>} : memref<128x128xf32, #tpu.memory_space<vmem>>, vector<1x16xf32>,
    }
    %scan3A_471 = arith.constant 128 : i32
    %add3A_472 = arith.constant 2 : i32
    %add3A_473 = arith.addi %mul3A_2, %add3A_472 : i32
    %mul3A_474 = arith.constant 128 : i32
    %mul3A_475 = arith.muli %add3A_473, %mul3A_474 : i32
    %dma_start3A_476 = arith.constant 0 : i32
    %dma_start3A_477 = tpu.memref_slice %arg6[%mul3A_475, %dma_start3A_476] : memref<647168x128xf32, #tpu.memory_space<hbm>> -> memref<128x128xf32, #tpu.memory_space<hbm>>
    %dma_start3A_478 = arith.constant 0 : i32
    %dma_start3A_479 = tpu.memref_slice %arg6[%mul3A_475, %dma_start3A_478] : memref<647168x128xf32, #tpu.memory_space<hbm>> -> memref<128x128xf32, #tpu.memory_space<hbm>>
    tpu.enqueue_dma source(%arg11 : memref<128x128xf32, #tpu.memory_space<vmem>>) target(%dma_start3A_479 : memref<128x128xf32, #tpu.memory_space<hbm>>) target_semaphore(%arg23 : memref<!tpu.dma_semaphore, #tpu.memory_space<semaphore_mem>>)
    %scan3A_480 = arith.constant 0 : i32
    %scan3A_481 = arith.constant 1 : i32
    %scan3A_482 = arith.constant 51 : i32
    %scan3A_483 = arith.addi %scan3A_481, %scan3A_482 : i32
    %scan3A_484 = arith.constant 1 : i32
    scf.for %scan3A_556 = %scan3A_481 to %scan3A_483 step %scan3A_484  : i32 {
      %mul3A_557 = arith.constant 3 : i32
      %mul3A_558 = arith.muli %mul3A_557, %scan3A_556 : i32
      %add3A_559 = arith.constant 0 : i32
      %add3A_560 = arith.addi %mul3A_558, %add3A_559 : i32
      %dma_wait3A_561 = arith.constant 0 : i32
      %dma_wait3A_562 = arith.constant 2 : i32
      %dma_wait3A_563 = arith.constant 0 : i32
      %dma_wait3A_564 = tpu.memref_slice %arg7[%dma_wait3A_562, %dma_wait3A_563] : memref<3x128xi32, #tpu.memory_space<vmem>> -> memref<1x128xi32, #tpu.memory_space<vmem>>
      %dma_wait3A_565 = tpu.memref_squeeze %dma_wait3A_564 : memref<1x128xi32, #tpu.memory_space<vmem>> -> memref<128xi32, #tpu.memory_space<vmem>>
      %dma_wait3A_566 = arith.constant 0 : i32
      %dma_wait3A_567 = tpu.memref_slice %arg2[%dma_wait3A_561, %dma_wait3A_566] : memref<5056x128xi32, #tpu.memory_space<hbm>> -> memref<1x128xi32, #tpu.memory_space<hbm>>
      %dma_wait3A_568 = tpu.memref_squeeze %dma_wait3A_567 : memref<1x128xi32, #tpu.memory_space<hbm>> -> memref<128xi32, #tpu.memory_space<hbm>>
      %dma_wait3A_569 = arith.constant 0 : i32
      %dma_wait3A_570 = tpu.memref_slice %arg7[%dma_wait3A_562, %dma_wait3A_569] : memref<3x128xi32, #tpu.memory_space<vmem>> -> memref<1x128xi32, #tpu.memory_space<vmem>>
      %dma_wait3A_571 = tpu.memref_squeeze %dma_wait3A_570 : memref<1x128xi32, #tpu.memory_space<vmem>> -> memref<128xi32, #tpu.memory_space<vmem>>
      %dma_wait3A_572 = arith.constant 0 : i32
      %dma_wait3A_573 = tpu.memref_slice %arg2[%dma_wait3A_561, %dma_wait3A_572] : memref<5056x128xi32, #tpu.memory_space<hbm>> -> memref<1x128xi32, #tpu.memory_space<hbm>>
      %dma_wait3A_574 = tpu.memref_squeeze %dma_wait3A_573 : memref<1x128xi32, #tpu.memory_space<hbm>> -> memref<128xi32, #tpu.memory_space<hbm>>
      tpu.wait_dma2 semaphore(%arg17 : memref<!tpu.dma_semaphore, #tpu.memory_space<semaphore_mem>>) src(%dma_wait3A_574 : memref<128xi32, #tpu.memory_space<hbm>>) dst(%dma_wait3A_571 : memref<128xi32, #tpu.memory_space<vmem>>)
      %dma_wait3A_575 = arith.constant 0 : i32
      %dma_wait3A_576 = arith.constant 2 : i32
      %dma_wait3A_577 = arith.constant 0 : i32
      %dma_wait3A_578 = tpu.memref_slice %arg8[%dma_wait3A_576, %dma_wait3A_577] : memref<3x128xi32, #tpu.memory_space<vmem>> -> memref<1x128xi32, #tpu.memory_space<vmem>>
      %dma_wait3A_579 = tpu.memref_squeeze %dma_wait3A_578 : memref<1x128xi32, #tpu.memory_space<vmem>> -> memref<128xi32, #tpu.memory_space<vmem>>
      %dma_wait3A_580 = arith.constant 0 : i32
      %dma_wait3A_581 = tpu.memref_slice %arg3[%dma_wait3A_575, %dma_wait3A_580] : memref<5056x128xi32, #tpu.memory_space<hbm>> -> memref<1x128xi32, #tpu.memory_space<hbm>>
      %dma_wait3A_582 = tpu.memref_squeeze %dma_wait3A_581 : memref<1x128xi32, #tpu.memory_space<hbm>> -> memref<128xi32, #tpu.memory_space<hbm>>
      %dma_wait3A_583 = arith.constant 0 : i32
      %dma_wait3A_584 = tpu.memref_slice %arg8[%dma_wait3A_576, %dma_wait3A_583] : memref<3x128xi32, #tpu.memory_space<vmem>> -> memref<1x128xi32, #tpu.memory_space<vmem>>
      %dma_wait3A_585 = tpu.memref_squeeze %dma_wait3A_584 : memref<1x128xi32, #tpu.memory_space<vmem>> -> memref<128xi32, #tpu.memory_space<vmem>>
      %dma_wait3A_586 = arith.constant 0 : i32
      %dma_wait3A_587 = tpu.memref_slice %arg3[%dma_wait3A_575, %dma_wait3A_586] : memref<5056x128xi32, #tpu.memory_space<hbm>> -> memref<1x128xi32, #tpu.memory_space<hbm>>
      %dma_wait3A_588 = tpu.memref_squeeze %dma_wait3A_587 : memref<1x128xi32, #tpu.memory_space<hbm>> -> memref<128xi32, #tpu.memory_space<hbm>>
      tpu.wait_dma2 semaphore(%arg17 : memref<!tpu.dma_semaphore, #tpu.memory_space<semaphore_mem>>) src(%dma_wait3A_588 : memref<128xi32, #tpu.memory_space<hbm>>) dst(%dma_wait3A_585 : memref<128xi32, #tpu.memory_space<vmem>>)
      %dma_wait3A_589 = arith.constant 0 : i32
      %dma_wait3A_590 = arith.constant 0 : i32
      %dma_wait3A_591 = tpu.memref_slice %arg6[%dma_wait3A_589, %dma_wait3A_590] : memref<647168x128xf32, #tpu.memory_space<hbm>> -> memref<128x128xf32, #tpu.memory_space<hbm>>
      %dma_wait3A_592 = arith.constant 0 : i32
      %dma_wait3A_593 = arith.constant 0 : i32
      %dma_wait3A_594 = tpu.memref_slice %arg6[%dma_wait3A_592, %dma_wait3A_593] : memref<647168x128xf32, #tpu.memory_space<hbm>> -> memref<128x128xf32, #tpu.memory_space<hbm>>
      tpu.wait_dma2 semaphore(%arg23 : memref<!tpu.dma_semaphore, #tpu.memory_space<semaphore_mem>>) src(%arg11 : memref<128x128xf32, #tpu.memory_space<vmem>>) dst(%dma_wait3A_594 : memref<128x128xf32, #tpu.memory_space<hbm>>)
      %dma_start3A_595 = arith.constant 2 : i32
      %dma_start3A_596 = arith.constant 0 : i32
      %dma_start3A_597 = tpu.memref_slice %arg7[%dma_start3A_595, %dma_start3A_596] : memref<3x128xi32, #tpu.memory_space<vmem>> -> memref<1x128xi32, #tpu.memory_space<vmem>>
      %dma_start3A_598 = tpu.memref_squeeze %dma_start3A_597 : memref<1x128xi32, #tpu.memory_space<vmem>> -> memref<128xi32, #tpu.memory_space<vmem>>
      %dma_start3A_599 = arith.constant 0 : i32
      %dma_start3A_600 = arith.constant 0 : i32
      %dma_start3A_601 = tpu.memref_slice %arg4[%dma_start3A_599, %dma_start3A_600] : memref<100000x128xf32, #tpu.memory_space<hbm>> -> memref<100000x128xf32, #tpu.memory_space<hbm>>
      tpu.enqueue_indirect_dma source(%dma_start3A_601 : memref<100000x128xf32, #tpu.memory_space<hbm>>) target(%arg11 : memref<128x128xf32, #tpu.memory_space<vmem>>) offsets(%dma_start3A_598 : memref<128xi32, #tpu.memory_space<vmem>>) semaphore(%arg20 : memref<!tpu.dma_semaphore, #tpu.memory_space<semaphore_mem>>)
      %dma_start3A_602 = arith.constant 2 : i32
      %dma_start3A_603 = arith.constant 0 : i32
      %dma_start3A_604 = tpu.memref_slice %arg8[%dma_start3A_602, %dma_start3A_603] : memref<3x128xi32, #tpu.memory_space<vmem>> -> memref<1x128xi32, #tpu.memory_space<vmem>>
      %dma_start3A_605 = tpu.memref_squeeze %dma_start3A_604 : memref<1x128xi32, #tpu.memory_space<vmem>> -> memref<128xi32, #tpu.memory_space<vmem>>
      %dma_start3A_606 = arith.constant 0 : i32
      %dma_start3A_607 = arith.constant 0 : i32
      %dma_start3A_608 = tpu.memref_slice %arg5[%dma_start3A_606, %dma_start3A_607] : memref<100000x128xf32, #tpu.memory_space<hbm>> -> memref<100000x128xf32, #tpu.memory_space<hbm>>
      tpu.enqueue_indirect_dma source(%dma_start3A_608 : memref<100000x128xf32, #tpu.memory_space<hbm>>) target(%arg14 : memref<128x128xf32, #tpu.memory_space<vmem>>) offsets(%dma_start3A_605 : memref<128xi32, #tpu.memory_space<vmem>>) semaphore(%arg20 : memref<!tpu.dma_semaphore, #tpu.memory_space<semaphore_mem>>)
      %dma_wait3A_609 = arith.constant 0 : i32
      %dma_wait3A_610 = arith.constant 0 : i32
      %dma_wait3A_611 = tpu.memref_slice %arg4[%dma_wait3A_609, %dma_wait3A_610] : memref<100000x128xf32, #tpu.memory_space<hbm>> -> memref<128x128xf32, #tpu.memory_space<hbm>>
      %dma_wait3A_612 = arith.constant 0 : i32
      %dma_wait3A_613 = arith.constant 0 : i32
      %dma_wait3A_614 = tpu.memref_slice %arg4[%dma_wait3A_612, %dma_wait3A_613] : memref<100000x128xf32, #tpu.memory_space<hbm>> -> memref<128x128xf32, #tpu.memory_space<hbm>>
      tpu.wait_dma2 semaphore(%arg18 : memref<!tpu.dma_semaphore, #tpu.memory_space<semaphore_mem>>) src(%dma_wait3A_614 : memref<128x128xf32, #tpu.memory_space<hbm>>) dst(%arg9 : memref<128x128xf32, #tpu.memory_space<vmem>>)
      %dma_wait3A_615 = arith.constant 0 : i32
      %dma_wait3A_616 = arith.constant 0 : i32
      %dma_wait3A_617 = tpu.memref_slice %arg4[%dma_wait3A_615, %dma_wait3A_616] : memref<100000x128xf32, #tpu.memory_space<hbm>> -> memref<128x128xf32, #tpu.memory_space<hbm>>
      %dma_wait3A_618 = arith.constant 0 : i32
      %dma_wait3A_619 = arith.constant 0 : i32
      %dma_wait3A_620 = tpu.memref_slice %arg4[%dma_wait3A_618, %dma_wait3A_619] : memref<100000x128xf32, #tpu.memory_space<hbm>> -> memref<128x128xf32, #tpu.memory_space<hbm>>
      tpu.wait_dma2 semaphore(%arg18 : memref<!tpu.dma_semaphore, #tpu.memory_space<semaphore_mem>>) src(%dma_wait3A_620 : memref<128x128xf32, #tpu.memory_space<hbm>>) dst(%arg12 : memref<128x128xf32, #tpu.memory_space<vmem>>)
      %add3A_621 = arith.constant 3 : i32
      %add3A_622 = arith.addi %add3A_560, %add3A_621 : i32
      %lt3A = arith.constant 158 : i32
      %lt3A_623 = arith.cmpi slt, %add3A_622, %lt3A : i32
      %convert_element_type3A = arith.extui %lt3A_623 : i1 to i32
      %cond3A = arith.constant 0 : i32
      %cond3A_624 = arith.cmpi ne, %convert_element_type3A, %cond3A : i32
      scf.if %cond3A_624 {
        %add3A_806 = arith.constant 3 : i32
        %add3A_807 = arith.addi %add3A_560, %add3A_806 : i32
        %add3A_808 = arith.addi %mul3A_2, %add3A_807 : i32
        %dma_start3A_809 = arith.constant 0 : i32
        %dma_start3A_810 = arith.constant 0 : i32
        %dma_start3A_811 = tpu.memref_slice %arg7[%dma_start3A_809, %dma_start3A_810] : memref<3x128xi32, #tpu.memory_space<vmem>> -> memref<1x128xi32, #tpu.memory_space<vmem>>
        %dma_start3A_812 = tpu.memref_squeeze %dma_start3A_811 : memref<1x128xi32, #tpu.memory_space<vmem>> -> memref<128xi32, #tpu.memory_space<vmem>>
        %dma_start3A_813 = arith.constant 0 : i32
        %dma_start3A_814 = tpu.memref_slice %arg2[%add3A_808, %dma_start3A_813] : memref<5056x128xi32, #tpu.memory_space<hbm>> -> memref<1x128xi32, #tpu.memory_space<hbm>>
        %dma_start3A_815 = tpu.memref_squeeze %dma_start3A_814 : memref<1x128xi32, #tpu.memory_space<hbm>> -> memref<128xi32, #tpu.memory_space<hbm>>
        %dma_start3A_816 = arith.constant 0 : i32
        %dma_start3A_817 = tpu.memref_slice %arg7[%dma_start3A_809, %dma_start3A_816] : memref<3x128xi32, #tpu.memory_space<vmem>> -> memref<1x128xi32, #tpu.memory_space<vmem>>
        %dma_start3A_818 = tpu.memref_squeeze %dma_start3A_817 : memref<1x128xi32, #tpu.memory_space<vmem>> -> memref<128xi32, #tpu.memory_space<vmem>>
        %dma_start3A_819 = arith.constant 0 : i32
        %dma_start3A_820 = tpu.memref_slice %arg2[%add3A_808, %dma_start3A_819] : memref<5056x128xi32, #tpu.memory_space<hbm>> -> memref<1x128xi32, #tpu.memory_space<hbm>>
        %dma_start3A_821 = tpu.memref_squeeze %dma_start3A_820 : memref<1x128xi32, #tpu.memory_space<hbm>> -> memref<128xi32, #tpu.memory_space<hbm>>
        tpu.enqueue_dma source(%dma_start3A_821 : memref<128xi32, #tpu.memory_space<hbm>>) target(%dma_start3A_818 : memref<128xi32, #tpu.memory_space<vmem>>) target_semaphore(%arg15 : memref<!tpu.dma_semaphore, #tpu.memory_space<semaphore_mem>>)
        %add3A_822 = arith.addi %mul3A_2, %add3A_807 : i32
        %dma_start3A_823 = arith.constant 0 : i32
        %dma_start3A_824 = arith.constant 0 : i32
        %dma_start3A_825 = tpu.memref_slice %arg8[%dma_start3A_823, %dma_start3A_824] : memref<3x128xi32, #tpu.memory_space<vmem>> -> memref<1x128xi32, #tpu.memory_space<vmem>>
        %dma_start3A_826 = tpu.memref_squeeze %dma_start3A_825 : memref<1x128xi32, #tpu.memory_space<vmem>> -> memref<128xi32, #tpu.memory_space<vmem>>
        %dma_start3A_827 = arith.constant 0 : i32
        %dma_start3A_828 = tpu.memref_slice %arg3[%add3A_822, %dma_start3A_827] : memref<5056x128xi32, #tpu.memory_space<hbm>> -> memref<1x128xi32, #tpu.memory_space<hbm>>
        %dma_start3A_829 = tpu.memref_squeeze %dma_start3A_828 : memref<1x128xi32, #tpu.memory_space<hbm>> -> memref<128xi32, #tpu.memory_space<hbm>>
        %dma_start3A_830 = arith.constant 0 : i32
        %dma_start3A_831 = tpu.memref_slice %arg8[%dma_start3A_823, %dma_start3A_830] : memref<3x128xi32, #tpu.memory_space<vmem>> -> memref<1x128xi32, #tpu.memory_space<vmem>>
        %dma_start3A_832 = tpu.memref_squeeze %dma_start3A_831 : memref<1x128xi32, #tpu.memory_space<vmem>> -> memref<128xi32, #tpu.memory_space<vmem>>
        %dma_start3A_833 = arith.constant 0 : i32
        %dma_start3A_834 = tpu.memref_slice %arg3[%add3A_822, %dma_start3A_833] : memref<5056x128xi32, #tpu.memory_space<hbm>> -> memref<1x128xi32, #tpu.memory_space<hbm>>
        %dma_start3A_835 = tpu.memref_squeeze %dma_start3A_834 : memref<1x128xi32, #tpu.memory_space<hbm>> -> memref<128xi32, #tpu.memory_space<hbm>>
        tpu.enqueue_dma source(%dma_start3A_835 : memref<128xi32, #tpu.memory_space<hbm>>) target(%dma_start3A_832 : memref<128xi32, #tpu.memory_space<vmem>>) target_semaphore(%arg15 : memref<!tpu.dma_semaphore, #tpu.memory_space<semaphore_mem>>)
      } else {
      }
      %scan3A_625 = arith.constant 0 : i32
      %scan3A_626 = arith.constant 0 : i32
      %scan3A_627 = arith.constant 128 : i32
      %scan3A_628 = arith.addi %scan3A_626, %scan3A_627 : i32
      %scan3A_629 = arith.constant 1 : i32
      scf.for %scan3A_806 = %scan3A_626 to %scan3A_628 step %scan3A_629  : i32 {
        %get3A = arith.index_cast %scan3A_806 : i32 to index
        %get3A_807 = arith.constant 0 : index
        %get3A_808 = tpu.vector_load %arg9[%get3A, %get3A_807] {strides = array<i32>} : memref<128x128xf32, #tpu.memory_space<vmem>>, vector<1x16xf32>,
        %get3A_809 = vector.shape_cast %get3A_808 : vector<1x16xf32> to vector<16xf32>
        %get3A_810 = arith.index_cast %scan3A_806 : i32 to index
        %get3A_811 = arith.constant 0 : index
        %get3A_812 = tpu.vector_load %arg12[%get3A_810, %get3A_811] {strides = array<i32>} : memref<128x128xf32, #tpu.memory_space<vmem>>, vector<1x16xf32>,
        %get3A_813 = vector.shape_cast %get3A_812 : vector<1x16xf32> to vector<16xf32>
        %add3A_814 = arith.addf %get3A_809, %get3A_813 : vector<16xf32>
        %swap3A = arith.index_cast %scan3A_806 : i32 to index
        %swap3A_815 = arith.constant 0 : index
        %swap3A_816 = tpu.vector_load %arg9[%swap3A, %swap3A_815] {strides = array<i32>} : memref<128x128xf32, #tpu.memory_space<vmem>>, vector<1x16xf32>,
        %swap3A_817 = vector.shape_cast %swap3A_816 : vector<1x16xf32> to vector<16xf32>
        %swap3A_818 = vector.shape_cast %add3A_814 : vector<16xf32> to vector<1x16xf32>
        tpu.vector_store %arg9[%swap3A, %swap3A_815], %swap3A_818 {strides = array<i32>} : memref<128x128xf32, #tpu.memory_space<vmem>>, vector<1x16xf32>,
        %get3A_819 = arith.index_cast %scan3A_806 : i32 to index
        %get3A_820 = arith.constant 16 : index
        %get3A_821 = tpu.vector_load %arg9[%get3A_819, %get3A_820] {strides = array<i32>} : memref<128x128xf32, #tpu.memory_space<vmem>>, vector<1x16xf32>,
        %get3A_822 = vector.shape_cast %get3A_821 : vector<1x16xf32> to vector<16xf32>
        %get3A_823 = arith.index_cast %scan3A_806 : i32 to index
        %get3A_824 = arith.constant 16 : index
        %get3A_825 = tpu.vector_load %arg12[%get3A_823, %get3A_824] {strides = array<i32>} : memref<128x128xf32, #tpu.memory_space<vmem>>, vector<1x16xf32>,
        %get3A_826 = vector.shape_cast %get3A_825 : vector<1x16xf32> to vector<16xf32>
        %add3A_827 = arith.addf %get3A_822, %get3A_826 : vector<16xf32>
        %swap3A_828 = arith.index_cast %scan3A_806 : i32 to index
        %swap3A_829 = arith.constant 16 : index
        %swap3A_830 = tpu.vector_load %arg9[%swap3A_828, %swap3A_829] {strides = array<i32>} : memref<128x128xf32, #tpu.memory_space<vmem>>, vector<1x16xf32>,
        %swap3A_831 = vector.shape_cast %swap3A_830 : vector<1x16xf32> to vector<16xf32>
        %swap3A_832 = vector.shape_cast %add3A_827 : vector<16xf32> to vector<1x16xf32>
        tpu.vector_store %arg9[%swap3A_828, %swap3A_829], %swap3A_832 {strides = array<i32>} : memref<128x128xf32, #tpu.memory_space<vmem>>, vector<1x16xf32>,
        %get3A_833 = arith.index_cast %scan3A_806 : i32 to index
        %get3A_834 = arith.constant 32 : index
        %get3A_835 = tpu.vector_load %arg9[%get3A_833, %get3A_834] {strides = array<i32>} : memref<128x128xf32, #tpu.memory_space<vmem>>, vector<1x16xf32>,
        %get3A_836 = vector.shape_cast %get3A_835 : vector<1x16xf32> to vector<16xf32>
        %get3A_837 = arith.index_cast %scan3A_806 : i32 to index
        %get3A_838 = arith.constant 32 : index
        %get3A_839 = tpu.vector_load %arg12[%get3A_837, %get3A_838] {strides = array<i32>} : memref<128x128xf32, #tpu.memory_space<vmem>>, vector<1x16xf32>,
        %get3A_840 = vector.shape_cast %get3A_839 : vector<1x16xf32> to vector<16xf32>
        %add3A_841 = arith.addf %get3A_836, %get3A_840 : vector<16xf32>
        %swap3A_842 = arith.index_cast %scan3A_806 : i32 to index
        %swap3A_843 = arith.constant 32 : index
        %swap3A_844 = tpu.vector_load %arg9[%swap3A_842, %swap3A_843] {strides = array<i32>} : memref<128x128xf32, #tpu.memory_space<vmem>>, vector<1x16xf32>,
        %swap3A_845 = vector.shape_cast %swap3A_844 : vector<1x16xf32> to vector<16xf32>
        %swap3A_846 = vector.shape_cast %add3A_841 : vector<16xf32> to vector<1x16xf32>
        tpu.vector_store %arg9[%swap3A_842, %swap3A_843], %swap3A_846 {strides = array<i32>} : memref<128x128xf32, #tpu.memory_space<vmem>>, vector<1x16xf32>,
        %get3A_847 = arith.index_cast %scan3A_806 : i32 to index
        %get3A_848 = arith.constant 48 : index
        %get3A_849 = tpu.vector_load %arg9[%get3A_847, %get3A_848] {strides = array<i32>} : memref<128x128xf32, #tpu.memory_space<vmem>>, vector<1x16xf32>,
        %get3A_850 = vector.shape_cast %get3A_849 : vector<1x16xf32> to vector<16xf32>
        %get3A_851 = arith.index_cast %scan3A_806 : i32 to index
        %get3A_852 = arith.constant 48 : index
        %get3A_853 = tpu.vector_load %arg12[%get3A_851, %get3A_852] {strides = array<i32>} : memref<128x128xf32, #tpu.memory_space<vmem>>, vector<1x16xf32>,
        %get3A_854 = vector.shape_cast %get3A_853 : vector<1x16xf32> to vector<16xf32>
        %add3A_855 = arith.addf %get3A_850, %get3A_854 : vector<16xf32>
        %swap3A_856 = arith.index_cast %scan3A_806 : i32 to index
        %swap3A_857 = arith.constant 48 : index
        %swap3A_858 = tpu.vector_load %arg9[%swap3A_856, %swap3A_857] {strides = array<i32>} : memref<128x128xf32, #tpu.memory_space<vmem>>, vector<1x16xf32>,
        %swap3A_859 = vector.shape_cast %swap3A_858 : vector<1x16xf32> to vector<16xf32>
        %swap3A_860 = vector.shape_cast %add3A_855 : vector<16xf32> to vector<1x16xf32>
        tpu.vector_store %arg9[%swap3A_856, %swap3A_857], %swap3A_860 {strides = array<i32>} : memref<128x128xf32, #tpu.memory_space<vmem>>, vector<1x16xf32>,
        %get3A_861 = arith.index_cast %scan3A_806 : i32 to index
        %get3A_862 = arith.constant 64 : index
        %get3A_863 = tpu.vector_load %arg9[%get3A_861, %get3A_862] {strides = array<i32>} : memref<128x128xf32, #tpu.memory_space<vmem>>, vector<1x16xf32>,
        %get3A_864 = vector.shape_cast %get3A_863 : vector<1x16xf32> to vector<16xf32>
        %get3A_865 = arith.index_cast %scan3A_806 : i32 to index
        %get3A_866 = arith.constant 64 : index
        %get3A_867 = tpu.vector_load %arg12[%get3A_865, %get3A_866] {strides = array<i32>} : memref<128x128xf32, #tpu.memory_space<vmem>>, vector<1x16xf32>,
        %get3A_868 = vector.shape_cast %get3A_867 : vector<1x16xf32> to vector<16xf32>
        %add3A_869 = arith.addf %get3A_864, %get3A_868 : vector<16xf32>
        %swap3A_870 = arith.index_cast %scan3A_806 : i32 to index
        %swap3A_871 = arith.constant 64 : index
        %swap3A_872 = tpu.vector_load %arg9[%swap3A_870, %swap3A_871] {strides = array<i32>} : memref<128x128xf32, #tpu.memory_space<vmem>>, vector<1x16xf32>,
        %swap3A_873 = vector.shape_cast %swap3A_872 : vector<1x16xf32> to vector<16xf32>
        %swap3A_874 = vector.shape_cast %add3A_869 : vector<16xf32> to vector<1x16xf32>
        tpu.vector_store %arg9[%swap3A_870, %swap3A_871], %swap3A_874 {strides = array<i32>} : memref<128x128xf32, #tpu.memory_space<vmem>>, vector<1x16xf32>,
        %get3A_875 = arith.index_cast %scan3A_806 : i32 to index
        %get3A_876 = arith.constant 80 : index
        %get3A_877 = tpu.vector_load %arg9[%get3A_875, %get3A_876] {strides = array<i32>} : memref<128x128xf32, #tpu.memory_space<vmem>>, vector<1x16xf32>,
        %get3A_878 = vector.shape_cast %get3A_877 : vector<1x16xf32> to vector<16xf32>
        %get3A_879 = arith.index_cast %scan3A_806 : i32 to index
        %get3A_880 = arith.constant 80 : index
        %get3A_881 = tpu.vector_load %arg12[%get3A_879, %get3A_880] {strides = array<i32>} : memref<128x128xf32, #tpu.memory_space<vmem>>, vector<1x16xf32>,
        %get3A_882 = vector.shape_cast %get3A_881 : vector<1x16xf32> to vector<16xf32>
        %add3A_883 = arith.addf %get3A_878, %get3A_882 : vector<16xf32>
        %swap3A_884 = arith.index_cast %scan3A_806 : i32 to index
        %swap3A_885 = arith.constant 80 : index
        %swap3A_886 = tpu.vector_load %arg9[%swap3A_884, %swap3A_885] {strides = array<i32>} : memref<128x128xf32, #tpu.memory_space<vmem>>, vector<1x16xf32>,
        %swap3A_887 = vector.shape_cast %swap3A_886 : vector<1x16xf32> to vector<16xf32>
        %swap3A_888 = vector.shape_cast %add3A_883 : vector<16xf32> to vector<1x16xf32>
        tpu.vector_store %arg9[%swap3A_884, %swap3A_885], %swap3A_888 {strides = array<i32>} : memref<128x128xf32, #tpu.memory_space<vmem>>, vector<1x16xf32>,
        %get3A_889 = arith.index_cast %scan3A_806 : i32 to index
        %get3A_890 = arith.constant 96 : index
        %get3A_891 = tpu.vector_load %arg9[%get3A_889, %get3A_890] {strides = array<i32>} : memref<128x128xf32, #tpu.memory_space<vmem>>, vector<1x16xf32>,
        %get3A_892 = vector.shape_cast %get3A_891 : vector<1x16xf32> to vector<16xf32>
        %get3A_893 = arith.index_cast %scan3A_806 : i32 to index
        %get3A_894 = arith.constant 96 : index
        %get3A_895 = tpu.vector_load %arg12[%get3A_893, %get3A_894] {strides = array<i32>} : memref<128x128xf32, #tpu.memory_space<vmem>>, vector<1x16xf32>,
        %get3A_896 = vector.shape_cast %get3A_895 : vector<1x16xf32> to vector<16xf32>
        %add3A_897 = arith.addf %get3A_892, %get3A_896 : vector<16xf32>
        %swap3A_898 = arith.index_cast %scan3A_806 : i32 to index
        %swap3A_899 = arith.constant 96 : index
        %swap3A_900 = tpu.vector_load %arg9[%swap3A_898, %swap3A_899] {strides = array<i32>} : memref<128x128xf32, #tpu.memory_space<vmem>>, vector<1x16xf32>,
        %swap3A_901 = vector.shape_cast %swap3A_900 : vector<1x16xf32> to vector<16xf32>
        %swap3A_902 = vector.shape_cast %add3A_897 : vector<16xf32> to vector<1x16xf32>
        tpu.vector_store %arg9[%swap3A_898, %swap3A_899], %swap3A_902 {strides = array<i32>} : memref<128x128xf32, #tpu.memory_space<vmem>>, vector<1x16xf32>,
        %get3A_903 = arith.index_cast %scan3A_806 : i32 to index
        %get3A_904 = arith.constant 112 : index
        %get3A_905 = tpu.vector_load %arg9[%get3A_903, %get3A_904] {strides = array<i32>} : memref<128x128xf32, #tpu.memory_space<vmem>>, vector<1x16xf32>,
        %get3A_906 = vector.shape_cast %get3A_905 : vector<1x16xf32> to vector<16xf32>
        %get3A_907 = arith.index_cast %scan3A_806 : i32 to index
        %get3A_908 = arith.constant 112 : index
        %get3A_909 = tpu.vector_load %arg12[%get3A_907, %get3A_908] {strides = array<i32>} : memref<128x128xf32, #tpu.memory_space<vmem>>, vector<1x16xf32>,
        %get3A_910 = vector.shape_cast %get3A_909 : vector<1x16xf32> to vector<16xf32>
        %add3A_911 = arith.addf %get3A_906, %get3A_910 : vector<16xf32>
        %swap3A_912 = arith.index_cast %scan3A_806 : i32 to index
        %swap3A_913 = arith.constant 112 : index
        %swap3A_914 = tpu.vector_load %arg9[%swap3A_912, %swap3A_913] {strides = array<i32>} : memref<128x128xf32, #tpu.memory_space<vmem>>, vector<1x16xf32>,
        %swap3A_915 = vector.shape_cast %swap3A_914 : vector<1x16xf32> to vector<16xf32>
        %swap3A_916 = vector.shape_cast %add3A_911 : vector<16xf32> to vector<1x16xf32>
        tpu.vector_store %arg9[%swap3A_912, %swap3A_913], %swap3A_916 {strides = array<i32>} : memref<128x128xf32, #tpu.memory_space<vmem>>, vector<1x16xf32>,
      }
      %scan3A_630 = arith.constant 128 : i32
      %add3A_631 = arith.addi %mul3A_2, %add3A_560 : i32
      %mul3A_632 = arith.constant 128 : i32
      %mul3A_633 = arith.muli %add3A_631, %mul3A_632 : i32
      %dma_start3A_634 = arith.constant 0 : i32
      %dma_start3A_635 = tpu.memref_slice %arg6[%mul3A_633, %dma_start3A_634] : memref<647168x128xf32, #tpu.memory_space<hbm>> -> memref<128x128xf32, #tpu.memory_space<hbm>>
      %dma_start3A_636 = arith.constant 0 : i32
      %dma_start3A_637 = tpu.memref_slice %arg6[%mul3A_633, %dma_start3A_636] : memref<647168x128xf32, #tpu.memory_space<hbm>> -> memref<128x128xf32, #tpu.memory_space<hbm>>
      tpu.enqueue_dma source(%arg9 : memref<128x128xf32, #tpu.memory_space<vmem>>) target(%dma_start3A_637 : memref<128x128xf32, #tpu.memory_space<hbm>>) target_semaphore(%arg21 : memref<!tpu.dma_semaphore, #tpu.memory_space<semaphore_mem>>)
      %mul3A_638 = arith.constant 3 : i32
      %mul3A_639 = arith.muli %mul3A_638, %scan3A_556 : i32
      %add3A_640 = arith.constant 1 : i32
      %add3A_641 = arith.addi %mul3A_639, %add3A_640 : i32
      %dma_wait3A_642 = arith.constant 0 : i32
      %dma_wait3A_643 = arith.constant 0 : i32
      %dma_wait3A_644 = arith.constant 0 : i32
      %dma_wait3A_645 = tpu.memref_slice %arg7[%dma_wait3A_643, %dma_wait3A_644] : memref<3x128xi32, #tpu.memory_space<vmem>> -> memref<1x128xi32, #tpu.memory_space<vmem>>
      %dma_wait3A_646 = tpu.memref_squeeze %dma_wait3A_645 : memref<1x128xi32, #tpu.memory_space<vmem>> -> memref<128xi32, #tpu.memory_space<vmem>>
      %dma_wait3A_647 = arith.constant 0 : i32
      %dma_wait3A_648 = tpu.memref_slice %arg2[%dma_wait3A_642, %dma_wait3A_647] : memref<5056x128xi32, #tpu.memory_space<hbm>> -> memref<1x128xi32, #tpu.memory_space<hbm>>
      %dma_wait3A_649 = tpu.memref_squeeze %dma_wait3A_648 : memref<1x128xi32, #tpu.memory_space<hbm>> -> memref<128xi32, #tpu.memory_space<hbm>>
      %dma_wait3A_650 = arith.constant 0 : i32
      %dma_wait3A_651 = tpu.memref_slice %arg7[%dma_wait3A_643, %dma_wait3A_650] : memref<3x128xi32, #tpu.memory_space<vmem>> -> memref<1x128xi32, #tpu.memory_space<vmem>>
      %dma_wait3A_652 = tpu.memref_squeeze %dma_wait3A_651 : memref<1x128xi32, #tpu.memory_space<vmem>> -> memref<128xi32, #tpu.memory_space<vmem>>
      %dma_wait3A_653 = arith.constant 0 : i32
      %dma_wait3A_654 = tpu.memref_slice %arg2[%dma_wait3A_642, %dma_wait3A_653] : memref<5056x128xi32, #tpu.memory_space<hbm>> -> memref<1x128xi32, #tpu.memory_space<hbm>>
      %dma_wait3A_655 = tpu.memref_squeeze %dma_wait3A_654 : memref<1x128xi32, #tpu.memory_space<hbm>> -> memref<128xi32, #tpu.memory_space<hbm>>
      tpu.wait_dma2 semaphore(%arg15 : memref<!tpu.dma_semaphore, #tpu.memory_space<semaphore_mem>>) src(%dma_wait3A_655 : memref<128xi32, #tpu.memory_space<hbm>>) dst(%dma_wait3A_652 : memref<128xi32, #tpu.memory_space<vmem>>)
      %dma_wait3A_656 = arith.constant 0 : i32
      %dma_wait3A_657 = arith.constant 0 : i32
      %dma_wait3A_658 = arith.constant 0 : i32
      %dma_wait3A_659 = tpu.memref_slice %arg8[%dma_wait3A_657, %dma_wait3A_658] : memref<3x128xi32, #tpu.memory_space<vmem>> -> memref<1x128xi32, #tpu.memory_space<vmem>>
      %dma_wait3A_660 = tpu.memref_squeeze %dma_wait3A_659 : memref<1x128xi32, #tpu.memory_space<vmem>> -> memref<128xi32, #tpu.memory_space<vmem>>
      %dma_wait3A_661 = arith.constant 0 : i32
      %dma_wait3A_662 = tpu.memref_slice %arg3[%dma_wait3A_656, %dma_wait3A_661] : memref<5056x128xi32, #tpu.memory_space<hbm>> -> memref<1x128xi32, #tpu.memory_space<hbm>>
      %dma_wait3A_663 = tpu.memref_squeeze %dma_wait3A_662 : memref<1x128xi32, #tpu.memory_space<hbm>> -> memref<128xi32, #tpu.memory_space<hbm>>
      %dma_wait3A_664 = arith.constant 0 : i32
      %dma_wait3A_665 = tpu.memref_slice %arg8[%dma_wait3A_657, %dma_wait3A_664] : memref<3x128xi32, #tpu.memory_space<vmem>> -> memref<1x128xi32, #tpu.memory_space<vmem>>
      %dma_wait3A_666 = tpu.memref_squeeze %dma_wait3A_665 : memref<1x128xi32, #tpu.memory_space<vmem>> -> memref<128xi32, #tpu.memory_space<vmem>>
      %dma_wait3A_667 = arith.constant 0 : i32
      %dma_wait3A_668 = tpu.memref_slice %arg3[%dma_wait3A_656, %dma_wait3A_667] : memref<5056x128xi32, #tpu.memory_space<hbm>> -> memref<1x128xi32, #tpu.memory_space<hbm>>
      %dma_wait3A_669 = tpu.memref_squeeze %dma_wait3A_668 : memref<1x128xi32, #tpu.memory_space<hbm>> -> memref<128xi32, #tpu.memory_space<hbm>>
      tpu.wait_dma2 semaphore(%arg15 : memref<!tpu.dma_semaphore, #tpu.memory_space<semaphore_mem>>) src(%dma_wait3A_669 : memref<128xi32, #tpu.memory_space<hbm>>) dst(%dma_wait3A_666 : memref<128xi32, #tpu.memory_space<vmem>>)
      %dma_wait3A_670 = arith.constant 0 : i32
      %dma_wait3A_671 = arith.constant 0 : i32
      %dma_wait3A_672 = tpu.memref_slice %arg6[%dma_wait3A_670, %dma_wait3A_671] : memref<647168x128xf32, #tpu.memory_space<hbm>> -> memref<128x128xf32, #tpu.memory_space<hbm>>
      %dma_wait3A_673 = arith.constant 0 : i32
      %dma_wait3A_674 = arith.constant 0 : i32
      %dma_wait3A_675 = tpu.memref_slice %arg6[%dma_wait3A_673, %dma_wait3A_674] : memref<647168x128xf32, #tpu.memory_space<hbm>> -> memref<128x128xf32, #tpu.memory_space<hbm>>
      tpu.wait_dma2 semaphore(%arg21 : memref<!tpu.dma_semaphore, #tpu.memory_space<semaphore_mem>>) src(%arg9 : memref<128x128xf32, #tpu.memory_space<vmem>>) dst(%dma_wait3A_675 : memref<128x128xf32, #tpu.memory_space<hbm>>)
      %dma_start3A_676 = arith.constant 0 : i32
      %dma_start3A_677 = arith.constant 0 : i32
      %dma_start3A_678 = tpu.memref_slice %arg7[%dma_start3A_676, %dma_start3A_677] : memref<3x128xi32, #tpu.memory_space<vmem>> -> memref<1x128xi32, #tpu.memory_space<vmem>>
      %dma_start3A_679 = tpu.memref_squeeze %dma_start3A_678 : memref<1x128xi32, #tpu.memory_space<vmem>> -> memref<128xi32, #tpu.memory_space<vmem>>
      %dma_start3A_680 = arith.constant 0 : i32
      %dma_start3A_681 = arith.constant 0 : i32
      %dma_start3A_682 = tpu.memref_slice %arg4[%dma_start3A_680, %dma_start3A_681] : memref<100000x128xf32, #tpu.memory_space<hbm>> -> memref<100000x128xf32, #tpu.memory_space<hbm>>
      tpu.enqueue_indirect_dma source(%dma_start3A_682 : memref<100000x128xf32, #tpu.memory_space<hbm>>) target(%arg9 : memref<128x128xf32, #tpu.memory_space<vmem>>) offsets(%dma_start3A_679 : memref<128xi32, #tpu.memory_space<vmem>>) semaphore(%arg18 : memref<!tpu.dma_semaphore, #tpu.memory_space<semaphore_mem>>)
      %dma_start3A_683 = arith.constant 0 : i32
      %dma_start3A_684 = arith.constant 0 : i32
      %dma_start3A_685 = tpu.memref_slice %arg8[%dma_start3A_683, %dma_start3A_684] : memref<3x128xi32, #tpu.memory_space<vmem>> -> memref<1x128xi32, #tpu.memory_space<vmem>>
      %dma_start3A_686 = tpu.memref_squeeze %dma_start3A_685 : memref<1x128xi32, #tpu.memory_space<vmem>> -> memref<128xi32, #tpu.memory_space<vmem>>
      %dma_start3A_687 = arith.constant 0 : i32
      %dma_start3A_688 = arith.constant 0 : i32
      %dma_start3A_689 = tpu.memref_slice %arg5[%dma_start3A_687, %dma_start3A_688] : memref<100000x128xf32, #tpu.memory_space<hbm>> -> memref<100000x128xf32, #tpu.memory_space<hbm>>
      tpu.enqueue_indirect_dma source(%dma_start3A_689 : memref<100000x128xf32, #tpu.memory_space<hbm>>) target(%arg12 : memref<128x128xf32, #tpu.memory_space<vmem>>) offsets(%dma_start3A_686 : memref<128xi32, #tpu.memory_space<vmem>>) semaphore(%arg18 : memref<!tpu.dma_semaphore, #tpu.memory_space<semaphore_mem>>)
      %dma_wait3A_690 = arith.constant 0 : i32
      %dma_wait3A_691 = arith.constant 0 : i32
      %dma_wait3A_692 = tpu.memref_slice %arg4[%dma_wait3A_690, %dma_wait3A_691] : memref<100000x128xf32, #tpu.memory_space<hbm>> -> memref<128x128xf32, #tpu.memory_space<hbm>>
      %dma_wait3A_693 = arith.constant 0 : i32
      %dma_wait3A_694 = arith.constant 0 : i32
      %dma_wait3A_695 = tpu.memref_slice %arg4[%dma_wait3A_693, %dma_wait3A_694] : memref<100000x128xf32, #tpu.memory_space<hbm>> -> memref<128x128xf32, #tpu.memory_space<hbm>>
      tpu.wait_dma2 semaphore(%arg19 : memref<!tpu.dma_semaphore, #tpu.memory_space<semaphore_mem>>) src(%dma_wait3A_695 : memref<128x128xf32, #tpu.memory_space<hbm>>) dst(%arg10 : memref<128x128xf32, #tpu.memory_space<vmem>>)
      %dma_wait3A_696 = arith.constant 0 : i32
      %dma_wait3A_697 = arith.constant 0 : i32
      %dma_wait3A_698 = tpu.memref_slice %arg4[%dma_wait3A_696, %dma_wait3A_697] : memref<100000x128xf32, #tpu.memory_space<hbm>> -> memref<128x128xf32, #tpu.memory_space<hbm>>
      %dma_wait3A_699 = arith.constant 0 : i32
      %dma_wait3A_700 = arith.constant 0 : i32
      %dma_wait3A_701 = tpu.memref_slice %arg4[%dma_wait3A_699, %dma_wait3A_700] : memref<100000x128xf32, #tpu.memory_space<hbm>> -> memref<128x128xf32, #tpu.memory_space<hbm>>
      tpu.wait_dma2 semaphore(%arg19 : memref<!tpu.dma_semaphore, #tpu.memory_space<semaphore_mem>>) src(%dma_wait3A_701 : memref<128x128xf32, #tpu.memory_space<hbm>>) dst(%arg13 : memref<128x128xf32, #tpu.memory_space<vmem>>)
      %add3A_702 = arith.constant 3 : i32
      %add3A_703 = arith.addi %add3A_641, %add3A_702 : i32
      %lt3A_704 = arith.constant 158 : i32
      %lt3A_705 = arith.cmpi slt, %add3A_703, %lt3A_704 : i32
      %convert_element_type3A_706 = arith.extui %lt3A_705 : i1 to i32
      %cond3A_707 = arith.constant 0 : i32
      %cond3A_708 = arith.cmpi ne, %convert_element_type3A_706, %cond3A_707 : i32
      scf.if %cond3A_708 {
        %add3A_806 = arith.constant 3 : i32
        %add3A_807 = arith.addi %add3A_641, %add3A_806 : i32
        %add3A_808 = arith.addi %mul3A_2, %add3A_807 : i32
        %dma_start3A_809 = arith.constant 1 : i32
        %dma_start3A_810 = arith.constant 0 : i32
        %dma_start3A_811 = tpu.memref_slice %arg7[%dma_start3A_809, %dma_start3A_810] : memref<3x128xi32, #tpu.memory_space<vmem>> -> memref<1x128xi32, #tpu.memory_space<vmem>>
        %dma_start3A_812 = tpu.memref_squeeze %dma_start3A_811 : memref<1x128xi32, #tpu.memory_space<vmem>> -> memref<128xi32, #tpu.memory_space<vmem>>
        %dma_start3A_813 = arith.constant 0 : i32
        %dma_start3A_814 = tpu.memref_slice %arg2[%add3A_808, %dma_start3A_813] : memref<5056x128xi32, #tpu.memory_space<hbm>> -> memref<1x128xi32, #tpu.memory_space<hbm>>
        %dma_start3A_815 = tpu.memref_squeeze %dma_start3A_814 : memref<1x128xi32, #tpu.memory_space<hbm>> -> memref<128xi32, #tpu.memory_space<hbm>>
        %dma_start3A_816 = arith.constant 0 : i32
        %dma_start3A_817 = tpu.memref_slice %arg7[%dma_start3A_809, %dma_start3A_816] : memref<3x128xi32, #tpu.memory_space<vmem>> -> memref<1x128xi32, #tpu.memory_space<vmem>>
        %dma_start3A_818 = tpu.memref_squeeze %dma_start3A_817 : memref<1x128xi32, #tpu.memory_space<vmem>> -> memref<128xi32, #tpu.memory_space<vmem>>
        %dma_start3A_819 = arith.constant 0 : i32
        %dma_start3A_820 = tpu.memref_slice %arg2[%add3A_808, %dma_start3A_819] : memref<5056x128xi32, #tpu.memory_space<hbm>> -> memref<1x128xi32, #tpu.memory_space<hbm>>
        %dma_start3A_821 = tpu.memref_squeeze %dma_start3A_820 : memref<1x128xi32, #tpu.memory_space<hbm>> -> memref<128xi32, #tpu.memory_space<hbm>>
        tpu.enqueue_dma source(%dma_start3A_821 : memref<128xi32, #tpu.memory_space<hbm>>) target(%dma_start3A_818 : memref<128xi32, #tpu.memory_space<vmem>>) target_semaphore(%arg16 : memref<!tpu.dma_semaphore, #tpu.memory_space<semaphore_mem>>)
        %add3A_822 = arith.addi %mul3A_2, %add3A_807 : i32
        %dma_start3A_823 = arith.constant 1 : i32
        %dma_start3A_824 = arith.constant 0 : i32
        %dma_start3A_825 = tpu.memref_slice %arg8[%dma_start3A_823, %dma_start3A_824] : memref<3x128xi32, #tpu.memory_space<vmem>> -> memref<1x128xi32, #tpu.memory_space<vmem>>
        %dma_start3A_826 = tpu.memref_squeeze %dma_start3A_825 : memref<1x128xi32, #tpu.memory_space<vmem>> -> memref<128xi32, #tpu.memory_space<vmem>>
        %dma_start3A_827 = arith.constant 0 : i32
        %dma_start3A_828 = tpu.memref_slice %arg3[%add3A_822, %dma_start3A_827] : memref<5056x128xi32, #tpu.memory_space<hbm>> -> memref<1x128xi32, #tpu.memory_space<hbm>>
        %dma_start3A_829 = tpu.memref_squeeze %dma_start3A_828 : memref<1x128xi32, #tpu.memory_space<hbm>> -> memref<128xi32, #tpu.memory_space<hbm>>
        %dma_start3A_830 = arith.constant 0 : i32
        %dma_start3A_831 = tpu.memref_slice %arg8[%dma_start3A_823, %dma_start3A_830] : memref<3x128xi32, #tpu.memory_space<vmem>> -> memref<1x128xi32, #tpu.memory_space<vmem>>
        %dma_start3A_832 = tpu.memref_squeeze %dma_start3A_831 : memref<1x128xi32, #tpu.memory_space<vmem>> -> memref<128xi32, #tpu.memory_space<vmem>>
        %dma_start3A_833 = arith.constant 0 : i32
        %dma_start3A_834 = tpu.memref_slice %arg3[%add3A_822, %dma_start3A_833] : memref<5056x128xi32, #tpu.memory_space<hbm>> -> memref<1x128xi32, #tpu.memory_space<hbm>>
        %dma_start3A_835 = tpu.memref_squeeze %dma_start3A_834 : memref<1x128xi32, #tpu.memory_space<hbm>> -> memref<128xi32, #tpu.memory_space<hbm>>
        tpu.enqueue_dma source(%dma_start3A_835 : memref<128xi32, #tpu.memory_space<hbm>>) target(%dma_start3A_832 : memref<128xi32, #tpu.memory_space<vmem>>) target_semaphore(%arg16 : memref<!tpu.dma_semaphore, #tpu.memory_space<semaphore_mem>>)
      } else {
      }
      %scan3A_709 = arith.constant 0 : i32
      %scan3A_710 = arith.constant 0 : i32
      %scan3A_711 = arith.constant 128 : i32
      %scan3A_712 = arith.addi %scan3A_710, %scan3A_711 : i32
      %scan3A_713 = arith.constant 1 : i32
      scf.for %scan3A_806 = %scan3A_710 to %scan3A_712 step %scan3A_713  : i32 {
        %get3A = arith.index_cast %scan3A_806 : i32 to index
        %get3A_807 = arith.constant 0 : index
        %get3A_808 = tpu.vector_load %arg10[%get3A, %get3A_807] {strides = array<i32>} : memref<128x128xf32, #tpu.memory_space<vmem>>, vector<1x16xf32>,
        %get3A_809 = vector.shape_cast %get3A_808 : vector<1x16xf32> to vector<16xf32>
        %get3A_810 = arith.index_cast %scan3A_806 : i32 to index
        %get3A_811 = arith.constant 0 : index
        %get3A_812 = tpu.vector_load %arg13[%get3A_810, %get3A_811] {strides = array<i32>} : memref<128x128xf32, #tpu.memory_space<vmem>>, vector<1x16xf32>,
        %get3A_813 = vector.shape_cast %get3A_812 : vector<1x16xf32> to vector<16xf32>
        %add3A_814 = arith.addf %get3A_809, %get3A_813 : vector<16xf32>
        %swap3A = arith.index_cast %scan3A_806 : i32 to index
        %swap3A_815 = arith.constant 0 : index
        %swap3A_816 = tpu.vector_load %arg10[%swap3A, %swap3A_815] {strides = array<i32>} : memref<128x128xf32, #tpu.memory_space<vmem>>, vector<1x16xf32>,
        %swap3A_817 = vector.shape_cast %swap3A_816 : vector<1x16xf32> to vector<16xf32>
        %swap3A_818 = vector.shape_cast %add3A_814 : vector<16xf32> to vector<1x16xf32>
        tpu.vector_store %arg10[%swap3A, %swap3A_815], %swap3A_818 {strides = array<i32>} : memref<128x128xf32, #tpu.memory_space<vmem>>, vector<1x16xf32>,
        %get3A_819 = arith.index_cast %scan3A_806 : i32 to index
        %get3A_820 = arith.constant 16 : index
        %get3A_821 = tpu.vector_load %arg10[%get3A_819, %get3A_820] {strides = array<i32>} : memref<128x128xf32, #tpu.memory_space<vmem>>, vector<1x16xf32>,
        %get3A_822 = vector.shape_cast %get3A_821 : vector<1x16xf32> to vector<16xf32>
        %get3A_823 = arith.index_cast %scan3A_806 : i32 to index
        %get3A_824 = arith.constant 16 : index
        %get3A_825 = tpu.vector_load %arg13[%get3A_823, %get3A_824] {strides = array<i32>} : memref<128x128xf32, #tpu.memory_space<vmem>>, vector<1x16xf32>,
        %get3A_826 = vector.shape_cast %get3A_825 : vector<1x16xf32> to vector<16xf32>
        %add3A_827 = arith.addf %get3A_822, %get3A_826 : vector<16xf32>
        %swap3A_828 = arith.index_cast %scan3A_806 : i32 to index
        %swap3A_829 = arith.constant 16 : index
        %swap3A_830 = tpu.vector_load %arg10[%swap3A_828, %swap3A_829] {strides = array<i32>} : memref<128x128xf32, #tpu.memory_space<vmem>>, vector<1x16xf32>,
        %swap3A_831 = vector.shape_cast %swap3A_830 : vector<1x16xf32> to vector<16xf32>
        %swap3A_832 = vector.shape_cast %add3A_827 : vector<16xf32> to vector<1x16xf32>
        tpu.vector_store %arg10[%swap3A_828, %swap3A_829], %swap3A_832 {strides = array<i32>} : memref<128x128xf32, #tpu.memory_space<vmem>>, vector<1x16xf32>,
        %get3A_833 = arith.index_cast %scan3A_806 : i32 to index
        %get3A_834 = arith.constant 32 : index
        %get3A_835 = tpu.vector_load %arg10[%get3A_833, %get3A_834] {strides = array<i32>} : memref<128x128xf32, #tpu.memory_space<vmem>>, vector<1x16xf32>,
        %get3A_836 = vector.shape_cast %get3A_835 : vector<1x16xf32> to vector<16xf32>
        %get3A_837 = arith.index_cast %scan3A_806 : i32 to index
        %get3A_838 = arith.constant 32 : index
        %get3A_839 = tpu.vector_load %arg13[%get3A_837, %get3A_838] {strides = array<i32>} : memref<128x128xf32, #tpu.memory_space<vmem>>, vector<1x16xf32>,
        %get3A_840 = vector.shape_cast %get3A_839 : vector<1x16xf32> to vector<16xf32>
        %add3A_841 = arith.addf %get3A_836, %get3A_840 : vector<16xf32>
        %swap3A_842 = arith.index_cast %scan3A_806 : i32 to index
        %swap3A_843 = arith.constant 32 : index
        %swap3A_844 = tpu.vector_load %arg10[%swap3A_842, %swap3A_843] {strides = array<i32>} : memref<128x128xf32, #tpu.memory_space<vmem>>, vector<1x16xf32>,
        %swap3A_845 = vector.shape_cast %swap3A_844 : vector<1x16xf32> to vector<16xf32>
        %swap3A_846 = vector.shape_cast %add3A_841 : vector<16xf32> to vector<1x16xf32>
        tpu.vector_store %arg10[%swap3A_842, %swap3A_843], %swap3A_846 {strides = array<i32>} : memref<128x128xf32, #tpu.memory_space<vmem>>, vector<1x16xf32>,
        %get3A_847 = arith.index_cast %scan3A_806 : i32 to index
        %get3A_848 = arith.constant 48 : index
        %get3A_849 = tpu.vector_load %arg10[%get3A_847, %get3A_848] {strides = array<i32>} : memref<128x128xf32, #tpu.memory_space<vmem>>, vector<1x16xf32>,
        %get3A_850 = vector.shape_cast %get3A_849 : vector<1x16xf32> to vector<16xf32>
        %get3A_851 = arith.index_cast %scan3A_806 : i32 to index
        %get3A_852 = arith.constant 48 : index
        %get3A_853 = tpu.vector_load %arg13[%get3A_851, %get3A_852] {strides = array<i32>} : memref<128x128xf32, #tpu.memory_space<vmem>>, vector<1x16xf32>,
        %get3A_854 = vector.shape_cast %get3A_853 : vector<1x16xf32> to vector<16xf32>
        %add3A_855 = arith.addf %get3A_850, %get3A_854 : vector<16xf32>
        %swap3A_856 = arith.index_cast %scan3A_806 : i32 to index
        %swap3A_857 = arith.constant 48 : index
        %swap3A_858 = tpu.vector_load %arg10[%swap3A_856, %swap3A_857] {strides = array<i32>} : memref<128x128xf32, #tpu.memory_space<vmem>>, vector<1x16xf32>,
        %swap3A_859 = vector.shape_cast %swap3A_858 : vector<1x16xf32> to vector<16xf32>
        %swap3A_860 = vector.shape_cast %add3A_855 : vector<16xf32> to vector<1x16xf32>
        tpu.vector_store %arg10[%swap3A_856, %swap3A_857], %swap3A_860 {strides = array<i32>} : memref<128x128xf32, #tpu.memory_space<vmem>>, vector<1x16xf32>,
        %get3A_861 = arith.index_cast %scan3A_806 : i32 to index
        %get3A_862 = arith.constant 64 : index
        %get3A_863 = tpu.vector_load %arg10[%get3A_861, %get3A_862] {strides = array<i32>} : memref<128x128xf32, #tpu.memory_space<vmem>>, vector<1x16xf32>,
        %get3A_864 = vector.shape_cast %get3A_863 : vector<1x16xf32> to vector<16xf32>
        %get3A_865 = arith.index_cast %scan3A_806 : i32 to index
        %get3A_866 = arith.constant 64 : index
        %get3A_867 = tpu.vector_load %arg13[%get3A_865, %get3A_866] {strides = array<i32>} : memref<128x128xf32, #tpu.memory_space<vmem>>, vector<1x16xf32>,
        %get3A_868 = vector.shape_cast %get3A_867 : vector<1x16xf32> to vector<16xf32>
        %add3A_869 = arith.addf %get3A_864, %get3A_868 : vector<16xf32>
        %swap3A_870 = arith.index_cast %scan3A_806 : i32 to index
        %swap3A_871 = arith.constant 64 : index
        %swap3A_872 = tpu.vector_load %arg10[%swap3A_870, %swap3A_871] {strides = array<i32>} : memref<128x128xf32, #tpu.memory_space<vmem>>, vector<1x16xf32>,
        %swap3A_873 = vector.shape_cast %swap3A_872 : vector<1x16xf32> to vector<16xf32>
        %swap3A_874 = vector.shape_cast %add3A_869 : vector<16xf32> to vector<1x16xf32>
        tpu.vector_store %arg10[%swap3A_870, %swap3A_871], %swap3A_874 {strides = array<i32>} : memref<128x128xf32, #tpu.memory_space<vmem>>, vector<1x16xf32>,
        %get3A_875 = arith.index_cast %scan3A_806 : i32 to index
        %get3A_876 = arith.constant 80 : index
        %get3A_877 = tpu.vector_load %arg10[%get3A_875, %get3A_876] {strides = array<i32>} : memref<128x128xf32, #tpu.memory_space<vmem>>, vector<1x16xf32>,
        %get3A_878 = vector.shape_cast %get3A_877 : vector<1x16xf32> to vector<16xf32>
        %get3A_879 = arith.index_cast %scan3A_806 : i32 to index
        %get3A_880 = arith.constant 80 : index
        %get3A_881 = tpu.vector_load %arg13[%get3A_879, %get3A_880] {strides = array<i32>} : memref<128x128xf32, #tpu.memory_space<vmem>>, vector<1x16xf32>,
        %get3A_882 = vector.shape_cast %get3A_881 : vector<1x16xf32> to vector<16xf32>
        %add3A_883 = arith.addf %get3A_878, %get3A_882 : vector<16xf32>
        %swap3A_884 = arith.index_cast %scan3A_806 : i32 to index
        %swap3A_885 = arith.constant 80 : index
        %swap3A_886 = tpu.vector_load %arg10[%swap3A_884, %swap3A_885] {strides = array<i32>} : memref<128x128xf32, #tpu.memory_space<vmem>>, vector<1x16xf32>,
        %swap3A_887 = vector.shape_cast %swap3A_886 : vector<1x16xf32> to vector<16xf32>
        %swap3A_888 = vector.shape_cast %add3A_883 : vector<16xf32> to vector<1x16xf32>
        tpu.vector_store %arg10[%swap3A_884, %swap3A_885], %swap3A_888 {strides = array<i32>} : memref<128x128xf32, #tpu.memory_space<vmem>>, vector<1x16xf32>,
        %get3A_889 = arith.index_cast %scan3A_806 : i32 to index
        %get3A_890 = arith.constant 96 : index
        %get3A_891 = tpu.vector_load %arg10[%get3A_889, %get3A_890] {strides = array<i32>} : memref<128x128xf32, #tpu.memory_space<vmem>>, vector<1x16xf32>,
        %get3A_892 = vector.shape_cast %get3A_891 : vector<1x16xf32> to vector<16xf32>
        %get3A_893 = arith.index_cast %scan3A_806 : i32 to index
        %get3A_894 = arith.constant 96 : index
        %get3A_895 = tpu.vector_load %arg13[%get3A_893, %get3A_894] {strides = array<i32>} : memref<128x128xf32, #tpu.memory_space<vmem>>, vector<1x16xf32>,
        %get3A_896 = vector.shape_cast %get3A_895 : vector<1x16xf32> to vector<16xf32>
        %add3A_897 = arith.addf %get3A_892, %get3A_896 : vector<16xf32>
        %swap3A_898 = arith.index_cast %scan3A_806 : i32 to index
        %swap3A_899 = arith.constant 96 : index
        %swap3A_900 = tpu.vector_load %arg10[%swap3A_898, %swap3A_899] {strides = array<i32>} : memref<128x128xf32, #tpu.memory_space<vmem>>, vector<1x16xf32>,
        %swap3A_901 = vector.shape_cast %swap3A_900 : vector<1x16xf32> to vector<16xf32>
        %swap3A_902 = vector.shape_cast %add3A_897 : vector<16xf32> to vector<1x16xf32>
        tpu.vector_store %arg10[%swap3A_898, %swap3A_899], %swap3A_902 {strides = array<i32>} : memref<128x128xf32, #tpu.memory_space<vmem>>, vector<1x16xf32>,
        %get3A_903 = arith.index_cast %scan3A_806 : i32 to index
        %get3A_904 = arith.constant 112 : index
        %get3A_905 = tpu.vector_load %arg10[%get3A_903, %get3A_904] {strides = array<i32>} : memref<128x128xf32, #tpu.memory_space<vmem>>, vector<1x16xf32>,
        %get3A_906 = vector.shape_cast %get3A_905 : vector<1x16xf32> to vector<16xf32>
        %get3A_907 = arith.index_cast %scan3A_806 : i32 to index
        %get3A_908 = arith.constant 112 : index
        %get3A_909 = tpu.vector_load %arg13[%get3A_907, %get3A_908] {strides = array<i32>} : memref<128x128xf32, #tpu.memory_space<vmem>>, vector<1x16xf32>,
        %get3A_910 = vector.shape_cast %get3A_909 : vector<1x16xf32> to vector<16xf32>
        %add3A_911 = arith.addf %get3A_906, %get3A_910 : vector<16xf32>
        %swap3A_912 = arith.index_cast %scan3A_806 : i32 to index
        %swap3A_913 = arith.constant 112 : index
        %swap3A_914 = tpu.vector_load %arg10[%swap3A_912, %swap3A_913] {strides = array<i32>} : memref<128x128xf32, #tpu.memory_space<vmem>>, vector<1x16xf32>,
        %swap3A_915 = vector.shape_cast %swap3A_914 : vector<1x16xf32> to vector<16xf32>
        %swap3A_916 = vector.shape_cast %add3A_911 : vector<16xf32> to vector<1x16xf32>
        tpu.vector_store %arg10[%swap3A_912, %swap3A_913], %swap3A_916 {strides = array<i32>} : memref<128x128xf32, #tpu.memory_space<vmem>>, vector<1x16xf32>,
      }
      %scan3A_714 = arith.constant 128 : i32
      %add3A_715 = arith.addi %mul3A_2, %add3A_641 : i32
      %mul3A_716 = arith.constant 128 : i32
      %mul3A_717 = arith.muli %add3A_715, %mul3A_716 : i32
      %dma_start3A_718 = arith.constant 0 : i32
      %dma_start3A_719 = tpu.memref_slice %arg6[%mul3A_717, %dma_start3A_718] : memref<647168x128xf32, #tpu.memory_space<hbm>> -> memref<128x128xf32, #tpu.memory_space<hbm>>
      %dma_start3A_720 = arith.constant 0 : i32
      %dma_start3A_721 = tpu.memref_slice %arg6[%mul3A_717, %dma_start3A_720] : memref<647168x128xf32, #tpu.memory_space<hbm>> -> memref<128x128xf32, #tpu.memory_space<hbm>>
      tpu.enqueue_dma source(%arg10 : memref<128x128xf32, #tpu.memory_space<vmem>>) target(%dma_start3A_721 : memref<128x128xf32, #tpu.memory_space<hbm>>) target_semaphore(%arg22 : memref<!tpu.dma_semaphore, #tpu.memory_space<semaphore_mem>>)
      %mul3A_722 = arith.constant 3 : i32
      %mul3A_723 = arith.muli %mul3A_722, %scan3A_556 : i32
      %add3A_724 = arith.constant 2 : i32
      %add3A_725 = arith.addi %mul3A_723, %add3A_724 : i32
      %dma_wait3A_726 = arith.constant 0 : i32
      %dma_wait3A_727 = arith.constant 1 : i32
      %dma_wait3A_728 = arith.constant 0 : i32
      %dma_wait3A_729 = tpu.memref_slice %arg7[%dma_wait3A_727, %dma_wait3A_728] : memref<3x128xi32, #tpu.memory_space<vmem>> -> memref<1x128xi32, #tpu.memory_space<vmem>>
      %dma_wait3A_730 = tpu.memref_squeeze %dma_wait3A_729 : memref<1x128xi32, #tpu.memory_space<vmem>> -> memref<128xi32, #tpu.memory_space<vmem>>
      %dma_wait3A_731 = arith.constant 0 : i32
      %dma_wait3A_732 = tpu.memref_slice %arg2[%dma_wait3A_726, %dma_wait3A_731] : memref<5056x128xi32, #tpu.memory_space<hbm>> -> memref<1x128xi32, #tpu.memory_space<hbm>>
      %dma_wait3A_733 = tpu.memref_squeeze %dma_wait3A_732 : memref<1x128xi32, #tpu.memory_space<hbm>> -> memref<128xi32, #tpu.memory_space<hbm>>
      %dma_wait3A_734 = arith.constant 0 : i32
      %dma_wait3A_735 = tpu.memref_slice %arg7[%dma_wait3A_727, %dma_wait3A_734] : memref<3x128xi32, #tpu.memory_space<vmem>> -> memref<1x128xi32, #tpu.memory_space<vmem>>
      %dma_wait3A_736 = tpu.memref_squeeze %dma_wait3A_735 : memref<1x128xi32, #tpu.memory_space<vmem>> -> memref<128xi32, #tpu.memory_space<vmem>>
      %dma_wait3A_737 = arith.constant 0 : i32
      %dma_wait3A_738 = tpu.memref_slice %arg2[%dma_wait3A_726, %dma_wait3A_737] : memref<5056x128xi32, #tpu.memory_space<hbm>> -> memref<1x128xi32, #tpu.memory_space<hbm>>
      %dma_wait3A_739 = tpu.memref_squeeze %dma_wait3A_738 : memref<1x128xi32, #tpu.memory_space<hbm>> -> memref<128xi32, #tpu.memory_space<hbm>>
      tpu.wait_dma2 semaphore(%arg16 : memref<!tpu.dma_semaphore, #tpu.memory_space<semaphore_mem>>) src(%dma_wait3A_739 : memref<128xi32, #tpu.memory_space<hbm>>) dst(%dma_wait3A_736 : memref<128xi32, #tpu.memory_space<vmem>>)
      %dma_wait3A_740 = arith.constant 0 : i32
      %dma_wait3A_741 = arith.constant 1 : i32
      %dma_wait3A_742 = arith.constant 0 : i32
      %dma_wait3A_743 = tpu.memref_slice %arg8[%dma_wait3A_741, %dma_wait3A_742] : memref<3x128xi32, #tpu.memory_space<vmem>> -> memref<1x128xi32, #tpu.memory_space<vmem>>
      %dma_wait3A_744 = tpu.memref_squeeze %dma_wait3A_743 : memref<1x128xi32, #tpu.memory_space<vmem>> -> memref<128xi32, #tpu.memory_space<vmem>>
      %dma_wait3A_745 = arith.constant 0 : i32
      %dma_wait3A_746 = tpu.memref_slice %arg3[%dma_wait3A_740, %dma_wait3A_745] : memref<5056x128xi32, #tpu.memory_space<hbm>> -> memref<1x128xi32, #tpu.memory_space<hbm>>
      %dma_wait3A_747 = tpu.memref_squeeze %dma_wait3A_746 : memref<1x128xi32, #tpu.memory_space<hbm>> -> memref<128xi32, #tpu.memory_space<hbm>>
      %dma_wait3A_748 = arith.constant 0 : i32
      %dma_wait3A_749 = tpu.memref_slice %arg8[%dma_wait3A_741, %dma_wait3A_748] : memref<3x128xi32, #tpu.memory_space<vmem>> -> memref<1x128xi32, #tpu.memory_space<vmem>>
      %dma_wait3A_750 = tpu.memref_squeeze %dma_wait3A_749 : memref<1x128xi32, #tpu.memory_space<vmem>> -> memref<128xi32, #tpu.memory_space<vmem>>
      %dma_wait3A_751 = arith.constant 0 : i32
      %dma_wait3A_752 = tpu.memref_slice %arg3[%dma_wait3A_740, %dma_wait3A_751] : memref<5056x128xi32, #tpu.memory_space<hbm>> -> memref<1x128xi32, #tpu.memory_space<hbm>>
      %dma_wait3A_753 = tpu.memref_squeeze %dma_wait3A_752 : memref<1x128xi32, #tpu.memory_space<hbm>> -> memref<128xi32, #tpu.memory_space<hbm>>
      tpu.wait_dma2 semaphore(%arg16 : memref<!tpu.dma_semaphore, #tpu.memory_space<semaphore_mem>>) src(%dma_wait3A_753 : memref<128xi32, #tpu.memory_space<hbm>>) dst(%dma_wait3A_750 : memref<128xi32, #tpu.memory_space<vmem>>)
      %dma_wait3A_754 = arith.constant 0 : i32
      %dma_wait3A_755 = arith.constant 0 : i32
      %dma_wait3A_756 = tpu.memref_slice %arg6[%dma_wait3A_754, %dma_wait3A_755] : memref<647168x128xf32, #tpu.memory_space<hbm>> -> memref<128x128xf32, #tpu.memory_space<hbm>>
      %dma_wait3A_757 = arith.constant 0 : i32
      %dma_wait3A_758 = arith.constant 0 : i32
      %dma_wait3A_759 = tpu.memref_slice %arg6[%dma_wait3A_757, %dma_wait3A_758] : memref<647168x128xf32, #tpu.memory_space<hbm>> -> memref<128x128xf32, #tpu.memory_space<hbm>>
      tpu.wait_dma2 semaphore(%arg22 : memref<!tpu.dma_semaphore, #tpu.memory_space<semaphore_mem>>) src(%arg10 : memref<128x128xf32, #tpu.memory_space<vmem>>) dst(%dma_wait3A_759 : memref<128x128xf32, #tpu.memory_space<hbm>>)
      %dma_start3A_760 = arith.constant 1 : i32
      %dma_start3A_761 = arith.constant 0 : i32
      %dma_start3A_762 = tpu.memref_slice %arg7[%dma_start3A_760, %dma_start3A_761] : memref<3x128xi32, #tpu.memory_space<vmem>> -> memref<1x128xi32, #tpu.memory_space<vmem>>
      %dma_start3A_763 = tpu.memref_squeeze %dma_start3A_762 : memref<1x128xi32, #tpu.memory_space<vmem>> -> memref<128xi32, #tpu.memory_space<vmem>>
      %dma_start3A_764 = arith.constant 0 : i32
      %dma_start3A_765 = arith.constant 0 : i32
      %dma_start3A_766 = tpu.memref_slice %arg4[%dma_start3A_764, %dma_start3A_765] : memref<100000x128xf32, #tpu.memory_space<hbm>> -> memref<100000x128xf32, #tpu.memory_space<hbm>>
      tpu.enqueue_indirect_dma source(%dma_start3A_766 : memref<100000x128xf32, #tpu.memory_space<hbm>>) target(%arg10 : memref<128x128xf32, #tpu.memory_space<vmem>>) offsets(%dma_start3A_763 : memref<128xi32, #tpu.memory_space<vmem>>) semaphore(%arg19 : memref<!tpu.dma_semaphore, #tpu.memory_space<semaphore_mem>>)
      %dma_start3A_767 = arith.constant 1 : i32
      %dma_start3A_768 = arith.constant 0 : i32
      %dma_start3A_769 = tpu.memref_slice %arg8[%dma_start3A_767, %dma_start3A_768] : memref<3x128xi32, #tpu.memory_space<vmem>> -> memref<1x128xi32, #tpu.memory_space<vmem>>
      %dma_start3A_770 = tpu.memref_squeeze %dma_start3A_769 : memref<1x128xi32, #tpu.memory_space<vmem>> -> memref<128xi32, #tpu.memory_space<vmem>>
      %dma_start3A_771 = arith.constant 0 : i32
      %dma_start3A_772 = arith.constant 0 : i32
      %dma_start3A_773 = tpu.memref_slice %arg5[%dma_start3A_771, %dma_start3A_772] : memref<100000x128xf32, #tpu.memory_space<hbm>> -> memref<100000x128xf32, #tpu.memory_space<hbm>>
      tpu.enqueue_indirect_dma source(%dma_start3A_773 : memref<100000x128xf32, #tpu.memory_space<hbm>>) target(%arg13 : memref<128x128xf32, #tpu.memory_space<vmem>>) offsets(%dma_start3A_770 : memref<128xi32, #tpu.memory_space<vmem>>) semaphore(%arg19 : memref<!tpu.dma_semaphore, #tpu.memory_space<semaphore_mem>>)
      %dma_wait3A_774 = arith.constant 0 : i32
      %dma_wait3A_775 = arith.constant 0 : i32
      %dma_wait3A_776 = tpu.memref_slice %arg4[%dma_wait3A_774, %dma_wait3A_775] : memref<100000x128xf32, #tpu.memory_space<hbm>> -> memref<128x128xf32, #tpu.memory_space<hbm>>
      %dma_wait3A_777 = arith.constant 0 : i32
      %dma_wait3A_778 = arith.constant 0 : i32
      %dma_wait3A_779 = tpu.memref_slice %arg4[%dma_wait3A_777, %dma_wait3A_778] : memref<100000x128xf32, #tpu.memory_space<hbm>> -> memref<128x128xf32, #tpu.memory_space<hbm>>
      tpu.wait_dma2 semaphore(%arg20 : memref<!tpu.dma_semaphore, #tpu.memory_space<semaphore_mem>>) src(%dma_wait3A_779 : memref<128x128xf32, #tpu.memory_space<hbm>>) dst(%arg11 : memref<128x128xf32, #tpu.memory_space<vmem>>)
      %dma_wait3A_780 = arith.constant 0 : i32
      %dma_wait3A_781 = arith.constant 0 : i32
      %dma_wait3A_782 = tpu.memref_slice %arg4[%dma_wait3A_780, %dma_wait3A_781] : memref<100000x128xf32, #tpu.memory_space<hbm>> -> memref<128x128xf32, #tpu.memory_space<hbm>>
      %dma_wait3A_783 = arith.constant 0 : i32
      %dma_wait3A_784 = arith.constant 0 : i32
      %dma_wait3A_785 = tpu.memref_slice %arg4[%dma_wait3A_783, %dma_wait3A_784] : memref<100000x128xf32, #tpu.memory_space<hbm>> -> memref<128x128xf32, #tpu.memory_space<hbm>>
      tpu.wait_dma2 semaphore(%arg20 : memref<!tpu.dma_semaphore, #tpu.memory_space<semaphore_mem>>) src(%dma_wait3A_785 : memref<128x128xf32, #tpu.memory_space<hbm>>) dst(%arg14 : memref<128x128xf32, #tpu.memory_space<vmem>>)
      %add3A_786 = arith.constant 3 : i32
      %add3A_787 = arith.addi %add3A_725, %add3A_786 : i32
      %lt3A_788 = arith.constant 158 : i32
      %lt3A_789 = arith.cmpi slt, %add3A_787, %lt3A_788 : i32
      %convert_element_type3A_790 = arith.extui %lt3A_789 : i1 to i32
      %cond3A_791 = arith.constant 0 : i32
      %cond3A_792 = arith.cmpi ne, %convert_element_type3A_790, %cond3A_791 : i32
      scf.if %cond3A_792 {
        %add3A_806 = arith.constant 3 : i32
        %add3A_807 = arith.addi %add3A_725, %add3A_806 : i32
        %add3A_808 = arith.addi %mul3A_2, %add3A_807 : i32
        %dma_start3A_809 = arith.constant 2 : i32
        %dma_start3A_810 = arith.constant 0 : i32
        %dma_start3A_811 = tpu.memref_slice %arg7[%dma_start3A_809, %dma_start3A_810] : memref<3x128xi32, #tpu.memory_space<vmem>> -> memref<1x128xi32, #tpu.memory_space<vmem>>
        %dma_start3A_812 = tpu.memref_squeeze %dma_start3A_811 : memref<1x128xi32, #tpu.memory_space<vmem>> -> memref<128xi32, #tpu.memory_space<vmem>>
        %dma_start3A_813 = arith.constant 0 : i32
        %dma_start3A_814 = tpu.memref_slice %arg2[%add3A_808, %dma_start3A_813] : memref<5056x128xi32, #tpu.memory_space<hbm>> -> memref<1x128xi32, #tpu.memory_space<hbm>>
        %dma_start3A_815 = tpu.memref_squeeze %dma_start3A_814 : memref<1x128xi32, #tpu.memory_space<hbm>> -> memref<128xi32, #tpu.memory_space<hbm>>
        %dma_start3A_816 = arith.constant 0 : i32
        %dma_start3A_817 = tpu.memref_slice %arg7[%dma_start3A_809, %dma_start3A_816] : memref<3x128xi32, #tpu.memory_space<vmem>> -> memref<1x128xi32, #tpu.memory_space<vmem>>
        %dma_start3A_818 = tpu.memref_squeeze %dma_start3A_817 : memref<1x128xi32, #tpu.memory_space<vmem>> -> memref<128xi32, #tpu.memory_space<vmem>>
        %dma_start3A_819 = arith.constant 0 : i32
        %dma_start3A_820 = tpu.memref_slice %arg2[%add3A_808, %dma_start3A_819] : memref<5056x128xi32, #tpu.memory_space<hbm>> -> memref<1x128xi32, #tpu.memory_space<hbm>>
        %dma_start3A_821 = tpu.memref_squeeze %dma_start3A_820 : memref<1x128xi32, #tpu.memory_space<hbm>> -> memref<128xi32, #tpu.memory_space<hbm>>
        tpu.enqueue_dma source(%dma_start3A_821 : memref<128xi32, #tpu.memory_space<hbm>>) target(%dma_start3A_818 : memref<128xi32, #tpu.memory_space<vmem>>) target_semaphore(%arg17 : memref<!tpu.dma_semaphore, #tpu.memory_space<semaphore_mem>>)
        %add3A_822 = arith.addi %mul3A_2, %add3A_807 : i32
        %dma_start3A_823 = arith.constant 2 : i32
        %dma_start3A_824 = arith.constant 0 : i32
        %dma_start3A_825 = tpu.memref_slice %arg8[%dma_start3A_823, %dma_start3A_824] : memref<3x128xi32, #tpu.memory_space<vmem>> -> memref<1x128xi32, #tpu.memory_space<vmem>>
        %dma_start3A_826 = tpu.memref_squeeze %dma_start3A_825 : memref<1x128xi32, #tpu.memory_space<vmem>> -> memref<128xi32, #tpu.memory_space<vmem>>
        %dma_start3A_827 = arith.constant 0 : i32
        %dma_start3A_828 = tpu.memref_slice %arg3[%add3A_822, %dma_start3A_827] : memref<5056x128xi32, #tpu.memory_space<hbm>> -> memref<1x128xi32, #tpu.memory_space<hbm>>
        %dma_start3A_829 = tpu.memref_squeeze %dma_start3A_828 : memref<1x128xi32, #tpu.memory_space<hbm>> -> memref<128xi32, #tpu.memory_space<hbm>>
        %dma_start3A_830 = arith.constant 0 : i32
        %dma_start3A_831 = tpu.memref_slice %arg8[%dma_start3A_823, %dma_start3A_830] : memref<3x128xi32, #tpu.memory_space<vmem>> -> memref<1x128xi32, #tpu.memory_space<vmem>>
        %dma_start3A_832 = tpu.memref_squeeze %dma_start3A_831 : memref<1x128xi32, #tpu.memory_space<vmem>> -> memref<128xi32, #tpu.memory_space<vmem>>
        %dma_start3A_833 = arith.constant 0 : i32
        %dma_start3A_834 = tpu.memref_slice %arg3[%add3A_822, %dma_start3A_833] : memref<5056x128xi32, #tpu.memory_space<hbm>> -> memref<1x128xi32, #tpu.memory_space<hbm>>
        %dma_start3A_835 = tpu.memref_squeeze %dma_start3A_834 : memref<1x128xi32, #tpu.memory_space<hbm>> -> memref<128xi32, #tpu.memory_space<hbm>>
        tpu.enqueue_dma source(%dma_start3A_835 : memref<128xi32, #tpu.memory_space<hbm>>) target(%dma_start3A_832 : memref<128xi32, #tpu.memory_space<vmem>>) target_semaphore(%arg17 : memref<!tpu.dma_semaphore, #tpu.memory_space<semaphore_mem>>)
      } else {
      }
      %scan3A_793 = arith.constant 0 : i32
      %scan3A_794 = arith.constant 0 : i32
      %scan3A_795 = arith.constant 128 : i32
      %scan3A_796 = arith.addi %scan3A_794, %scan3A_795 : i32
      %scan3A_797 = arith.constant 1 : i32
      scf.for %scan3A_806 = %scan3A_794 to %scan3A_796 step %scan3A_797  : i32 {
        %get3A = arith.index_cast %scan3A_806 : i32 to index
        %get3A_807 = arith.constant 0 : index
        %get3A_808 = tpu.vector_load %arg11[%get3A, %get3A_807] {strides = array<i32>} : memref<128x128xf32, #tpu.memory_space<vmem>>, vector<1x16xf32>,
        %get3A_809 = vector.shape_cast %get3A_808 : vector<1x16xf32> to vector<16xf32>
        %get3A_810 = arith.index_cast %scan3A_806 : i32 to index
        %get3A_811 = arith.constant 0 : index
        %get3A_812 = tpu.vector_load %arg14[%get3A_810, %get3A_811] {strides = array<i32>} : memref<128x128xf32, #tpu.memory_space<vmem>>, vector<1x16xf32>,
        %get3A_813 = vector.shape_cast %get3A_812 : vector<1x16xf32> to vector<16xf32>
        %add3A_814 = arith.addf %get3A_809, %get3A_813 : vector<16xf32>
        %swap3A = arith.index_cast %scan3A_806 : i32 to index
        %swap3A_815 = arith.constant 0 : index
        %swap3A_816 = tpu.vector_load %arg11[%swap3A, %swap3A_815] {strides = array<i32>} : memref<128x128xf32, #tpu.memory_space<vmem>>, vector<1x16xf32>,
        %swap3A_817 = vector.shape_cast %swap3A_816 : vector<1x16xf32> to vector<16xf32>
        %swap3A_818 = vector.shape_cast %add3A_814 : vector<16xf32> to vector<1x16xf32>
        tpu.vector_store %arg11[%swap3A, %swap3A_815], %swap3A_818 {strides = array<i32>} : memref<128x128xf32, #tpu.memory_space<vmem>>, vector<1x16xf32>,
        %get3A_819 = arith.index_cast %scan3A_806 : i32 to index
        %get3A_820 = arith.constant 16 : index
        %get3A_821 = tpu.vector_load %arg11[%get3A_819, %get3A_820] {strides = array<i32>} : memref<128x128xf32, #tpu.memory_space<vmem>>, vector<1x16xf32>,
        %get3A_822 = vector.shape_cast %get3A_821 : vector<1x16xf32> to vector<16xf32>
        %get3A_823 = arith.index_cast %scan3A_806 : i32 to index
        %get3A_824 = arith.constant 16 : index
        %get3A_825 = tpu.vector_load %arg14[%get3A_823, %get3A_824] {strides = array<i32>} : memref<128x128xf32, #tpu.memory_space<vmem>>, vector<1x16xf32>,
        %get3A_826 = vector.shape_cast %get3A_825 : vector<1x16xf32> to vector<16xf32>
        %add3A_827 = arith.addf %get3A_822, %get3A_826 : vector<16xf32>
        %swap3A_828 = arith.index_cast %scan3A_806 : i32 to index
        %swap3A_829 = arith.constant 16 : index
        %swap3A_830 = tpu.vector_load %arg11[%swap3A_828, %swap3A_829] {strides = array<i32>} : memref<128x128xf32, #tpu.memory_space<vmem>>, vector<1x16xf32>,
        %swap3A_831 = vector.shape_cast %swap3A_830 : vector<1x16xf32> to vector<16xf32>
        %swap3A_832 = vector.shape_cast %add3A_827 : vector<16xf32> to vector<1x16xf32>
        tpu.vector_store %arg11[%swap3A_828, %swap3A_829], %swap3A_832 {strides = array<i32>} : memref<128x128xf32, #tpu.memory_space<vmem>>, vector<1x16xf32>,
        %get3A_833 = arith.index_cast %scan3A_806 : i32 to index
        %get3A_834 = arith.constant 32 : index
        %get3A_835 = tpu.vector_load %arg11[%get3A_833, %get3A_834] {strides = array<i32>} : memref<128x128xf32, #tpu.memory_space<vmem>>, vector<1x16xf32>,
        %get3A_836 = vector.shape_cast %get3A_835 : vector<1x16xf32> to vector<16xf32>
        %get3A_837 = arith.index_cast %scan3A_806 : i32 to index
        %get3A_838 = arith.constant 32 : index
        %get3A_839 = tpu.vector_load %arg14[%get3A_837, %get3A_838] {strides = array<i32>} : memref<128x128xf32, #tpu.memory_space<vmem>>, vector<1x16xf32>,
        %get3A_840 = vector.shape_cast %get3A_839 : vector<1x16xf32> to vector<16xf32>
        %add3A_841 = arith.addf %get3A_836, %get3A_840 : vector<16xf32>
        %swap3A_842 = arith.index_cast %scan3A_806 : i32 to index
        %swap3A_843 = arith.constant 32 : index
        %swap3A_844 = tpu.vector_load %arg11[%swap3A_842, %swap3A_843] {strides = array<i32>} : memref<128x128xf32, #tpu.memory_space<vmem>>, vector<1x16xf32>,
        %swap3A_845 = vector.shape_cast %swap3A_844 : vector<1x16xf32> to vector<16xf32>
        %swap3A_846 = vector.shape_cast %add3A_841 : vector<16xf32> to vector<1x16xf32>
        tpu.vector_store %arg11[%swap3A_842, %swap3A_843], %swap3A_846 {strides = array<i32>} : memref<128x128xf32, #tpu.memory_space<vmem>>, vector<1x16xf32>,
        %get3A_847 = arith.index_cast %scan3A_806 : i32 to index
        %get3A_848 = arith.constant 48 : index
        %get3A_849 = tpu.vector_load %arg11[%get3A_847, %get3A_848] {strides = array<i32>} : memref<128x128xf32, #tpu.memory_space<vmem>>, vector<1x16xf32>,
        %get3A_850 = vector.shape_cast %get3A_849 : vector<1x16xf32> to vector<16xf32>
        %get3A_851 = arith.index_cast %scan3A_806 : i32 to index
        %get3A_852 = arith.constant 48 : index
        %get3A_853 = tpu.vector_load %arg14[%get3A_851, %get3A_852] {strides = array<i32>} : memref<128x128xf32, #tpu.memory_space<vmem>>, vector<1x16xf32>,
        %get3A_854 = vector.shape_cast %get3A_853 : vector<1x16xf32> to vector<16xf32>
        %add3A_855 = arith.addf %get3A_850, %get3A_854 : vector<16xf32>
        %swap3A_856 = arith.index_cast %scan3A_806 : i32 to index
        %swap3A_857 = arith.constant 48 : index
        %swap3A_858 = tpu.vector_load %arg11[%swap3A_856, %swap3A_857] {strides = array<i32>} : memref<128x128xf32, #tpu.memory_space<vmem>>, vector<1x16xf32>,
        %swap3A_859 = vector.shape_cast %swap3A_858 : vector<1x16xf32> to vector<16xf32>
        %swap3A_860 = vector.shape_cast %add3A_855 : vector<16xf32> to vector<1x16xf32>
        tpu.vector_store %arg11[%swap3A_856, %swap3A_857], %swap3A_860 {strides = array<i32>} : memref<128x128xf32, #tpu.memory_space<vmem>>, vector<1x16xf32>,
        %get3A_861 = arith.index_cast %scan3A_806 : i32 to index
        %get3A_862 = arith.constant 64 : index
        %get3A_863 = tpu.vector_load %arg11[%get3A_861, %get3A_862] {strides = array<i32>} : memref<128x128xf32, #tpu.memory_space<vmem>>, vector<1x16xf32>,
        %get3A_864 = vector.shape_cast %get3A_863 : vector<1x16xf32> to vector<16xf32>
        %get3A_865 = arith.index_cast %scan3A_806 : i32 to index
        %get3A_866 = arith.constant 64 : index
        %get3A_867 = tpu.vector_load %arg14[%get3A_865, %get3A_866] {strides = array<i32>} : memref<128x128xf32, #tpu.memory_space<vmem>>, vector<1x16xf32>,
        %get3A_868 = vector.shape_cast %get3A_867 : vector<1x16xf32> to vector<16xf32>
        %add3A_869 = arith.addf %get3A_864, %get3A_868 : vector<16xf32>
        %swap3A_870 = arith.index_cast %scan3A_806 : i32 to index
        %swap3A_871 = arith.constant 64 : index
        %swap3A_872 = tpu.vector_load %arg11[%swap3A_870, %swap3A_871] {strides = array<i32>} : memref<128x128xf32, #tpu.memory_space<vmem>>, vector<1x16xf32>,
        %swap3A_873 = vector.shape_cast %swap3A_872 : vector<1x16xf32> to vector<16xf32>
        %swap3A_874 = vector.shape_cast %add3A_869 : vector<16xf32> to vector<1x16xf32>
        tpu.vector_store %arg11[%swap3A_870, %swap3A_871], %swap3A_874 {strides = array<i32>} : memref<128x128xf32, #tpu.memory_space<vmem>>, vector<1x16xf32>,
        %get3A_875 = arith.index_cast %scan3A_806 : i32 to index
        %get3A_876 = arith.constant 80 : index
        %get3A_877 = tpu.vector_load %arg11[%get3A_875, %get3A_876] {strides = array<i32>} : memref<128x128xf32, #tpu.memory_space<vmem>>, vector<1x16xf32>,
        %get3A_878 = vector.shape_cast %get3A_877 : vector<1x16xf32> to vector<16xf32>
        %get3A_879 = arith.index_cast %scan3A_806 : i32 to index
        %get3A_880 = arith.constant 80 : index
        %get3A_881 = tpu.vector_load %arg14[%get3A_879, %get3A_880] {strides = array<i32>} : memref<128x128xf32, #tpu.memory_space<vmem>>, vector<1x16xf32>,
        %get3A_882 = vector.shape_cast %get3A_881 : vector<1x16xf32> to vector<16xf32>
        %add3A_883 = arith.addf %get3A_878, %get3A_882 : vector<16xf32>
        %swap3A_884 = arith.index_cast %scan3A_806 : i32 to index
        %swap3A_885 = arith.constant 80 : index
        %swap3A_886 = tpu.vector_load %arg11[%swap3A_884, %swap3A_885] {strides = array<i32>} : memref<128x128xf32, #tpu.memory_space<vmem>>, vector<1x16xf32>,
        %swap3A_887 = vector.shape_cast %swap3A_886 : vector<1x16xf32> to vector<16xf32>
        %swap3A_888 = vector.shape_cast %add3A_883 : vector<16xf32> to vector<1x16xf32>
        tpu.vector_store %arg11[%swap3A_884, %swap3A_885], %swap3A_888 {strides = array<i32>} : memref<128x128xf32, #tpu.memory_space<vmem>>, vector<1x16xf32>,
        %get3A_889 = arith.index_cast %scan3A_806 : i32 to index
        %get3A_890 = arith.constant 96 : index
        %get3A_891 = tpu.vector_load %arg11[%get3A_889, %get3A_890] {strides = array<i32>} : memref<128x128xf32, #tpu.memory_space<vmem>>, vector<1x16xf32>,
        %get3A_892 = vector.shape_cast %get3A_891 : vector<1x16xf32> to vector<16xf32>
        %get3A_893 = arith.index_cast %scan3A_806 : i32 to index
        %get3A_894 = arith.constant 96 : index
        %get3A_895 = tpu.vector_load %arg14[%get3A_893, %get3A_894] {strides = array<i32>} : memref<128x128xf32, #tpu.memory_space<vmem>>, vector<1x16xf32>,
        %get3A_896 = vector.shape_cast %get3A_895 : vector<1x16xf32> to vector<16xf32>
        %add3A_897 = arith.addf %get3A_892, %get3A_896 : vector<16xf32>
        %swap3A_898 = arith.index_cast %scan3A_806 : i32 to index
        %swap3A_899 = arith.constant 96 : index
        %swap3A_900 = tpu.vector_load %arg11[%swap3A_898, %swap3A_899] {strides = array<i32>} : memref<128x128xf32, #tpu.memory_space<vmem>>, vector<1x16xf32>,
        %swap3A_901 = vector.shape_cast %swap3A_900 : vector<1x16xf32> to vector<16xf32>
        %swap3A_902 = vector.shape_cast %add3A_897 : vector<16xf32> to vector<1x16xf32>
        tpu.vector_store %arg11[%swap3A_898, %swap3A_899], %swap3A_902 {strides = array<i32>} : memref<128x128xf32, #tpu.memory_space<vmem>>, vector<1x16xf32>,
        %get3A_903 = arith.index_cast %scan3A_806 : i32 to index
        %get3A_904 = arith.constant 112 : index
        %get3A_905 = tpu.vector_load %arg11[%get3A_903, %get3A_904] {strides = array<i32>} : memref<128x128xf32, #tpu.memory_space<vmem>>, vector<1x16xf32>,
        %get3A_906 = vector.shape_cast %get3A_905 : vector<1x16xf32> to vector<16xf32>
        %get3A_907 = arith.index_cast %scan3A_806 : i32 to index
        %get3A_908 = arith.constant 112 : index
        %get3A_909 = tpu.vector_load %arg14[%get3A_907, %get3A_908] {strides = array<i32>} : memref<128x128xf32, #tpu.memory_space<vmem>>, vector<1x16xf32>,
        %get3A_910 = vector.shape_cast %get3A_909 : vector<1x16xf32> to vector<16xf32>
        %add3A_911 = arith.addf %get3A_906, %get3A_910 : vector<16xf32>
        %swap3A_912 = arith.index_cast %scan3A_806 : i32 to index
        %swap3A_913 = arith.constant 112 : index
        %swap3A_914 = tpu.vector_load %arg11[%swap3A_912, %swap3A_913] {strides = array<i32>} : memref<128x128xf32, #tpu.memory_space<vmem>>, vector<1x16xf32>,
        %swap3A_915 = vector.shape_cast %swap3A_914 : vector<1x16xf32> to vector<16xf32>
        %swap3A_916 = vector.shape_cast %add3A_911 : vector<16xf32> to vector<1x16xf32>
        tpu.vector_store %arg11[%swap3A_912, %swap3A_913], %swap3A_916 {strides = array<i32>} : memref<128x128xf32, #tpu.memory_space<vmem>>, vector<1x16xf32>,
      }
      %scan3A_798 = arith.constant 128 : i32
      %add3A_799 = arith.addi %mul3A_2, %add3A_725 : i32
      %mul3A_800 = arith.constant 128 : i32
      %mul3A_801 = arith.muli %add3A_799, %mul3A_800 : i32
      %dma_start3A_802 = arith.constant 0 : i32
      %dma_start3A_803 = tpu.memref_slice %arg6[%mul3A_801, %dma_start3A_802] : memref<647168x128xf32, #tpu.memory_space<hbm>> -> memref<128x128xf32, #tpu.memory_space<hbm>>
      %dma_start3A_804 = arith.constant 0 : i32
      %dma_start3A_805 = tpu.memref_slice %arg6[%mul3A_801, %dma_start3A_804] : memref<647168x128xf32, #tpu.memory_space<hbm>> -> memref<128x128xf32, #tpu.memory_space<hbm>>
      tpu.enqueue_dma source(%arg11 : memref<128x128xf32, #tpu.memory_space<vmem>>) target(%dma_start3A_805 : memref<128x128xf32, #tpu.memory_space<hbm>>) target_semaphore(%arg23 : memref<!tpu.dma_semaphore, #tpu.memory_space<semaphore_mem>>)
    }
    %scan3A_485 = arith.constant 51 : i32
    %dma_wait3A_486 = arith.constant 0 : i32
    %dma_wait3A_487 = arith.constant 0 : i32
    %dma_wait3A_488 = tpu.memref_slice %arg4[%dma_wait3A_486, %dma_wait3A_487] : memref<100000x128xf32, #tpu.memory_space<hbm>> -> memref<128x128xf32, #tpu.memory_space<hbm>>
    %dma_wait3A_489 = arith.constant 0 : i32
    %dma_wait3A_490 = arith.constant 0 : i32
    %dma_wait3A_491 = tpu.memref_slice %arg4[%dma_wait3A_489, %dma_wait3A_490] : memref<100000x128xf32, #tpu.memory_space<hbm>> -> memref<128x128xf32, #tpu.memory_space<hbm>>
    tpu.wait_dma2 semaphore(%arg18 : memref<!tpu.dma_semaphore, #tpu.memory_space<semaphore_mem>>) src(%dma_wait3A_491 : memref<128x128xf32, #tpu.memory_space<hbm>>) dst(%arg9 : memref<128x128xf32, #tpu.memory_space<vmem>>)
    %dma_wait3A_492 = arith.constant 0 : i32
    %dma_wait3A_493 = arith.constant 0 : i32
    %dma_wait3A_494 = tpu.memref_slice %arg4[%dma_wait3A_492, %dma_wait3A_493] : memref<100000x128xf32, #tpu.memory_space<hbm>> -> memref<128x128xf32, #tpu.memory_space<hbm>>
    %dma_wait3A_495 = arith.constant 0 : i32
    %dma_wait3A_496 = arith.constant 0 : i32
    %dma_wait3A_497 = tpu.memref_slice %arg4[%dma_wait3A_495, %dma_wait3A_496] : memref<100000x128xf32, #tpu.memory_space<hbm>> -> memref<128x128xf32, #tpu.memory_space<hbm>>
    tpu.wait_dma2 semaphore(%arg18 : memref<!tpu.dma_semaphore, #tpu.memory_space<semaphore_mem>>) src(%dma_wait3A_497 : memref<128x128xf32, #tpu.memory_space<hbm>>) dst(%arg12 : memref<128x128xf32, #tpu.memory_space<vmem>>)
    %scan3A_498 = arith.constant 0 : i32
    %scan3A_499 = arith.constant 0 : i32
    %scan3A_500 = arith.constant 128 : i32
    %scan3A_501 = arith.addi %scan3A_499, %scan3A_500 : i32
    %scan3A_502 = arith.constant 1 : i32
    scf.for %scan3A_556 = %scan3A_499 to %scan3A_501 step %scan3A_502  : i32 {
      %get3A = arith.index_cast %scan3A_556 : i32 to index
      %get3A_557 = arith.constant 0 : index
      %get3A_558 = tpu.vector_load %arg9[%get3A, %get3A_557] {strides = array<i32>} : memref<128x128xf32, #tpu.memory_space<vmem>>, vector<1x16xf32>,
      %get3A_559 = vector.shape_cast %get3A_558 : vector<1x16xf32> to vector<16xf32>
      %get3A_560 = arith.index_cast %scan3A_556 : i32 to index
      %get3A_561 = arith.constant 0 : index
      %get3A_562 = tpu.vector_load %arg12[%get3A_560, %get3A_561] {strides = array<i32>} : memref<128x128xf32, #tpu.memory_space<vmem>>, vector<1x16xf32>,
      %get3A_563 = vector.shape_cast %get3A_562 : vector<1x16xf32> to vector<16xf32>
      %add3A_564 = arith.addf %get3A_559, %get3A_563 : vector<16xf32>
      %swap3A = arith.index_cast %scan3A_556 : i32 to index
      %swap3A_565 = arith.constant 0 : index
      %swap3A_566 = tpu.vector_load %arg9[%swap3A, %swap3A_565] {strides = array<i32>} : memref<128x128xf32, #tpu.memory_space<vmem>>, vector<1x16xf32>,
      %swap3A_567 = vector.shape_cast %swap3A_566 : vector<1x16xf32> to vector<16xf32>
      %swap3A_568 = vector.shape_cast %add3A_564 : vector<16xf32> to vector<1x16xf32>
      tpu.vector_store %arg9[%swap3A, %swap3A_565], %swap3A_568 {strides = array<i32>} : memref<128x128xf32, #tpu.memory_space<vmem>>, vector<1x16xf32>,
      %get3A_569 = arith.index_cast %scan3A_556 : i32 to index
      %get3A_570 = arith.constant 16 : index
      %get3A_571 = tpu.vector_load %arg9[%get3A_569, %get3A_570] {strides = array<i32>} : memref<128x128xf32, #tpu.memory_space<vmem>>, vector<1x16xf32>,
      %get3A_572 = vector.shape_cast %get3A_571 : vector<1x16xf32> to vector<16xf32>
      %get3A_573 = arith.index_cast %scan3A_556 : i32 to index
      %get3A_574 = arith.constant 16 : index
      %get3A_575 = tpu.vector_load %arg12[%get3A_573, %get3A_574] {strides = array<i32>} : memref<128x128xf32, #tpu.memory_space<vmem>>, vector<1x16xf32>,
      %get3A_576 = vector.shape_cast %get3A_575 : vector<1x16xf32> to vector<16xf32>
      %add3A_577 = arith.addf %get3A_572, %get3A_576 : vector<16xf32>
      %swap3A_578 = arith.index_cast %scan3A_556 : i32 to index
      %swap3A_579 = arith.constant 16 : index
      %swap3A_580 = tpu.vector_load %arg9[%swap3A_578, %swap3A_579] {strides = array<i32>} : memref<128x128xf32, #tpu.memory_space<vmem>>, vector<1x16xf32>,
      %swap3A_581 = vector.shape_cast %swap3A_580 : vector<1x16xf32> to vector<16xf32>
      %swap3A_582 = vector.shape_cast %add3A_577 : vector<16xf32> to vector<1x16xf32>
      tpu.vector_store %arg9[%swap3A_578, %swap3A_579], %swap3A_582 {strides = array<i32>} : memref<128x128xf32, #tpu.memory_space<vmem>>, vector<1x16xf32>,
      %get3A_583 = arith.index_cast %scan3A_556 : i32 to index
      %get3A_584 = arith.constant 32 : index
      %get3A_585 = tpu.vector_load %arg9[%get3A_583, %get3A_584] {strides = array<i32>} : memref<128x128xf32, #tpu.memory_space<vmem>>, vector<1x16xf32>,
      %get3A_586 = vector.shape_cast %get3A_585 : vector<1x16xf32> to vector<16xf32>
      %get3A_587 = arith.index_cast %scan3A_556 : i32 to index
      %get3A_588 = arith.constant 32 : index
      %get3A_589 = tpu.vector_load %arg12[%get3A_587, %get3A_588] {strides = array<i32>} : memref<128x128xf32, #tpu.memory_space<vmem>>, vector<1x16xf32>,
      %get3A_590 = vector.shape_cast %get3A_589 : vector<1x16xf32> to vector<16xf32>
      %add3A_591 = arith.addf %get3A_586, %get3A_590 : vector<16xf32>
      %swap3A_592 = arith.index_cast %scan3A_556 : i32 to index
      %swap3A_593 = arith.constant 32 : index
      %swap3A_594 = tpu.vector_load %arg9[%swap3A_592, %swap3A_593] {strides = array<i32>} : memref<128x128xf32, #tpu.memory_space<vmem>>, vector<1x16xf32>,
      %swap3A_595 = vector.shape_cast %swap3A_594 : vector<1x16xf32> to vector<16xf32>
      %swap3A_596 = vector.shape_cast %add3A_591 : vector<16xf32> to vector<1x16xf32>
      tpu.vector_store %arg9[%swap3A_592, %swap3A_593], %swap3A_596 {strides = array<i32>} : memref<128x128xf32, #tpu.memory_space<vmem>>, vector<1x16xf32>,
      %get3A_597 = arith.index_cast %scan3A_556 : i32 to index
      %get3A_598 = arith.constant 48 : index
      %get3A_599 = tpu.vector_load %arg9[%get3A_597, %get3A_598] {strides = array<i32>} : memref<128x128xf32, #tpu.memory_space<vmem>>, vector<1x16xf32>,
      %get3A_600 = vector.shape_cast %get3A_599 : vector<1x16xf32> to vector<16xf32>
      %get3A_601 = arith.index_cast %scan3A_556 : i32 to index
      %get3A_602 = arith.constant 48 : index
      %get3A_603 = tpu.vector_load %arg12[%get3A_601, %get3A_602] {strides = array<i32>} : memref<128x128xf32, #tpu.memory_space<vmem>>, vector<1x16xf32>,
      %get3A_604 = vector.shape_cast %get3A_603 : vector<1x16xf32> to vector<16xf32>
      %add3A_605 = arith.addf %get3A_600, %get3A_604 : vector<16xf32>
      %swap3A_606 = arith.index_cast %scan3A_556 : i32 to index
      %swap3A_607 = arith.constant 48 : index
      %swap3A_608 = tpu.vector_load %arg9[%swap3A_606, %swap3A_607] {strides = array<i32>} : memref<128x128xf32, #tpu.memory_space<vmem>>, vector<1x16xf32>,
      %swap3A_609 = vector.shape_cast %swap3A_608 : vector<1x16xf32> to vector<16xf32>
      %swap3A_610 = vector.shape_cast %add3A_605 : vector<16xf32> to vector<1x16xf32>
      tpu.vector_store %arg9[%swap3A_606, %swap3A_607], %swap3A_610 {strides = array<i32>} : memref<128x128xf32, #tpu.memory_space<vmem>>, vector<1x16xf32>,
      %get3A_611 = arith.index_cast %scan3A_556 : i32 to index
      %get3A_612 = arith.constant 64 : index
      %get3A_613 = tpu.vector_load %arg9[%get3A_611, %get3A_612] {strides = array<i32>} : memref<128x128xf32, #tpu.memory_space<vmem>>, vector<1x16xf32>,
      %get3A_614 = vector.shape_cast %get3A_613 : vector<1x16xf32> to vector<16xf32>
      %get3A_615 = arith.index_cast %scan3A_556 : i32 to index
      %get3A_616 = arith.constant 64 : index
      %get3A_617 = tpu.vector_load %arg12[%get3A_615, %get3A_616] {strides = array<i32>} : memref<128x128xf32, #tpu.memory_space<vmem>>, vector<1x16xf32>,
      %get3A_618 = vector.shape_cast %get3A_617 : vector<1x16xf32> to vector<16xf32>
      %add3A_619 = arith.addf %get3A_614, %get3A_618 : vector<16xf32>
      %swap3A_620 = arith.index_cast %scan3A_556 : i32 to index
      %swap3A_621 = arith.constant 64 : index
      %swap3A_622 = tpu.vector_load %arg9[%swap3A_620, %swap3A_621] {strides = array<i32>} : memref<128x128xf32, #tpu.memory_space<vmem>>, vector<1x16xf32>,
      %swap3A_623 = vector.shape_cast %swap3A_622 : vector<1x16xf32> to vector<16xf32>
      %swap3A_624 = vector.shape_cast %add3A_619 : vector<16xf32> to vector<1x16xf32>
      tpu.vector_store %arg9[%swap3A_620, %swap3A_621], %swap3A_624 {strides = array<i32>} : memref<128x128xf32, #tpu.memory_space<vmem>>, vector<1x16xf32>,
      %get3A_625 = arith.index_cast %scan3A_556 : i32 to index
      %get3A_626 = arith.constant 80 : index
      %get3A_627 = tpu.vector_load %arg9[%get3A_625, %get3A_626] {strides = array<i32>} : memref<128x128xf32, #tpu.memory_space<vmem>>, vector<1x16xf32>,
      %get3A_628 = vector.shape_cast %get3A_627 : vector<1x16xf32> to vector<16xf32>
      %get3A_629 = arith.index_cast %scan3A_556 : i32 to index
      %get3A_630 = arith.constant 80 : index
      %get3A_631 = tpu.vector_load %arg12[%get3A_629, %get3A_630] {strides = array<i32>} : memref<128x128xf32, #tpu.memory_space<vmem>>, vector<1x16xf32>,
      %get3A_632 = vector.shape_cast %get3A_631 : vector<1x16xf32> to vector<16xf32>
      %add3A_633 = arith.addf %get3A_628, %get3A_632 : vector<16xf32>
      %swap3A_634 = arith.index_cast %scan3A_556 : i32 to index
      %swap3A_635 = arith.constant 80 : index
      %swap3A_636 = tpu.vector_load %arg9[%swap3A_634, %swap3A_635] {strides = array<i32>} : memref<128x128xf32, #tpu.memory_space<vmem>>, vector<1x16xf32>,
      %swap3A_637 = vector.shape_cast %swap3A_636 : vector<1x16xf32> to vector<16xf32>
      %swap3A_638 = vector.shape_cast %add3A_633 : vector<16xf32> to vector<1x16xf32>
      tpu.vector_store %arg9[%swap3A_634, %swap3A_635], %swap3A_638 {strides = array<i32>} : memref<128x128xf32, #tpu.memory_space<vmem>>, vector<1x16xf32>,
      %get3A_639 = arith.index_cast %scan3A_556 : i32 to index
      %get3A_640 = arith.constant 96 : index
      %get3A_641 = tpu.vector_load %arg9[%get3A_639, %get3A_640] {strides = array<i32>} : memref<128x128xf32, #tpu.memory_space<vmem>>, vector<1x16xf32>,
      %get3A_642 = vector.shape_cast %get3A_641 : vector<1x16xf32> to vector<16xf32>
      %get3A_643 = arith.index_cast %scan3A_556 : i32 to index
      %get3A_644 = arith.constant 96 : index
      %get3A_645 = tpu.vector_load %arg12[%get3A_643, %get3A_644] {strides = array<i32>} : memref<128x128xf32, #tpu.memory_space<vmem>>, vector<1x16xf32>,
      %get3A_646 = vector.shape_cast %get3A_645 : vector<1x16xf32> to vector<16xf32>
      %add3A_647 = arith.addf %get3A_642, %get3A_646 : vector<16xf32>
      %swap3A_648 = arith.index_cast %scan3A_556 : i32 to index
      %swap3A_649 = arith.constant 96 : index
      %swap3A_650 = tpu.vector_load %arg9[%swap3A_648, %swap3A_649] {strides = array<i32>} : memref<128x128xf32, #tpu.memory_space<vmem>>, vector<1x16xf32>,
      %swap3A_651 = vector.shape_cast %swap3A_650 : vector<1x16xf32> to vector<16xf32>
      %swap3A_652 = vector.shape_cast %add3A_647 : vector<16xf32> to vector<1x16xf32>
      tpu.vector_store %arg9[%swap3A_648, %swap3A_649], %swap3A_652 {strides = array<i32>} : memref<128x128xf32, #tpu.memory_space<vmem>>, vector<1x16xf32>,
      %get3A_653 = arith.index_cast %scan3A_556 : i32 to index
      %get3A_654 = arith.constant 112 : index
      %get3A_655 = tpu.vector_load %arg9[%get3A_653, %get3A_654] {strides = array<i32>} : memref<128x128xf32, #tpu.memory_space<vmem>>, vector<1x16xf32>,
      %get3A_656 = vector.shape_cast %get3A_655 : vector<1x16xf32> to vector<16xf32>
      %get3A_657 = arith.index_cast %scan3A_556 : i32 to index
      %get3A_658 = arith.constant 112 : index
      %get3A_659 = tpu.vector_load %arg12[%get3A_657, %get3A_658] {strides = array<i32>} : memref<128x128xf32, #tpu.memory_space<vmem>>, vector<1x16xf32>,
      %get3A_660 = vector.shape_cast %get3A_659 : vector<1x16xf32> to vector<16xf32>
      %add3A_661 = arith.addf %get3A_656, %get3A_660 : vector<16xf32>
      %swap3A_662 = arith.index_cast %scan3A_556 : i32 to index
      %swap3A_663 = arith.constant 112 : index
      %swap3A_664 = tpu.vector_load %arg9[%swap3A_662, %swap3A_663] {strides = array<i32>} : memref<128x128xf32, #tpu.memory_space<vmem>>, vector<1x16xf32>,
      %swap3A_665 = vector.shape_cast %swap3A_664 : vector<1x16xf32> to vector<16xf32>
      %swap3A_666 = vector.shape_cast %add3A_661 : vector<16xf32> to vector<1x16xf32>
      tpu.vector_store %arg9[%swap3A_662, %swap3A_663], %swap3A_666 {strides = array<i32>} : memref<128x128xf32, #tpu.memory_space<vmem>>, vector<1x16xf32>,
    }
    %scan3A_503 = arith.constant 128 : i32
    %add3A_504 = arith.constant 156 : i32
    %add3A_505 = arith.addi %mul3A_2, %add3A_504 : i32
    %mul3A_506 = arith.constant 128 : i32
    %mul3A_507 = arith.muli %add3A_505, %mul3A_506 : i32
    %dma_start3A_508 = arith.constant 0 : i32
    %dma_start3A_509 = tpu.memref_slice %arg6[%mul3A_507, %dma_start3A_508] : memref<647168x128xf32, #tpu.memory_space<hbm>> -> memref<128x128xf32, #tpu.memory_space<hbm>>
    %dma_start3A_510 = arith.constant 0 : i32
    %dma_start3A_511 = tpu.memref_slice %arg6[%mul3A_507, %dma_start3A_510] : memref<647168x128xf32, #tpu.memory_space<hbm>> -> memref<128x128xf32, #tpu.memory_space<hbm>>
    tpu.enqueue_dma source(%arg9 : memref<128x128xf32, #tpu.memory_space<vmem>>) target(%dma_start3A_511 : memref<128x128xf32, #tpu.memory_space<hbm>>) target_semaphore(%arg21 : memref<!tpu.dma_semaphore, #tpu.memory_space<semaphore_mem>>)
    %dma_wait3A_512 = arith.constant 0 : i32
    %dma_wait3A_513 = arith.constant 0 : i32
    %dma_wait3A_514 = tpu.memref_slice %arg4[%dma_wait3A_512, %dma_wait3A_513] : memref<100000x128xf32, #tpu.memory_space<hbm>> -> memref<128x128xf32, #tpu.memory_space<hbm>>
    %dma_wait3A_515 = arith.constant 0 : i32
    %dma_wait3A_516 = arith.constant 0 : i32
    %dma_wait3A_517 = tpu.memref_slice %arg4[%dma_wait3A_515, %dma_wait3A_516] : memref<100000x128xf32, #tpu.memory_space<hbm>> -> memref<128x128xf32, #tpu.memory_space<hbm>>
    tpu.wait_dma2 semaphore(%arg19 : memref<!tpu.dma_semaphore, #tpu.memory_space<semaphore_mem>>) src(%dma_wait3A_517 : memref<128x128xf32, #tpu.memory_space<hbm>>) dst(%arg10 : memref<128x128xf32, #tpu.memory_space<vmem>>)
    %dma_wait3A_518 = arith.constant 0 : i32
    %dma_wait3A_519 = arith.constant 0 : i32
    %dma_wait3A_520 = tpu.memref_slice %arg4[%dma_wait3A_518, %dma_wait3A_519] : memref<100000x128xf32, #tpu.memory_space<hbm>> -> memref<128x128xf32, #tpu.memory_space<hbm>>
    %dma_wait3A_521 = arith.constant 0 : i32
    %dma_wait3A_522 = arith.constant 0 : i32
    %dma_wait3A_523 = tpu.memref_slice %arg4[%dma_wait3A_521, %dma_wait3A_522] : memref<100000x128xf32, #tpu.memory_space<hbm>> -> memref<128x128xf32, #tpu.memory_space<hbm>>
    tpu.wait_dma2 semaphore(%arg19 : memref<!tpu.dma_semaphore, #tpu.memory_space<semaphore_mem>>) src(%dma_wait3A_523 : memref<128x128xf32, #tpu.memory_space<hbm>>) dst(%arg13 : memref<128x128xf32, #tpu.memory_space<vmem>>)
    %scan3A_524 = arith.constant 0 : i32
    %scan3A_525 = arith.constant 0 : i32
    %scan3A_526 = arith.constant 128 : i32
    %scan3A_527 = arith.addi %scan3A_525, %scan3A_526 : i32
    %scan3A_528 = arith.constant 1 : i32
    scf.for %scan3A_556 = %scan3A_525 to %scan3A_527 step %scan3A_528  : i32 {
      %get3A = arith.index_cast %scan3A_556 : i32 to index
      %get3A_557 = arith.constant 0 : index
      %get3A_558 = tpu.vector_load %arg10[%get3A, %get3A_557] {strides = array<i32>} : memref<128x128xf32, #tpu.memory_space<vmem>>, vector<1x16xf32>,
      %get3A_559 = vector.shape_cast %get3A_558 : vector<1x16xf32> to vector<16xf32>
      %get3A_560 = arith.index_cast %scan3A_556 : i32 to index
      %get3A_561 = arith.constant 0 : index
      %get3A_562 = tpu.vector_load %arg13[%get3A_560, %get3A_561] {strides = array<i32>} : memref<128x128xf32, #tpu.memory_space<vmem>>, vector<1x16xf32>,
      %get3A_563 = vector.shape_cast %get3A_562 : vector<1x16xf32> to vector<16xf32>
      %add3A_564 = arith.addf %get3A_559, %get3A_563 : vector<16xf32>
      %swap3A = arith.index_cast %scan3A_556 : i32 to index
      %swap3A_565 = arith.constant 0 : index
      %swap3A_566 = tpu.vector_load %arg10[%swap3A, %swap3A_565] {strides = array<i32>} : memref<128x128xf32, #tpu.memory_space<vmem>>, vector<1x16xf32>,
      %swap3A_567 = vector.shape_cast %swap3A_566 : vector<1x16xf32> to vector<16xf32>
      %swap3A_568 = vector.shape_cast %add3A_564 : vector<16xf32> to vector<1x16xf32>
      tpu.vector_store %arg10[%swap3A, %swap3A_565], %swap3A_568 {strides = array<i32>} : memref<128x128xf32, #tpu.memory_space<vmem>>, vector<1x16xf32>,
      %get3A_569 = arith.index_cast %scan3A_556 : i32 to index
      %get3A_570 = arith.constant 16 : index
      %get3A_571 = tpu.vector_load %arg10[%get3A_569, %get3A_570] {strides = array<i32>} : memref<128x128xf32, #tpu.memory_space<vmem>>, vector<1x16xf32>,
      %get3A_572 = vector.shape_cast %get3A_571 : vector<1x16xf32> to vector<16xf32>
      %get3A_573 = arith.index_cast %scan3A_556 : i32 to index
      %get3A_574 = arith.constant 16 : index
      %get3A_575 = tpu.vector_load %arg13[%get3A_573, %get3A_574] {strides = array<i32>} : memref<128x128xf32, #tpu.memory_space<vmem>>, vector<1x16xf32>,
      %get3A_576 = vector.shape_cast %get3A_575 : vector<1x16xf32> to vector<16xf32>
      %add3A_577 = arith.addf %get3A_572, %get3A_576 : vector<16xf32>
      %swap3A_578 = arith.index_cast %scan3A_556 : i32 to index
      %swap3A_579 = arith.constant 16 : index
      %swap3A_580 = tpu.vector_load %arg10[%swap3A_578, %swap3A_579] {strides = array<i32>} : memref<128x128xf32, #tpu.memory_space<vmem>>, vector<1x16xf32>,
      %swap3A_581 = vector.shape_cast %swap3A_580 : vector<1x16xf32> to vector<16xf32>
      %swap3A_582 = vector.shape_cast %add3A_577 : vector<16xf32> to vector<1x16xf32>
      tpu.vector_store %arg10[%swap3A_578, %swap3A_579], %swap3A_582 {strides = array<i32>} : memref<128x128xf32, #tpu.memory_space<vmem>>, vector<1x16xf32>,
      %get3A_583 = arith.index_cast %scan3A_556 : i32 to index
      %get3A_584 = arith.constant 32 : index
      %get3A_585 = tpu.vector_load %arg10[%get3A_583, %get3A_584] {strides = array<i32>} : memref<128x128xf32, #tpu.memory_space<vmem>>, vector<1x16xf32>,
      %get3A_586 = vector.shape_cast %get3A_585 : vector<1x16xf32> to vector<16xf32>
      %get3A_587 = arith.index_cast %scan3A_556 : i32 to index
      %get3A_588 = arith.constant 32 : index
      %get3A_589 = tpu.vector_load %arg13[%get3A_587, %get3A_588] {strides = array<i32>} : memref<128x128xf32, #tpu.memory_space<vmem>>, vector<1x16xf32>,
      %get3A_590 = vector.shape_cast %get3A_589 : vector<1x16xf32> to vector<16xf32>
      %add3A_591 = arith.addf %get3A_586, %get3A_590 : vector<16xf32>
      %swap3A_592 = arith.index_cast %scan3A_556 : i32 to index
      %swap3A_593 = arith.constant 32 : index
      %swap3A_594 = tpu.vector_load %arg10[%swap3A_592, %swap3A_593] {strides = array<i32>} : memref<128x128xf32, #tpu.memory_space<vmem>>, vector<1x16xf32>,
      %swap3A_595 = vector.shape_cast %swap3A_594 : vector<1x16xf32> to vector<16xf32>
      %swap3A_596 = vector.shape_cast %add3A_591 : vector<16xf32> to vector<1x16xf32>
      tpu.vector_store %arg10[%swap3A_592, %swap3A_593], %swap3A_596 {strides = array<i32>} : memref<128x128xf32, #tpu.memory_space<vmem>>, vector<1x16xf32>,
      %get3A_597 = arith.index_cast %scan3A_556 : i32 to index
      %get3A_598 = arith.constant 48 : index
      %get3A_599 = tpu.vector_load %arg10[%get3A_597, %get3A_598] {strides = array<i32>} : memref<128x128xf32, #tpu.memory_space<vmem>>, vector<1x16xf32>,
      %get3A_600 = vector.shape_cast %get3A_599 : vector<1x16xf32> to vector<16xf32>
      %get3A_601 = arith.index_cast %scan3A_556 : i32 to index
      %get3A_602 = arith.constant 48 : index
      %get3A_603 = tpu.vector_load %arg13[%get3A_601, %get3A_602] {strides = array<i32>} : memref<128x128xf32, #tpu.memory_space<vmem>>, vector<1x16xf32>,
      %get3A_604 = vector.shape_cast %get3A_603 : vector<1x16xf32> to vector<16xf32>
      %add3A_605 = arith.addf %get3A_600, %get3A_604 : vector<16xf32>
      %swap3A_606 = arith.index_cast %scan3A_556 : i32 to index
      %swap3A_607 = arith.constant 48 : index
      %swap3A_608 = tpu.vector_load %arg10[%swap3A_606, %swap3A_607] {strides = array<i32>} : memref<128x128xf32, #tpu.memory_space<vmem>>, vector<1x16xf32>,
      %swap3A_609 = vector.shape_cast %swap3A_608 : vector<1x16xf32> to vector<16xf32>
      %swap3A_610 = vector.shape_cast %add3A_605 : vector<16xf32> to vector<1x16xf32>
      tpu.vector_store %arg10[%swap3A_606, %swap3A_607], %swap3A_610 {strides = array<i32>} : memref<128x128xf32, #tpu.memory_space<vmem>>, vector<1x16xf32>,
      %get3A_611 = arith.index_cast %scan3A_556 : i32 to index
      %get3A_612 = arith.constant 64 : index
      %get3A_613 = tpu.vector_load %arg10[%get3A_611, %get3A_612] {strides = array<i32>} : memref<128x128xf32, #tpu.memory_space<vmem>>, vector<1x16xf32>,
      %get3A_614 = vector.shape_cast %get3A_613 : vector<1x16xf32> to vector<16xf32>
      %get3A_615 = arith.index_cast %scan3A_556 : i32 to index
      %get3A_616 = arith.constant 64 : index
      %get3A_617 = tpu.vector_load %arg13[%get3A_615, %get3A_616] {strides = array<i32>} : memref<128x128xf32, #tpu.memory_space<vmem>>, vector<1x16xf32>,
      %get3A_618 = vector.shape_cast %get3A_617 : vector<1x16xf32> to vector<16xf32>
      %add3A_619 = arith.addf %get3A_614, %get3A_618 : vector<16xf32>
      %swap3A_620 = arith.index_cast %scan3A_556 : i32 to index
      %swap3A_621 = arith.constant 64 : index
      %swap3A_622 = tpu.vector_load %arg10[%swap3A_620, %swap3A_621] {strides = array<i32>} : memref<128x128xf32, #tpu.memory_space<vmem>>, vector<1x16xf32>,
      %swap3A_623 = vector.shape_cast %swap3A_622 : vector<1x16xf32> to vector<16xf32>
      %swap3A_624 = vector.shape_cast %add3A_619 : vector<16xf32> to vector<1x16xf32>
      tpu.vector_store %arg10[%swap3A_620, %swap3A_621], %swap3A_624 {strides = array<i32>} : memref<128x128xf32, #tpu.memory_space<vmem>>, vector<1x16xf32>,
      %get3A_625 = arith.index_cast %scan3A_556 : i32 to index
      %get3A_626 = arith.constant 80 : index
      %get3A_627 = tpu.vector_load %arg10[%get3A_625, %get3A_626] {strides = array<i32>} : memref<128x128xf32, #tpu.memory_space<vmem>>, vector<1x16xf32>,
      %get3A_628 = vector.shape_cast %get3A_627 : vector<1x16xf32> to vector<16xf32>
      %get3A_629 = arith.index_cast %scan3A_556 : i32 to index
      %get3A_630 = arith.constant 80 : index
      %get3A_631 = tpu.vector_load %arg13[%get3A_629, %get3A_630] {strides = array<i32>} : memref<128x128xf32, #tpu.memory_space<vmem>>, vector<1x16xf32>,
      %get3A_632 = vector.shape_cast %get3A_631 : vector<1x16xf32> to vector<16xf32>
      %add3A_633 = arith.addf %get3A_628, %get3A_632 : vector<16xf32>
      %swap3A_634 = arith.index_cast %scan3A_556 : i32 to index
      %swap3A_635 = arith.constant 80 : index
      %swap3A_636 = tpu.vector_load %arg10[%swap3A_634, %swap3A_635] {strides = array<i32>} : memref<128x128xf32, #tpu.memory_space<vmem>>, vector<1x16xf32>,
      %swap3A_637 = vector.shape_cast %swap3A_636 : vector<1x16xf32> to vector<16xf32>
      %swap3A_638 = vector.shape_cast %add3A_633 : vector<16xf32> to vector<1x16xf32>
      tpu.vector_store %arg10[%swap3A_634, %swap3A_635], %swap3A_638 {strides = array<i32>} : memref<128x128xf32, #tpu.memory_space<vmem>>, vector<1x16xf32>,
      %get3A_639 = arith.index_cast %scan3A_556 : i32 to index
      %get3A_640 = arith.constant 96 : index
      %get3A_641 = tpu.vector_load %arg10[%get3A_639, %get3A_640] {strides = array<i32>} : memref<128x128xf32, #tpu.memory_space<vmem>>, vector<1x16xf32>,
      %get3A_642 = vector.shape_cast %get3A_641 : vector<1x16xf32> to vector<16xf32>
      %get3A_643 = arith.index_cast %scan3A_556 : i32 to index
      %get3A_644 = arith.constant 96 : index
      %get3A_645 = tpu.vector_load %arg13[%get3A_643, %get3A_644] {strides = array<i32>} : memref<128x128xf32, #tpu.memory_space<vmem>>, vector<1x16xf32>,
      %get3A_646 = vector.shape_cast %get3A_645 : vector<1x16xf32> to vector<16xf32>
      %add3A_647 = arith.addf %get3A_642, %get3A_646 : vector<16xf32>
      %swap3A_648 = arith.index_cast %scan3A_556 : i32 to index
      %swap3A_649 = arith.constant 96 : index
      %swap3A_650 = tpu.vector_load %arg10[%swap3A_648, %swap3A_649] {strides = array<i32>} : memref<128x128xf32, #tpu.memory_space<vmem>>, vector<1x16xf32>,
      %swap3A_651 = vector.shape_cast %swap3A_650 : vector<1x16xf32> to vector<16xf32>
      %swap3A_652 = vector.shape_cast %add3A_647 : vector<16xf32> to vector<1x16xf32>
      tpu.vector_store %arg10[%swap3A_648, %swap3A_649], %swap3A_652 {strides = array<i32>} : memref<128x128xf32, #tpu.memory_space<vmem>>, vector<1x16xf32>,
      %get3A_653 = arith.index_cast %scan3A_556 : i32 to index
      %get3A_654 = arith.constant 112 : index
      %get3A_655 = tpu.vector_load %arg10[%get3A_653, %get3A_654] {strides = array<i32>} : memref<128x128xf32, #tpu.memory_space<vmem>>, vector<1x16xf32>,
      %get3A_656 = vector.shape_cast %get3A_655 : vector<1x16xf32> to vector<16xf32>
      %get3A_657 = arith.index_cast %scan3A_556 : i32 to index
      %get3A_658 = arith.constant 112 : index
      %get3A_659 = tpu.vector_load %arg13[%get3A_657, %get3A_658] {strides = array<i32>} : memref<128x128xf32, #tpu.memory_space<vmem>>, vector<1x16xf32>,
      %get3A_660 = vector.shape_cast %get3A_659 : vector<1x16xf32> to vector<16xf32>
      %add3A_661 = arith.addf %get3A_656, %get3A_660 : vector<16xf32>
      %swap3A_662 = arith.index_cast %scan3A_556 : i32 to index
      %swap3A_663 = arith.constant 112 : index
      %swap3A_664 = tpu.vector_load %arg10[%swap3A_662, %swap3A_663] {strides = array<i32>} : memref<128x128xf32, #tpu.memory_space<vmem>>, vector<1x16xf32>,
      %swap3A_665 = vector.shape_cast %swap3A_664 : vector<1x16xf32> to vector<16xf32>
      %swap3A_666 = vector.shape_cast %add3A_661 : vector<16xf32> to vector<1x16xf32>
      tpu.vector_store %arg10[%swap3A_662, %swap3A_663], %swap3A_666 {strides = array<i32>} : memref<128x128xf32, #tpu.memory_space<vmem>>, vector<1x16xf32>,
    }
    %scan3A_529 = arith.constant 128 : i32
    %add3A_530 = arith.constant 157 : i32
    %add3A_531 = arith.addi %mul3A_2, %add3A_530 : i32
    %mul3A_532 = arith.constant 128 : i32
    %mul3A_533 = arith.muli %add3A_531, %mul3A_532 : i32
    %dma_start3A_534 = arith.constant 0 : i32
    %dma_start3A_535 = tpu.memref_slice %arg6[%mul3A_533, %dma_start3A_534] : memref<647168x128xf32, #tpu.memory_space<hbm>> -> memref<128x128xf32, #tpu.memory_space<hbm>>
    %dma_start3A_536 = arith.constant 0 : i32
    %dma_start3A_537 = tpu.memref_slice %arg6[%mul3A_533, %dma_start3A_536] : memref<647168x128xf32, #tpu.memory_space<hbm>> -> memref<128x128xf32, #tpu.memory_space<hbm>>
    tpu.enqueue_dma source(%arg10 : memref<128x128xf32, #tpu.memory_space<vmem>>) target(%dma_start3A_537 : memref<128x128xf32, #tpu.memory_space<hbm>>) target_semaphore(%arg22 : memref<!tpu.dma_semaphore, #tpu.memory_space<semaphore_mem>>)
    %dma_wait3A_538 = arith.constant 0 : i32
    %dma_wait3A_539 = arith.constant 0 : i32
    %dma_wait3A_540 = tpu.memref_slice %arg6[%dma_wait3A_538, %dma_wait3A_539] : memref<647168x128xf32, #tpu.memory_space<hbm>> -> memref<128x128xf32, #tpu.memory_space<hbm>>
    %dma_wait3A_541 = arith.constant 0 : i32
    %dma_wait3A_542 = arith.constant 0 : i32
    %dma_wait3A_543 = tpu.memref_slice %arg6[%dma_wait3A_541, %dma_wait3A_542] : memref<647168x128xf32, #tpu.memory_space<hbm>> -> memref<128x128xf32, #tpu.memory_space<hbm>>
    tpu.wait_dma2 semaphore(%arg21 : memref<!tpu.dma_semaphore, #tpu.memory_space<semaphore_mem>>) src(%arg9 : memref<128x128xf32, #tpu.memory_space<vmem>>) dst(%dma_wait3A_543 : memref<128x128xf32, #tpu.memory_space<hbm>>)
    %dma_wait3A_544 = arith.constant 0 : i32
    %dma_wait3A_545 = arith.constant 0 : i32
    %dma_wait3A_546 = tpu.memref_slice %arg6[%dma_wait3A_544, %dma_wait3A_545] : memref<647168x128xf32, #tpu.memory_space<hbm>> -> memref<128x128xf32, #tpu.memory_space<hbm>>
    %dma_wait3A_547 = arith.constant 0 : i32
    %dma_wait3A_548 = arith.constant 0 : i32
    %dma_wait3A_549 = tpu.memref_slice %arg6[%dma_wait3A_547, %dma_wait3A_548] : memref<647168x128xf32, #tpu.memory_space<hbm>> -> memref<128x128xf32, #tpu.memory_space<hbm>>
    tpu.wait_dma2 semaphore(%arg22 : memref<!tpu.dma_semaphore, #tpu.memory_space<semaphore_mem>>) src(%arg10 : memref<128x128xf32, #tpu.memory_space<vmem>>) dst(%dma_wait3A_549 : memref<128x128xf32, #tpu.memory_space<hbm>>)
    %dma_wait3A_550 = arith.constant 0 : i32
    %dma_wait3A_551 = arith.constant 0 : i32
    %dma_wait3A_552 = tpu.memref_slice %arg6[%dma_wait3A_550, %dma_wait3A_551] : memref<647168x128xf32, #tpu.memory_space<hbm>> -> memref<128x128xf32, #tpu.memory_space<hbm>>
    %dma_wait3A_553 = arith.constant 0 : i32
    %dma_wait3A_554 = arith.constant 0 : i32
    %dma_wait3A_555 = tpu.memref_slice %arg6[%dma_wait3A_553, %dma_wait3A_554] : memref<647168x128xf32, #tpu.memory_space<hbm>> -> memref<128x128xf32, #tpu.memory_space<hbm>>
    tpu.wait_dma2 semaphore(%arg23 : memref<!tpu.dma_semaphore, #tpu.memory_space<semaphore_mem>>) src(%arg11 : memref<128x128xf32, #tpu.memory_space<vmem>>) dst(%dma_wait3A_555 : memref<128x128xf32, #tpu.memory_space<hbm>>)
    return
  }
}

module attributes {stable_mosaic.version = 14 : i64} {
  func.func @_tc_body(%arg0: i32, %arg1: memref<1024xi32, #tpu.memory_space<smem>>, %arg2: memref<8x632x128xf32, #tpu.memory_space<vmem>>, %arg3: memref<8x1x625xf32, #tpu.memory_space<vmem>>, %arg4: memref<8x1x625xf32, #tpu.memory_space<vmem>>, %arg5: memref<8x1x625xf32, #tpu.memory_space<vmem>>, %arg6: memref<8x6x625xf32, #tpu.memory_space<vmem>>, %arg7: memref<8x1x625xf32, #tpu.memory_space<vmem>>, %arg8: memref<8x1x625xf32, #tpu.memory_space<vmem>>, %arg9: memref<8x147x625xf32, #tpu.memory_space<vmem>>) attributes {dimension_semantics = [#tpu.dimension_semantics<arbitrary>], iteration_bounds = array<i64: 128>, scalar_prefetch = 0 : i64, scratch_operands = 0 : i64, tpu.core_type = #tpu.core_type<tc>, window_params = [{transform_indices = @transform_0, window_bounds = array<i64: 1024>}, {transform_indices = @transform_1, window_bounds = array<i64: 8, 632, 128>}, {transform_indices = @transform_2, window_bounds = array<i64: 8, 1, 625>}, {transform_indices = @transform_3, window_bounds = array<i64: 8, 1, 625>}, {transform_indices = @transform_4, window_bounds = array<i64: 8, 1, 625>}, {transform_indices = @transform_5, window_bounds = array<i64: 8, 6, 625>}, {transform_indices = @transform_6, window_bounds = array<i64: 8, 1, 625>}, {transform_indices = @transform_7, window_bounds = array<i64: 8, 1, 625>}, {transform_indices = @transform_8, window_bounds = array<i64: 8, 147, 625>}]} {
    %mul3A = arith.constant 8 : i32
    %mul3A_0 = arith.muli %arg0, %mul3A : i32
    %iota3A = tpu.iota {dimensions = array<i32: 0>} : vector<128x128xi32>
    %iota3A_1 = tpu.iota {dimensions = array<i32: 1>} : vector<128x128xi32>
    %eq3A = arith.cmpi eq, %iota3A, %iota3A_1 : vector<128x128xi32>
    %jit3A = arith.constant 1.000000e+00 : f32
    %jit3A_2 = arith.constant 0.000000e+00 : f32
    %broadcast_in_dim3A = vector.broadcast %jit3A : f32 to vector<128x128xf32>
    %broadcast_in_dim3A_3 = vector.broadcast %jit3A_2 : f32 to vector<128x128xf32>
    %select_n3A = arith.select %eq3A, %broadcast_in_dim3A, %broadcast_in_dim3A_3 : vector<128x128xi1>, vector<128x128xf32>
    %add3A = arith.constant 0 : i32
    %add3A_4 = arith.addi %mul3A_0, %add3A : i32
    %get3A = arith.index_cast %add3A_4 : i32 to index
    %get3A_5 = memref.load %arg1[%get3A] : memref<1024xi32, #tpu.memory_space<smem>>
    %get3A_6 = arith.constant 0 : index
    %get3A_7 = arith.constant 0 : index
    %get3A_8 = arith.constant 0 : index
    %get3A_9 = vector.load %arg2[%get3A_6, %get3A_7, %get3A_8] : memref<8x632x128xf32, #tpu.memory_space<vmem>>, vector<1x632x128xf32>
    %get3A_10 = vector.shape_cast %get3A_9 : vector<1x632x128xf32> to vector<632x128xf32>
    %dot_general3A = arith.constant dense<0.000000e+00> : vector<128x632xf32>
    %dot_general3A_11 = tpu.matmul %select_n3A, %get3A_10, %dot_general3A {dimension_numbers = #tpu.dot_dimension_numbers<[1], [1], [0], [0], [0, 0, 1, 0], [], []>, transpose_lhs_hint = false} : vector<128x128xf32>, vector<632x128xf32>, vector<128x632xf32> -> vector<128x632xf32>
    %get3A_12 = arith.constant 0 : index
    %get3A_13 = arith.constant 0 : index
    %get3A_14 = arith.constant 0 : index
    %get3A_15 = vector.load %arg5[%get3A_12, %get3A_13, %get3A_14] : memref<8x1x625xf32, #tpu.memory_space<vmem>>, vector<1x1x625xf32>
    %get3A_16 = vector.shape_cast %get3A_15 : vector<1x1x625xf32> to vector<1x625xf32>
    %slice3A = vector.extract_strided_slice %dot_general3A_11 {offsets = [0, 0], sizes = [128, 625], strides = [1, 1]} : vector<128x632xf32> to vector<128x625xf32>
    %mul3A_17 = vector.broadcast %get3A_16 : vector<1x625xf32> to vector<128x625xf32>
    %mul3A_18 = arith.mulf %slice3A, %mul3A_17 : vector<128x625xf32>
    %swap3A = arith.constant 0 : index
    %swap3A_19 = arith.constant 0 : index
    %swap3A_20 = arith.constant 0 : index
    %swap3A_21 = vector.load %arg9[%swap3A, %swap3A_19, %swap3A_20] : memref<8x147x625xf32, #tpu.memory_space<vmem>>, vector<1x128x625xf32>
    %swap3A_22 = vector.shape_cast %swap3A_21 : vector<1x128x625xf32> to vector<128x625xf32>
    %swap3A_23 = vector.shape_cast %mul3A_18 : vector<128x625xf32> to vector<1x128x625xf32>
    tpu.vector_store %arg9[%swap3A, %swap3A_19, %swap3A_20], %swap3A_23 {strides = array<i32>} : memref<8x147x625xf32, #tpu.memory_space<vmem>>, vector<1x128x625xf32>,
    %get3A_24 = arith.constant 0 : index
    %get3A_25 = arith.constant 0 : index
    %get3A_26 = arith.constant 0 : index
    %get3A_27 = vector.load %arg3[%get3A_24, %get3A_25, %get3A_26] : memref<8x1x625xf32, #tpu.memory_space<vmem>>, vector<1x1x625xf32>
    %get3A_28 = vector.shape_cast %get3A_27 : vector<1x1x625xf32> to vector<1x625xf32>
    %mul3A_29 = arith.mulf %get3A_28, %get3A_16 : vector<1x625xf32>
    %swap3A_30 = arith.constant 0 : index
    %swap3A_31 = arith.constant 128 : index
    %swap3A_32 = arith.constant 0 : index
    %swap3A_33 = vector.load %arg9[%swap3A_30, %swap3A_31, %swap3A_32] : memref<8x147x625xf32, #tpu.memory_space<vmem>>, vector<1x1x625xf32>
    %swap3A_34 = vector.shape_cast %swap3A_33 : vector<1x1x625xf32> to vector<1x625xf32>
    %swap3A_35 = vector.shape_cast %mul3A_29 : vector<1x625xf32> to vector<1x1x625xf32>
    tpu.vector_store %arg9[%swap3A_30, %swap3A_31, %swap3A_32], %swap3A_35 {strides = array<i32>} : memref<8x147x625xf32, #tpu.memory_space<vmem>>, vector<1x1x625xf32>,
    %get3A_36 = arith.constant 0 : index
    %get3A_37 = arith.constant 0 : index
    %get3A_38 = arith.constant 0 : index
    %get3A_39 = vector.load %arg4[%get3A_36, %get3A_37, %get3A_38] : memref<8x1x625xf32, #tpu.memory_space<vmem>>, vector<1x1x625xf32>
    %get3A_40 = vector.shape_cast %get3A_39 : vector<1x1x625xf32> to vector<1x625xf32>
    %mul3A_41 = arith.mulf %get3A_40, %get3A_16 : vector<1x625xf32>
    %swap3A_42 = arith.constant 0 : index
    %swap3A_43 = arith.constant 129 : index
    %swap3A_44 = arith.constant 0 : index
    %swap3A_45 = vector.load %arg9[%swap3A_42, %swap3A_43, %swap3A_44] : memref<8x147x625xf32, #tpu.memory_space<vmem>>, vector<1x1x625xf32>
    %swap3A_46 = vector.shape_cast %swap3A_45 : vector<1x1x625xf32> to vector<1x625xf32>
    %swap3A_47 = vector.shape_cast %mul3A_41 : vector<1x625xf32> to vector<1x1x625xf32>
    tpu.vector_store %arg9[%swap3A_42, %swap3A_43, %swap3A_44], %swap3A_47 {strides = array<i32>} : memref<8x147x625xf32, #tpu.memory_space<vmem>>, vector<1x1x625xf32>,
    %mul3A_48 = arith.mulf %get3A_16, %get3A_16 : vector<1x625xf32>
    %swap3A_49 = arith.constant 0 : index
    %swap3A_50 = arith.constant 130 : index
    %swap3A_51 = arith.constant 0 : index
    %swap3A_52 = vector.load %arg9[%swap3A_49, %swap3A_50, %swap3A_51] : memref<8x147x625xf32, #tpu.memory_space<vmem>>, vector<1x1x625xf32>
    %swap3A_53 = vector.shape_cast %swap3A_52 : vector<1x1x625xf32> to vector<1x625xf32>
    %swap3A_54 = vector.shape_cast %mul3A_48 : vector<1x625xf32> to vector<1x1x625xf32>
    tpu.vector_store %arg9[%swap3A_49, %swap3A_50, %swap3A_51], %swap3A_54 {strides = array<i32>} : memref<8x147x625xf32, #tpu.memory_space<vmem>>, vector<1x1x625xf32>,
    %get3A_55 = arith.constant 0 : index
    %get3A_56 = arith.constant 0 : index
    %get3A_57 = arith.constant 0 : index
    %get3A_58 = vector.load %arg6[%get3A_55, %get3A_56, %get3A_57] : memref<8x6x625xf32, #tpu.memory_space<vmem>>, vector<1x6x625xf32>
    %get3A_59 = vector.shape_cast %get3A_58 : vector<1x6x625xf32> to vector<6x625xf32>
    %broadcast_in_dim3A_60 = arith.constant 0.000000e+00 : f32
    %broadcast_in_dim3A_61 = vector.broadcast %broadcast_in_dim3A_60 : f32 to vector<6x625xf32>
    %eq3A_62 = arith.constant 0 : i32
    %eq3A_63 = arith.cmpi eq, %get3A_5, %eq3A_62 : i32
    %jit3A_64 = arith.constant 0.000000e+00 : f32
    %broadcast_in_dim3A_65 = vector.broadcast %jit3A_64 : f32 to vector<6x625xf32>
    %select_n3A_66 = arith.select %eq3A_63, %get3A_59, %broadcast_in_dim3A_65 : vector<6x625xf32>
    %add3A_67 = arith.addf %broadcast_in_dim3A_61, %select_n3A_66 : vector<6x625xf32>
    %slice3A_68 = vector.extract_strided_slice %get3A_59 {offsets = [5, 0], sizes = [1, 625], strides = [1, 1]} : vector<6x625xf32> to vector<1x625xf32>
    %slice3A_69 = vector.extract_strided_slice %get3A_59 {offsets = [0, 0], sizes = [5, 625], strides = [1, 1]} : vector<6x625xf32> to vector<5x625xf32>
    %concatenate3A = tpu.concatenate %slice3A_68, %slice3A_69 in 0 : vector<1x625xf32>, vector<5x625xf32> -> vector<6x625xf32>
    %eq3A_70 = arith.constant 1 : i32
    %eq3A_71 = arith.cmpi eq, %get3A_5, %eq3A_70 : i32
    %jit3A_72 = arith.constant 0.000000e+00 : f32
    %broadcast_in_dim3A_73 = vector.broadcast %jit3A_72 : f32 to vector<6x625xf32>
    %select_n3A_74 = arith.select %eq3A_71, %concatenate3A, %broadcast_in_dim3A_73 : vector<6x625xf32>
    %add3A_75 = arith.addf %add3A_67, %select_n3A_74 : vector<6x625xf32>
    %slice3A_76 = vector.extract_strided_slice %get3A_59 {offsets = [4, 0], sizes = [2, 625], strides = [1, 1]} : vector<6x625xf32> to vector<2x625xf32>
    %slice3A_77 = vector.extract_strided_slice %get3A_59 {offsets = [0, 0], sizes = [4, 625], strides = [1, 1]} : vector<6x625xf32> to vector<4x625xf32>
    %concatenate3A_78 = tpu.concatenate %slice3A_76, %slice3A_77 in 0 : vector<2x625xf32>, vector<4x625xf32> -> vector<6x625xf32>
    %eq3A_79 = arith.constant 2 : i32
    %eq3A_80 = arith.cmpi eq, %get3A_5, %eq3A_79 : i32
    %jit3A_81 = arith.constant 0.000000e+00 : f32
    %broadcast_in_dim3A_82 = vector.broadcast %jit3A_81 : f32 to vector<6x625xf32>
    %select_n3A_83 = arith.select %eq3A_80, %concatenate3A_78, %broadcast_in_dim3A_82 : vector<6x625xf32>
    %add3A_84 = arith.addf %add3A_75, %select_n3A_83 : vector<6x625xf32>
    %slice3A_85 = vector.extract_strided_slice %get3A_59 {offsets = [3, 0], sizes = [3, 625], strides = [1, 1]} : vector<6x625xf32> to vector<3x625xf32>
    %slice3A_86 = vector.extract_strided_slice %get3A_59 {offsets = [0, 0], sizes = [3, 625], strides = [1, 1]} : vector<6x625xf32> to vector<3x625xf32>
    %concatenate3A_87 = tpu.concatenate %slice3A_85, %slice3A_86 in 0 : vector<3x625xf32>, vector<3x625xf32> -> vector<6x625xf32>
    %eq3A_88 = arith.constant 3 : i32
    %eq3A_89 = arith.cmpi eq, %get3A_5, %eq3A_88 : i32
    %jit3A_90 = arith.constant 0.000000e+00 : f32
    %broadcast_in_dim3A_91 = vector.broadcast %jit3A_90 : f32 to vector<6x625xf32>
    %select_n3A_92 = arith.select %eq3A_89, %concatenate3A_87, %broadcast_in_dim3A_91 : vector<6x625xf32>
    %add3A_93 = arith.addf %add3A_84, %select_n3A_92 : vector<6x625xf32>
    %slice3A_94 = vector.extract_strided_slice %get3A_59 {offsets = [2, 0], sizes = [4, 625], strides = [1, 1]} : vector<6x625xf32> to vector<4x625xf32>
    %slice3A_95 = vector.extract_strided_slice %get3A_59 {offsets = [0, 0], sizes = [2, 625], strides = [1, 1]} : vector<6x625xf32> to vector<2x625xf32>
    %concatenate3A_96 = tpu.concatenate %slice3A_94, %slice3A_95 in 0 : vector<4x625xf32>, vector<2x625xf32> -> vector<6x625xf32>
    %eq3A_97 = arith.constant 4 : i32
    %eq3A_98 = arith.cmpi eq, %get3A_5, %eq3A_97 : i32
    %jit3A_99 = arith.constant 0.000000e+00 : f32
    %broadcast_in_dim3A_100 = vector.broadcast %jit3A_99 : f32 to vector<6x625xf32>
    %select_n3A_101 = arith.select %eq3A_98, %concatenate3A_96, %broadcast_in_dim3A_100 : vector<6x625xf32>
    %add3A_102 = arith.addf %add3A_93, %select_n3A_101 : vector<6x625xf32>
    %slice3A_103 = vector.extract_strided_slice %get3A_59 {offsets = [1, 0], sizes = [5, 625], strides = [1, 1]} : vector<6x625xf32> to vector<5x625xf32>
    %slice3A_104 = vector.extract_strided_slice %get3A_59 {offsets = [0, 0], sizes = [1, 625], strides = [1, 1]} : vector<6x625xf32> to vector<1x625xf32>
    %concatenate3A_105 = tpu.concatenate %slice3A_103, %slice3A_104 in 0 : vector<5x625xf32>, vector<1x625xf32> -> vector<6x625xf32>
    %eq3A_106 = arith.constant 5 : i32
    %eq3A_107 = arith.cmpi eq, %get3A_5, %eq3A_106 : i32
    %jit3A_108 = arith.constant 0.000000e+00 : f32
    %broadcast_in_dim3A_109 = vector.broadcast %jit3A_108 : f32 to vector<6x625xf32>
    %select_n3A_110 = arith.select %eq3A_107, %concatenate3A_105, %broadcast_in_dim3A_109 : vector<6x625xf32>
    %add3A_111 = arith.addf %add3A_102, %select_n3A_110 : vector<6x625xf32>
    %mul3A_112 = arith.constant 5.000000e-01 : f32
    %mul3A_113 = vector.broadcast %mul3A_112 : f32 to vector<1x625xf32>
    %mul3A_114 = arith.mulf %mul3A_113, %get3A_16 : vector<1x625xf32>
    %mul3A_115 = vector.broadcast %mul3A_114 : vector<1x625xf32> to vector<6x625xf32>
    %mul3A_116 = arith.mulf %add3A_111, %mul3A_115 : vector<6x625xf32>
    %swap3A_117 = arith.constant 0 : index
    %swap3A_118 = arith.constant 131 : index
    %swap3A_119 = arith.constant 0 : index
    %swap3A_120 = vector.load %arg9[%swap3A_117, %swap3A_118, %swap3A_119] : memref<8x147x625xf32, #tpu.memory_space<vmem>>, vector<1x6x625xf32>
    %swap3A_121 = vector.shape_cast %swap3A_120 : vector<1x6x625xf32> to vector<6x625xf32>
    %swap3A_122 = vector.shape_cast %mul3A_116 : vector<6x625xf32> to vector<1x6x625xf32>
    tpu.vector_store %arg9[%swap3A_117, %swap3A_118, %swap3A_119], %swap3A_122 {strides = array<i32>} : memref<8x147x625xf32, #tpu.memory_space<vmem>>, vector<1x6x625xf32>,
    %reduce_sum3A = arith.constant dense<0.000000e+00> : vector<625xf32>
    %reduce_sum3A_123 = vector.multi_reduction <add>, %get3A_59, %reduce_sum3A [0] : vector<6x625xf32> to vector<625xf32>
    %broadcast_in_dim3A_124 = vector.shape_cast %reduce_sum3A_123 : vector<625xf32> to vector<1x625xf32>
    %mul3A_125 = arith.mulf %broadcast_in_dim3A_124, %get3A_16 : vector<1x625xf32>
    %swap3A_126 = arith.constant 0 : index
    %swap3A_127 = arith.constant 137 : index
    %swap3A_128 = arith.constant 0 : index
    %swap3A_129 = vector.load %arg9[%swap3A_126, %swap3A_127, %swap3A_128] : memref<8x147x625xf32, #tpu.memory_space<vmem>>, vector<1x1x625xf32>
    %swap3A_130 = vector.shape_cast %swap3A_129 : vector<1x1x625xf32> to vector<1x625xf32>
    %swap3A_131 = vector.shape_cast %mul3A_125 : vector<1x625xf32> to vector<1x1x625xf32>
    tpu.vector_store %arg9[%swap3A_126, %swap3A_127, %swap3A_128], %swap3A_131 {strides = array<i32>} : memref<8x147x625xf32, #tpu.memory_space<vmem>>, vector<1x1x625xf32>,
    %get3A_132 = arith.constant 0 : index
    %get3A_133 = arith.constant 0 : index
    %get3A_134 = arith.constant 0 : index
    %get3A_135 = vector.load %arg7[%get3A_132, %get3A_133, %get3A_134] : memref<8x1x625xf32, #tpu.memory_space<vmem>>, vector<1x1x625xf32>
    %get3A_136 = vector.shape_cast %get3A_135 : vector<1x1x625xf32> to vector<1x625xf32>
    %mul3A_137 = arith.mulf %get3A_136, %get3A_16 : vector<1x625xf32>
    %swap3A_138 = arith.constant 0 : index
    %swap3A_139 = arith.constant 138 : index
    %swap3A_140 = arith.constant 0 : index
    %swap3A_141 = vector.load %arg9[%swap3A_138, %swap3A_139, %swap3A_140] : memref<8x147x625xf32, #tpu.memory_space<vmem>>, vector<1x1x625xf32>
    %swap3A_142 = vector.shape_cast %swap3A_141 : vector<1x1x625xf32> to vector<1x625xf32>
    %swap3A_143 = vector.shape_cast %mul3A_137 : vector<1x625xf32> to vector<1x1x625xf32>
    tpu.vector_store %arg9[%swap3A_138, %swap3A_139, %swap3A_140], %swap3A_143 {strides = array<i32>} : memref<8x147x625xf32, #tpu.memory_space<vmem>>, vector<1x1x625xf32>,
    %get3A_144 = arith.constant 0 : index
    %get3A_145 = arith.constant 0 : index
    %get3A_146 = arith.constant 0 : index
    %get3A_147 = vector.load %arg8[%get3A_144, %get3A_145, %get3A_146] : memref<8x1x625xf32, #tpu.memory_space<vmem>>, vector<1x1x625xf32>
    %get3A_148 = vector.shape_cast %get3A_147 : vector<1x1x625xf32> to vector<1x625xf32>
    %mul3A_149 = arith.mulf %get3A_148, %get3A_16 : vector<1x625xf32>
    %swap3A_150 = arith.constant 0 : index
    %swap3A_151 = arith.constant 139 : index
    %swap3A_152 = arith.constant 0 : index
    %swap3A_153 = vector.load %arg9[%swap3A_150, %swap3A_151, %swap3A_152] : memref<8x147x625xf32, #tpu.memory_space<vmem>>, vector<1x1x625xf32>
    %swap3A_154 = vector.shape_cast %swap3A_153 : vector<1x1x625xf32> to vector<1x625xf32>
    %swap3A_155 = vector.shape_cast %mul3A_149 : vector<1x625xf32> to vector<1x1x625xf32>
    tpu.vector_store %arg9[%swap3A_150, %swap3A_151, %swap3A_152], %swap3A_155 {strides = array<i32>} : memref<8x147x625xf32, #tpu.memory_space<vmem>>, vector<1x1x625xf32>,
    %broadcast_in_dim3A_156 = arith.constant 1.000000e+00 : f32
    %broadcast_in_dim3A_157 = vector.broadcast %broadcast_in_dim3A_156 : f32 to vector<1x625xf32>
    %swap3A_158 = arith.constant 0 : index
    %swap3A_159 = arith.constant 140 : index
    %swap3A_160 = arith.constant 0 : index
    %swap3A_161 = vector.load %arg9[%swap3A_158, %swap3A_159, %swap3A_160] : memref<8x147x625xf32, #tpu.memory_space<vmem>>, vector<1x1x625xf32>
    %swap3A_162 = vector.shape_cast %swap3A_161 : vector<1x1x625xf32> to vector<1x625xf32>
    %swap3A_163 = vector.shape_cast %broadcast_in_dim3A_157 : vector<1x625xf32> to vector<1x1x625xf32>
    tpu.vector_store %arg9[%swap3A_158, %swap3A_159, %swap3A_160], %swap3A_163 {strides = array<i32>} : memref<8x147x625xf32, #tpu.memory_space<vmem>>, vector<1x1x625xf32>,
    %iota3A_164 = tpu.iota {dimensions = array<i32: 0>} : vector<6x625xi32>
    %eq3A_165 = vector.broadcast %get3A_5 : i32 to vector<6x625xi32>
    %eq3A_166 = arith.cmpi eq, %iota3A_164, %eq3A_165 : vector<6x625xi32>
    %jit3A_167 = arith.constant 1.000000e+00 : f32
    %jit3A_168 = arith.constant 0.000000e+00 : f32
    %broadcast_in_dim3A_169 = vector.broadcast %jit3A_167 : f32 to vector<6x625xf32>
    %broadcast_in_dim3A_170 = vector.broadcast %jit3A_168 : f32 to vector<6x625xf32>
    %select_n3A_171 = arith.select %eq3A_166, %broadcast_in_dim3A_169, %broadcast_in_dim3A_170 : vector<6x625xi1>, vector<6x625xf32>
    %swap3A_172 = arith.constant 0 : index
    %swap3A_173 = arith.constant 141 : index
    %swap3A_174 = arith.constant 0 : index
    %swap3A_175 = vector.load %arg9[%swap3A_172, %swap3A_173, %swap3A_174] : memref<8x147x625xf32, #tpu.memory_space<vmem>>, vector<1x6x625xf32>
    %swap3A_176 = vector.shape_cast %swap3A_175 : vector<1x6x625xf32> to vector<6x625xf32>
    %swap3A_177 = vector.shape_cast %select_n3A_171 : vector<6x625xf32> to vector<1x6x625xf32>
    tpu.vector_store %arg9[%swap3A_172, %swap3A_173, %swap3A_174], %swap3A_177 {strides = array<i32>} : memref<8x147x625xf32, #tpu.memory_space<vmem>>, vector<1x6x625xf32>,
    %add3A_178 = arith.constant 1 : i32
    %add3A_179 = arith.addi %mul3A_0, %add3A_178 : i32
    %get3A_180 = arith.index_cast %add3A_179 : i32 to index
    %get3A_181 = memref.load %arg1[%get3A_180] : memref<1024xi32, #tpu.memory_space<smem>>
    %get3A_182 = arith.constant 1 : index
    %get3A_183 = arith.constant 0 : index
    %get3A_184 = arith.constant 0 : index
    %get3A_185 = vector.load %arg2[%get3A_182, %get3A_183, %get3A_184] : memref<8x632x128xf32, #tpu.memory_space<vmem>>, vector<1x632x128xf32>
    %get3A_186 = vector.shape_cast %get3A_185 : vector<1x632x128xf32> to vector<632x128xf32>
    %dot_general3A_187 = arith.constant dense<0.000000e+00> : vector<128x632xf32>
    %dot_general3A_188 = tpu.matmul %select_n3A, %get3A_186, %dot_general3A_187 {dimension_numbers = #tpu.dot_dimension_numbers<[1], [1], [0], [0], [0, 0, 1, 0], [], []>, transpose_lhs_hint = false} : vector<128x128xf32>, vector<632x128xf32>, vector<128x632xf32> -> vector<128x632xf32>
    %get3A_189 = arith.constant 1 : index
    %get3A_190 = arith.constant 0 : index
    %get3A_191 = arith.constant 0 : index
    %get3A_192 = vector.load %arg5[%get3A_189, %get3A_190, %get3A_191] : memref<8x1x625xf32, #tpu.memory_space<vmem>>, vector<1x1x625xf32>
    %get3A_193 = vector.shape_cast %get3A_192 : vector<1x1x625xf32> to vector<1x625xf32>
    %slice3A_194 = vector.extract_strided_slice %dot_general3A_188 {offsets = [0, 0], sizes = [128, 625], strides = [1, 1]} : vector<128x632xf32> to vector<128x625xf32>
    %mul3A_195 = vector.broadcast %get3A_193 : vector<1x625xf32> to vector<128x625xf32>
    %mul3A_196 = arith.mulf %slice3A_194, %mul3A_195 : vector<128x625xf32>
    %swap3A_197 = arith.constant 1 : index
    %swap3A_198 = arith.constant 0 : index
    %swap3A_199 = arith.constant 0 : index
    %swap3A_200 = vector.load %arg9[%swap3A_197, %swap3A_198, %swap3A_199] : memref<8x147x625xf32, #tpu.memory_space<vmem>>, vector<1x128x625xf32>
    %swap3A_201 = vector.shape_cast %swap3A_200 : vector<1x128x625xf32> to vector<128x625xf32>
    %swap3A_202 = vector.shape_cast %mul3A_196 : vector<128x625xf32> to vector<1x128x625xf32>
    tpu.vector_store %arg9[%swap3A_197, %swap3A_198, %swap3A_199], %swap3A_202 {strides = array<i32>} : memref<8x147x625xf32, #tpu.memory_space<vmem>>, vector<1x128x625xf32>,
    %get3A_203 = arith.constant 1 : index
    %get3A_204 = arith.constant 0 : index
    %get3A_205 = arith.constant 0 : index
    %get3A_206 = vector.load %arg3[%get3A_203, %get3A_204, %get3A_205] : memref<8x1x625xf32, #tpu.memory_space<vmem>>, vector<1x1x625xf32>
    %get3A_207 = vector.shape_cast %get3A_206 : vector<1x1x625xf32> to vector<1x625xf32>
    %mul3A_208 = arith.mulf %get3A_207, %get3A_193 : vector<1x625xf32>
    %swap3A_209 = arith.constant 1 : index
    %swap3A_210 = arith.constant 128 : index
    %swap3A_211 = arith.constant 0 : index
    %swap3A_212 = vector.load %arg9[%swap3A_209, %swap3A_210, %swap3A_211] : memref<8x147x625xf32, #tpu.memory_space<vmem>>, vector<1x1x625xf32>
    %swap3A_213 = vector.shape_cast %swap3A_212 : vector<1x1x625xf32> to vector<1x625xf32>
    %swap3A_214 = vector.shape_cast %mul3A_208 : vector<1x625xf32> to vector<1x1x625xf32>
    tpu.vector_store %arg9[%swap3A_209, %swap3A_210, %swap3A_211], %swap3A_214 {strides = array<i32>} : memref<8x147x625xf32, #tpu.memory_space<vmem>>, vector<1x1x625xf32>,
    %get3A_215 = arith.constant 1 : index
    %get3A_216 = arith.constant 0 : index
    %get3A_217 = arith.constant 0 : index
    %get3A_218 = vector.load %arg4[%get3A_215, %get3A_216, %get3A_217] : memref<8x1x625xf32, #tpu.memory_space<vmem>>, vector<1x1x625xf32>
    %get3A_219 = vector.shape_cast %get3A_218 : vector<1x1x625xf32> to vector<1x625xf32>
    %mul3A_220 = arith.mulf %get3A_219, %get3A_193 : vector<1x625xf32>
    %swap3A_221 = arith.constant 1 : index
    %swap3A_222 = arith.constant 129 : index
    %swap3A_223 = arith.constant 0 : index
    %swap3A_224 = vector.load %arg9[%swap3A_221, %swap3A_222, %swap3A_223] : memref<8x147x625xf32, #tpu.memory_space<vmem>>, vector<1x1x625xf32>
    %swap3A_225 = vector.shape_cast %swap3A_224 : vector<1x1x625xf32> to vector<1x625xf32>
    %swap3A_226 = vector.shape_cast %mul3A_220 : vector<1x625xf32> to vector<1x1x625xf32>
    tpu.vector_store %arg9[%swap3A_221, %swap3A_222, %swap3A_223], %swap3A_226 {strides = array<i32>} : memref<8x147x625xf32, #tpu.memory_space<vmem>>, vector<1x1x625xf32>,
    %mul3A_227 = arith.mulf %get3A_193, %get3A_193 : vector<1x625xf32>
    %swap3A_228 = arith.constant 1 : index
    %swap3A_229 = arith.constant 130 : index
    %swap3A_230 = arith.constant 0 : index
    %swap3A_231 = vector.load %arg9[%swap3A_228, %swap3A_229, %swap3A_230] : memref<8x147x625xf32, #tpu.memory_space<vmem>>, vector<1x1x625xf32>
    %swap3A_232 = vector.shape_cast %swap3A_231 : vector<1x1x625xf32> to vector<1x625xf32>
    %swap3A_233 = vector.shape_cast %mul3A_227 : vector<1x625xf32> to vector<1x1x625xf32>
    tpu.vector_store %arg9[%swap3A_228, %swap3A_229, %swap3A_230], %swap3A_233 {strides = array<i32>} : memref<8x147x625xf32, #tpu.memory_space<vmem>>, vector<1x1x625xf32>,
    %get3A_234 = arith.constant 1 : index
    %get3A_235 = arith.constant 0 : index
    %get3A_236 = arith.constant 0 : index
    %get3A_237 = vector.load %arg6[%get3A_234, %get3A_235, %get3A_236] : memref<8x6x625xf32, #tpu.memory_space<vmem>>, vector<1x6x625xf32>
    %get3A_238 = vector.shape_cast %get3A_237 : vector<1x6x625xf32> to vector<6x625xf32>
    %broadcast_in_dim3A_239 = arith.constant 0.000000e+00 : f32
    %broadcast_in_dim3A_240 = vector.broadcast %broadcast_in_dim3A_239 : f32 to vector<6x625xf32>
    %eq3A_241 = arith.constant 0 : i32
    %eq3A_242 = arith.cmpi eq, %get3A_181, %eq3A_241 : i32
    %jit3A_243 = arith.constant 0.000000e+00 : f32
    %broadcast_in_dim3A_244 = vector.broadcast %jit3A_243 : f32 to vector<6x625xf32>
    %select_n3A_245 = arith.select %eq3A_242, %get3A_238, %broadcast_in_dim3A_244 : vector<6x625xf32>
    %add3A_246 = arith.addf %broadcast_in_dim3A_240, %select_n3A_245 : vector<6x625xf32>
    %slice3A_247 = vector.extract_strided_slice %get3A_238 {offsets = [5, 0], sizes = [1, 625], strides = [1, 1]} : vector<6x625xf32> to vector<1x625xf32>
    %slice3A_248 = vector.extract_strided_slice %get3A_238 {offsets = [0, 0], sizes = [5, 625], strides = [1, 1]} : vector<6x625xf32> to vector<5x625xf32>
    %concatenate3A_249 = tpu.concatenate %slice3A_247, %slice3A_248 in 0 : vector<1x625xf32>, vector<5x625xf32> -> vector<6x625xf32>
    %eq3A_250 = arith.constant 1 : i32
    %eq3A_251 = arith.cmpi eq, %get3A_181, %eq3A_250 : i32
    %jit3A_252 = arith.constant 0.000000e+00 : f32
    %broadcast_in_dim3A_253 = vector.broadcast %jit3A_252 : f32 to vector<6x625xf32>
    %select_n3A_254 = arith.select %eq3A_251, %concatenate3A_249, %broadcast_in_dim3A_253 : vector<6x625xf32>
    %add3A_255 = arith.addf %add3A_246, %select_n3A_254 : vector<6x625xf32>
    %slice3A_256 = vector.extract_strided_slice %get3A_238 {offsets = [4, 0], sizes = [2, 625], strides = [1, 1]} : vector<6x625xf32> to vector<2x625xf32>
    %slice3A_257 = vector.extract_strided_slice %get3A_238 {offsets = [0, 0], sizes = [4, 625], strides = [1, 1]} : vector<6x625xf32> to vector<4x625xf32>
    %concatenate3A_258 = tpu.concatenate %slice3A_256, %slice3A_257 in 0 : vector<2x625xf32>, vector<4x625xf32> -> vector<6x625xf32>
    %eq3A_259 = arith.constant 2 : i32
    %eq3A_260 = arith.cmpi eq, %get3A_181, %eq3A_259 : i32
    %jit3A_261 = arith.constant 0.000000e+00 : f32
    %broadcast_in_dim3A_262 = vector.broadcast %jit3A_261 : f32 to vector<6x625xf32>
    %select_n3A_263 = arith.select %eq3A_260, %concatenate3A_258, %broadcast_in_dim3A_262 : vector<6x625xf32>
    %add3A_264 = arith.addf %add3A_255, %select_n3A_263 : vector<6x625xf32>
    %slice3A_265 = vector.extract_strided_slice %get3A_238 {offsets = [3, 0], sizes = [3, 625], strides = [1, 1]} : vector<6x625xf32> to vector<3x625xf32>
    %slice3A_266 = vector.extract_strided_slice %get3A_238 {offsets = [0, 0], sizes = [3, 625], strides = [1, 1]} : vector<6x625xf32> to vector<3x625xf32>
    %concatenate3A_267 = tpu.concatenate %slice3A_265, %slice3A_266 in 0 : vector<3x625xf32>, vector<3x625xf32> -> vector<6x625xf32>
    %eq3A_268 = arith.constant 3 : i32
    %eq3A_269 = arith.cmpi eq, %get3A_181, %eq3A_268 : i32
    %jit3A_270 = arith.constant 0.000000e+00 : f32
    %broadcast_in_dim3A_271 = vector.broadcast %jit3A_270 : f32 to vector<6x625xf32>
    %select_n3A_272 = arith.select %eq3A_269, %concatenate3A_267, %broadcast_in_dim3A_271 : vector<6x625xf32>
    %add3A_273 = arith.addf %add3A_264, %select_n3A_272 : vector<6x625xf32>
    %slice3A_274 = vector.extract_strided_slice %get3A_238 {offsets = [2, 0], sizes = [4, 625], strides = [1, 1]} : vector<6x625xf32> to vector<4x625xf32>
    %slice3A_275 = vector.extract_strided_slice %get3A_238 {offsets = [0, 0], sizes = [2, 625], strides = [1, 1]} : vector<6x625xf32> to vector<2x625xf32>
    %concatenate3A_276 = tpu.concatenate %slice3A_274, %slice3A_275 in 0 : vector<4x625xf32>, vector<2x625xf32> -> vector<6x625xf32>
    %eq3A_277 = arith.constant 4 : i32
    %eq3A_278 = arith.cmpi eq, %get3A_181, %eq3A_277 : i32
    %jit3A_279 = arith.constant 0.000000e+00 : f32
    %broadcast_in_dim3A_280 = vector.broadcast %jit3A_279 : f32 to vector<6x625xf32>
    %select_n3A_281 = arith.select %eq3A_278, %concatenate3A_276, %broadcast_in_dim3A_280 : vector<6x625xf32>
    %add3A_282 = arith.addf %add3A_273, %select_n3A_281 : vector<6x625xf32>
    %slice3A_283 = vector.extract_strided_slice %get3A_238 {offsets = [1, 0], sizes = [5, 625], strides = [1, 1]} : vector<6x625xf32> to vector<5x625xf32>
    %slice3A_284 = vector.extract_strided_slice %get3A_238 {offsets = [0, 0], sizes = [1, 625], strides = [1, 1]} : vector<6x625xf32> to vector<1x625xf32>
    %concatenate3A_285 = tpu.concatenate %slice3A_283, %slice3A_284 in 0 : vector<5x625xf32>, vector<1x625xf32> -> vector<6x625xf32>
    %eq3A_286 = arith.constant 5 : i32
    %eq3A_287 = arith.cmpi eq, %get3A_181, %eq3A_286 : i32
    %jit3A_288 = arith.constant 0.000000e+00 : f32
    %broadcast_in_dim3A_289 = vector.broadcast %jit3A_288 : f32 to vector<6x625xf32>
    %select_n3A_290 = arith.select %eq3A_287, %concatenate3A_285, %broadcast_in_dim3A_289 : vector<6x625xf32>
    %add3A_291 = arith.addf %add3A_282, %select_n3A_290 : vector<6x625xf32>
    %mul3A_292 = arith.constant 5.000000e-01 : f32
    %mul3A_293 = vector.broadcast %mul3A_292 : f32 to vector<1x625xf32>
    %mul3A_294 = arith.mulf %mul3A_293, %get3A_193 : vector<1x625xf32>
    %mul3A_295 = vector.broadcast %mul3A_294 : vector<1x625xf32> to vector<6x625xf32>
    %mul3A_296 = arith.mulf %add3A_291, %mul3A_295 : vector<6x625xf32>
    %swap3A_297 = arith.constant 1 : index
    %swap3A_298 = arith.constant 131 : index
    %swap3A_299 = arith.constant 0 : index
    %swap3A_300 = vector.load %arg9[%swap3A_297, %swap3A_298, %swap3A_299] : memref<8x147x625xf32, #tpu.memory_space<vmem>>, vector<1x6x625xf32>
    %swap3A_301 = vector.shape_cast %swap3A_300 : vector<1x6x625xf32> to vector<6x625xf32>
    %swap3A_302 = vector.shape_cast %mul3A_296 : vector<6x625xf32> to vector<1x6x625xf32>
    tpu.vector_store %arg9[%swap3A_297, %swap3A_298, %swap3A_299], %swap3A_302 {strides = array<i32>} : memref<8x147x625xf32, #tpu.memory_space<vmem>>, vector<1x6x625xf32>,
    %reduce_sum3A_303 = arith.constant dense<0.000000e+00> : vector<625xf32>
    %reduce_sum3A_304 = vector.multi_reduction <add>, %get3A_238, %reduce_sum3A_303 [0] : vector<6x625xf32> to vector<625xf32>
    %broadcast_in_dim3A_305 = vector.shape_cast %reduce_sum3A_304 : vector<625xf32> to vector<1x625xf32>
    %mul3A_306 = arith.mulf %broadcast_in_dim3A_305, %get3A_193 : vector<1x625xf32>
    %swap3A_307 = arith.constant 1 : index
    %swap3A_308 = arith.constant 137 : index
    %swap3A_309 = arith.constant 0 : index
    %swap3A_310 = vector.load %arg9[%swap3A_307, %swap3A_308, %swap3A_309] : memref<8x147x625xf32, #tpu.memory_space<vmem>>, vector<1x1x625xf32>
    %swap3A_311 = vector.shape_cast %swap3A_310 : vector<1x1x625xf32> to vector<1x625xf32>
    %swap3A_312 = vector.shape_cast %mul3A_306 : vector<1x625xf32> to vector<1x1x625xf32>
    tpu.vector_store %arg9[%swap3A_307, %swap3A_308, %swap3A_309], %swap3A_312 {strides = array<i32>} : memref<8x147x625xf32, #tpu.memory_space<vmem>>, vector<1x1x625xf32>,
    %get3A_313 = arith.constant 1 : index
    %get3A_314 = arith.constant 0 : index
    %get3A_315 = arith.constant 0 : index
    %get3A_316 = vector.load %arg7[%get3A_313, %get3A_314, %get3A_315] : memref<8x1x625xf32, #tpu.memory_space<vmem>>, vector<1x1x625xf32>
    %get3A_317 = vector.shape_cast %get3A_316 : vector<1x1x625xf32> to vector<1x625xf32>
    %mul3A_318 = arith.mulf %get3A_317, %get3A_193 : vector<1x625xf32>
    %swap3A_319 = arith.constant 1 : index
    %swap3A_320 = arith.constant 138 : index
    %swap3A_321 = arith.constant 0 : index
    %swap3A_322 = vector.load %arg9[%swap3A_319, %swap3A_320, %swap3A_321] : memref<8x147x625xf32, #tpu.memory_space<vmem>>, vector<1x1x625xf32>
    %swap3A_323 = vector.shape_cast %swap3A_322 : vector<1x1x625xf32> to vector<1x625xf32>
    %swap3A_324 = vector.shape_cast %mul3A_318 : vector<1x625xf32> to vector<1x1x625xf32>
    tpu.vector_store %arg9[%swap3A_319, %swap3A_320, %swap3A_321], %swap3A_324 {strides = array<i32>} : memref<8x147x625xf32, #tpu.memory_space<vmem>>, vector<1x1x625xf32>,
    %get3A_325 = arith.constant 1 : index
    %get3A_326 = arith.constant 0 : index
    %get3A_327 = arith.constant 0 : index
    %get3A_328 = vector.load %arg8[%get3A_325, %get3A_326, %get3A_327] : memref<8x1x625xf32, #tpu.memory_space<vmem>>, vector<1x1x625xf32>
    %get3A_329 = vector.shape_cast %get3A_328 : vector<1x1x625xf32> to vector<1x625xf32>
    %mul3A_330 = arith.mulf %get3A_329, %get3A_193 : vector<1x625xf32>
    %swap3A_331 = arith.constant 1 : index
    %swap3A_332 = arith.constant 139 : index
    %swap3A_333 = arith.constant 0 : index
    %swap3A_334 = vector.load %arg9[%swap3A_331, %swap3A_332, %swap3A_333] : memref<8x147x625xf32, #tpu.memory_space<vmem>>, vector<1x1x625xf32>
    %swap3A_335 = vector.shape_cast %swap3A_334 : vector<1x1x625xf32> to vector<1x625xf32>
    %swap3A_336 = vector.shape_cast %mul3A_330 : vector<1x625xf32> to vector<1x1x625xf32>
    tpu.vector_store %arg9[%swap3A_331, %swap3A_332, %swap3A_333], %swap3A_336 {strides = array<i32>} : memref<8x147x625xf32, #tpu.memory_space<vmem>>, vector<1x1x625xf32>,
    %broadcast_in_dim3A_337 = arith.constant 1.000000e+00 : f32
    %broadcast_in_dim3A_338 = vector.broadcast %broadcast_in_dim3A_337 : f32 to vector<1x625xf32>
    %swap3A_339 = arith.constant 1 : index
    %swap3A_340 = arith.constant 140 : index
    %swap3A_341 = arith.constant 0 : index
    %swap3A_342 = vector.load %arg9[%swap3A_339, %swap3A_340, %swap3A_341] : memref<8x147x625xf32, #tpu.memory_space<vmem>>, vector<1x1x625xf32>
    %swap3A_343 = vector.shape_cast %swap3A_342 : vector<1x1x625xf32> to vector<1x625xf32>
    %swap3A_344 = vector.shape_cast %broadcast_in_dim3A_338 : vector<1x625xf32> to vector<1x1x625xf32>
    tpu.vector_store %arg9[%swap3A_339, %swap3A_340, %swap3A_341], %swap3A_344 {strides = array<i32>} : memref<8x147x625xf32, #tpu.memory_space<vmem>>, vector<1x1x625xf32>,
    %iota3A_345 = tpu.iota {dimensions = array<i32: 0>} : vector<6x625xi32>
    %eq3A_346 = vector.broadcast %get3A_181 : i32 to vector<6x625xi32>
    %eq3A_347 = arith.cmpi eq, %iota3A_345, %eq3A_346 : vector<6x625xi32>
    %jit3A_348 = arith.constant 1.000000e+00 : f32
    %jit3A_349 = arith.constant 0.000000e+00 : f32
    %broadcast_in_dim3A_350 = vector.broadcast %jit3A_348 : f32 to vector<6x625xf32>
    %broadcast_in_dim3A_351 = vector.broadcast %jit3A_349 : f32 to vector<6x625xf32>
    %select_n3A_352 = arith.select %eq3A_347, %broadcast_in_dim3A_350, %broadcast_in_dim3A_351 : vector<6x625xi1>, vector<6x625xf32>
    %swap3A_353 = arith.constant 1 : index
    %swap3A_354 = arith.constant 141 : index
    %swap3A_355 = arith.constant 0 : index
    %swap3A_356 = vector.load %arg9[%swap3A_353, %swap3A_354, %swap3A_355] : memref<8x147x625xf32, #tpu.memory_space<vmem>>, vector<1x6x625xf32>
    %swap3A_357 = vector.shape_cast %swap3A_356 : vector<1x6x625xf32> to vector<6x625xf32>
    %swap3A_358 = vector.shape_cast %select_n3A_352 : vector<6x625xf32> to vector<1x6x625xf32>
    tpu.vector_store %arg9[%swap3A_353, %swap3A_354, %swap3A_355], %swap3A_358 {strides = array<i32>} : memref<8x147x625xf32, #tpu.memory_space<vmem>>, vector<1x6x625xf32>,
    %add3A_359 = arith.constant 2 : i32
    %add3A_360 = arith.addi %mul3A_0, %add3A_359 : i32
    %get3A_361 = arith.index_cast %add3A_360 : i32 to index
    %get3A_362 = memref.load %arg1[%get3A_361] : memref<1024xi32, #tpu.memory_space<smem>>
    %get3A_363 = arith.constant 2 : index
    %get3A_364 = arith.constant 0 : index
    %get3A_365 = arith.constant 0 : index
    %get3A_366 = vector.load %arg2[%get3A_363, %get3A_364, %get3A_365] : memref<8x632x128xf32, #tpu.memory_space<vmem>>, vector<1x632x128xf32>
    %get3A_367 = vector.shape_cast %get3A_366 : vector<1x632x128xf32> to vector<632x128xf32>
    %dot_general3A_368 = arith.constant dense<0.000000e+00> : vector<128x632xf32>
    %dot_general3A_369 = tpu.matmul %select_n3A, %get3A_367, %dot_general3A_368 {dimension_numbers = #tpu.dot_dimension_numbers<[1], [1], [0], [0], [0, 0, 1, 0], [], []>, transpose_lhs_hint = false} : vector<128x128xf32>, vector<632x128xf32>, vector<128x632xf32> -> vector<128x632xf32>
    %get3A_370 = arith.constant 2 : index
    %get3A_371 = arith.constant 0 : index
    %get3A_372 = arith.constant 0 : index
    %get3A_373 = vector.load %arg5[%get3A_370, %get3A_371, %get3A_372] : memref<8x1x625xf32, #tpu.memory_space<vmem>>, vector<1x1x625xf32>
    %get3A_374 = vector.shape_cast %get3A_373 : vector<1x1x625xf32> to vector<1x625xf32>
    %slice3A_375 = vector.extract_strided_slice %dot_general3A_369 {offsets = [0, 0], sizes = [128, 625], strides = [1, 1]} : vector<128x632xf32> to vector<128x625xf32>
    %mul3A_376 = vector.broadcast %get3A_374 : vector<1x625xf32> to vector<128x625xf32>
    %mul3A_377 = arith.mulf %slice3A_375, %mul3A_376 : vector<128x625xf32>
    %swap3A_378 = arith.constant 2 : index
    %swap3A_379 = arith.constant 0 : index
    %swap3A_380 = arith.constant 0 : index
    %swap3A_381 = vector.load %arg9[%swap3A_378, %swap3A_379, %swap3A_380] : memref<8x147x625xf32, #tpu.memory_space<vmem>>, vector<1x128x625xf32>
    %swap3A_382 = vector.shape_cast %swap3A_381 : vector<1x128x625xf32> to vector<128x625xf32>
    %swap3A_383 = vector.shape_cast %mul3A_377 : vector<128x625xf32> to vector<1x128x625xf32>
    tpu.vector_store %arg9[%swap3A_378, %swap3A_379, %swap3A_380], %swap3A_383 {strides = array<i32>} : memref<8x147x625xf32, #tpu.memory_space<vmem>>, vector<1x128x625xf32>,
    %get3A_384 = arith.constant 2 : index
    %get3A_385 = arith.constant 0 : index
    %get3A_386 = arith.constant 0 : index
    %get3A_387 = vector.load %arg3[%get3A_384, %get3A_385, %get3A_386] : memref<8x1x625xf32, #tpu.memory_space<vmem>>, vector<1x1x625xf32>
    %get3A_388 = vector.shape_cast %get3A_387 : vector<1x1x625xf32> to vector<1x625xf32>
    %mul3A_389 = arith.mulf %get3A_388, %get3A_374 : vector<1x625xf32>
    %swap3A_390 = arith.constant 2 : index
    %swap3A_391 = arith.constant 128 : index
    %swap3A_392 = arith.constant 0 : index
    %swap3A_393 = vector.load %arg9[%swap3A_390, %swap3A_391, %swap3A_392] : memref<8x147x625xf32, #tpu.memory_space<vmem>>, vector<1x1x625xf32>
    %swap3A_394 = vector.shape_cast %swap3A_393 : vector<1x1x625xf32> to vector<1x625xf32>
    %swap3A_395 = vector.shape_cast %mul3A_389 : vector<1x625xf32> to vector<1x1x625xf32>
    tpu.vector_store %arg9[%swap3A_390, %swap3A_391, %swap3A_392], %swap3A_395 {strides = array<i32>} : memref<8x147x625xf32, #tpu.memory_space<vmem>>, vector<1x1x625xf32>,
    %get3A_396 = arith.constant 2 : index
    %get3A_397 = arith.constant 0 : index
    %get3A_398 = arith.constant 0 : index
    %get3A_399 = vector.load %arg4[%get3A_396, %get3A_397, %get3A_398] : memref<8x1x625xf32, #tpu.memory_space<vmem>>, vector<1x1x625xf32>
    %get3A_400 = vector.shape_cast %get3A_399 : vector<1x1x625xf32> to vector<1x625xf32>
    %mul3A_401 = arith.mulf %get3A_400, %get3A_374 : vector<1x625xf32>
    %swap3A_402 = arith.constant 2 : index
    %swap3A_403 = arith.constant 129 : index
    %swap3A_404 = arith.constant 0 : index
    %swap3A_405 = vector.load %arg9[%swap3A_402, %swap3A_403, %swap3A_404] : memref<8x147x625xf32, #tpu.memory_space<vmem>>, vector<1x1x625xf32>
    %swap3A_406 = vector.shape_cast %swap3A_405 : vector<1x1x625xf32> to vector<1x625xf32>
    %swap3A_407 = vector.shape_cast %mul3A_401 : vector<1x625xf32> to vector<1x1x625xf32>
    tpu.vector_store %arg9[%swap3A_402, %swap3A_403, %swap3A_404], %swap3A_407 {strides = array<i32>} : memref<8x147x625xf32, #tpu.memory_space<vmem>>, vector<1x1x625xf32>,
    %mul3A_408 = arith.mulf %get3A_374, %get3A_374 : vector<1x625xf32>
    %swap3A_409 = arith.constant 2 : index
    %swap3A_410 = arith.constant 130 : index
    %swap3A_411 = arith.constant 0 : index
    %swap3A_412 = vector.load %arg9[%swap3A_409, %swap3A_410, %swap3A_411] : memref<8x147x625xf32, #tpu.memory_space<vmem>>, vector<1x1x625xf32>
    %swap3A_413 = vector.shape_cast %swap3A_412 : vector<1x1x625xf32> to vector<1x625xf32>
    %swap3A_414 = vector.shape_cast %mul3A_408 : vector<1x625xf32> to vector<1x1x625xf32>
    tpu.vector_store %arg9[%swap3A_409, %swap3A_410, %swap3A_411], %swap3A_414 {strides = array<i32>} : memref<8x147x625xf32, #tpu.memory_space<vmem>>, vector<1x1x625xf32>,
    %get3A_415 = arith.constant 2 : index
    %get3A_416 = arith.constant 0 : index
    %get3A_417 = arith.constant 0 : index
    %get3A_418 = vector.load %arg6[%get3A_415, %get3A_416, %get3A_417] : memref<8x6x625xf32, #tpu.memory_space<vmem>>, vector<1x6x625xf32>
    %get3A_419 = vector.shape_cast %get3A_418 : vector<1x6x625xf32> to vector<6x625xf32>
    %broadcast_in_dim3A_420 = arith.constant 0.000000e+00 : f32
    %broadcast_in_dim3A_421 = vector.broadcast %broadcast_in_dim3A_420 : f32 to vector<6x625xf32>
    %eq3A_422 = arith.constant 0 : i32
    %eq3A_423 = arith.cmpi eq, %get3A_362, %eq3A_422 : i32
    %jit3A_424 = arith.constant 0.000000e+00 : f32
    %broadcast_in_dim3A_425 = vector.broadcast %jit3A_424 : f32 to vector<6x625xf32>
    %select_n3A_426 = arith.select %eq3A_423, %get3A_419, %broadcast_in_dim3A_425 : vector<6x625xf32>
    %add3A_427 = arith.addf %broadcast_in_dim3A_421, %select_n3A_426 : vector<6x625xf32>
    %slice3A_428 = vector.extract_strided_slice %get3A_419 {offsets = [5, 0], sizes = [1, 625], strides = [1, 1]} : vector<6x625xf32> to vector<1x625xf32>
    %slice3A_429 = vector.extract_strided_slice %get3A_419 {offsets = [0, 0], sizes = [5, 625], strides = [1, 1]} : vector<6x625xf32> to vector<5x625xf32>
    %concatenate3A_430 = tpu.concatenate %slice3A_428, %slice3A_429 in 0 : vector<1x625xf32>, vector<5x625xf32> -> vector<6x625xf32>
    %eq3A_431 = arith.constant 1 : i32
    %eq3A_432 = arith.cmpi eq, %get3A_362, %eq3A_431 : i32
    %jit3A_433 = arith.constant 0.000000e+00 : f32
    %broadcast_in_dim3A_434 = vector.broadcast %jit3A_433 : f32 to vector<6x625xf32>
    %select_n3A_435 = arith.select %eq3A_432, %concatenate3A_430, %broadcast_in_dim3A_434 : vector<6x625xf32>
    %add3A_436 = arith.addf %add3A_427, %select_n3A_435 : vector<6x625xf32>
    %slice3A_437 = vector.extract_strided_slice %get3A_419 {offsets = [4, 0], sizes = [2, 625], strides = [1, 1]} : vector<6x625xf32> to vector<2x625xf32>
    %slice3A_438 = vector.extract_strided_slice %get3A_419 {offsets = [0, 0], sizes = [4, 625], strides = [1, 1]} : vector<6x625xf32> to vector<4x625xf32>
    %concatenate3A_439 = tpu.concatenate %slice3A_437, %slice3A_438 in 0 : vector<2x625xf32>, vector<4x625xf32> -> vector<6x625xf32>
    %eq3A_440 = arith.constant 2 : i32
    %eq3A_441 = arith.cmpi eq, %get3A_362, %eq3A_440 : i32
    %jit3A_442 = arith.constant 0.000000e+00 : f32
    %broadcast_in_dim3A_443 = vector.broadcast %jit3A_442 : f32 to vector<6x625xf32>
    %select_n3A_444 = arith.select %eq3A_441, %concatenate3A_439, %broadcast_in_dim3A_443 : vector<6x625xf32>
    %add3A_445 = arith.addf %add3A_436, %select_n3A_444 : vector<6x625xf32>
    %slice3A_446 = vector.extract_strided_slice %get3A_419 {offsets = [3, 0], sizes = [3, 625], strides = [1, 1]} : vector<6x625xf32> to vector<3x625xf32>
    %slice3A_447 = vector.extract_strided_slice %get3A_419 {offsets = [0, 0], sizes = [3, 625], strides = [1, 1]} : vector<6x625xf32> to vector<3x625xf32>
    %concatenate3A_448 = tpu.concatenate %slice3A_446, %slice3A_447 in 0 : vector<3x625xf32>, vector<3x625xf32> -> vector<6x625xf32>
    %eq3A_449 = arith.constant 3 : i32
    %eq3A_450 = arith.cmpi eq, %get3A_362, %eq3A_449 : i32
    %jit3A_451 = arith.constant 0.000000e+00 : f32
    %broadcast_in_dim3A_452 = vector.broadcast %jit3A_451 : f32 to vector<6x625xf32>
    %select_n3A_453 = arith.select %eq3A_450, %concatenate3A_448, %broadcast_in_dim3A_452 : vector<6x625xf32>
    %add3A_454 = arith.addf %add3A_445, %select_n3A_453 : vector<6x625xf32>
    %slice3A_455 = vector.extract_strided_slice %get3A_419 {offsets = [2, 0], sizes = [4, 625], strides = [1, 1]} : vector<6x625xf32> to vector<4x625xf32>
    %slice3A_456 = vector.extract_strided_slice %get3A_419 {offsets = [0, 0], sizes = [2, 625], strides = [1, 1]} : vector<6x625xf32> to vector<2x625xf32>
    %concatenate3A_457 = tpu.concatenate %slice3A_455, %slice3A_456 in 0 : vector<4x625xf32>, vector<2x625xf32> -> vector<6x625xf32>
    %eq3A_458 = arith.constant 4 : i32
    %eq3A_459 = arith.cmpi eq, %get3A_362, %eq3A_458 : i32
    %jit3A_460 = arith.constant 0.000000e+00 : f32
    %broadcast_in_dim3A_461 = vector.broadcast %jit3A_460 : f32 to vector<6x625xf32>
    %select_n3A_462 = arith.select %eq3A_459, %concatenate3A_457, %broadcast_in_dim3A_461 : vector<6x625xf32>
    %add3A_463 = arith.addf %add3A_454, %select_n3A_462 : vector<6x625xf32>
    %slice3A_464 = vector.extract_strided_slice %get3A_419 {offsets = [1, 0], sizes = [5, 625], strides = [1, 1]} : vector<6x625xf32> to vector<5x625xf32>
    %slice3A_465 = vector.extract_strided_slice %get3A_419 {offsets = [0, 0], sizes = [1, 625], strides = [1, 1]} : vector<6x625xf32> to vector<1x625xf32>
    %concatenate3A_466 = tpu.concatenate %slice3A_464, %slice3A_465 in 0 : vector<5x625xf32>, vector<1x625xf32> -> vector<6x625xf32>
    %eq3A_467 = arith.constant 5 : i32
    %eq3A_468 = arith.cmpi eq, %get3A_362, %eq3A_467 : i32
    %jit3A_469 = arith.constant 0.000000e+00 : f32
    %broadcast_in_dim3A_470 = vector.broadcast %jit3A_469 : f32 to vector<6x625xf32>
    %select_n3A_471 = arith.select %eq3A_468, %concatenate3A_466, %broadcast_in_dim3A_470 : vector<6x625xf32>
    %add3A_472 = arith.addf %add3A_463, %select_n3A_471 : vector<6x625xf32>
    %mul3A_473 = arith.constant 5.000000e-01 : f32
    %mul3A_474 = vector.broadcast %mul3A_473 : f32 to vector<1x625xf32>
    %mul3A_475 = arith.mulf %mul3A_474, %get3A_374 : vector<1x625xf32>
    %mul3A_476 = vector.broadcast %mul3A_475 : vector<1x625xf32> to vector<6x625xf32>
    %mul3A_477 = arith.mulf %add3A_472, %mul3A_476 : vector<6x625xf32>
    %swap3A_478 = arith.constant 2 : index
    %swap3A_479 = arith.constant 131 : index
    %swap3A_480 = arith.constant 0 : index
    %swap3A_481 = vector.load %arg9[%swap3A_478, %swap3A_479, %swap3A_480] : memref<8x147x625xf32, #tpu.memory_space<vmem>>, vector<1x6x625xf32>
    %swap3A_482 = vector.shape_cast %swap3A_481 : vector<1x6x625xf32> to vector<6x625xf32>
    %swap3A_483 = vector.shape_cast %mul3A_477 : vector<6x625xf32> to vector<1x6x625xf32>
    tpu.vector_store %arg9[%swap3A_478, %swap3A_479, %swap3A_480], %swap3A_483 {strides = array<i32>} : memref<8x147x625xf32, #tpu.memory_space<vmem>>, vector<1x6x625xf32>,
    %reduce_sum3A_484 = arith.constant dense<0.000000e+00> : vector<625xf32>
    %reduce_sum3A_485 = vector.multi_reduction <add>, %get3A_419, %reduce_sum3A_484 [0] : vector<6x625xf32> to vector<625xf32>
    %broadcast_in_dim3A_486 = vector.shape_cast %reduce_sum3A_485 : vector<625xf32> to vector<1x625xf32>
    %mul3A_487 = arith.mulf %broadcast_in_dim3A_486, %get3A_374 : vector<1x625xf32>
    %swap3A_488 = arith.constant 2 : index
    %swap3A_489 = arith.constant 137 : index
    %swap3A_490 = arith.constant 0 : index
    %swap3A_491 = vector.load %arg9[%swap3A_488, %swap3A_489, %swap3A_490] : memref<8x147x625xf32, #tpu.memory_space<vmem>>, vector<1x1x625xf32>
    %swap3A_492 = vector.shape_cast %swap3A_491 : vector<1x1x625xf32> to vector<1x625xf32>
    %swap3A_493 = vector.shape_cast %mul3A_487 : vector<1x625xf32> to vector<1x1x625xf32>
    tpu.vector_store %arg9[%swap3A_488, %swap3A_489, %swap3A_490], %swap3A_493 {strides = array<i32>} : memref<8x147x625xf32, #tpu.memory_space<vmem>>, vector<1x1x625xf32>,
    %get3A_494 = arith.constant 2 : index
    %get3A_495 = arith.constant 0 : index
    %get3A_496 = arith.constant 0 : index
    %get3A_497 = vector.load %arg7[%get3A_494, %get3A_495, %get3A_496] : memref<8x1x625xf32, #tpu.memory_space<vmem>>, vector<1x1x625xf32>
    %get3A_498 = vector.shape_cast %get3A_497 : vector<1x1x625xf32> to vector<1x625xf32>
    %mul3A_499 = arith.mulf %get3A_498, %get3A_374 : vector<1x625xf32>
    %swap3A_500 = arith.constant 2 : index
    %swap3A_501 = arith.constant 138 : index
    %swap3A_502 = arith.constant 0 : index
    %swap3A_503 = vector.load %arg9[%swap3A_500, %swap3A_501, %swap3A_502] : memref<8x147x625xf32, #tpu.memory_space<vmem>>, vector<1x1x625xf32>
    %swap3A_504 = vector.shape_cast %swap3A_503 : vector<1x1x625xf32> to vector<1x625xf32>
    %swap3A_505 = vector.shape_cast %mul3A_499 : vector<1x625xf32> to vector<1x1x625xf32>
    tpu.vector_store %arg9[%swap3A_500, %swap3A_501, %swap3A_502], %swap3A_505 {strides = array<i32>} : memref<8x147x625xf32, #tpu.memory_space<vmem>>, vector<1x1x625xf32>,
    %get3A_506 = arith.constant 2 : index
    %get3A_507 = arith.constant 0 : index
    %get3A_508 = arith.constant 0 : index
    %get3A_509 = vector.load %arg8[%get3A_506, %get3A_507, %get3A_508] : memref<8x1x625xf32, #tpu.memory_space<vmem>>, vector<1x1x625xf32>
    %get3A_510 = vector.shape_cast %get3A_509 : vector<1x1x625xf32> to vector<1x625xf32>
    %mul3A_511 = arith.mulf %get3A_510, %get3A_374 : vector<1x625xf32>
    %swap3A_512 = arith.constant 2 : index
    %swap3A_513 = arith.constant 139 : index
    %swap3A_514 = arith.constant 0 : index
    %swap3A_515 = vector.load %arg9[%swap3A_512, %swap3A_513, %swap3A_514] : memref<8x147x625xf32, #tpu.memory_space<vmem>>, vector<1x1x625xf32>
    %swap3A_516 = vector.shape_cast %swap3A_515 : vector<1x1x625xf32> to vector<1x625xf32>
    %swap3A_517 = vector.shape_cast %mul3A_511 : vector<1x625xf32> to vector<1x1x625xf32>
    tpu.vector_store %arg9[%swap3A_512, %swap3A_513, %swap3A_514], %swap3A_517 {strides = array<i32>} : memref<8x147x625xf32, #tpu.memory_space<vmem>>, vector<1x1x625xf32>,
    %broadcast_in_dim3A_518 = arith.constant 1.000000e+00 : f32
    %broadcast_in_dim3A_519 = vector.broadcast %broadcast_in_dim3A_518 : f32 to vector<1x625xf32>
    %swap3A_520 = arith.constant 2 : index
    %swap3A_521 = arith.constant 140 : index
    %swap3A_522 = arith.constant 0 : index
    %swap3A_523 = vector.load %arg9[%swap3A_520, %swap3A_521, %swap3A_522] : memref<8x147x625xf32, #tpu.memory_space<vmem>>, vector<1x1x625xf32>
    %swap3A_524 = vector.shape_cast %swap3A_523 : vector<1x1x625xf32> to vector<1x625xf32>
    %swap3A_525 = vector.shape_cast %broadcast_in_dim3A_519 : vector<1x625xf32> to vector<1x1x625xf32>
    tpu.vector_store %arg9[%swap3A_520, %swap3A_521, %swap3A_522], %swap3A_525 {strides = array<i32>} : memref<8x147x625xf32, #tpu.memory_space<vmem>>, vector<1x1x625xf32>,
    %iota3A_526 = tpu.iota {dimensions = array<i32: 0>} : vector<6x625xi32>
    %eq3A_527 = vector.broadcast %get3A_362 : i32 to vector<6x625xi32>
    %eq3A_528 = arith.cmpi eq, %iota3A_526, %eq3A_527 : vector<6x625xi32>
    %jit3A_529 = arith.constant 1.000000e+00 : f32
    %jit3A_530 = arith.constant 0.000000e+00 : f32
    %broadcast_in_dim3A_531 = vector.broadcast %jit3A_529 : f32 to vector<6x625xf32>
    %broadcast_in_dim3A_532 = vector.broadcast %jit3A_530 : f32 to vector<6x625xf32>
    %select_n3A_533 = arith.select %eq3A_528, %broadcast_in_dim3A_531, %broadcast_in_dim3A_532 : vector<6x625xi1>, vector<6x625xf32>
    %swap3A_534 = arith.constant 2 : index
    %swap3A_535 = arith.constant 141 : index
    %swap3A_536 = arith.constant 0 : index
    %swap3A_537 = vector.load %arg9[%swap3A_534, %swap3A_535, %swap3A_536] : memref<8x147x625xf32, #tpu.memory_space<vmem>>, vector<1x6x625xf32>
    %swap3A_538 = vector.shape_cast %swap3A_537 : vector<1x6x625xf32> to vector<6x625xf32>
    %swap3A_539 = vector.shape_cast %select_n3A_533 : vector<6x625xf32> to vector<1x6x625xf32>
    tpu.vector_store %arg9[%swap3A_534, %swap3A_535, %swap3A_536], %swap3A_539 {strides = array<i32>} : memref<8x147x625xf32, #tpu.memory_space<vmem>>, vector<1x6x625xf32>,
    %add3A_540 = arith.constant 3 : i32
    %add3A_541 = arith.addi %mul3A_0, %add3A_540 : i32
    %get3A_542 = arith.index_cast %add3A_541 : i32 to index
    %get3A_543 = memref.load %arg1[%get3A_542] : memref<1024xi32, #tpu.memory_space<smem>>
    %get3A_544 = arith.constant 3 : index
    %get3A_545 = arith.constant 0 : index
    %get3A_546 = arith.constant 0 : index
    %get3A_547 = vector.load %arg2[%get3A_544, %get3A_545, %get3A_546] : memref<8x632x128xf32, #tpu.memory_space<vmem>>, vector<1x632x128xf32>
    %get3A_548 = vector.shape_cast %get3A_547 : vector<1x632x128xf32> to vector<632x128xf32>
    %dot_general3A_549 = arith.constant dense<0.000000e+00> : vector<128x632xf32>
    %dot_general3A_550 = tpu.matmul %select_n3A, %get3A_548, %dot_general3A_549 {dimension_numbers = #tpu.dot_dimension_numbers<[1], [1], [0], [0], [0, 0, 1, 0], [], []>, transpose_lhs_hint = false} : vector<128x128xf32>, vector<632x128xf32>, vector<128x632xf32> -> vector<128x632xf32>
    %get3A_551 = arith.constant 3 : index
    %get3A_552 = arith.constant 0 : index
    %get3A_553 = arith.constant 0 : index
    %get3A_554 = vector.load %arg5[%get3A_551, %get3A_552, %get3A_553] : memref<8x1x625xf32, #tpu.memory_space<vmem>>, vector<1x1x625xf32>
    %get3A_555 = vector.shape_cast %get3A_554 : vector<1x1x625xf32> to vector<1x625xf32>
    %slice3A_556 = vector.extract_strided_slice %dot_general3A_550 {offsets = [0, 0], sizes = [128, 625], strides = [1, 1]} : vector<128x632xf32> to vector<128x625xf32>
    %mul3A_557 = vector.broadcast %get3A_555 : vector<1x625xf32> to vector<128x625xf32>
    %mul3A_558 = arith.mulf %slice3A_556, %mul3A_557 : vector<128x625xf32>
    %swap3A_559 = arith.constant 3 : index
    %swap3A_560 = arith.constant 0 : index
    %swap3A_561 = arith.constant 0 : index
    %swap3A_562 = vector.load %arg9[%swap3A_559, %swap3A_560, %swap3A_561] : memref<8x147x625xf32, #tpu.memory_space<vmem>>, vector<1x128x625xf32>
    %swap3A_563 = vector.shape_cast %swap3A_562 : vector<1x128x625xf32> to vector<128x625xf32>
    %swap3A_564 = vector.shape_cast %mul3A_558 : vector<128x625xf32> to vector<1x128x625xf32>
    tpu.vector_store %arg9[%swap3A_559, %swap3A_560, %swap3A_561], %swap3A_564 {strides = array<i32>} : memref<8x147x625xf32, #tpu.memory_space<vmem>>, vector<1x128x625xf32>,
    %get3A_565 = arith.constant 3 : index
    %get3A_566 = arith.constant 0 : index
    %get3A_567 = arith.constant 0 : index
    %get3A_568 = vector.load %arg3[%get3A_565, %get3A_566, %get3A_567] : memref<8x1x625xf32, #tpu.memory_space<vmem>>, vector<1x1x625xf32>
    %get3A_569 = vector.shape_cast %get3A_568 : vector<1x1x625xf32> to vector<1x625xf32>
    %mul3A_570 = arith.mulf %get3A_569, %get3A_555 : vector<1x625xf32>
    %swap3A_571 = arith.constant 3 : index
    %swap3A_572 = arith.constant 128 : index
    %swap3A_573 = arith.constant 0 : index
    %swap3A_574 = vector.load %arg9[%swap3A_571, %swap3A_572, %swap3A_573] : memref<8x147x625xf32, #tpu.memory_space<vmem>>, vector<1x1x625xf32>
    %swap3A_575 = vector.shape_cast %swap3A_574 : vector<1x1x625xf32> to vector<1x625xf32>
    %swap3A_576 = vector.shape_cast %mul3A_570 : vector<1x625xf32> to vector<1x1x625xf32>
    tpu.vector_store %arg9[%swap3A_571, %swap3A_572, %swap3A_573], %swap3A_576 {strides = array<i32>} : memref<8x147x625xf32, #tpu.memory_space<vmem>>, vector<1x1x625xf32>,
    %get3A_577 = arith.constant 3 : index
    %get3A_578 = arith.constant 0 : index
    %get3A_579 = arith.constant 0 : index
    %get3A_580 = vector.load %arg4[%get3A_577, %get3A_578, %get3A_579] : memref<8x1x625xf32, #tpu.memory_space<vmem>>, vector<1x1x625xf32>
    %get3A_581 = vector.shape_cast %get3A_580 : vector<1x1x625xf32> to vector<1x625xf32>
    %mul3A_582 = arith.mulf %get3A_581, %get3A_555 : vector<1x625xf32>
    %swap3A_583 = arith.constant 3 : index
    %swap3A_584 = arith.constant 129 : index
    %swap3A_585 = arith.constant 0 : index
    %swap3A_586 = vector.load %arg9[%swap3A_583, %swap3A_584, %swap3A_585] : memref<8x147x625xf32, #tpu.memory_space<vmem>>, vector<1x1x625xf32>
    %swap3A_587 = vector.shape_cast %swap3A_586 : vector<1x1x625xf32> to vector<1x625xf32>
    %swap3A_588 = vector.shape_cast %mul3A_582 : vector<1x625xf32> to vector<1x1x625xf32>
    tpu.vector_store %arg9[%swap3A_583, %swap3A_584, %swap3A_585], %swap3A_588 {strides = array<i32>} : memref<8x147x625xf32, #tpu.memory_space<vmem>>, vector<1x1x625xf32>,
    %mul3A_589 = arith.mulf %get3A_555, %get3A_555 : vector<1x625xf32>
    %swap3A_590 = arith.constant 3 : index
    %swap3A_591 = arith.constant 130 : index
    %swap3A_592 = arith.constant 0 : index
    %swap3A_593 = vector.load %arg9[%swap3A_590, %swap3A_591, %swap3A_592] : memref<8x147x625xf32, #tpu.memory_space<vmem>>, vector<1x1x625xf32>
    %swap3A_594 = vector.shape_cast %swap3A_593 : vector<1x1x625xf32> to vector<1x625xf32>
    %swap3A_595 = vector.shape_cast %mul3A_589 : vector<1x625xf32> to vector<1x1x625xf32>
    tpu.vector_store %arg9[%swap3A_590, %swap3A_591, %swap3A_592], %swap3A_595 {strides = array<i32>} : memref<8x147x625xf32, #tpu.memory_space<vmem>>, vector<1x1x625xf32>,
    %get3A_596 = arith.constant 3 : index
    %get3A_597 = arith.constant 0 : index
    %get3A_598 = arith.constant 0 : index
    %get3A_599 = vector.load %arg6[%get3A_596, %get3A_597, %get3A_598] : memref<8x6x625xf32, #tpu.memory_space<vmem>>, vector<1x6x625xf32>
    %get3A_600 = vector.shape_cast %get3A_599 : vector<1x6x625xf32> to vector<6x625xf32>
    %broadcast_in_dim3A_601 = arith.constant 0.000000e+00 : f32
    %broadcast_in_dim3A_602 = vector.broadcast %broadcast_in_dim3A_601 : f32 to vector<6x625xf32>
    %eq3A_603 = arith.constant 0 : i32
    %eq3A_604 = arith.cmpi eq, %get3A_543, %eq3A_603 : i32
    %jit3A_605 = arith.constant 0.000000e+00 : f32
    %broadcast_in_dim3A_606 = vector.broadcast %jit3A_605 : f32 to vector<6x625xf32>
    %select_n3A_607 = arith.select %eq3A_604, %get3A_600, %broadcast_in_dim3A_606 : vector<6x625xf32>
    %add3A_608 = arith.addf %broadcast_in_dim3A_602, %select_n3A_607 : vector<6x625xf32>
    %slice3A_609 = vector.extract_strided_slice %get3A_600 {offsets = [5, 0], sizes = [1, 625], strides = [1, 1]} : vector<6x625xf32> to vector<1x625xf32>
    %slice3A_610 = vector.extract_strided_slice %get3A_600 {offsets = [0, 0], sizes = [5, 625], strides = [1, 1]} : vector<6x625xf32> to vector<5x625xf32>
    %concatenate3A_611 = tpu.concatenate %slice3A_609, %slice3A_610 in 0 : vector<1x625xf32>, vector<5x625xf32> -> vector<6x625xf32>
    %eq3A_612 = arith.constant 1 : i32
    %eq3A_613 = arith.cmpi eq, %get3A_543, %eq3A_612 : i32
    %jit3A_614 = arith.constant 0.000000e+00 : f32
    %broadcast_in_dim3A_615 = vector.broadcast %jit3A_614 : f32 to vector<6x625xf32>
    %select_n3A_616 = arith.select %eq3A_613, %concatenate3A_611, %broadcast_in_dim3A_615 : vector<6x625xf32>
    %add3A_617 = arith.addf %add3A_608, %select_n3A_616 : vector<6x625xf32>
    %slice3A_618 = vector.extract_strided_slice %get3A_600 {offsets = [4, 0], sizes = [2, 625], strides = [1, 1]} : vector<6x625xf32> to vector<2x625xf32>
    %slice3A_619 = vector.extract_strided_slice %get3A_600 {offsets = [0, 0], sizes = [4, 625], strides = [1, 1]} : vector<6x625xf32> to vector<4x625xf32>
    %concatenate3A_620 = tpu.concatenate %slice3A_618, %slice3A_619 in 0 : vector<2x625xf32>, vector<4x625xf32> -> vector<6x625xf32>
    %eq3A_621 = arith.constant 2 : i32
    %eq3A_622 = arith.cmpi eq, %get3A_543, %eq3A_621 : i32
    %jit3A_623 = arith.constant 0.000000e+00 : f32
    %broadcast_in_dim3A_624 = vector.broadcast %jit3A_623 : f32 to vector<6x625xf32>
    %select_n3A_625 = arith.select %eq3A_622, %concatenate3A_620, %broadcast_in_dim3A_624 : vector<6x625xf32>
    %add3A_626 = arith.addf %add3A_617, %select_n3A_625 : vector<6x625xf32>
    %slice3A_627 = vector.extract_strided_slice %get3A_600 {offsets = [3, 0], sizes = [3, 625], strides = [1, 1]} : vector<6x625xf32> to vector<3x625xf32>
    %slice3A_628 = vector.extract_strided_slice %get3A_600 {offsets = [0, 0], sizes = [3, 625], strides = [1, 1]} : vector<6x625xf32> to vector<3x625xf32>
    %concatenate3A_629 = tpu.concatenate %slice3A_627, %slice3A_628 in 0 : vector<3x625xf32>, vector<3x625xf32> -> vector<6x625xf32>
    %eq3A_630 = arith.constant 3 : i32
    %eq3A_631 = arith.cmpi eq, %get3A_543, %eq3A_630 : i32
    %jit3A_632 = arith.constant 0.000000e+00 : f32
    %broadcast_in_dim3A_633 = vector.broadcast %jit3A_632 : f32 to vector<6x625xf32>
    %select_n3A_634 = arith.select %eq3A_631, %concatenate3A_629, %broadcast_in_dim3A_633 : vector<6x625xf32>
    %add3A_635 = arith.addf %add3A_626, %select_n3A_634 : vector<6x625xf32>
    %slice3A_636 = vector.extract_strided_slice %get3A_600 {offsets = [2, 0], sizes = [4, 625], strides = [1, 1]} : vector<6x625xf32> to vector<4x625xf32>
    %slice3A_637 = vector.extract_strided_slice %get3A_600 {offsets = [0, 0], sizes = [2, 625], strides = [1, 1]} : vector<6x625xf32> to vector<2x625xf32>
    %concatenate3A_638 = tpu.concatenate %slice3A_636, %slice3A_637 in 0 : vector<4x625xf32>, vector<2x625xf32> -> vector<6x625xf32>
    %eq3A_639 = arith.constant 4 : i32
    %eq3A_640 = arith.cmpi eq, %get3A_543, %eq3A_639 : i32
    %jit3A_641 = arith.constant 0.000000e+00 : f32
    %broadcast_in_dim3A_642 = vector.broadcast %jit3A_641 : f32 to vector<6x625xf32>
    %select_n3A_643 = arith.select %eq3A_640, %concatenate3A_638, %broadcast_in_dim3A_642 : vector<6x625xf32>
    %add3A_644 = arith.addf %add3A_635, %select_n3A_643 : vector<6x625xf32>
    %slice3A_645 = vector.extract_strided_slice %get3A_600 {offsets = [1, 0], sizes = [5, 625], strides = [1, 1]} : vector<6x625xf32> to vector<5x625xf32>
    %slice3A_646 = vector.extract_strided_slice %get3A_600 {offsets = [0, 0], sizes = [1, 625], strides = [1, 1]} : vector<6x625xf32> to vector<1x625xf32>
    %concatenate3A_647 = tpu.concatenate %slice3A_645, %slice3A_646 in 0 : vector<5x625xf32>, vector<1x625xf32> -> vector<6x625xf32>
    %eq3A_648 = arith.constant 5 : i32
    %eq3A_649 = arith.cmpi eq, %get3A_543, %eq3A_648 : i32
    %jit3A_650 = arith.constant 0.000000e+00 : f32
    %broadcast_in_dim3A_651 = vector.broadcast %jit3A_650 : f32 to vector<6x625xf32>
    %select_n3A_652 = arith.select %eq3A_649, %concatenate3A_647, %broadcast_in_dim3A_651 : vector<6x625xf32>
    %add3A_653 = arith.addf %add3A_644, %select_n3A_652 : vector<6x625xf32>
    %mul3A_654 = arith.constant 5.000000e-01 : f32
    %mul3A_655 = vector.broadcast %mul3A_654 : f32 to vector<1x625xf32>
    %mul3A_656 = arith.mulf %mul3A_655, %get3A_555 : vector<1x625xf32>
    %mul3A_657 = vector.broadcast %mul3A_656 : vector<1x625xf32> to vector<6x625xf32>
    %mul3A_658 = arith.mulf %add3A_653, %mul3A_657 : vector<6x625xf32>
    %swap3A_659 = arith.constant 3 : index
    %swap3A_660 = arith.constant 131 : index
    %swap3A_661 = arith.constant 0 : index
    %swap3A_662 = vector.load %arg9[%swap3A_659, %swap3A_660, %swap3A_661] : memref<8x147x625xf32, #tpu.memory_space<vmem>>, vector<1x6x625xf32>
    %swap3A_663 = vector.shape_cast %swap3A_662 : vector<1x6x625xf32> to vector<6x625xf32>
    %swap3A_664 = vector.shape_cast %mul3A_658 : vector<6x625xf32> to vector<1x6x625xf32>
    tpu.vector_store %arg9[%swap3A_659, %swap3A_660, %swap3A_661], %swap3A_664 {strides = array<i32>} : memref<8x147x625xf32, #tpu.memory_space<vmem>>, vector<1x6x625xf32>,
    %reduce_sum3A_665 = arith.constant dense<0.000000e+00> : vector<625xf32>
    %reduce_sum3A_666 = vector.multi_reduction <add>, %get3A_600, %reduce_sum3A_665 [0] : vector<6x625xf32> to vector<625xf32>
    %broadcast_in_dim3A_667 = vector.shape_cast %reduce_sum3A_666 : vector<625xf32> to vector<1x625xf32>
    %mul3A_668 = arith.mulf %broadcast_in_dim3A_667, %get3A_555 : vector<1x625xf32>
    %swap3A_669 = arith.constant 3 : index
    %swap3A_670 = arith.constant 137 : index
    %swap3A_671 = arith.constant 0 : index
    %swap3A_672 = vector.load %arg9[%swap3A_669, %swap3A_670, %swap3A_671] : memref<8x147x625xf32, #tpu.memory_space<vmem>>, vector<1x1x625xf32>
    %swap3A_673 = vector.shape_cast %swap3A_672 : vector<1x1x625xf32> to vector<1x625xf32>
    %swap3A_674 = vector.shape_cast %mul3A_668 : vector<1x625xf32> to vector<1x1x625xf32>
    tpu.vector_store %arg9[%swap3A_669, %swap3A_670, %swap3A_671], %swap3A_674 {strides = array<i32>} : memref<8x147x625xf32, #tpu.memory_space<vmem>>, vector<1x1x625xf32>,
    %get3A_675 = arith.constant 3 : index
    %get3A_676 = arith.constant 0 : index
    %get3A_677 = arith.constant 0 : index
    %get3A_678 = vector.load %arg7[%get3A_675, %get3A_676, %get3A_677] : memref<8x1x625xf32, #tpu.memory_space<vmem>>, vector<1x1x625xf32>
    %get3A_679 = vector.shape_cast %get3A_678 : vector<1x1x625xf32> to vector<1x625xf32>
    %mul3A_680 = arith.mulf %get3A_679, %get3A_555 : vector<1x625xf32>
    %swap3A_681 = arith.constant 3 : index
    %swap3A_682 = arith.constant 138 : index
    %swap3A_683 = arith.constant 0 : index
    %swap3A_684 = vector.load %arg9[%swap3A_681, %swap3A_682, %swap3A_683] : memref<8x147x625xf32, #tpu.memory_space<vmem>>, vector<1x1x625xf32>
    %swap3A_685 = vector.shape_cast %swap3A_684 : vector<1x1x625xf32> to vector<1x625xf32>
    %swap3A_686 = vector.shape_cast %mul3A_680 : vector<1x625xf32> to vector<1x1x625xf32>
    tpu.vector_store %arg9[%swap3A_681, %swap3A_682, %swap3A_683], %swap3A_686 {strides = array<i32>} : memref<8x147x625xf32, #tpu.memory_space<vmem>>, vector<1x1x625xf32>,
    %get3A_687 = arith.constant 3 : index
    %get3A_688 = arith.constant 0 : index
    %get3A_689 = arith.constant 0 : index
    %get3A_690 = vector.load %arg8[%get3A_687, %get3A_688, %get3A_689] : memref<8x1x625xf32, #tpu.memory_space<vmem>>, vector<1x1x625xf32>
    %get3A_691 = vector.shape_cast %get3A_690 : vector<1x1x625xf32> to vector<1x625xf32>
    %mul3A_692 = arith.mulf %get3A_691, %get3A_555 : vector<1x625xf32>
    %swap3A_693 = arith.constant 3 : index
    %swap3A_694 = arith.constant 139 : index
    %swap3A_695 = arith.constant 0 : index
    %swap3A_696 = vector.load %arg9[%swap3A_693, %swap3A_694, %swap3A_695] : memref<8x147x625xf32, #tpu.memory_space<vmem>>, vector<1x1x625xf32>
    %swap3A_697 = vector.shape_cast %swap3A_696 : vector<1x1x625xf32> to vector<1x625xf32>
    %swap3A_698 = vector.shape_cast %mul3A_692 : vector<1x625xf32> to vector<1x1x625xf32>
    tpu.vector_store %arg9[%swap3A_693, %swap3A_694, %swap3A_695], %swap3A_698 {strides = array<i32>} : memref<8x147x625xf32, #tpu.memory_space<vmem>>, vector<1x1x625xf32>,
    %broadcast_in_dim3A_699 = arith.constant 1.000000e+00 : f32
    %broadcast_in_dim3A_700 = vector.broadcast %broadcast_in_dim3A_699 : f32 to vector<1x625xf32>
    %swap3A_701 = arith.constant 3 : index
    %swap3A_702 = arith.constant 140 : index
    %swap3A_703 = arith.constant 0 : index
    %swap3A_704 = vector.load %arg9[%swap3A_701, %swap3A_702, %swap3A_703] : memref<8x147x625xf32, #tpu.memory_space<vmem>>, vector<1x1x625xf32>
    %swap3A_705 = vector.shape_cast %swap3A_704 : vector<1x1x625xf32> to vector<1x625xf32>
    %swap3A_706 = vector.shape_cast %broadcast_in_dim3A_700 : vector<1x625xf32> to vector<1x1x625xf32>
    tpu.vector_store %arg9[%swap3A_701, %swap3A_702, %swap3A_703], %swap3A_706 {strides = array<i32>} : memref<8x147x625xf32, #tpu.memory_space<vmem>>, vector<1x1x625xf32>,
    %iota3A_707 = tpu.iota {dimensions = array<i32: 0>} : vector<6x625xi32>
    %eq3A_708 = vector.broadcast %get3A_543 : i32 to vector<6x625xi32>
    %eq3A_709 = arith.cmpi eq, %iota3A_707, %eq3A_708 : vector<6x625xi32>
    %jit3A_710 = arith.constant 1.000000e+00 : f32
    %jit3A_711 = arith.constant 0.000000e+00 : f32
    %broadcast_in_dim3A_712 = vector.broadcast %jit3A_710 : f32 to vector<6x625xf32>
    %broadcast_in_dim3A_713 = vector.broadcast %jit3A_711 : f32 to vector<6x625xf32>
    %select_n3A_714 = arith.select %eq3A_709, %broadcast_in_dim3A_712, %broadcast_in_dim3A_713 : vector<6x625xi1>, vector<6x625xf32>
    %swap3A_715 = arith.constant 3 : index
    %swap3A_716 = arith.constant 141 : index
    %swap3A_717 = arith.constant 0 : index
    %swap3A_718 = vector.load %arg9[%swap3A_715, %swap3A_716, %swap3A_717] : memref<8x147x625xf32, #tpu.memory_space<vmem>>, vector<1x6x625xf32>
    %swap3A_719 = vector.shape_cast %swap3A_718 : vector<1x6x625xf32> to vector<6x625xf32>
    %swap3A_720 = vector.shape_cast %select_n3A_714 : vector<6x625xf32> to vector<1x6x625xf32>
    tpu.vector_store %arg9[%swap3A_715, %swap3A_716, %swap3A_717], %swap3A_720 {strides = array<i32>} : memref<8x147x625xf32, #tpu.memory_space<vmem>>, vector<1x6x625xf32>,
    %add3A_721 = arith.constant 4 : i32
    %add3A_722 = arith.addi %mul3A_0, %add3A_721 : i32
    %get3A_723 = arith.index_cast %add3A_722 : i32 to index
    %get3A_724 = memref.load %arg1[%get3A_723] : memref<1024xi32, #tpu.memory_space<smem>>
    %get3A_725 = arith.constant 4 : index
    %get3A_726 = arith.constant 0 : index
    %get3A_727 = arith.constant 0 : index
    %get3A_728 = vector.load %arg2[%get3A_725, %get3A_726, %get3A_727] : memref<8x632x128xf32, #tpu.memory_space<vmem>>, vector<1x632x128xf32>
    %get3A_729 = vector.shape_cast %get3A_728 : vector<1x632x128xf32> to vector<632x128xf32>
    %dot_general3A_730 = arith.constant dense<0.000000e+00> : vector<128x632xf32>
    %dot_general3A_731 = tpu.matmul %select_n3A, %get3A_729, %dot_general3A_730 {dimension_numbers = #tpu.dot_dimension_numbers<[1], [1], [0], [0], [0, 0, 1, 0], [], []>, transpose_lhs_hint = false} : vector<128x128xf32>, vector<632x128xf32>, vector<128x632xf32> -> vector<128x632xf32>
    %get3A_732 = arith.constant 4 : index
    %get3A_733 = arith.constant 0 : index
    %get3A_734 = arith.constant 0 : index
    %get3A_735 = vector.load %arg5[%get3A_732, %get3A_733, %get3A_734] : memref<8x1x625xf32, #tpu.memory_space<vmem>>, vector<1x1x625xf32>
    %get3A_736 = vector.shape_cast %get3A_735 : vector<1x1x625xf32> to vector<1x625xf32>
    %slice3A_737 = vector.extract_strided_slice %dot_general3A_731 {offsets = [0, 0], sizes = [128, 625], strides = [1, 1]} : vector<128x632xf32> to vector<128x625xf32>
    %mul3A_738 = vector.broadcast %get3A_736 : vector<1x625xf32> to vector<128x625xf32>
    %mul3A_739 = arith.mulf %slice3A_737, %mul3A_738 : vector<128x625xf32>
    %swap3A_740 = arith.constant 4 : index
    %swap3A_741 = arith.constant 0 : index
    %swap3A_742 = arith.constant 0 : index
    %swap3A_743 = vector.load %arg9[%swap3A_740, %swap3A_741, %swap3A_742] : memref<8x147x625xf32, #tpu.memory_space<vmem>>, vector<1x128x625xf32>
    %swap3A_744 = vector.shape_cast %swap3A_743 : vector<1x128x625xf32> to vector<128x625xf32>
    %swap3A_745 = vector.shape_cast %mul3A_739 : vector<128x625xf32> to vector<1x128x625xf32>
    tpu.vector_store %arg9[%swap3A_740, %swap3A_741, %swap3A_742], %swap3A_745 {strides = array<i32>} : memref<8x147x625xf32, #tpu.memory_space<vmem>>, vector<1x128x625xf32>,
    %get3A_746 = arith.constant 4 : index
    %get3A_747 = arith.constant 0 : index
    %get3A_748 = arith.constant 0 : index
    %get3A_749 = vector.load %arg3[%get3A_746, %get3A_747, %get3A_748] : memref<8x1x625xf32, #tpu.memory_space<vmem>>, vector<1x1x625xf32>
    %get3A_750 = vector.shape_cast %get3A_749 : vector<1x1x625xf32> to vector<1x625xf32>
    %mul3A_751 = arith.mulf %get3A_750, %get3A_736 : vector<1x625xf32>
    %swap3A_752 = arith.constant 4 : index
    %swap3A_753 = arith.constant 128 : index
    %swap3A_754 = arith.constant 0 : index
    %swap3A_755 = vector.load %arg9[%swap3A_752, %swap3A_753, %swap3A_754] : memref<8x147x625xf32, #tpu.memory_space<vmem>>, vector<1x1x625xf32>
    %swap3A_756 = vector.shape_cast %swap3A_755 : vector<1x1x625xf32> to vector<1x625xf32>
    %swap3A_757 = vector.shape_cast %mul3A_751 : vector<1x625xf32> to vector<1x1x625xf32>
    tpu.vector_store %arg9[%swap3A_752, %swap3A_753, %swap3A_754], %swap3A_757 {strides = array<i32>} : memref<8x147x625xf32, #tpu.memory_space<vmem>>, vector<1x1x625xf32>,
    %get3A_758 = arith.constant 4 : index
    %get3A_759 = arith.constant 0 : index
    %get3A_760 = arith.constant 0 : index
    %get3A_761 = vector.load %arg4[%get3A_758, %get3A_759, %get3A_760] : memref<8x1x625xf32, #tpu.memory_space<vmem>>, vector<1x1x625xf32>
    %get3A_762 = vector.shape_cast %get3A_761 : vector<1x1x625xf32> to vector<1x625xf32>
    %mul3A_763 = arith.mulf %get3A_762, %get3A_736 : vector<1x625xf32>
    %swap3A_764 = arith.constant 4 : index
    %swap3A_765 = arith.constant 129 : index
    %swap3A_766 = arith.constant 0 : index
    %swap3A_767 = vector.load %arg9[%swap3A_764, %swap3A_765, %swap3A_766] : memref<8x147x625xf32, #tpu.memory_space<vmem>>, vector<1x1x625xf32>
    %swap3A_768 = vector.shape_cast %swap3A_767 : vector<1x1x625xf32> to vector<1x625xf32>
    %swap3A_769 = vector.shape_cast %mul3A_763 : vector<1x625xf32> to vector<1x1x625xf32>
    tpu.vector_store %arg9[%swap3A_764, %swap3A_765, %swap3A_766], %swap3A_769 {strides = array<i32>} : memref<8x147x625xf32, #tpu.memory_space<vmem>>, vector<1x1x625xf32>,
    %mul3A_770 = arith.mulf %get3A_736, %get3A_736 : vector<1x625xf32>
    %swap3A_771 = arith.constant 4 : index
    %swap3A_772 = arith.constant 130 : index
    %swap3A_773 = arith.constant 0 : index
    %swap3A_774 = vector.load %arg9[%swap3A_771, %swap3A_772, %swap3A_773] : memref<8x147x625xf32, #tpu.memory_space<vmem>>, vector<1x1x625xf32>
    %swap3A_775 = vector.shape_cast %swap3A_774 : vector<1x1x625xf32> to vector<1x625xf32>
    %swap3A_776 = vector.shape_cast %mul3A_770 : vector<1x625xf32> to vector<1x1x625xf32>
    tpu.vector_store %arg9[%swap3A_771, %swap3A_772, %swap3A_773], %swap3A_776 {strides = array<i32>} : memref<8x147x625xf32, #tpu.memory_space<vmem>>, vector<1x1x625xf32>,
    %get3A_777 = arith.constant 4 : index
    %get3A_778 = arith.constant 0 : index
    %get3A_779 = arith.constant 0 : index
    %get3A_780 = vector.load %arg6[%get3A_777, %get3A_778, %get3A_779] : memref<8x6x625xf32, #tpu.memory_space<vmem>>, vector<1x6x625xf32>
    %get3A_781 = vector.shape_cast %get3A_780 : vector<1x6x625xf32> to vector<6x625xf32>
    %broadcast_in_dim3A_782 = arith.constant 0.000000e+00 : f32
    %broadcast_in_dim3A_783 = vector.broadcast %broadcast_in_dim3A_782 : f32 to vector<6x625xf32>
    %eq3A_784 = arith.constant 0 : i32
    %eq3A_785 = arith.cmpi eq, %get3A_724, %eq3A_784 : i32
    %jit3A_786 = arith.constant 0.000000e+00 : f32
    %broadcast_in_dim3A_787 = vector.broadcast %jit3A_786 : f32 to vector<6x625xf32>
    %select_n3A_788 = arith.select %eq3A_785, %get3A_781, %broadcast_in_dim3A_787 : vector<6x625xf32>
    %add3A_789 = arith.addf %broadcast_in_dim3A_783, %select_n3A_788 : vector<6x625xf32>
    %slice3A_790 = vector.extract_strided_slice %get3A_781 {offsets = [5, 0], sizes = [1, 625], strides = [1, 1]} : vector<6x625xf32> to vector<1x625xf32>
    %slice3A_791 = vector.extract_strided_slice %get3A_781 {offsets = [0, 0], sizes = [5, 625], strides = [1, 1]} : vector<6x625xf32> to vector<5x625xf32>
    %concatenate3A_792 = tpu.concatenate %slice3A_790, %slice3A_791 in 0 : vector<1x625xf32>, vector<5x625xf32> -> vector<6x625xf32>
    %eq3A_793 = arith.constant 1 : i32
    %eq3A_794 = arith.cmpi eq, %get3A_724, %eq3A_793 : i32
    %jit3A_795 = arith.constant 0.000000e+00 : f32
    %broadcast_in_dim3A_796 = vector.broadcast %jit3A_795 : f32 to vector<6x625xf32>
    %select_n3A_797 = arith.select %eq3A_794, %concatenate3A_792, %broadcast_in_dim3A_796 : vector<6x625xf32>
    %add3A_798 = arith.addf %add3A_789, %select_n3A_797 : vector<6x625xf32>
    %slice3A_799 = vector.extract_strided_slice %get3A_781 {offsets = [4, 0], sizes = [2, 625], strides = [1, 1]} : vector<6x625xf32> to vector<2x625xf32>
    %slice3A_800 = vector.extract_strided_slice %get3A_781 {offsets = [0, 0], sizes = [4, 625], strides = [1, 1]} : vector<6x625xf32> to vector<4x625xf32>
    %concatenate3A_801 = tpu.concatenate %slice3A_799, %slice3A_800 in 0 : vector<2x625xf32>, vector<4x625xf32> -> vector<6x625xf32>
    %eq3A_802 = arith.constant 2 : i32
    %eq3A_803 = arith.cmpi eq, %get3A_724, %eq3A_802 : i32
    %jit3A_804 = arith.constant 0.000000e+00 : f32
    %broadcast_in_dim3A_805 = vector.broadcast %jit3A_804 : f32 to vector<6x625xf32>
    %select_n3A_806 = arith.select %eq3A_803, %concatenate3A_801, %broadcast_in_dim3A_805 : vector<6x625xf32>
    %add3A_807 = arith.addf %add3A_798, %select_n3A_806 : vector<6x625xf32>
    %slice3A_808 = vector.extract_strided_slice %get3A_781 {offsets = [3, 0], sizes = [3, 625], strides = [1, 1]} : vector<6x625xf32> to vector<3x625xf32>
    %slice3A_809 = vector.extract_strided_slice %get3A_781 {offsets = [0, 0], sizes = [3, 625], strides = [1, 1]} : vector<6x625xf32> to vector<3x625xf32>
    %concatenate3A_810 = tpu.concatenate %slice3A_808, %slice3A_809 in 0 : vector<3x625xf32>, vector<3x625xf32> -> vector<6x625xf32>
    %eq3A_811 = arith.constant 3 : i32
    %eq3A_812 = arith.cmpi eq, %get3A_724, %eq3A_811 : i32
    %jit3A_813 = arith.constant 0.000000e+00 : f32
    %broadcast_in_dim3A_814 = vector.broadcast %jit3A_813 : f32 to vector<6x625xf32>
    %select_n3A_815 = arith.select %eq3A_812, %concatenate3A_810, %broadcast_in_dim3A_814 : vector<6x625xf32>
    %add3A_816 = arith.addf %add3A_807, %select_n3A_815 : vector<6x625xf32>
    %slice3A_817 = vector.extract_strided_slice %get3A_781 {offsets = [2, 0], sizes = [4, 625], strides = [1, 1]} : vector<6x625xf32> to vector<4x625xf32>
    %slice3A_818 = vector.extract_strided_slice %get3A_781 {offsets = [0, 0], sizes = [2, 625], strides = [1, 1]} : vector<6x625xf32> to vector<2x625xf32>
    %concatenate3A_819 = tpu.concatenate %slice3A_817, %slice3A_818 in 0 : vector<4x625xf32>, vector<2x625xf32> -> vector<6x625xf32>
    %eq3A_820 = arith.constant 4 : i32
    %eq3A_821 = arith.cmpi eq, %get3A_724, %eq3A_820 : i32
    %jit3A_822 = arith.constant 0.000000e+00 : f32
    %broadcast_in_dim3A_823 = vector.broadcast %jit3A_822 : f32 to vector<6x625xf32>
    %select_n3A_824 = arith.select %eq3A_821, %concatenate3A_819, %broadcast_in_dim3A_823 : vector<6x625xf32>
    %add3A_825 = arith.addf %add3A_816, %select_n3A_824 : vector<6x625xf32>
    %slice3A_826 = vector.extract_strided_slice %get3A_781 {offsets = [1, 0], sizes = [5, 625], strides = [1, 1]} : vector<6x625xf32> to vector<5x625xf32>
    %slice3A_827 = vector.extract_strided_slice %get3A_781 {offsets = [0, 0], sizes = [1, 625], strides = [1, 1]} : vector<6x625xf32> to vector<1x625xf32>
    %concatenate3A_828 = tpu.concatenate %slice3A_826, %slice3A_827 in 0 : vector<5x625xf32>, vector<1x625xf32> -> vector<6x625xf32>
    %eq3A_829 = arith.constant 5 : i32
    %eq3A_830 = arith.cmpi eq, %get3A_724, %eq3A_829 : i32
    %jit3A_831 = arith.constant 0.000000e+00 : f32
    %broadcast_in_dim3A_832 = vector.broadcast %jit3A_831 : f32 to vector<6x625xf32>
    %select_n3A_833 = arith.select %eq3A_830, %concatenate3A_828, %broadcast_in_dim3A_832 : vector<6x625xf32>
    %add3A_834 = arith.addf %add3A_825, %select_n3A_833 : vector<6x625xf32>
    %mul3A_835 = arith.constant 5.000000e-01 : f32
    %mul3A_836 = vector.broadcast %mul3A_835 : f32 to vector<1x625xf32>
    %mul3A_837 = arith.mulf %mul3A_836, %get3A_736 : vector<1x625xf32>
    %mul3A_838 = vector.broadcast %mul3A_837 : vector<1x625xf32> to vector<6x625xf32>
    %mul3A_839 = arith.mulf %add3A_834, %mul3A_838 : vector<6x625xf32>
    %swap3A_840 = arith.constant 4 : index
    %swap3A_841 = arith.constant 131 : index
    %swap3A_842 = arith.constant 0 : index
    %swap3A_843 = vector.load %arg9[%swap3A_840, %swap3A_841, %swap3A_842] : memref<8x147x625xf32, #tpu.memory_space<vmem>>, vector<1x6x625xf32>
    %swap3A_844 = vector.shape_cast %swap3A_843 : vector<1x6x625xf32> to vector<6x625xf32>
    %swap3A_845 = vector.shape_cast %mul3A_839 : vector<6x625xf32> to vector<1x6x625xf32>
    tpu.vector_store %arg9[%swap3A_840, %swap3A_841, %swap3A_842], %swap3A_845 {strides = array<i32>} : memref<8x147x625xf32, #tpu.memory_space<vmem>>, vector<1x6x625xf32>,
    %reduce_sum3A_846 = arith.constant dense<0.000000e+00> : vector<625xf32>
    %reduce_sum3A_847 = vector.multi_reduction <add>, %get3A_781, %reduce_sum3A_846 [0] : vector<6x625xf32> to vector<625xf32>
    %broadcast_in_dim3A_848 = vector.shape_cast %reduce_sum3A_847 : vector<625xf32> to vector<1x625xf32>
    %mul3A_849 = arith.mulf %broadcast_in_dim3A_848, %get3A_736 : vector<1x625xf32>
    %swap3A_850 = arith.constant 4 : index
    %swap3A_851 = arith.constant 137 : index
    %swap3A_852 = arith.constant 0 : index
    %swap3A_853 = vector.load %arg9[%swap3A_850, %swap3A_851, %swap3A_852] : memref<8x147x625xf32, #tpu.memory_space<vmem>>, vector<1x1x625xf32>
    %swap3A_854 = vector.shape_cast %swap3A_853 : vector<1x1x625xf32> to vector<1x625xf32>
    %swap3A_855 = vector.shape_cast %mul3A_849 : vector<1x625xf32> to vector<1x1x625xf32>
    tpu.vector_store %arg9[%swap3A_850, %swap3A_851, %swap3A_852], %swap3A_855 {strides = array<i32>} : memref<8x147x625xf32, #tpu.memory_space<vmem>>, vector<1x1x625xf32>,
    %get3A_856 = arith.constant 4 : index
    %get3A_857 = arith.constant 0 : index
    %get3A_858 = arith.constant 0 : index
    %get3A_859 = vector.load %arg7[%get3A_856, %get3A_857, %get3A_858] : memref<8x1x625xf32, #tpu.memory_space<vmem>>, vector<1x1x625xf32>
    %get3A_860 = vector.shape_cast %get3A_859 : vector<1x1x625xf32> to vector<1x625xf32>
    %mul3A_861 = arith.mulf %get3A_860, %get3A_736 : vector<1x625xf32>
    %swap3A_862 = arith.constant 4 : index
    %swap3A_863 = arith.constant 138 : index
    %swap3A_864 = arith.constant 0 : index
    %swap3A_865 = vector.load %arg9[%swap3A_862, %swap3A_863, %swap3A_864] : memref<8x147x625xf32, #tpu.memory_space<vmem>>, vector<1x1x625xf32>
    %swap3A_866 = vector.shape_cast %swap3A_865 : vector<1x1x625xf32> to vector<1x625xf32>
    %swap3A_867 = vector.shape_cast %mul3A_861 : vector<1x625xf32> to vector<1x1x625xf32>
    tpu.vector_store %arg9[%swap3A_862, %swap3A_863, %swap3A_864], %swap3A_867 {strides = array<i32>} : memref<8x147x625xf32, #tpu.memory_space<vmem>>, vector<1x1x625xf32>,
    %get3A_868 = arith.constant 4 : index
    %get3A_869 = arith.constant 0 : index
    %get3A_870 = arith.constant 0 : index
    %get3A_871 = vector.load %arg8[%get3A_868, %get3A_869, %get3A_870] : memref<8x1x625xf32, #tpu.memory_space<vmem>>, vector<1x1x625xf32>
    %get3A_872 = vector.shape_cast %get3A_871 : vector<1x1x625xf32> to vector<1x625xf32>
    %mul3A_873 = arith.mulf %get3A_872, %get3A_736 : vector<1x625xf32>
    %swap3A_874 = arith.constant 4 : index
    %swap3A_875 = arith.constant 139 : index
    %swap3A_876 = arith.constant 0 : index
    %swap3A_877 = vector.load %arg9[%swap3A_874, %swap3A_875, %swap3A_876] : memref<8x147x625xf32, #tpu.memory_space<vmem>>, vector<1x1x625xf32>
    %swap3A_878 = vector.shape_cast %swap3A_877 : vector<1x1x625xf32> to vector<1x625xf32>
    %swap3A_879 = vector.shape_cast %mul3A_873 : vector<1x625xf32> to vector<1x1x625xf32>
    tpu.vector_store %arg9[%swap3A_874, %swap3A_875, %swap3A_876], %swap3A_879 {strides = array<i32>} : memref<8x147x625xf32, #tpu.memory_space<vmem>>, vector<1x1x625xf32>,
    %broadcast_in_dim3A_880 = arith.constant 1.000000e+00 : f32
    %broadcast_in_dim3A_881 = vector.broadcast %broadcast_in_dim3A_880 : f32 to vector<1x625xf32>
    %swap3A_882 = arith.constant 4 : index
    %swap3A_883 = arith.constant 140 : index
    %swap3A_884 = arith.constant 0 : index
    %swap3A_885 = vector.load %arg9[%swap3A_882, %swap3A_883, %swap3A_884] : memref<8x147x625xf32, #tpu.memory_space<vmem>>, vector<1x1x625xf32>
    %swap3A_886 = vector.shape_cast %swap3A_885 : vector<1x1x625xf32> to vector<1x625xf32>
    %swap3A_887 = vector.shape_cast %broadcast_in_dim3A_881 : vector<1x625xf32> to vector<1x1x625xf32>
    tpu.vector_store %arg9[%swap3A_882, %swap3A_883, %swap3A_884], %swap3A_887 {strides = array<i32>} : memref<8x147x625xf32, #tpu.memory_space<vmem>>, vector<1x1x625xf32>,
    %iota3A_888 = tpu.iota {dimensions = array<i32: 0>} : vector<6x625xi32>
    %eq3A_889 = vector.broadcast %get3A_724 : i32 to vector<6x625xi32>
    %eq3A_890 = arith.cmpi eq, %iota3A_888, %eq3A_889 : vector<6x625xi32>
    %jit3A_891 = arith.constant 1.000000e+00 : f32
    %jit3A_892 = arith.constant 0.000000e+00 : f32
    %broadcast_in_dim3A_893 = vector.broadcast %jit3A_891 : f32 to vector<6x625xf32>
    %broadcast_in_dim3A_894 = vector.broadcast %jit3A_892 : f32 to vector<6x625xf32>
    %select_n3A_895 = arith.select %eq3A_890, %broadcast_in_dim3A_893, %broadcast_in_dim3A_894 : vector<6x625xi1>, vector<6x625xf32>
    %swap3A_896 = arith.constant 4 : index
    %swap3A_897 = arith.constant 141 : index
    %swap3A_898 = arith.constant 0 : index
    %swap3A_899 = vector.load %arg9[%swap3A_896, %swap3A_897, %swap3A_898] : memref<8x147x625xf32, #tpu.memory_space<vmem>>, vector<1x6x625xf32>
    %swap3A_900 = vector.shape_cast %swap3A_899 : vector<1x6x625xf32> to vector<6x625xf32>
    %swap3A_901 = vector.shape_cast %select_n3A_895 : vector<6x625xf32> to vector<1x6x625xf32>
    tpu.vector_store %arg9[%swap3A_896, %swap3A_897, %swap3A_898], %swap3A_901 {strides = array<i32>} : memref<8x147x625xf32, #tpu.memory_space<vmem>>, vector<1x6x625xf32>,
    %add3A_902 = arith.constant 5 : i32
    %add3A_903 = arith.addi %mul3A_0, %add3A_902 : i32
    %get3A_904 = arith.index_cast %add3A_903 : i32 to index
    %get3A_905 = memref.load %arg1[%get3A_904] : memref<1024xi32, #tpu.memory_space<smem>>
    %get3A_906 = arith.constant 5 : index
    %get3A_907 = arith.constant 0 : index
    %get3A_908 = arith.constant 0 : index
    %get3A_909 = vector.load %arg2[%get3A_906, %get3A_907, %get3A_908] : memref<8x632x128xf32, #tpu.memory_space<vmem>>, vector<1x632x128xf32>
    %get3A_910 = vector.shape_cast %get3A_909 : vector<1x632x128xf32> to vector<632x128xf32>
    %dot_general3A_911 = arith.constant dense<0.000000e+00> : vector<128x632xf32>
    %dot_general3A_912 = tpu.matmul %select_n3A, %get3A_910, %dot_general3A_911 {dimension_numbers = #tpu.dot_dimension_numbers<[1], [1], [0], [0], [0, 0, 1, 0], [], []>, transpose_lhs_hint = false} : vector<128x128xf32>, vector<632x128xf32>, vector<128x632xf32> -> vector<128x632xf32>
    %get3A_913 = arith.constant 5 : index
    %get3A_914 = arith.constant 0 : index
    %get3A_915 = arith.constant 0 : index
    %get3A_916 = vector.load %arg5[%get3A_913, %get3A_914, %get3A_915] : memref<8x1x625xf32, #tpu.memory_space<vmem>>, vector<1x1x625xf32>
    %get3A_917 = vector.shape_cast %get3A_916 : vector<1x1x625xf32> to vector<1x625xf32>
    %slice3A_918 = vector.extract_strided_slice %dot_general3A_912 {offsets = [0, 0], sizes = [128, 625], strides = [1, 1]} : vector<128x632xf32> to vector<128x625xf32>
    %mul3A_919 = vector.broadcast %get3A_917 : vector<1x625xf32> to vector<128x625xf32>
    %mul3A_920 = arith.mulf %slice3A_918, %mul3A_919 : vector<128x625xf32>
    %swap3A_921 = arith.constant 5 : index
    %swap3A_922 = arith.constant 0 : index
    %swap3A_923 = arith.constant 0 : index
    %swap3A_924 = vector.load %arg9[%swap3A_921, %swap3A_922, %swap3A_923] : memref<8x147x625xf32, #tpu.memory_space<vmem>>, vector<1x128x625xf32>
    %swap3A_925 = vector.shape_cast %swap3A_924 : vector<1x128x625xf32> to vector<128x625xf32>
    %swap3A_926 = vector.shape_cast %mul3A_920 : vector<128x625xf32> to vector<1x128x625xf32>
    tpu.vector_store %arg9[%swap3A_921, %swap3A_922, %swap3A_923], %swap3A_926 {strides = array<i32>} : memref<8x147x625xf32, #tpu.memory_space<vmem>>, vector<1x128x625xf32>,
    %get3A_927 = arith.constant 5 : index
    %get3A_928 = arith.constant 0 : index
    %get3A_929 = arith.constant 0 : index
    %get3A_930 = vector.load %arg3[%get3A_927, %get3A_928, %get3A_929] : memref<8x1x625xf32, #tpu.memory_space<vmem>>, vector<1x1x625xf32>
    %get3A_931 = vector.shape_cast %get3A_930 : vector<1x1x625xf32> to vector<1x625xf32>
    %mul3A_932 = arith.mulf %get3A_931, %get3A_917 : vector<1x625xf32>
    %swap3A_933 = arith.constant 5 : index
    %swap3A_934 = arith.constant 128 : index
    %swap3A_935 = arith.constant 0 : index
    %swap3A_936 = vector.load %arg9[%swap3A_933, %swap3A_934, %swap3A_935] : memref<8x147x625xf32, #tpu.memory_space<vmem>>, vector<1x1x625xf32>
    %swap3A_937 = vector.shape_cast %swap3A_936 : vector<1x1x625xf32> to vector<1x625xf32>
    %swap3A_938 = vector.shape_cast %mul3A_932 : vector<1x625xf32> to vector<1x1x625xf32>
    tpu.vector_store %arg9[%swap3A_933, %swap3A_934, %swap3A_935], %swap3A_938 {strides = array<i32>} : memref<8x147x625xf32, #tpu.memory_space<vmem>>, vector<1x1x625xf32>,
    %get3A_939 = arith.constant 5 : index
    %get3A_940 = arith.constant 0 : index
    %get3A_941 = arith.constant 0 : index
    %get3A_942 = vector.load %arg4[%get3A_939, %get3A_940, %get3A_941] : memref<8x1x625xf32, #tpu.memory_space<vmem>>, vector<1x1x625xf32>
    %get3A_943 = vector.shape_cast %get3A_942 : vector<1x1x625xf32> to vector<1x625xf32>
    %mul3A_944 = arith.mulf %get3A_943, %get3A_917 : vector<1x625xf32>
    %swap3A_945 = arith.constant 5 : index
    %swap3A_946 = arith.constant 129 : index
    %swap3A_947 = arith.constant 0 : index
    %swap3A_948 = vector.load %arg9[%swap3A_945, %swap3A_946, %swap3A_947] : memref<8x147x625xf32, #tpu.memory_space<vmem>>, vector<1x1x625xf32>
    %swap3A_949 = vector.shape_cast %swap3A_948 : vector<1x1x625xf32> to vector<1x625xf32>
    %swap3A_950 = vector.shape_cast %mul3A_944 : vector<1x625xf32> to vector<1x1x625xf32>
    tpu.vector_store %arg9[%swap3A_945, %swap3A_946, %swap3A_947], %swap3A_950 {strides = array<i32>} : memref<8x147x625xf32, #tpu.memory_space<vmem>>, vector<1x1x625xf32>,
    %mul3A_951 = arith.mulf %get3A_917, %get3A_917 : vector<1x625xf32>
    %swap3A_952 = arith.constant 5 : index
    %swap3A_953 = arith.constant 130 : index
    %swap3A_954 = arith.constant 0 : index
    %swap3A_955 = vector.load %arg9[%swap3A_952, %swap3A_953, %swap3A_954] : memref<8x147x625xf32, #tpu.memory_space<vmem>>, vector<1x1x625xf32>
    %swap3A_956 = vector.shape_cast %swap3A_955 : vector<1x1x625xf32> to vector<1x625xf32>
    %swap3A_957 = vector.shape_cast %mul3A_951 : vector<1x625xf32> to vector<1x1x625xf32>
    tpu.vector_store %arg9[%swap3A_952, %swap3A_953, %swap3A_954], %swap3A_957 {strides = array<i32>} : memref<8x147x625xf32, #tpu.memory_space<vmem>>, vector<1x1x625xf32>,
    %get3A_958 = arith.constant 5 : index
    %get3A_959 = arith.constant 0 : index
    %get3A_960 = arith.constant 0 : index
    %get3A_961 = vector.load %arg6[%get3A_958, %get3A_959, %get3A_960] : memref<8x6x625xf32, #tpu.memory_space<vmem>>, vector<1x6x625xf32>
    %get3A_962 = vector.shape_cast %get3A_961 : vector<1x6x625xf32> to vector<6x625xf32>
    %broadcast_in_dim3A_963 = arith.constant 0.000000e+00 : f32
    %broadcast_in_dim3A_964 = vector.broadcast %broadcast_in_dim3A_963 : f32 to vector<6x625xf32>
    %eq3A_965 = arith.constant 0 : i32
    %eq3A_966 = arith.cmpi eq, %get3A_905, %eq3A_965 : i32
    %jit3A_967 = arith.constant 0.000000e+00 : f32
    %broadcast_in_dim3A_968 = vector.broadcast %jit3A_967 : f32 to vector<6x625xf32>
    %select_n3A_969 = arith.select %eq3A_966, %get3A_962, %broadcast_in_dim3A_968 : vector<6x625xf32>
    %add3A_970 = arith.addf %broadcast_in_dim3A_964, %select_n3A_969 : vector<6x625xf32>
    %slice3A_971 = vector.extract_strided_slice %get3A_962 {offsets = [5, 0], sizes = [1, 625], strides = [1, 1]} : vector<6x625xf32> to vector<1x625xf32>
    %slice3A_972 = vector.extract_strided_slice %get3A_962 {offsets = [0, 0], sizes = [5, 625], strides = [1, 1]} : vector<6x625xf32> to vector<5x625xf32>
    %concatenate3A_973 = tpu.concatenate %slice3A_971, %slice3A_972 in 0 : vector<1x625xf32>, vector<5x625xf32> -> vector<6x625xf32>
    %eq3A_974 = arith.constant 1 : i32
    %eq3A_975 = arith.cmpi eq, %get3A_905, %eq3A_974 : i32
    %jit3A_976 = arith.constant 0.000000e+00 : f32
    %broadcast_in_dim3A_977 = vector.broadcast %jit3A_976 : f32 to vector<6x625xf32>
    %select_n3A_978 = arith.select %eq3A_975, %concatenate3A_973, %broadcast_in_dim3A_977 : vector<6x625xf32>
    %add3A_979 = arith.addf %add3A_970, %select_n3A_978 : vector<6x625xf32>
    %slice3A_980 = vector.extract_strided_slice %get3A_962 {offsets = [4, 0], sizes = [2, 625], strides = [1, 1]} : vector<6x625xf32> to vector<2x625xf32>
    %slice3A_981 = vector.extract_strided_slice %get3A_962 {offsets = [0, 0], sizes = [4, 625], strides = [1, 1]} : vector<6x625xf32> to vector<4x625xf32>
    %concatenate3A_982 = tpu.concatenate %slice3A_980, %slice3A_981 in 0 : vector<2x625xf32>, vector<4x625xf32> -> vector<6x625xf32>
    %eq3A_983 = arith.constant 2 : i32
    %eq3A_984 = arith.cmpi eq, %get3A_905, %eq3A_983 : i32
    %jit3A_985 = arith.constant 0.000000e+00 : f32
    %broadcast_in_dim3A_986 = vector.broadcast %jit3A_985 : f32 to vector<6x625xf32>
    %select_n3A_987 = arith.select %eq3A_984, %concatenate3A_982, %broadcast_in_dim3A_986 : vector<6x625xf32>
    %add3A_988 = arith.addf %add3A_979, %select_n3A_987 : vector<6x625xf32>
    %slice3A_989 = vector.extract_strided_slice %get3A_962 {offsets = [3, 0], sizes = [3, 625], strides = [1, 1]} : vector<6x625xf32> to vector<3x625xf32>
    %slice3A_990 = vector.extract_strided_slice %get3A_962 {offsets = [0, 0], sizes = [3, 625], strides = [1, 1]} : vector<6x625xf32> to vector<3x625xf32>
    %concatenate3A_991 = tpu.concatenate %slice3A_989, %slice3A_990 in 0 : vector<3x625xf32>, vector<3x625xf32> -> vector<6x625xf32>
    %eq3A_992 = arith.constant 3 : i32
    %eq3A_993 = arith.cmpi eq, %get3A_905, %eq3A_992 : i32
    %jit3A_994 = arith.constant 0.000000e+00 : f32
    %broadcast_in_dim3A_995 = vector.broadcast %jit3A_994 : f32 to vector<6x625xf32>
    %select_n3A_996 = arith.select %eq3A_993, %concatenate3A_991, %broadcast_in_dim3A_995 : vector<6x625xf32>
    %add3A_997 = arith.addf %add3A_988, %select_n3A_996 : vector<6x625xf32>
    %slice3A_998 = vector.extract_strided_slice %get3A_962 {offsets = [2, 0], sizes = [4, 625], strides = [1, 1]} : vector<6x625xf32> to vector<4x625xf32>
    %slice3A_999 = vector.extract_strided_slice %get3A_962 {offsets = [0, 0], sizes = [2, 625], strides = [1, 1]} : vector<6x625xf32> to vector<2x625xf32>
    %concatenate3A_1000 = tpu.concatenate %slice3A_998, %slice3A_999 in 0 : vector<4x625xf32>, vector<2x625xf32> -> vector<6x625xf32>
    %eq3A_1001 = arith.constant 4 : i32
    %eq3A_1002 = arith.cmpi eq, %get3A_905, %eq3A_1001 : i32
    %jit3A_1003 = arith.constant 0.000000e+00 : f32
    %broadcast_in_dim3A_1004 = vector.broadcast %jit3A_1003 : f32 to vector<6x625xf32>
    %select_n3A_1005 = arith.select %eq3A_1002, %concatenate3A_1000, %broadcast_in_dim3A_1004 : vector<6x625xf32>
    %add3A_1006 = arith.addf %add3A_997, %select_n3A_1005 : vector<6x625xf32>
    %slice3A_1007 = vector.extract_strided_slice %get3A_962 {offsets = [1, 0], sizes = [5, 625], strides = [1, 1]} : vector<6x625xf32> to vector<5x625xf32>
    %slice3A_1008 = vector.extract_strided_slice %get3A_962 {offsets = [0, 0], sizes = [1, 625], strides = [1, 1]} : vector<6x625xf32> to vector<1x625xf32>
    %concatenate3A_1009 = tpu.concatenate %slice3A_1007, %slice3A_1008 in 0 : vector<5x625xf32>, vector<1x625xf32> -> vector<6x625xf32>
    %eq3A_1010 = arith.constant 5 : i32
    %eq3A_1011 = arith.cmpi eq, %get3A_905, %eq3A_1010 : i32
    %jit3A_1012 = arith.constant 0.000000e+00 : f32
    %broadcast_in_dim3A_1013 = vector.broadcast %jit3A_1012 : f32 to vector<6x625xf32>
    %select_n3A_1014 = arith.select %eq3A_1011, %concatenate3A_1009, %broadcast_in_dim3A_1013 : vector<6x625xf32>
    %add3A_1015 = arith.addf %add3A_1006, %select_n3A_1014 : vector<6x625xf32>
    %mul3A_1016 = arith.constant 5.000000e-01 : f32
    %mul3A_1017 = vector.broadcast %mul3A_1016 : f32 to vector<1x625xf32>
    %mul3A_1018 = arith.mulf %mul3A_1017, %get3A_917 : vector<1x625xf32>
    %mul3A_1019 = vector.broadcast %mul3A_1018 : vector<1x625xf32> to vector<6x625xf32>
    %mul3A_1020 = arith.mulf %add3A_1015, %mul3A_1019 : vector<6x625xf32>
    %swap3A_1021 = arith.constant 5 : index
    %swap3A_1022 = arith.constant 131 : index
    %swap3A_1023 = arith.constant 0 : index
    %swap3A_1024 = vector.load %arg9[%swap3A_1021, %swap3A_1022, %swap3A_1023] : memref<8x147x625xf32, #tpu.memory_space<vmem>>, vector<1x6x625xf32>
    %swap3A_1025 = vector.shape_cast %swap3A_1024 : vector<1x6x625xf32> to vector<6x625xf32>
    %swap3A_1026 = vector.shape_cast %mul3A_1020 : vector<6x625xf32> to vector<1x6x625xf32>
    tpu.vector_store %arg9[%swap3A_1021, %swap3A_1022, %swap3A_1023], %swap3A_1026 {strides = array<i32>} : memref<8x147x625xf32, #tpu.memory_space<vmem>>, vector<1x6x625xf32>,
    %reduce_sum3A_1027 = arith.constant dense<0.000000e+00> : vector<625xf32>
    %reduce_sum3A_1028 = vector.multi_reduction <add>, %get3A_962, %reduce_sum3A_1027 [0] : vector<6x625xf32> to vector<625xf32>
    %broadcast_in_dim3A_1029 = vector.shape_cast %reduce_sum3A_1028 : vector<625xf32> to vector<1x625xf32>
    %mul3A_1030 = arith.mulf %broadcast_in_dim3A_1029, %get3A_917 : vector<1x625xf32>
    %swap3A_1031 = arith.constant 5 : index
    %swap3A_1032 = arith.constant 137 : index
    %swap3A_1033 = arith.constant 0 : index
    %swap3A_1034 = vector.load %arg9[%swap3A_1031, %swap3A_1032, %swap3A_1033] : memref<8x147x625xf32, #tpu.memory_space<vmem>>, vector<1x1x625xf32>
    %swap3A_1035 = vector.shape_cast %swap3A_1034 : vector<1x1x625xf32> to vector<1x625xf32>
    %swap3A_1036 = vector.shape_cast %mul3A_1030 : vector<1x625xf32> to vector<1x1x625xf32>
    tpu.vector_store %arg9[%swap3A_1031, %swap3A_1032, %swap3A_1033], %swap3A_1036 {strides = array<i32>} : memref<8x147x625xf32, #tpu.memory_space<vmem>>, vector<1x1x625xf32>,
    %get3A_1037 = arith.constant 5 : index
    %get3A_1038 = arith.constant 0 : index
    %get3A_1039 = arith.constant 0 : index
    %get3A_1040 = vector.load %arg7[%get3A_1037, %get3A_1038, %get3A_1039] : memref<8x1x625xf32, #tpu.memory_space<vmem>>, vector<1x1x625xf32>
    %get3A_1041 = vector.shape_cast %get3A_1040 : vector<1x1x625xf32> to vector<1x625xf32>
    %mul3A_1042 = arith.mulf %get3A_1041, %get3A_917 : vector<1x625xf32>
    %swap3A_1043 = arith.constant 5 : index
    %swap3A_1044 = arith.constant 138 : index
    %swap3A_1045 = arith.constant 0 : index
    %swap3A_1046 = vector.load %arg9[%swap3A_1043, %swap3A_1044, %swap3A_1045] : memref<8x147x625xf32, #tpu.memory_space<vmem>>, vector<1x1x625xf32>
    %swap3A_1047 = vector.shape_cast %swap3A_1046 : vector<1x1x625xf32> to vector<1x625xf32>
    %swap3A_1048 = vector.shape_cast %mul3A_1042 : vector<1x625xf32> to vector<1x1x625xf32>
    tpu.vector_store %arg9[%swap3A_1043, %swap3A_1044, %swap3A_1045], %swap3A_1048 {strides = array<i32>} : memref<8x147x625xf32, #tpu.memory_space<vmem>>, vector<1x1x625xf32>,
    %get3A_1049 = arith.constant 5 : index
    %get3A_1050 = arith.constant 0 : index
    %get3A_1051 = arith.constant 0 : index
    %get3A_1052 = vector.load %arg8[%get3A_1049, %get3A_1050, %get3A_1051] : memref<8x1x625xf32, #tpu.memory_space<vmem>>, vector<1x1x625xf32>
    %get3A_1053 = vector.shape_cast %get3A_1052 : vector<1x1x625xf32> to vector<1x625xf32>
    %mul3A_1054 = arith.mulf %get3A_1053, %get3A_917 : vector<1x625xf32>
    %swap3A_1055 = arith.constant 5 : index
    %swap3A_1056 = arith.constant 139 : index
    %swap3A_1057 = arith.constant 0 : index
    %swap3A_1058 = vector.load %arg9[%swap3A_1055, %swap3A_1056, %swap3A_1057] : memref<8x147x625xf32, #tpu.memory_space<vmem>>, vector<1x1x625xf32>
    %swap3A_1059 = vector.shape_cast %swap3A_1058 : vector<1x1x625xf32> to vector<1x625xf32>
    %swap3A_1060 = vector.shape_cast %mul3A_1054 : vector<1x625xf32> to vector<1x1x625xf32>
    tpu.vector_store %arg9[%swap3A_1055, %swap3A_1056, %swap3A_1057], %swap3A_1060 {strides = array<i32>} : memref<8x147x625xf32, #tpu.memory_space<vmem>>, vector<1x1x625xf32>,
    %broadcast_in_dim3A_1061 = arith.constant 1.000000e+00 : f32
    %broadcast_in_dim3A_1062 = vector.broadcast %broadcast_in_dim3A_1061 : f32 to vector<1x625xf32>
    %swap3A_1063 = arith.constant 5 : index
    %swap3A_1064 = arith.constant 140 : index
    %swap3A_1065 = arith.constant 0 : index
    %swap3A_1066 = vector.load %arg9[%swap3A_1063, %swap3A_1064, %swap3A_1065] : memref<8x147x625xf32, #tpu.memory_space<vmem>>, vector<1x1x625xf32>
    %swap3A_1067 = vector.shape_cast %swap3A_1066 : vector<1x1x625xf32> to vector<1x625xf32>
    %swap3A_1068 = vector.shape_cast %broadcast_in_dim3A_1062 : vector<1x625xf32> to vector<1x1x625xf32>
    tpu.vector_store %arg9[%swap3A_1063, %swap3A_1064, %swap3A_1065], %swap3A_1068 {strides = array<i32>} : memref<8x147x625xf32, #tpu.memory_space<vmem>>, vector<1x1x625xf32>,
    %iota3A_1069 = tpu.iota {dimensions = array<i32: 0>} : vector<6x625xi32>
    %eq3A_1070 = vector.broadcast %get3A_905 : i32 to vector<6x625xi32>
    %eq3A_1071 = arith.cmpi eq, %iota3A_1069, %eq3A_1070 : vector<6x625xi32>
    %jit3A_1072 = arith.constant 1.000000e+00 : f32
    %jit3A_1073 = arith.constant 0.000000e+00 : f32
    %broadcast_in_dim3A_1074 = vector.broadcast %jit3A_1072 : f32 to vector<6x625xf32>
    %broadcast_in_dim3A_1075 = vector.broadcast %jit3A_1073 : f32 to vector<6x625xf32>
    %select_n3A_1076 = arith.select %eq3A_1071, %broadcast_in_dim3A_1074, %broadcast_in_dim3A_1075 : vector<6x625xi1>, vector<6x625xf32>
    %swap3A_1077 = arith.constant 5 : index
    %swap3A_1078 = arith.constant 141 : index
    %swap3A_1079 = arith.constant 0 : index
    %swap3A_1080 = vector.load %arg9[%swap3A_1077, %swap3A_1078, %swap3A_1079] : memref<8x147x625xf32, #tpu.memory_space<vmem>>, vector<1x6x625xf32>
    %swap3A_1081 = vector.shape_cast %swap3A_1080 : vector<1x6x625xf32> to vector<6x625xf32>
    %swap3A_1082 = vector.shape_cast %select_n3A_1076 : vector<6x625xf32> to vector<1x6x625xf32>
    tpu.vector_store %arg9[%swap3A_1077, %swap3A_1078, %swap3A_1079], %swap3A_1082 {strides = array<i32>} : memref<8x147x625xf32, #tpu.memory_space<vmem>>, vector<1x6x625xf32>,
    %add3A_1083 = arith.constant 6 : i32
    %add3A_1084 = arith.addi %mul3A_0, %add3A_1083 : i32
    %get3A_1085 = arith.index_cast %add3A_1084 : i32 to index
    %get3A_1086 = memref.load %arg1[%get3A_1085] : memref<1024xi32, #tpu.memory_space<smem>>
    %get3A_1087 = arith.constant 6 : index
    %get3A_1088 = arith.constant 0 : index
    %get3A_1089 = arith.constant 0 : index
    %get3A_1090 = vector.load %arg2[%get3A_1087, %get3A_1088, %get3A_1089] : memref<8x632x128xf32, #tpu.memory_space<vmem>>, vector<1x632x128xf32>
    %get3A_1091 = vector.shape_cast %get3A_1090 : vector<1x632x128xf32> to vector<632x128xf32>
    %dot_general3A_1092 = arith.constant dense<0.000000e+00> : vector<128x632xf32>
    %dot_general3A_1093 = tpu.matmul %select_n3A, %get3A_1091, %dot_general3A_1092 {dimension_numbers = #tpu.dot_dimension_numbers<[1], [1], [0], [0], [0, 0, 1, 0], [], []>, transpose_lhs_hint = false} : vector<128x128xf32>, vector<632x128xf32>, vector<128x632xf32> -> vector<128x632xf32>
    %get3A_1094 = arith.constant 6 : index
    %get3A_1095 = arith.constant 0 : index
    %get3A_1096 = arith.constant 0 : index
    %get3A_1097 = vector.load %arg5[%get3A_1094, %get3A_1095, %get3A_1096] : memref<8x1x625xf32, #tpu.memory_space<vmem>>, vector<1x1x625xf32>
    %get3A_1098 = vector.shape_cast %get3A_1097 : vector<1x1x625xf32> to vector<1x625xf32>
    %slice3A_1099 = vector.extract_strided_slice %dot_general3A_1093 {offsets = [0, 0], sizes = [128, 625], strides = [1, 1]} : vector<128x632xf32> to vector<128x625xf32>
    %mul3A_1100 = vector.broadcast %get3A_1098 : vector<1x625xf32> to vector<128x625xf32>
    %mul3A_1101 = arith.mulf %slice3A_1099, %mul3A_1100 : vector<128x625xf32>
    %swap3A_1102 = arith.constant 6 : index
    %swap3A_1103 = arith.constant 0 : index
    %swap3A_1104 = arith.constant 0 : index
    %swap3A_1105 = vector.load %arg9[%swap3A_1102, %swap3A_1103, %swap3A_1104] : memref<8x147x625xf32, #tpu.memory_space<vmem>>, vector<1x128x625xf32>
    %swap3A_1106 = vector.shape_cast %swap3A_1105 : vector<1x128x625xf32> to vector<128x625xf32>
    %swap3A_1107 = vector.shape_cast %mul3A_1101 : vector<128x625xf32> to vector<1x128x625xf32>
    tpu.vector_store %arg9[%swap3A_1102, %swap3A_1103, %swap3A_1104], %swap3A_1107 {strides = array<i32>} : memref<8x147x625xf32, #tpu.memory_space<vmem>>, vector<1x128x625xf32>,
    %get3A_1108 = arith.constant 6 : index
    %get3A_1109 = arith.constant 0 : index
    %get3A_1110 = arith.constant 0 : index
    %get3A_1111 = vector.load %arg3[%get3A_1108, %get3A_1109, %get3A_1110] : memref<8x1x625xf32, #tpu.memory_space<vmem>>, vector<1x1x625xf32>
    %get3A_1112 = vector.shape_cast %get3A_1111 : vector<1x1x625xf32> to vector<1x625xf32>
    %mul3A_1113 = arith.mulf %get3A_1112, %get3A_1098 : vector<1x625xf32>
    %swap3A_1114 = arith.constant 6 : index
    %swap3A_1115 = arith.constant 128 : index
    %swap3A_1116 = arith.constant 0 : index
    %swap3A_1117 = vector.load %arg9[%swap3A_1114, %swap3A_1115, %swap3A_1116] : memref<8x147x625xf32, #tpu.memory_space<vmem>>, vector<1x1x625xf32>
    %swap3A_1118 = vector.shape_cast %swap3A_1117 : vector<1x1x625xf32> to vector<1x625xf32>
    %swap3A_1119 = vector.shape_cast %mul3A_1113 : vector<1x625xf32> to vector<1x1x625xf32>
    tpu.vector_store %arg9[%swap3A_1114, %swap3A_1115, %swap3A_1116], %swap3A_1119 {strides = array<i32>} : memref<8x147x625xf32, #tpu.memory_space<vmem>>, vector<1x1x625xf32>,
    %get3A_1120 = arith.constant 6 : index
    %get3A_1121 = arith.constant 0 : index
    %get3A_1122 = arith.constant 0 : index
    %get3A_1123 = vector.load %arg4[%get3A_1120, %get3A_1121, %get3A_1122] : memref<8x1x625xf32, #tpu.memory_space<vmem>>, vector<1x1x625xf32>
    %get3A_1124 = vector.shape_cast %get3A_1123 : vector<1x1x625xf32> to vector<1x625xf32>
    %mul3A_1125 = arith.mulf %get3A_1124, %get3A_1098 : vector<1x625xf32>
    %swap3A_1126 = arith.constant 6 : index
    %swap3A_1127 = arith.constant 129 : index
    %swap3A_1128 = arith.constant 0 : index
    %swap3A_1129 = vector.load %arg9[%swap3A_1126, %swap3A_1127, %swap3A_1128] : memref<8x147x625xf32, #tpu.memory_space<vmem>>, vector<1x1x625xf32>
    %swap3A_1130 = vector.shape_cast %swap3A_1129 : vector<1x1x625xf32> to vector<1x625xf32>
    %swap3A_1131 = vector.shape_cast %mul3A_1125 : vector<1x625xf32> to vector<1x1x625xf32>
    tpu.vector_store %arg9[%swap3A_1126, %swap3A_1127, %swap3A_1128], %swap3A_1131 {strides = array<i32>} : memref<8x147x625xf32, #tpu.memory_space<vmem>>, vector<1x1x625xf32>,
    %mul3A_1132 = arith.mulf %get3A_1098, %get3A_1098 : vector<1x625xf32>
    %swap3A_1133 = arith.constant 6 : index
    %swap3A_1134 = arith.constant 130 : index
    %swap3A_1135 = arith.constant 0 : index
    %swap3A_1136 = vector.load %arg9[%swap3A_1133, %swap3A_1134, %swap3A_1135] : memref<8x147x625xf32, #tpu.memory_space<vmem>>, vector<1x1x625xf32>
    %swap3A_1137 = vector.shape_cast %swap3A_1136 : vector<1x1x625xf32> to vector<1x625xf32>
    %swap3A_1138 = vector.shape_cast %mul3A_1132 : vector<1x625xf32> to vector<1x1x625xf32>
    tpu.vector_store %arg9[%swap3A_1133, %swap3A_1134, %swap3A_1135], %swap3A_1138 {strides = array<i32>} : memref<8x147x625xf32, #tpu.memory_space<vmem>>, vector<1x1x625xf32>,
    %get3A_1139 = arith.constant 6 : index
    %get3A_1140 = arith.constant 0 : index
    %get3A_1141 = arith.constant 0 : index
    %get3A_1142 = vector.load %arg6[%get3A_1139, %get3A_1140, %get3A_1141] : memref<8x6x625xf32, #tpu.memory_space<vmem>>, vector<1x6x625xf32>
    %get3A_1143 = vector.shape_cast %get3A_1142 : vector<1x6x625xf32> to vector<6x625xf32>
    %broadcast_in_dim3A_1144 = arith.constant 0.000000e+00 : f32
    %broadcast_in_dim3A_1145 = vector.broadcast %broadcast_in_dim3A_1144 : f32 to vector<6x625xf32>
    %eq3A_1146 = arith.constant 0 : i32
    %eq3A_1147 = arith.cmpi eq, %get3A_1086, %eq3A_1146 : i32
    %jit3A_1148 = arith.constant 0.000000e+00 : f32
    %broadcast_in_dim3A_1149 = vector.broadcast %jit3A_1148 : f32 to vector<6x625xf32>
    %select_n3A_1150 = arith.select %eq3A_1147, %get3A_1143, %broadcast_in_dim3A_1149 : vector<6x625xf32>
    %add3A_1151 = arith.addf %broadcast_in_dim3A_1145, %select_n3A_1150 : vector<6x625xf32>
    %slice3A_1152 = vector.extract_strided_slice %get3A_1143 {offsets = [5, 0], sizes = [1, 625], strides = [1, 1]} : vector<6x625xf32> to vector<1x625xf32>
    %slice3A_1153 = vector.extract_strided_slice %get3A_1143 {offsets = [0, 0], sizes = [5, 625], strides = [1, 1]} : vector<6x625xf32> to vector<5x625xf32>
    %concatenate3A_1154 = tpu.concatenate %slice3A_1152, %slice3A_1153 in 0 : vector<1x625xf32>, vector<5x625xf32> -> vector<6x625xf32>
    %eq3A_1155 = arith.constant 1 : i32
    %eq3A_1156 = arith.cmpi eq, %get3A_1086, %eq3A_1155 : i32
    %jit3A_1157 = arith.constant 0.000000e+00 : f32
    %broadcast_in_dim3A_1158 = vector.broadcast %jit3A_1157 : f32 to vector<6x625xf32>
    %select_n3A_1159 = arith.select %eq3A_1156, %concatenate3A_1154, %broadcast_in_dim3A_1158 : vector<6x625xf32>
    %add3A_1160 = arith.addf %add3A_1151, %select_n3A_1159 : vector<6x625xf32>
    %slice3A_1161 = vector.extract_strided_slice %get3A_1143 {offsets = [4, 0], sizes = [2, 625], strides = [1, 1]} : vector<6x625xf32> to vector<2x625xf32>
    %slice3A_1162 = vector.extract_strided_slice %get3A_1143 {offsets = [0, 0], sizes = [4, 625], strides = [1, 1]} : vector<6x625xf32> to vector<4x625xf32>
    %concatenate3A_1163 = tpu.concatenate %slice3A_1161, %slice3A_1162 in 0 : vector<2x625xf32>, vector<4x625xf32> -> vector<6x625xf32>
    %eq3A_1164 = arith.constant 2 : i32
    %eq3A_1165 = arith.cmpi eq, %get3A_1086, %eq3A_1164 : i32
    %jit3A_1166 = arith.constant 0.000000e+00 : f32
    %broadcast_in_dim3A_1167 = vector.broadcast %jit3A_1166 : f32 to vector<6x625xf32>
    %select_n3A_1168 = arith.select %eq3A_1165, %concatenate3A_1163, %broadcast_in_dim3A_1167 : vector<6x625xf32>
    %add3A_1169 = arith.addf %add3A_1160, %select_n3A_1168 : vector<6x625xf32>
    %slice3A_1170 = vector.extract_strided_slice %get3A_1143 {offsets = [3, 0], sizes = [3, 625], strides = [1, 1]} : vector<6x625xf32> to vector<3x625xf32>
    %slice3A_1171 = vector.extract_strided_slice %get3A_1143 {offsets = [0, 0], sizes = [3, 625], strides = [1, 1]} : vector<6x625xf32> to vector<3x625xf32>
    %concatenate3A_1172 = tpu.concatenate %slice3A_1170, %slice3A_1171 in 0 : vector<3x625xf32>, vector<3x625xf32> -> vector<6x625xf32>
    %eq3A_1173 = arith.constant 3 : i32
    %eq3A_1174 = arith.cmpi eq, %get3A_1086, %eq3A_1173 : i32
    %jit3A_1175 = arith.constant 0.000000e+00 : f32
    %broadcast_in_dim3A_1176 = vector.broadcast %jit3A_1175 : f32 to vector<6x625xf32>
    %select_n3A_1177 = arith.select %eq3A_1174, %concatenate3A_1172, %broadcast_in_dim3A_1176 : vector<6x625xf32>
    %add3A_1178 = arith.addf %add3A_1169, %select_n3A_1177 : vector<6x625xf32>
    %slice3A_1179 = vector.extract_strided_slice %get3A_1143 {offsets = [2, 0], sizes = [4, 625], strides = [1, 1]} : vector<6x625xf32> to vector<4x625xf32>
    %slice3A_1180 = vector.extract_strided_slice %get3A_1143 {offsets = [0, 0], sizes = [2, 625], strides = [1, 1]} : vector<6x625xf32> to vector<2x625xf32>
    %concatenate3A_1181 = tpu.concatenate %slice3A_1179, %slice3A_1180 in 0 : vector<4x625xf32>, vector<2x625xf32> -> vector<6x625xf32>
    %eq3A_1182 = arith.constant 4 : i32
    %eq3A_1183 = arith.cmpi eq, %get3A_1086, %eq3A_1182 : i32
    %jit3A_1184 = arith.constant 0.000000e+00 : f32
    %broadcast_in_dim3A_1185 = vector.broadcast %jit3A_1184 : f32 to vector<6x625xf32>
    %select_n3A_1186 = arith.select %eq3A_1183, %concatenate3A_1181, %broadcast_in_dim3A_1185 : vector<6x625xf32>
    %add3A_1187 = arith.addf %add3A_1178, %select_n3A_1186 : vector<6x625xf32>
    %slice3A_1188 = vector.extract_strided_slice %get3A_1143 {offsets = [1, 0], sizes = [5, 625], strides = [1, 1]} : vector<6x625xf32> to vector<5x625xf32>
    %slice3A_1189 = vector.extract_strided_slice %get3A_1143 {offsets = [0, 0], sizes = [1, 625], strides = [1, 1]} : vector<6x625xf32> to vector<1x625xf32>
    %concatenate3A_1190 = tpu.concatenate %slice3A_1188, %slice3A_1189 in 0 : vector<5x625xf32>, vector<1x625xf32> -> vector<6x625xf32>
    %eq3A_1191 = arith.constant 5 : i32
    %eq3A_1192 = arith.cmpi eq, %get3A_1086, %eq3A_1191 : i32
    %jit3A_1193 = arith.constant 0.000000e+00 : f32
    %broadcast_in_dim3A_1194 = vector.broadcast %jit3A_1193 : f32 to vector<6x625xf32>
    %select_n3A_1195 = arith.select %eq3A_1192, %concatenate3A_1190, %broadcast_in_dim3A_1194 : vector<6x625xf32>
    %add3A_1196 = arith.addf %add3A_1187, %select_n3A_1195 : vector<6x625xf32>
    %mul3A_1197 = arith.constant 5.000000e-01 : f32
    %mul3A_1198 = vector.broadcast %mul3A_1197 : f32 to vector<1x625xf32>
    %mul3A_1199 = arith.mulf %mul3A_1198, %get3A_1098 : vector<1x625xf32>
    %mul3A_1200 = vector.broadcast %mul3A_1199 : vector<1x625xf32> to vector<6x625xf32>
    %mul3A_1201 = arith.mulf %add3A_1196, %mul3A_1200 : vector<6x625xf32>
    %swap3A_1202 = arith.constant 6 : index
    %swap3A_1203 = arith.constant 131 : index
    %swap3A_1204 = arith.constant 0 : index
    %swap3A_1205 = vector.load %arg9[%swap3A_1202, %swap3A_1203, %swap3A_1204] : memref<8x147x625xf32, #tpu.memory_space<vmem>>, vector<1x6x625xf32>
    %swap3A_1206 = vector.shape_cast %swap3A_1205 : vector<1x6x625xf32> to vector<6x625xf32>
    %swap3A_1207 = vector.shape_cast %mul3A_1201 : vector<6x625xf32> to vector<1x6x625xf32>
    tpu.vector_store %arg9[%swap3A_1202, %swap3A_1203, %swap3A_1204], %swap3A_1207 {strides = array<i32>} : memref<8x147x625xf32, #tpu.memory_space<vmem>>, vector<1x6x625xf32>,
    %reduce_sum3A_1208 = arith.constant dense<0.000000e+00> : vector<625xf32>
    %reduce_sum3A_1209 = vector.multi_reduction <add>, %get3A_1143, %reduce_sum3A_1208 [0] : vector<6x625xf32> to vector<625xf32>
    %broadcast_in_dim3A_1210 = vector.shape_cast %reduce_sum3A_1209 : vector<625xf32> to vector<1x625xf32>
    %mul3A_1211 = arith.mulf %broadcast_in_dim3A_1210, %get3A_1098 : vector<1x625xf32>
    %swap3A_1212 = arith.constant 6 : index
    %swap3A_1213 = arith.constant 137 : index
    %swap3A_1214 = arith.constant 0 : index
    %swap3A_1215 = vector.load %arg9[%swap3A_1212, %swap3A_1213, %swap3A_1214] : memref<8x147x625xf32, #tpu.memory_space<vmem>>, vector<1x1x625xf32>
    %swap3A_1216 = vector.shape_cast %swap3A_1215 : vector<1x1x625xf32> to vector<1x625xf32>
    %swap3A_1217 = vector.shape_cast %mul3A_1211 : vector<1x625xf32> to vector<1x1x625xf32>
    tpu.vector_store %arg9[%swap3A_1212, %swap3A_1213, %swap3A_1214], %swap3A_1217 {strides = array<i32>} : memref<8x147x625xf32, #tpu.memory_space<vmem>>, vector<1x1x625xf32>,
    %get3A_1218 = arith.constant 6 : index
    %get3A_1219 = arith.constant 0 : index
    %get3A_1220 = arith.constant 0 : index
    %get3A_1221 = vector.load %arg7[%get3A_1218, %get3A_1219, %get3A_1220] : memref<8x1x625xf32, #tpu.memory_space<vmem>>, vector<1x1x625xf32>
    %get3A_1222 = vector.shape_cast %get3A_1221 : vector<1x1x625xf32> to vector<1x625xf32>
    %mul3A_1223 = arith.mulf %get3A_1222, %get3A_1098 : vector<1x625xf32>
    %swap3A_1224 = arith.constant 6 : index
    %swap3A_1225 = arith.constant 138 : index
    %swap3A_1226 = arith.constant 0 : index
    %swap3A_1227 = vector.load %arg9[%swap3A_1224, %swap3A_1225, %swap3A_1226] : memref<8x147x625xf32, #tpu.memory_space<vmem>>, vector<1x1x625xf32>
    %swap3A_1228 = vector.shape_cast %swap3A_1227 : vector<1x1x625xf32> to vector<1x625xf32>
    %swap3A_1229 = vector.shape_cast %mul3A_1223 : vector<1x625xf32> to vector<1x1x625xf32>
    tpu.vector_store %arg9[%swap3A_1224, %swap3A_1225, %swap3A_1226], %swap3A_1229 {strides = array<i32>} : memref<8x147x625xf32, #tpu.memory_space<vmem>>, vector<1x1x625xf32>,
    %get3A_1230 = arith.constant 6 : index
    %get3A_1231 = arith.constant 0 : index
    %get3A_1232 = arith.constant 0 : index
    %get3A_1233 = vector.load %arg8[%get3A_1230, %get3A_1231, %get3A_1232] : memref<8x1x625xf32, #tpu.memory_space<vmem>>, vector<1x1x625xf32>
    %get3A_1234 = vector.shape_cast %get3A_1233 : vector<1x1x625xf32> to vector<1x625xf32>
    %mul3A_1235 = arith.mulf %get3A_1234, %get3A_1098 : vector<1x625xf32>
    %swap3A_1236 = arith.constant 6 : index
    %swap3A_1237 = arith.constant 139 : index
    %swap3A_1238 = arith.constant 0 : index
    %swap3A_1239 = vector.load %arg9[%swap3A_1236, %swap3A_1237, %swap3A_1238] : memref<8x147x625xf32, #tpu.memory_space<vmem>>, vector<1x1x625xf32>
    %swap3A_1240 = vector.shape_cast %swap3A_1239 : vector<1x1x625xf32> to vector<1x625xf32>
    %swap3A_1241 = vector.shape_cast %mul3A_1235 : vector<1x625xf32> to vector<1x1x625xf32>
    tpu.vector_store %arg9[%swap3A_1236, %swap3A_1237, %swap3A_1238], %swap3A_1241 {strides = array<i32>} : memref<8x147x625xf32, #tpu.memory_space<vmem>>, vector<1x1x625xf32>,
    %broadcast_in_dim3A_1242 = arith.constant 1.000000e+00 : f32
    %broadcast_in_dim3A_1243 = vector.broadcast %broadcast_in_dim3A_1242 : f32 to vector<1x625xf32>
    %swap3A_1244 = arith.constant 6 : index
    %swap3A_1245 = arith.constant 140 : index
    %swap3A_1246 = arith.constant 0 : index
    %swap3A_1247 = vector.load %arg9[%swap3A_1244, %swap3A_1245, %swap3A_1246] : memref<8x147x625xf32, #tpu.memory_space<vmem>>, vector<1x1x625xf32>
    %swap3A_1248 = vector.shape_cast %swap3A_1247 : vector<1x1x625xf32> to vector<1x625xf32>
    %swap3A_1249 = vector.shape_cast %broadcast_in_dim3A_1243 : vector<1x625xf32> to vector<1x1x625xf32>
    tpu.vector_store %arg9[%swap3A_1244, %swap3A_1245, %swap3A_1246], %swap3A_1249 {strides = array<i32>} : memref<8x147x625xf32, #tpu.memory_space<vmem>>, vector<1x1x625xf32>,
    %iota3A_1250 = tpu.iota {dimensions = array<i32: 0>} : vector<6x625xi32>
    %eq3A_1251 = vector.broadcast %get3A_1086 : i32 to vector<6x625xi32>
    %eq3A_1252 = arith.cmpi eq, %iota3A_1250, %eq3A_1251 : vector<6x625xi32>
    %jit3A_1253 = arith.constant 1.000000e+00 : f32
    %jit3A_1254 = arith.constant 0.000000e+00 : f32
    %broadcast_in_dim3A_1255 = vector.broadcast %jit3A_1253 : f32 to vector<6x625xf32>
    %broadcast_in_dim3A_1256 = vector.broadcast %jit3A_1254 : f32 to vector<6x625xf32>
    %select_n3A_1257 = arith.select %eq3A_1252, %broadcast_in_dim3A_1255, %broadcast_in_dim3A_1256 : vector<6x625xi1>, vector<6x625xf32>
    %swap3A_1258 = arith.constant 6 : index
    %swap3A_1259 = arith.constant 141 : index
    %swap3A_1260 = arith.constant 0 : index
    %swap3A_1261 = vector.load %arg9[%swap3A_1258, %swap3A_1259, %swap3A_1260] : memref<8x147x625xf32, #tpu.memory_space<vmem>>, vector<1x6x625xf32>
    %swap3A_1262 = vector.shape_cast %swap3A_1261 : vector<1x6x625xf32> to vector<6x625xf32>
    %swap3A_1263 = vector.shape_cast %select_n3A_1257 : vector<6x625xf32> to vector<1x6x625xf32>
    tpu.vector_store %arg9[%swap3A_1258, %swap3A_1259, %swap3A_1260], %swap3A_1263 {strides = array<i32>} : memref<8x147x625xf32, #tpu.memory_space<vmem>>, vector<1x6x625xf32>,
    %add3A_1264 = arith.constant 7 : i32
    %add3A_1265 = arith.addi %mul3A_0, %add3A_1264 : i32
    %get3A_1266 = arith.index_cast %add3A_1265 : i32 to index
    %get3A_1267 = memref.load %arg1[%get3A_1266] : memref<1024xi32, #tpu.memory_space<smem>>
    %get3A_1268 = arith.constant 7 : index
    %get3A_1269 = arith.constant 0 : index
    %get3A_1270 = arith.constant 0 : index
    %get3A_1271 = vector.load %arg2[%get3A_1268, %get3A_1269, %get3A_1270] : memref<8x632x128xf32, #tpu.memory_space<vmem>>, vector<1x632x128xf32>
    %get3A_1272 = vector.shape_cast %get3A_1271 : vector<1x632x128xf32> to vector<632x128xf32>
    %dot_general3A_1273 = arith.constant dense<0.000000e+00> : vector<128x632xf32>
    %dot_general3A_1274 = tpu.matmul %select_n3A, %get3A_1272, %dot_general3A_1273 {dimension_numbers = #tpu.dot_dimension_numbers<[1], [1], [0], [0], [0, 0, 1, 0], [], []>, transpose_lhs_hint = false} : vector<128x128xf32>, vector<632x128xf32>, vector<128x632xf32> -> vector<128x632xf32>
    %get3A_1275 = arith.constant 7 : index
    %get3A_1276 = arith.constant 0 : index
    %get3A_1277 = arith.constant 0 : index
    %get3A_1278 = vector.load %arg5[%get3A_1275, %get3A_1276, %get3A_1277] : memref<8x1x625xf32, #tpu.memory_space<vmem>>, vector<1x1x625xf32>
    %get3A_1279 = vector.shape_cast %get3A_1278 : vector<1x1x625xf32> to vector<1x625xf32>
    %slice3A_1280 = vector.extract_strided_slice %dot_general3A_1274 {offsets = [0, 0], sizes = [128, 625], strides = [1, 1]} : vector<128x632xf32> to vector<128x625xf32>
    %mul3A_1281 = vector.broadcast %get3A_1279 : vector<1x625xf32> to vector<128x625xf32>
    %mul3A_1282 = arith.mulf %slice3A_1280, %mul3A_1281 : vector<128x625xf32>
    %swap3A_1283 = arith.constant 7 : index
    %swap3A_1284 = arith.constant 0 : index
    %swap3A_1285 = arith.constant 0 : index
    %swap3A_1286 = vector.load %arg9[%swap3A_1283, %swap3A_1284, %swap3A_1285] : memref<8x147x625xf32, #tpu.memory_space<vmem>>, vector<1x128x625xf32>
    %swap3A_1287 = vector.shape_cast %swap3A_1286 : vector<1x128x625xf32> to vector<128x625xf32>
    %swap3A_1288 = vector.shape_cast %mul3A_1282 : vector<128x625xf32> to vector<1x128x625xf32>
    tpu.vector_store %arg9[%swap3A_1283, %swap3A_1284, %swap3A_1285], %swap3A_1288 {strides = array<i32>} : memref<8x147x625xf32, #tpu.memory_space<vmem>>, vector<1x128x625xf32>,
    %get3A_1289 = arith.constant 7 : index
    %get3A_1290 = arith.constant 0 : index
    %get3A_1291 = arith.constant 0 : index
    %get3A_1292 = vector.load %arg3[%get3A_1289, %get3A_1290, %get3A_1291] : memref<8x1x625xf32, #tpu.memory_space<vmem>>, vector<1x1x625xf32>
    %get3A_1293 = vector.shape_cast %get3A_1292 : vector<1x1x625xf32> to vector<1x625xf32>
    %mul3A_1294 = arith.mulf %get3A_1293, %get3A_1279 : vector<1x625xf32>
    %swap3A_1295 = arith.constant 7 : index
    %swap3A_1296 = arith.constant 128 : index
    %swap3A_1297 = arith.constant 0 : index
    %swap3A_1298 = vector.load %arg9[%swap3A_1295, %swap3A_1296, %swap3A_1297] : memref<8x147x625xf32, #tpu.memory_space<vmem>>, vector<1x1x625xf32>
    %swap3A_1299 = vector.shape_cast %swap3A_1298 : vector<1x1x625xf32> to vector<1x625xf32>
    %swap3A_1300 = vector.shape_cast %mul3A_1294 : vector<1x625xf32> to vector<1x1x625xf32>
    tpu.vector_store %arg9[%swap3A_1295, %swap3A_1296, %swap3A_1297], %swap3A_1300 {strides = array<i32>} : memref<8x147x625xf32, #tpu.memory_space<vmem>>, vector<1x1x625xf32>,
    %get3A_1301 = arith.constant 7 : index
    %get3A_1302 = arith.constant 0 : index
    %get3A_1303 = arith.constant 0 : index
    %get3A_1304 = vector.load %arg4[%get3A_1301, %get3A_1302, %get3A_1303] : memref<8x1x625xf32, #tpu.memory_space<vmem>>, vector<1x1x625xf32>
    %get3A_1305 = vector.shape_cast %get3A_1304 : vector<1x1x625xf32> to vector<1x625xf32>
    %mul3A_1306 = arith.mulf %get3A_1305, %get3A_1279 : vector<1x625xf32>
    %swap3A_1307 = arith.constant 7 : index
    %swap3A_1308 = arith.constant 129 : index
    %swap3A_1309 = arith.constant 0 : index
    %swap3A_1310 = vector.load %arg9[%swap3A_1307, %swap3A_1308, %swap3A_1309] : memref<8x147x625xf32, #tpu.memory_space<vmem>>, vector<1x1x625xf32>
    %swap3A_1311 = vector.shape_cast %swap3A_1310 : vector<1x1x625xf32> to vector<1x625xf32>
    %swap3A_1312 = vector.shape_cast %mul3A_1306 : vector<1x625xf32> to vector<1x1x625xf32>
    tpu.vector_store %arg9[%swap3A_1307, %swap3A_1308, %swap3A_1309], %swap3A_1312 {strides = array<i32>} : memref<8x147x625xf32, #tpu.memory_space<vmem>>, vector<1x1x625xf32>,
    %mul3A_1313 = arith.mulf %get3A_1279, %get3A_1279 : vector<1x625xf32>
    %swap3A_1314 = arith.constant 7 : index
    %swap3A_1315 = arith.constant 130 : index
    %swap3A_1316 = arith.constant 0 : index
    %swap3A_1317 = vector.load %arg9[%swap3A_1314, %swap3A_1315, %swap3A_1316] : memref<8x147x625xf32, #tpu.memory_space<vmem>>, vector<1x1x625xf32>
    %swap3A_1318 = vector.shape_cast %swap3A_1317 : vector<1x1x625xf32> to vector<1x625xf32>
    %swap3A_1319 = vector.shape_cast %mul3A_1313 : vector<1x625xf32> to vector<1x1x625xf32>
    tpu.vector_store %arg9[%swap3A_1314, %swap3A_1315, %swap3A_1316], %swap3A_1319 {strides = array<i32>} : memref<8x147x625xf32, #tpu.memory_space<vmem>>, vector<1x1x625xf32>,
    %get3A_1320 = arith.constant 7 : index
    %get3A_1321 = arith.constant 0 : index
    %get3A_1322 = arith.constant 0 : index
    %get3A_1323 = vector.load %arg6[%get3A_1320, %get3A_1321, %get3A_1322] : memref<8x6x625xf32, #tpu.memory_space<vmem>>, vector<1x6x625xf32>
    %get3A_1324 = vector.shape_cast %get3A_1323 : vector<1x6x625xf32> to vector<6x625xf32>
    %broadcast_in_dim3A_1325 = arith.constant 0.000000e+00 : f32
    %broadcast_in_dim3A_1326 = vector.broadcast %broadcast_in_dim3A_1325 : f32 to vector<6x625xf32>
    %eq3A_1327 = arith.constant 0 : i32
    %eq3A_1328 = arith.cmpi eq, %get3A_1267, %eq3A_1327 : i32
    %jit3A_1329 = arith.constant 0.000000e+00 : f32
    %broadcast_in_dim3A_1330 = vector.broadcast %jit3A_1329 : f32 to vector<6x625xf32>
    %select_n3A_1331 = arith.select %eq3A_1328, %get3A_1324, %broadcast_in_dim3A_1330 : vector<6x625xf32>
    %add3A_1332 = arith.addf %broadcast_in_dim3A_1326, %select_n3A_1331 : vector<6x625xf32>
    %slice3A_1333 = vector.extract_strided_slice %get3A_1324 {offsets = [5, 0], sizes = [1, 625], strides = [1, 1]} : vector<6x625xf32> to vector<1x625xf32>
    %slice3A_1334 = vector.extract_strided_slice %get3A_1324 {offsets = [0, 0], sizes = [5, 625], strides = [1, 1]} : vector<6x625xf32> to vector<5x625xf32>
    %concatenate3A_1335 = tpu.concatenate %slice3A_1333, %slice3A_1334 in 0 : vector<1x625xf32>, vector<5x625xf32> -> vector<6x625xf32>
    %eq3A_1336 = arith.constant 1 : i32
    %eq3A_1337 = arith.cmpi eq, %get3A_1267, %eq3A_1336 : i32
    %jit3A_1338 = arith.constant 0.000000e+00 : f32
    %broadcast_in_dim3A_1339 = vector.broadcast %jit3A_1338 : f32 to vector<6x625xf32>
    %select_n3A_1340 = arith.select %eq3A_1337, %concatenate3A_1335, %broadcast_in_dim3A_1339 : vector<6x625xf32>
    %add3A_1341 = arith.addf %add3A_1332, %select_n3A_1340 : vector<6x625xf32>
    %slice3A_1342 = vector.extract_strided_slice %get3A_1324 {offsets = [4, 0], sizes = [2, 625], strides = [1, 1]} : vector<6x625xf32> to vector<2x625xf32>
    %slice3A_1343 = vector.extract_strided_slice %get3A_1324 {offsets = [0, 0], sizes = [4, 625], strides = [1, 1]} : vector<6x625xf32> to vector<4x625xf32>
    %concatenate3A_1344 = tpu.concatenate %slice3A_1342, %slice3A_1343 in 0 : vector<2x625xf32>, vector<4x625xf32> -> vector<6x625xf32>
    %eq3A_1345 = arith.constant 2 : i32
    %eq3A_1346 = arith.cmpi eq, %get3A_1267, %eq3A_1345 : i32
    %jit3A_1347 = arith.constant 0.000000e+00 : f32
    %broadcast_in_dim3A_1348 = vector.broadcast %jit3A_1347 : f32 to vector<6x625xf32>
    %select_n3A_1349 = arith.select %eq3A_1346, %concatenate3A_1344, %broadcast_in_dim3A_1348 : vector<6x625xf32>
    %add3A_1350 = arith.addf %add3A_1341, %select_n3A_1349 : vector<6x625xf32>
    %slice3A_1351 = vector.extract_strided_slice %get3A_1324 {offsets = [3, 0], sizes = [3, 625], strides = [1, 1]} : vector<6x625xf32> to vector<3x625xf32>
    %slice3A_1352 = vector.extract_strided_slice %get3A_1324 {offsets = [0, 0], sizes = [3, 625], strides = [1, 1]} : vector<6x625xf32> to vector<3x625xf32>
    %concatenate3A_1353 = tpu.concatenate %slice3A_1351, %slice3A_1352 in 0 : vector<3x625xf32>, vector<3x625xf32> -> vector<6x625xf32>
    %eq3A_1354 = arith.constant 3 : i32
    %eq3A_1355 = arith.cmpi eq, %get3A_1267, %eq3A_1354 : i32
    %jit3A_1356 = arith.constant 0.000000e+00 : f32
    %broadcast_in_dim3A_1357 = vector.broadcast %jit3A_1356 : f32 to vector<6x625xf32>
    %select_n3A_1358 = arith.select %eq3A_1355, %concatenate3A_1353, %broadcast_in_dim3A_1357 : vector<6x625xf32>
    %add3A_1359 = arith.addf %add3A_1350, %select_n3A_1358 : vector<6x625xf32>
    %slice3A_1360 = vector.extract_strided_slice %get3A_1324 {offsets = [2, 0], sizes = [4, 625], strides = [1, 1]} : vector<6x625xf32> to vector<4x625xf32>
    %slice3A_1361 = vector.extract_strided_slice %get3A_1324 {offsets = [0, 0], sizes = [2, 625], strides = [1, 1]} : vector<6x625xf32> to vector<2x625xf32>
    %concatenate3A_1362 = tpu.concatenate %slice3A_1360, %slice3A_1361 in 0 : vector<4x625xf32>, vector<2x625xf32> -> vector<6x625xf32>
    %eq3A_1363 = arith.constant 4 : i32
    %eq3A_1364 = arith.cmpi eq, %get3A_1267, %eq3A_1363 : i32
    %jit3A_1365 = arith.constant 0.000000e+00 : f32
    %broadcast_in_dim3A_1366 = vector.broadcast %jit3A_1365 : f32 to vector<6x625xf32>
    %select_n3A_1367 = arith.select %eq3A_1364, %concatenate3A_1362, %broadcast_in_dim3A_1366 : vector<6x625xf32>
    %add3A_1368 = arith.addf %add3A_1359, %select_n3A_1367 : vector<6x625xf32>
    %slice3A_1369 = vector.extract_strided_slice %get3A_1324 {offsets = [1, 0], sizes = [5, 625], strides = [1, 1]} : vector<6x625xf32> to vector<5x625xf32>
    %slice3A_1370 = vector.extract_strided_slice %get3A_1324 {offsets = [0, 0], sizes = [1, 625], strides = [1, 1]} : vector<6x625xf32> to vector<1x625xf32>
    %concatenate3A_1371 = tpu.concatenate %slice3A_1369, %slice3A_1370 in 0 : vector<5x625xf32>, vector<1x625xf32> -> vector<6x625xf32>
    %eq3A_1372 = arith.constant 5 : i32
    %eq3A_1373 = arith.cmpi eq, %get3A_1267, %eq3A_1372 : i32
    %jit3A_1374 = arith.constant 0.000000e+00 : f32
    %broadcast_in_dim3A_1375 = vector.broadcast %jit3A_1374 : f32 to vector<6x625xf32>
    %select_n3A_1376 = arith.select %eq3A_1373, %concatenate3A_1371, %broadcast_in_dim3A_1375 : vector<6x625xf32>
    %add3A_1377 = arith.addf %add3A_1368, %select_n3A_1376 : vector<6x625xf32>
    %mul3A_1378 = arith.constant 5.000000e-01 : f32
    %mul3A_1379 = vector.broadcast %mul3A_1378 : f32 to vector<1x625xf32>
    %mul3A_1380 = arith.mulf %mul3A_1379, %get3A_1279 : vector<1x625xf32>
    %mul3A_1381 = vector.broadcast %mul3A_1380 : vector<1x625xf32> to vector<6x625xf32>
    %mul3A_1382 = arith.mulf %add3A_1377, %mul3A_1381 : vector<6x625xf32>
    %swap3A_1383 = arith.constant 7 : index
    %swap3A_1384 = arith.constant 131 : index
    %swap3A_1385 = arith.constant 0 : index
    %swap3A_1386 = vector.load %arg9[%swap3A_1383, %swap3A_1384, %swap3A_1385] : memref<8x147x625xf32, #tpu.memory_space<vmem>>, vector<1x6x625xf32>
    %swap3A_1387 = vector.shape_cast %swap3A_1386 : vector<1x6x625xf32> to vector<6x625xf32>
    %swap3A_1388 = vector.shape_cast %mul3A_1382 : vector<6x625xf32> to vector<1x6x625xf32>
    tpu.vector_store %arg9[%swap3A_1383, %swap3A_1384, %swap3A_1385], %swap3A_1388 {strides = array<i32>} : memref<8x147x625xf32, #tpu.memory_space<vmem>>, vector<1x6x625xf32>,
    %reduce_sum3A_1389 = arith.constant dense<0.000000e+00> : vector<625xf32>
    %reduce_sum3A_1390 = vector.multi_reduction <add>, %get3A_1324, %reduce_sum3A_1389 [0] : vector<6x625xf32> to vector<625xf32>
    %broadcast_in_dim3A_1391 = vector.shape_cast %reduce_sum3A_1390 : vector<625xf32> to vector<1x625xf32>
    %mul3A_1392 = arith.mulf %broadcast_in_dim3A_1391, %get3A_1279 : vector<1x625xf32>
    %swap3A_1393 = arith.constant 7 : index
    %swap3A_1394 = arith.constant 137 : index
    %swap3A_1395 = arith.constant 0 : index
    %swap3A_1396 = vector.load %arg9[%swap3A_1393, %swap3A_1394, %swap3A_1395] : memref<8x147x625xf32, #tpu.memory_space<vmem>>, vector<1x1x625xf32>
    %swap3A_1397 = vector.shape_cast %swap3A_1396 : vector<1x1x625xf32> to vector<1x625xf32>
    %swap3A_1398 = vector.shape_cast %mul3A_1392 : vector<1x625xf32> to vector<1x1x625xf32>
    tpu.vector_store %arg9[%swap3A_1393, %swap3A_1394, %swap3A_1395], %swap3A_1398 {strides = array<i32>} : memref<8x147x625xf32, #tpu.memory_space<vmem>>, vector<1x1x625xf32>,
    %get3A_1399 = arith.constant 7 : index
    %get3A_1400 = arith.constant 0 : index
    %get3A_1401 = arith.constant 0 : index
    %get3A_1402 = vector.load %arg7[%get3A_1399, %get3A_1400, %get3A_1401] : memref<8x1x625xf32, #tpu.memory_space<vmem>>, vector<1x1x625xf32>
    %get3A_1403 = vector.shape_cast %get3A_1402 : vector<1x1x625xf32> to vector<1x625xf32>
    %mul3A_1404 = arith.mulf %get3A_1403, %get3A_1279 : vector<1x625xf32>
    %swap3A_1405 = arith.constant 7 : index
    %swap3A_1406 = arith.constant 138 : index
    %swap3A_1407 = arith.constant 0 : index
    %swap3A_1408 = vector.load %arg9[%swap3A_1405, %swap3A_1406, %swap3A_1407] : memref<8x147x625xf32, #tpu.memory_space<vmem>>, vector<1x1x625xf32>
    %swap3A_1409 = vector.shape_cast %swap3A_1408 : vector<1x1x625xf32> to vector<1x625xf32>
    %swap3A_1410 = vector.shape_cast %mul3A_1404 : vector<1x625xf32> to vector<1x1x625xf32>
    tpu.vector_store %arg9[%swap3A_1405, %swap3A_1406, %swap3A_1407], %swap3A_1410 {strides = array<i32>} : memref<8x147x625xf32, #tpu.memory_space<vmem>>, vector<1x1x625xf32>,
    %get3A_1411 = arith.constant 7 : index
    %get3A_1412 = arith.constant 0 : index
    %get3A_1413 = arith.constant 0 : index
    %get3A_1414 = vector.load %arg8[%get3A_1411, %get3A_1412, %get3A_1413] : memref<8x1x625xf32, #tpu.memory_space<vmem>>, vector<1x1x625xf32>
    %get3A_1415 = vector.shape_cast %get3A_1414 : vector<1x1x625xf32> to vector<1x625xf32>
    %mul3A_1416 = arith.mulf %get3A_1415, %get3A_1279 : vector<1x625xf32>
    %swap3A_1417 = arith.constant 7 : index
    %swap3A_1418 = arith.constant 139 : index
    %swap3A_1419 = arith.constant 0 : index
    %swap3A_1420 = vector.load %arg9[%swap3A_1417, %swap3A_1418, %swap3A_1419] : memref<8x147x625xf32, #tpu.memory_space<vmem>>, vector<1x1x625xf32>
    %swap3A_1421 = vector.shape_cast %swap3A_1420 : vector<1x1x625xf32> to vector<1x625xf32>
    %swap3A_1422 = vector.shape_cast %mul3A_1416 : vector<1x625xf32> to vector<1x1x625xf32>
    tpu.vector_store %arg9[%swap3A_1417, %swap3A_1418, %swap3A_1419], %swap3A_1422 {strides = array<i32>} : memref<8x147x625xf32, #tpu.memory_space<vmem>>, vector<1x1x625xf32>,
    %broadcast_in_dim3A_1423 = arith.constant 1.000000e+00 : f32
    %broadcast_in_dim3A_1424 = vector.broadcast %broadcast_in_dim3A_1423 : f32 to vector<1x625xf32>
    %swap3A_1425 = arith.constant 7 : index
    %swap3A_1426 = arith.constant 140 : index
    %swap3A_1427 = arith.constant 0 : index
    %swap3A_1428 = vector.load %arg9[%swap3A_1425, %swap3A_1426, %swap3A_1427] : memref<8x147x625xf32, #tpu.memory_space<vmem>>, vector<1x1x625xf32>
    %swap3A_1429 = vector.shape_cast %swap3A_1428 : vector<1x1x625xf32> to vector<1x625xf32>
    %swap3A_1430 = vector.shape_cast %broadcast_in_dim3A_1424 : vector<1x625xf32> to vector<1x1x625xf32>
    tpu.vector_store %arg9[%swap3A_1425, %swap3A_1426, %swap3A_1427], %swap3A_1430 {strides = array<i32>} : memref<8x147x625xf32, #tpu.memory_space<vmem>>, vector<1x1x625xf32>,
    %iota3A_1431 = tpu.iota {dimensions = array<i32: 0>} : vector<6x625xi32>
    %eq3A_1432 = vector.broadcast %get3A_1267 : i32 to vector<6x625xi32>
    %eq3A_1433 = arith.cmpi eq, %iota3A_1431, %eq3A_1432 : vector<6x625xi32>
    %jit3A_1434 = arith.constant 1.000000e+00 : f32
    %jit3A_1435 = arith.constant 0.000000e+00 : f32
    %broadcast_in_dim3A_1436 = vector.broadcast %jit3A_1434 : f32 to vector<6x625xf32>
    %broadcast_in_dim3A_1437 = vector.broadcast %jit3A_1435 : f32 to vector<6x625xf32>
    %select_n3A_1438 = arith.select %eq3A_1433, %broadcast_in_dim3A_1436, %broadcast_in_dim3A_1437 : vector<6x625xi1>, vector<6x625xf32>
    %swap3A_1439 = arith.constant 7 : index
    %swap3A_1440 = arith.constant 141 : index
    %swap3A_1441 = arith.constant 0 : index
    %swap3A_1442 = vector.load %arg9[%swap3A_1439, %swap3A_1440, %swap3A_1441] : memref<8x147x625xf32, #tpu.memory_space<vmem>>, vector<1x6x625xf32>
    %swap3A_1443 = vector.shape_cast %swap3A_1442 : vector<1x6x625xf32> to vector<6x625xf32>
    %swap3A_1444 = vector.shape_cast %select_n3A_1438 : vector<6x625xf32> to vector<1x6x625xf32>
    tpu.vector_store %arg9[%swap3A_1439, %swap3A_1440, %swap3A_1441], %swap3A_1444 {strides = array<i32>} : memref<8x147x625xf32, #tpu.memory_space<vmem>>, vector<1x6x625xf32>,
    return
  }
  func.func @transform_0(%arg0: i32) -> i32 {
    %c0_i32 = arith.constant 0 : i32
    %c0_i32_0 = arith.constant 0 : i32
    return %c0_i32 : i32
  }
  func.func @transform_1(%arg0: i32) -> (i32, i32, i32) {
    %c0_i32 = arith.constant 0 : i32
    %c0_i32_0 = arith.constant 0 : i32
    %c0_i32_1 = arith.constant 0 : i32
    return %arg0, %c0_i32, %c0_i32_0 : i32, i32, i32
  }
  func.func @transform_2(%arg0: i32) -> (i32, i32, i32) {
    %c0_i32 = arith.constant 0 : i32
    %c0_i32_0 = arith.constant 0 : i32
    %c0_i32_1 = arith.constant 0 : i32
    return %arg0, %c0_i32, %c0_i32_0 : i32, i32, i32
  }
  func.func @transform_3(%arg0: i32) -> (i32, i32, i32) {
    %c0_i32 = arith.constant 0 : i32
    %c0_i32_0 = arith.constant 0 : i32
    %c0_i32_1 = arith.constant 0 : i32
    return %arg0, %c0_i32, %c0_i32_0 : i32, i32, i32
  }
  func.func @transform_4(%arg0: i32) -> (i32, i32, i32) {
    %c0_i32 = arith.constant 0 : i32
    %c0_i32_0 = arith.constant 0 : i32
    %c0_i32_1 = arith.constant 0 : i32
    return %arg0, %c0_i32, %c0_i32_0 : i32, i32, i32
  }
  func.func @transform_5(%arg0: i32) -> (i32, i32, i32) {
    %c0_i32 = arith.constant 0 : i32
    %c0_i32_0 = arith.constant 0 : i32
    %c0_i32_1 = arith.constant 0 : i32
    return %arg0, %c0_i32, %c0_i32_0 : i32, i32, i32
  }
  func.func @transform_6(%arg0: i32) -> (i32, i32, i32) {
    %c0_i32 = arith.constant 0 : i32
    %c0_i32_0 = arith.constant 0 : i32
    %c0_i32_1 = arith.constant 0 : i32
    return %arg0, %c0_i32, %c0_i32_0 : i32, i32, i32
  }
  func.func @transform_7(%arg0: i32) -> (i32, i32, i32) {
    %c0_i32 = arith.constant 0 : i32
    %c0_i32_0 = arith.constant 0 : i32
    %c0_i32_1 = arith.constant 0 : i32
    return %arg0, %c0_i32, %c0_i32_0 : i32, i32, i32
  }
  func.func @transform_8(%arg0: i32) -> (i32, i32, i32) {
    %c0_i32 = arith.constant 0 : i32
    %c0_i32_0 = arith.constant 0 : i32
    %c0_i32_1 = arith.constant 0 : i32
    return %arg0, %c0_i32, %c0_i32_0 : i32, i32, i32
  }
}

</mosaic_0001>

<sc_bundles>
// kernel: kernel.4.cloned.1.call-start
scs
__scs_entry_jumppad:
0x0: {  	(pc) =	sbr.rel $0x88, $3  }
0x1: {  	(tag) =	ssettag $0x0;
	lr =	simm.s32 $0x1  }
0x2: {  	[smem:$0x3F96] =	sst lr;
	_ =	strace $0xD0000000  }
0x3: {  	_ = 	snop  }
0x4: {  	_ = 	snop  }
0x5: {  	_ = 	snop  }
0x6: {  	_ = 	snop  }
0x7: {  	_ = 	snop  }
__scs_overlays_trampoline_lowered:
0x8: {  	[smem:$0x3FA5] =	sst s0  }
0x9: {  	[smem:$0x3FA6] =	sst s1  }
0xa: {  	[smem:$0x3FA7] =	sst s2  }
0xb: {  	[smem:$0x3FA8] =	sst s3  }
0xc: {  	[smem:$0x3FA9] =	sst s4  }
0xd: {  	[smem:$0x3FAA] =	sst s5  }
0xe: {  	[smem:$0x3FAB] =	sst s6  }
0xf: {  	[smem:$0x3FAC] =	sst s7  }
0x10: {  	[smem:$0x3FAD] =	sst s8  }
0x11: {  	[smem:$0x3FAE] =	sst s9;
	s0 =	simm.s32 @!p0 $0x0  }
0x12: {  	s1 =	sld [smem:$0x3F94];
	s0 =	simm.s32 @p0 $0x1  }
0x13: {  	[smem:$0x3FAF] =	sst s0;
	s0 =	simm.s32 @!p1 $0x0  }
0x14: {  	s2 =	sld [smem:$0x3F93];
	s0 =	simm.s32 @p1 $0x1  }
0x15: {  	[smem:$0x3FB0] =	sst s0;
	s0 =	simm.s32 @!p2 $0x0  }
0x16: {  	s3 =	sld [smem:$0x3FDB];
	s0 =	simm.s32 @p2 $0x1  }
0x17: {  	s4 =	simm.s32 $0x1BF5;
	[smem:$0x3FB2] =	sst s0  }
0x18: {  	s0 =	sld [smem:$0x3F95];
	_ =	swait.ge [sflag:s4], $0x0  }
0x19: {  	s7 =	sld [smem:$0x3F96]  }
0x1a: {  	s8 =	sadd.s32 $0xFFFFE003, lr  }
0x1b: {  	s9 =	sadd.s32 $0xFFFFFEF7, lr;
	s5 =	simm.s32 $0xFFFFFFFF;
	p2 =	slt.u32 s8, $0xFFFFF086  }
0x1c: {  	p1 =	slt.u32 s9, $0xF7A;
	s5 =	simm.s32 @!p2 $0x0  }
0x1d: {  	s5 =	simm.s32 @p1 $0x1;
	p0 =	seq.s32 s7, s2  }
0x1e: {  	s7 =	smul.u32 @!p0 $0xF7A, s2;
	p2 =	seq.s32 @!p0 s5, $0x0  }
0x1f: {  	s9 =	smul.u32 $0xF7A, s1;
	s8 =	simm.s32 @!p0 $0x1BF5;
	p2 =	por !p2, p0  }
0x20: {  	[sflag:s8] =	ssyncset.s32 @!p0 $0xFFFFF086;
	s6 =	sadd.s32 @!p0 s3, s7;
	s7 =	simm.s32 @!p0 $0x108  }
0x21: {  	s3 =	sadd.s32 s3, s9;
	s6 =	sadd.s32 @!p0 $0x88, s6;
	s7 =	simm.s32 @p2 $0x1082  }
0x22: {  	[simem:s7], [sflag:s8] =	dma.local @!p0 [hbm:s6], $0xF7A  }
0x23: {  	s9 =	sor.u32 $0xD0000000, s2;
	s6 =	simm.s32 $0x108;
	_ =	swait.ge @!p0 [sflag:s8], $0x0  }
0x24: {  	s3 =	sadd.s32 $0x88, s3;
	s6 =	simm.s32 @!p1 $0x1082;
	[sflag:s4] =	ssyncset.s32 $0xFFFFF086  }
0x25: {  	[simem:s6], [sflag:s4] =	dma.local [hbm:s3], $0xF7A  }
0x26: {  	[smem:$0x3F96] =	sst s1;
	(tag) =	ssettag s2;
	_ =	strace s9  }
0x27: {  	s1 =	sld [smem:$0x3FA6]  }
0x28: {  	s2 =	sld [smem:$0x3FA7]  }
0x29: {  	s4 =	sld [smem:$0x3FA9]  }
0x2a: {  	p0 =	seq.s32 s5, $0x0;
	s5 =	sld [smem:$0x3FAA]  }
0x2b: {  	s6 =	sld [smem:$0x3FAB]  }
0x2c: {  	s7 =	sld [smem:$0x3FAC]  }
0x2d: {  	s3 =	simm.s32 $0x108;
	s8 =	sld [smem:$0x3FAD]  }
0x2e: {  	s3 =	simm.s32 @!p0 $0x1082;
	s9 =	sld [smem:$0x3FAE]  }
0x2f: {  	lr =	sadd.s32 s0, s3;
	s0 =	sld [smem:$0x3FA5]  }
0x30: {  	s3 =	sld [smem:$0x3FA8]  }
0x31: {  	[smem:$0x3FB1] =	sst s10  }
0x32: {  	s10 =	sld [smem:$0x3FAF];
	_ =	sdelay $0x3  }
0x33: {  	p0 =	seq.s32 s10, $0x1;
	s10 =	sld [smem:$0x3FB1];
	_ =	sdelay $0x3  }
0x34: {  	[smem:$0x3FB1] =	sst s10  }
0x35: {  	s10 =	sld [smem:$0x3FB0];
	_ =	sdelay $0x3  }
0x36: {  	p1 =	seq.s32 s10, $0x1;
	s10 =	sld [smem:$0x3FB1];
	_ =	sdelay $0x3  }
0x37: {  	[smem:$0x3FB1] =	sst s10  }
0x38: {  	s10 =	sld [smem:$0x3FB2]  }
0x39: {  	_ = 	snop;
	(pc) =	sbr.ind lr, $3  }
0x3a: {  	_ = 	snop  }
0x3b: {  	_ = 	snop  }
0x3c: {  	p2 =	seq.s32 s10, $0x1;
	s10 =	sld [smem:$0x3FB1]  }
0x3d: {  	_ =	shalt  }
0x3e: {  	_ =	shalt  }
0x3f: {  	_ =	shalt  }
0x40: {  	_ =	shalt  }
0x41: {  	_ =	shalt  }
0x42: {  	_ =	shalt  }
0x43: {  	_ =	shalt  }
0x44: {  	_ =	shalt  }
0x45: {  	_ =	shalt  }
0x46: {  	_ =	shalt  }
0x47: {  	_ =	shalt  }
0x48: {  	_ =	shalt  }
0x49: {  	_ =	shalt  }
0x4a: {  	_ =	shalt  }
0x4b: {  	_ =	shalt  }
0x4c: {  	_ =	shalt  }
0x4d: {  	_ =	shalt  }
0x4e: {  	_ =	shalt  }
0x4f: {  	_ =	shalt  }
0x50: {  	_ =	shalt  }
0x51: {  	_ =	shalt  }
0x52: {  	_ =	shalt  }
0x53: {  	_ =	shalt  }
0x54: {  	_ =	shalt  }
0x55: {  	_ =	shalt  }
0x56: {  	_ =	shalt  }
0x57: {  	_ =	shalt  }
0x58: {  	_ =	shalt  }
0x59: {  	_ =	shalt  }
0x5a: {  	_ =	shalt  }
0x5b: {  	_ =	shalt  }
0x5c: {  	_ =	shalt  }
0x5d: {  	_ =	shalt  }
0x5e: {  	_ =	shalt  }
0x5f: {  	_ =	shalt  }
0x60: {  	_ =	shalt  }
0x61: {  	_ =	shalt  }
0x62: {  	_ =	shalt  }
0x63: {  	_ =	shalt  }
0x64: {  	_ =	shalt  }
0x65: {  	_ =	shalt  }
0x66: {  	_ =	shalt  }
0x67: {  	_ =	shalt  }
0x68: {  	_ =	shalt  }
0x69: {  	_ =	shalt  }
0x6a: {  	_ =	shalt  }
0x6b: {  	_ =	shalt  }
0x6c: {  	_ =	shalt  }
0x6d: {  	_ =	shalt  }
0x6e: {  	_ =	shalt  }
0x6f: {  	_ =	shalt  }
0x70: {  	_ =	shalt  }
0x71: {  	_ =	shalt  }
0x72: {  	_ =	shalt  }
0x73: {  	_ =	shalt  }
0x74: {  	_ =	shalt  }
0x75: {  	_ =	shalt  }
0x76: {  	_ =	shalt  }
0x77: {  	_ =	shalt  }
0x78: {  	_ =	shalt  }
0x79: {  	_ =	shalt  }
0x7a: {  	_ =	shalt  }
0x7b: {  	_ =	shalt  }
0x7c: {  	_ =	shalt  }
0x7d: {  	_ =	shalt  }
0x7e: {  	_ =	shalt  }
0x7f: {  	_ =	shalt  }
0x80: {  	_ =	shalt  }
0x81: {  	_ =	shalt  }
0x82: {  	_ =	shalt  }
0x83: {  	_ =	shalt  }
0x84: {  	_ =	shalt  }
0x85: {  	_ =	shalt  }
0x86: {  	_ =	shalt  }
0x87: {  	_ =	shalt  }
.Lfunc_end0:
.L_simem_size_0:
called_computation_lowered:
.L_overlay_start_0:
0x88: {  	s2 =	sld [smem:$0x3FD9]  }
0x89: {  	s3 =	sld [smem:$0x3FFE];
	_ =	sdelay $0x1  }
0x8a: {  	s1 =	srdreg.scid  }
0x8b: {  	s0 =	sand.u32 $0x1, s1  }
0x8c: {  	s17 =	sshll.u32 s0, $0xA;
	s2 =	sadd.s32 s3, s2  }
0x8d: {  	s2 =	sadd.s32 s2, s17  }
0x8e: {  	[smem:$0x3FBD] =	sst s2  }
0x8f: {  	_ = 	snop  }
0x90: {  	s2 =	sld [smem:$0x3FC0]  }
0x91: {  	s18 =	sld [smem:$0x3FBF]  }
0x92: {  	s4 =	sld [smem:$0x3FD0];
	(tm) =	ssettm $0x1  }
0x93: {  	s5 =	sld [smem:$0x3FFB];
	_ =	sdelay $0x3  }
0x94: {  	_ =	strace s5  }
0x95: {  	s5 =	sld [smem:$0x3FFC];
	_ =	sdelay $0x3  }
0x96: {  	_ =	strace s5  }
0x97: {  	s5 =	sld [smem:$0x3FFD];
	_ =	sdelay $0x3  }
0x98: {  	_ =	strace s5  }
0x99: {  	_ =	strace $0x8FFFFFFF  }
0x9a: {  	s19 =	sld [smem:$0x3FDB];
	_ =	sdelay $0x1  }
0x9b: {  	s6 =	simm.s32 $_scs_section_size  }
0x9c: {  	s7 =	simm.s32 $_size__tile_overlayer_lowered;
	s8 =	simm.s32 $_tile_overlayer_lowered  }
0x9d: {  	s22 =	simm.s32 $0x1BFF;
	s21 =	sshll.u32 s8, $0x1;
	s5 =	sadd.s32 s6, s19  }
0x9e: {  	s9 =	simm.s32 $0x0;
	s20 =	sshll.u32 s7, $0x1;
	s7 =	sadd.s32 s21, s5  }
0x9f: {  	[timem:s9], [sflag:s22] =	dma.local [hbm:s7], s20  }
0xa0: {  	_ =	swait.ge [sflag:s22], s20  }
0xa1: {  	s6 =	ssub.s32 $0x0, s20;
	[sflag:s22] =	ssyncset.done $0x0  }
0xa2: {  	[sflag:s22] =	ssyncadd.s32 s6;
	_ =	sdelay $0x1  }
0xa3: {  	s23 =	simm.s32 $0x1B8B  }
0xa4: {  	_ =	swait.ge [sflag:s23], $0x1  }
0xa5: {  	[sflag:s23] =	ssyncset.done $0x0  }
0xa6: {  	s25 =	simm.s32 $0x1B8E;
	s24 =	sld [smem:$0x3FFE];
	[sflag:s23] =	ssyncadd.s32 $0xFFFFFFFF  }
0xa7: {  	s26 =	simm.s32 $execute0_lowered;
	[smem:$0x3FD2] =	sst s25  }
0xa8: {  	s7 =	sshll.u32 s26, $0x1;
	_ =	strace $0x80000046;
	[dreg:$0x1] =	wrdreg $0xFFFFFFFF  }
0xa9: {  	s28 =	simm.s32 $_size_execute0_lowered;
	s5 =	sadd.s32 s5, s7;
	[dreg:$0x0] =	wrdreg $0x0  }
0xaa: {  	s7 =	sshll.u32 s28, $0x1;
	[dreg:$0x2] =	wrdreg s5  }
0xab: {  	[dreg:$0x3] =	wrdreg s7  }
0xac: {  	[dreg:$0x4] =	wrdreg $0xC0  }
0xad: {  	_ =	task [dreg:s9], $0x5FFFF  }
0xae: {  	[dreg:$0x1] =	wrdreg $0xFFFFFFFF  }
0xaf: {  	[dreg:$0x0] =	wrdreg $0x60  }
0xb0: {  	[dreg:$0x2] =	wrdreg s24  }
0xb1: {  	[dreg:$0x3] =	wrdreg s2  }
0xb2: {  	[dreg:$0x4] =	wrdreg s18  }
0xb3: {  	[dreg:$0x5] =	wrdreg s4  }
0xb4: {  	[dreg:$0x6] =	wrdreg $0x9  }
0xb5: {  	_ =	task.clear_ibuf [dreg:s9], $0x7FFFF;
	_ =	strace $0x90000046  }
0xb6: {  	s29 =	simm.s32 $0x9;
	_ =	strace $0x80000048  }
0xb7: {  	_ =	swait.ge [sflag:s29], $0x1  }
0xb8: {  	[sflag:s29] =	ssyncadd.s32 $0xFFFFFFFF  }
0xb9: {  	_ =	strace $0x90000048  }
0xba: {  	_ =	sfence  }
0xbb: {  	s30 =	sld [smem:$0x0];
	_ =	sdelay $0x2  }
0xbc: {  	s31 =	sshll.u32 s1, $0xD;
	s1 =	sshrl.u32 s1, $0x2  }
0xbd: {  	s3 =	sand.u32 $0x4000, s31;
	s1 =	sadd.s32 s1, s30  }
0xbe: {  	s0 =	sor.u32 s3, s0;
	s1 =	sshll.u32 s1, $0x11  }
0xbf: {  	s0 =	sor.u32 s1, s0  }
0xc0: {  	s0 =	sadd.s32 $0x8F2B, s0  }
0xc1: {  	[sflag:s0] =	ssyncadd.remote.s32 $0x1  }
0xc2: {  	_ =	sfence.sel $0xFFFF  }
0xc3: {  	[dreg:$0x0] =	wrdreg $0xFFFFFFFF;
	(pc) =	sbr.abs _section_cstart, $3  }
0xc4: {  	[dreg:$0x1] =	wrdreg $0xFFFFFFFF  }
0xc5: {  	_ =	task.clear_ibuf [dreg:s9], $0x2FFFF;
	_ =	strace $0x9FFFFFFF  }
0xc6: {  	(tm) =	ssettm $0x7FFFFFFF  }
0xc7: {  	_ =	shalt  }
tec
execute0_lowered:
.L_overlay_start_1:
0x0: {  	(tag) =	ssettag $0x1  }
0x1: {  	s0 =	rddreg [dreg:$0x0]  }
0x2: {  	s1 =	rddreg [dreg:$0x1]  }
0x3: {  	s2 =	srdreg.scid;
	s5 =	stileid.u32  }
0x4: {  	s3 =	rddreg [dreg:$0x2];
	s2 =	sand.u32 $0x1, s2;
	s6 =	sshll.u32 s5, $0x1  }
0x5: {  	s4 =	rddreg [dreg:$0x3];
	s28 =	simm.s32 $0x8;
	s10 =	sor.u32 s2, s6  }
0x6: {  	s29 =	simm.s32 $0x6;
	s5 =	simm.s32 $0x0;
	s6 =	smul.u32 $0x9E, s10  }
0x7: {  	s7 =	sadd.s32 $0x1200, s0;
	s9 =	sadd.s32 $0x14E00, s0;
	s11 =	smul.u32 $0x4F00, s10  }
0x8: {  	[smem:$0x7FF] =	sst s5;
	s18 =	ssub.s32 $0x2, s2;
	s12 =	smul.u32 $0x300, s10  }
0x9: {  	_ =	strace $0x80000047;
	s14 =	sshrl.u32 s18, $0x1;
	s25 =	smul.u32 $0x4F000, s10  }
0xa: {  	s10 =	smul.u32 $0x278000, s10;
	s0 =	ssub.s32 s18, s14;
	s8 =	sor.u32 $0x1, s6  }
0xb: {  	s13 =	sand.u32 $0xFFC00, s11;
	s12 =	sand.u32 $0x300, s12;
	s14 =	sadd.s32 $0x2, s6  }
0xc: {  	s22 =	sshrl.u32 s11, $0x3;
	s10 =	sshrl.u32 s10, $0x3;
	s0 =	smax.u32 s0, $0x1  }
0xd: {  	s31 =	sadd.s32 $0x4, s6;
	s19 =	sshll.u32 s8, $0x7;
	s12 =	sor.u32 s12, s13  }
0xe: {  	s23 =	sshll.u32 s14, $0x4;
	s24 =	sadd.s32 $0x30, s22;
	s16 =	sadd.s32 $0x40, s22  }
0xf: {  	[dreg:$0x5] =	wrdreg s8;
	s18 =	sshll.u32 s8, $0xB;
	s30 =	smov.u32 s14  }
0x10: {  	[dreg:$0x17] =	wrdreg s0;
	s0 =	simm.s32 $0x200;
	s15 =	sadd.s32 s7, s23  }
0x11: {  	s8 =	simm.s32 $0x0;
	s11 =	sadd.s32 s9, s23;
	[dreg:$0xa] =	wrdreg s15  }
0x12: {  	s2 =	sand.u32 $0x380, s19;
	s26 =	sadd.s32 s7, s24;
	[dreg:$0xb] =	wrdreg s11  }
0x13: {  	s12 =	sshrl.u32 s12, $0x3;
	s17 =	sadd.s32 s7, s16;
	[dreg:$0xc] =	wrdreg s26  }
0x14: {  	s19 =	sadd.s32 s9, s16;
	s16 =	simm.s32 $0x400;
	[dreg:$0xf] =	wrdreg s17  }
0x15: {  	s2 =	sor.u32 s13, s2;
	s20 =	sadd.s32 s7, s12;
	[dreg:$0x10] =	wrdreg s19  }
0x16: {  	s12 =	sadd.s32 s9, s12;
	s15 =	sadd.s32 s4, s25;
	[dreg:$0x6] =	wrdreg s20  }
0x17: {  	s26 =	sadd.s32 $0x3, s6;
	s11 =	simm.s32 $0x280;
	[dreg:$0x7] =	wrdreg s12  }
0x18: {  	s19 =	simm.s32 $0x4400;
	s2 =	sshrl.u32 s2, $0x3;
	[dreg:$0xe] =	wrdreg s15  }
0x19: {  	s12 =	sadd.s32 s9, s24;
	s20 =	sadd.s32 s4, s18;
	[dreg:$0x18] =	wrdreg s26  }
0x1a: {  	s24 =	sadd.s32 s4, s10;
	s10 =	simm.s32 $0x80;
	[dreg:$0xd] =	wrdreg s12  }
0x1b: {  	s15 =	simm.s32 $0x1;
	s21 =	sadd.s32 s7, s2;
	[dreg:$0x11] =	wrdreg s20  }
0x1c: {  	s18 =	simm.s32 $0x2;
	s2 =	sadd.s32 s9, s2;
	[dreg:$0x8] =	wrdreg s21  }
0x1d: {  	s25 =	sadd.s32 $0x4E000, s24;
	[dreg:$0x9] =	wrdreg s2;
	s2 =	sadd.s32 $0x50, s22  }
0x1e: {  	s26 =	simm.s32 $0x5;
	[dreg:$0x15] =	wrdreg s25;
	s21 =	sadd.s32 s7, s2  }
0x1f: {  	s22 =	sshll.u32 s14, $0xB;
	s2 =	sadd.s32 s9, s2;
	[dreg:$0x12] =	wrdreg s21  }
0x20: {  	s14 =	smov.u32 s6;
	s23 =	sadd.s32 s4, s22;
	[dreg:$0x13] =	wrdreg s2  }
0x21: {  	s25 =	simm.s32 $0x7;
	s22 =	simm.s32 $0x8400;
	[dreg:$0x14] =	wrdreg s23  }
0x22: {  	s2 =	sadd.s32 $0x4E800, s24;
	s21 =	simm.s32 $0x3;
	s24 =	simm.s32 $0x4  }
0x23: {  	s23 =	simm.s32 $0x9;
	[dreg:$0x16] =	wrdreg s2;
	s2 =	sadd.s32 $0x5, s6  }
.LBB2_1:
0x24: {  	[dreg:$0x19] =	wrdreg s8  }
0x25: {  	s6 =	rddreg [dreg:$0x6]  }
0x26: {  	[tilespmem:s5], [sflag:$0x1] =	stream.linear.gather [hbm4b:s6+s5], $0x80, $0x38;
	[tilespmem:$0x18400] =	vst v63  }
0x27: {  	s17 =	rddreg [dreg:$0x7]  }
0x28: {  	[tilespmem:s0], [sflag:$0x1] =	stream.linear.gather [hbm4b:s17+s5], $0x80, $0x38;
	[tilespmem:$0x18400] =	vst v63  }
0x29: {  	s20 =	rddreg [dreg:$0x8]  }
0x2a: {  	[tilespmem:s10], [sflag:$0x2] =	stream.linear.gather [hbm4b:s20+s5], $0x80, $0x38;
	[tilespmem:$0x18400] =	vst v63  }
0x2b: {  	s8 =	rddreg [dreg:$0x9]  }
0x2c: {  	[tilespmem:s11], [sflag:$0x2] =	stream.linear.gather [hbm4b:s8+s5], $0x80, $0x38;
	[tilespmem:$0x18400] =	vst v63  }
0x2d: {  	s12 =	rddreg [dreg:$0xa];
	s8 =	simm.s32 $0x100  }
0x2e: {  	[tilespmem:s8], [sflag:$0x3] =	stream.linear.gather [hbm4b:s12+s5], $0x80, $0x38;
	[tilespmem:$0x18400] =	vst v63  }
0x2f: {  	s13 =	rddreg [dreg:$0xb];
	s12 =	simm.s32 $0x300  }
0x30: {  	[tilespmem:s12], [sflag:$0x3] =	stream.linear.gather [hbm4b:s13+s5], $0x80, $0x38;
	[tilespmem:$0x18400] =	vst v63  }
0x31: {  	_ =	swait.ge [sflag:s15], $0x80  }
0x32: {  	[sflag:s15] =	ssyncset.done $0x0  }
0x33: {  	[sflag:s15] =	ssyncadd.s32 $0xFFFFFF80  }
0x34: {  	_ =	swait.ge [sflag:s15], $0x80  }
0x35: {  	[sflag:s15] =	ssyncset.done $0x0  }
0x36: {  	[sflag:s15] =	ssyncadd.s32 $0xFFFFFF80  }
0x37: {  	[tilespmem:s16], [sflag:$0x4] =	stream.indirect.gather [hbm4b:s1+s10], $0x80, s5, s10, $0xb8;
	[tilespmem:$0x18400] =	vst v63  }
0x38: {  	s17 =	simm.s32 $0xC400  }
0x39: {  	[tilespmem:s17], [sflag:$0x4] =	stream.indirect.gather [hbm4b:s3+s10], $0x80, s0, s10, $0xb8;
	[tilespmem:$0x18400] =	vst v63  }
0x3a: {  	_ =	swait.ge [sflag:s18], $0x80  }
0x3b: {  	[sflag:s18] =	ssyncset.done $0x0  }
0x3c: {  	[sflag:s18] =	ssyncadd.s32 $0xFFFFFF80  }
0x3d: {  	_ =	swait.ge [sflag:s18], $0x80  }
0x3e: {  	[sflag:s18] =	ssyncset.done $0x0  }
0x3f: {  	[sflag:s18] =	ssyncadd.s32 $0xFFFFFF80  }
0x40: {  	[tilespmem:s19], [sflag:$0x5] =	stream.indirect.gather [hbm4b:s1+s10], $0x80, s10, s10, $0xb8;
	[tilespmem:$0x18400] =	vst v63  }
0x41: {  	s20 =	simm.s32 $0x10400  }
0x42: {  	[tilespmem:s20], [sflag:$0x5] =	stream.indirect.gather [hbm4b:s3+s10], $0x80, s11, s10, $0xb8;
	[tilespmem:$0x18400] =	vst v63  }
0x43: {  	_ =	swait.ge [sflag:s21], $0x80  }
0x44: {  	[sflag:s21] =	ssyncset.done $0x0  }
0x45: {  	[sflag:s21] =	ssyncadd.s32 $0xFFFFFF80  }
0x46: {  	_ =	swait.ge [sflag:s21], $0x80  }
0x47: {  	[sflag:s21] =	ssyncset.done $0x0  }
0x48: {  	[sflag:s21] =	ssyncadd.s32 $0xFFFFFF80  }
0x49: {  	[tilespmem:s22], [sflag:$0x6] =	stream.indirect.gather [hbm4b:s1+s10], $0x80, s8, s10, $0xb8;
	[tilespmem:$0x18400] =	vst v63  }
0x4a: {  	s13 =	simm.s32 $0x14400  }
0x4b: {  	[tilespmem:s13], [sflag:$0x6] =	stream.indirect.gather [hbm4b:s3+s10], $0x80, s12, s10, $0xb8;
	[tilespmem:$0x18400] =	vst v63  }
0x4c: {  	_ =	swait.ge [sflag:s24], $0x4000  }
0x4d: {  	[sflag:s24] =	ssyncset.done $0x0  }
0x4e: {  	[sflag:s24] =	ssyncadd.s32 $0xFFFFC000  }
0x4f: {  	_ =	swait.ge [sflag:s24], $0x4000  }
0x50: {  	[sflag:s24] =	ssyncset.done $0x0  }
0x51: {  	s17 =	rddreg [dreg:$0xc];
	[sflag:s24] =	ssyncadd.s32 $0xFFFFC000  }
0x52: {  	[tilespmem:s5], [sflag:$0x1] =	stream.linear.gather [hbm4b:s17+s5], $0x80, $0x38;
	[tilespmem:$0x18400] =	vst v63  }
0x53: {  	s12 =	simm.s32 $0x0;
	s20 =	rddreg [dreg:$0xd]  }
0x54: {  	[tilespmem:s0], [sflag:$0x1] =	stream.linear.gather [hbm4b:s20+s5], $0x80, $0x38;
	[tilespmem:$0x18400] =	vst v63  }
0x55: {  	v7 =	vld [tilespmem:s12+$0xC400]  }
0x56: {  	v11 =	vld [tilespmem:s12+$0xC410]  }
0x57: {  	v5 =	vld [tilespmem:s12+$0xC420]  }
0x58: {  	v4 =	vld [tilespmem:s12+$0xC430]  }
0x59: {  	v3 =	vld [tilespmem:s12+$0xC440]  }
0x5a: {  	v2 =	vld [tilespmem:s12+$0xC450]  }
0x5b: {  	v1 =	vld [tilespmem:s12+$0xC460]  }
0x5c: {  	v0 =	vld [tilespmem:s12+$0xC470]  }
0x5d: {  	v12 =	vld [tilespmem:s12+$0x400]  }
0x5e: {  	v13 =	vld [tilespmem:s12+$0x410]  }
0x5f: {  	v10 =	vld [tilespmem:s12+$0x420]  }
0x60: {  	v9 =	vld [tilespmem:s12+$0x430]  }
0x61: {  	v8 =	vld [tilespmem:s12+$0x440]  }
0x62: {  	v6 =	vld [tilespmem:s12+$0x450];
	v12 =	vadd.f32 v7, v12  }
0x63: {  	s17 =	simm.s32 $0x200;
	v11 =	vadd.f32 v11, v13;
	v7 =	vld [tilespmem:s12+$0x460]  }
.LBB2_2:
0x64: {  	s13 =	sshra.s32 s17, $0x2;
	p0 =	sne.s32 s17, $0xFE00;
	[tilespmem:s12+$0x400] =	vst v12;
	v5 =	vadd.f32 v5, v10;
	v10 =	vld [tilespmem:s12+$0x470]  }
0x65: {  	v12 =	vld [tilespmem:s13+$0xC400];
	[tilespmem:s12+$0x410] =	vst v11;
	v4 =	vadd.f32 v4, v9  }
0x66: {  	v11 =	vld [tilespmem:s13+$0xC410];
	[tilespmem:s12+$0x420] =	vst v5;
	v3 =	vadd.f32 v3, v8  }
0x67: {  	v5 =	vld [tilespmem:s13+$0xC420];
	[tilespmem:s12+$0x430] =	vst v4;
	v2 =	vadd.f32 v2, v6  }
0x68: {  	v4 =	vld [tilespmem:s13+$0xC430];
	[tilespmem:s12+$0x440] =	vst v3;
	v1 =	vadd.f32 v1, v7  }
0x69: {  	v3 =	vld [tilespmem:s13+$0xC440];
	[tilespmem:s12+$0x450] =	vst v2;
	v0 =	vadd.f32 v0, v10  }
0x6a: {  	v2 =	vld [tilespmem:s13+$0xC450];
	[tilespmem:s12+$0x460] =	vst v1  }
0x6b: {  	v1 =	vld [tilespmem:s13+$0xC460];
	[tilespmem:s12+$0x470] =	vst v0;
	s12 =	smov.u32 s13  }
0x6c: {  	v0 =	vld [tilespmem:s12+$0xC470]  }
0x6d: {  	v6 =	vld [tilespmem:s12+$0x400]  }
0x6e: {  	v7 =	vld [tilespmem:s12+$0x410]  }
.Ltmp0:
0x6f: {  	v10 =	vld [tilespmem:s12+$0x420];
	(pc) =	sbr.rel @p0 .LBB2_2-.Ltmp0, $4  }
0x70: {  	v9 =	vld [tilespmem:s12+$0x430]  }
0x71: {  	v8 =	vld [tilespmem:s12+$0x440]  }
0x72: {  	v12 =	vadd.f32 v12, v6;
	v6 =	vld [tilespmem:s12+$0x450]  }
0x73: {  	s17 =	sadd.s32 $0x200, s17;
	v11 =	vadd.f32 v11, v7;
	v7 =	vld [tilespmem:s12+$0x460]  }
0x74: {  	[tilespmem:s12+$0x400] =	vst v12;
	v5 =	vadd.f32 v5, v10;
	v10 =	vld [tilespmem:s12+$0x470]  }
0x75: {  	[tilespmem:s12+$0x410] =	vst v11;
	v4 =	vadd.f32 v4, v9  }
0x76: {  	[tilespmem:s12+$0x420] =	vst v5;
	v3 =	vadd.f32 v3, v8  }
0x77: {  	[tilespmem:s12+$0x430] =	vst v4;
	v2 =	vadd.f32 v2, v6  }
0x78: {  	[tilespmem:s12+$0x440] =	vst v3;
	v1 =	vadd.f32 v1, v7  }
0x79: {  	[tilespmem:s12+$0x450] =	vst v2;
	v0 =	vadd.f32 v0, v10  }
0x7a: {  	[tilespmem:s12+$0x460] =	vst v1  }
0x7b: {  	s8 =	simm.s32 $0x0;
	s6 =	rddreg [dreg:$0xe];
	[tilespmem:s12+$0x470] =	vst v0  }
0x7c: {  	[hbm4b:s6+s8] =	stream.linear.scatter [tilespmem:s16], [sflag:$0x7], $0x4000, $0x38;
	[tilespmem:$0x18400] =	vst v63  }
0x7d: {  	_ =	swait.ge [sflag:s15], $0x80  }
0x7e: {  	[sflag:s15] =	ssyncset.done $0x0  }
0x7f: {  	[sflag:s15] =	ssyncadd.s32 $0xFFFFFF80  }
0x80: {  	_ =	swait.ge [sflag:s15], $0x80  }
0x81: {  	[sflag:s15] =	ssyncset.done $0x0  }
0x82: {  	[sflag:s15] =	ssyncadd.s32 $0xFFFFFF80  }
0x83: {  	_ =	swait.ge [sflag:s25], $0x4000  }
0x84: {  	[sflag:s25] =	ssyncset.done $0x0  }
0x85: {  	[sflag:s25] =	ssyncadd.s32 $0xFFFFC000  }
0x86: {  	[tilespmem:s16], [sflag:$0x4] =	stream.indirect.gather [hbm4b:s1+s10], $0x80, s8, s10, $0xb8;
	[tilespmem:$0x18400] =	vst v63  }
0x87: {  	s13 =	simm.s32 $0xC400  }
0x88: {  	[tilespmem:s13], [sflag:$0x4] =	stream.indirect.gather [hbm4b:s3+s10], $0x80, s0, s10, $0xb8;
	[tilespmem:$0x18400] =	vst v63  }
0x89: {  	_ =	swait.ge [sflag:s26], $0x4000  }
0x8a: {  	[sflag:s26] =	ssyncset.done $0x0  }
0x8b: {  	[sflag:s26] =	ssyncadd.s32 $0xFFFFC000  }
0x8c: {  	_ =	swait.ge [sflag:s26], $0x4000  }
0x8d: {  	[sflag:s26] =	ssyncset.done $0x0  }
0x8e: {  	s17 =	rddreg [dreg:$0xf];
	[sflag:s26] =	ssyncadd.s32 $0xFFFFC000  }
0x8f: {  	[tilespmem:s10], [sflag:$0x2] =	stream.linear.gather [hbm4b:s17+s8], $0x80, $0x38;
	[tilespmem:$0x18400] =	vst v63  }
0x90: {  	s12 =	simm.s32 $0x0;
	s20 =	rddreg [dreg:$0x10]  }
0x91: {  	[tilespmem:s11], [sflag:$0x2] =	stream.linear.gather [hbm4b:s20+s8], $0x80, $0x38;
	[tilespmem:$0x18400] =	vst v63  }
0x92: {  	v7 =	vld [tilespmem:s12+$0x10400]  }
0x93: {  	v11 =	vld [tilespmem:s12+$0x10410]  }
0x94: {  	v5 =	vld [tilespmem:s12+$0x10420]  }
0x95: {  	v4 =	vld [tilespmem:s12+$0x10430]  }
0x96: {  	v3 =	vld [tilespmem:s12+$0x10440]  }
0x97: {  	v2 =	vld [tilespmem:s12+$0x10450]  }
0x98: {  	v1 =	vld [tilespmem:s12+$0x10460]  }
0x99: {  	v0 =	vld [tilespmem:s12+$0x10470]  }
0x9a: {  	v12 =	vld [tilespmem:s12+$0x4400]  }
0x9b: {  	v13 =	vld [tilespmem:s12+$0x4410]  }
0x9c: {  	v10 =	vld [tilespmem:s12+$0x4420]  }
0x9d: {  	v9 =	vld [tilespmem:s12+$0x4430]  }
0x9e: {  	v8 =	vld [tilespmem:s12+$0x4440]  }
0x9f: {  	v6 =	vld [tilespmem:s12+$0x4450];
	v12 =	vadd.f32 v7, v12  }
0xa0: {  	s17 =	simm.s32 $0x200;
	v11 =	vadd.f32 v11, v13;
	v7 =	vld [tilespmem:s12+$0x4460]  }
.LBB2_4:
0xa1: {  	s13 =	sshra.s32 s17, $0x2;
	p0 =	sne.s32 s17, $0xFE00;
	[tilespmem:s12+$0x4400] =	vst v12;
	v5 =	vadd.f32 v5, v10;
	v10 =	vld [tilespmem:s12+$0x4470]  }
0xa2: {  	v12 =	vld [tilespmem:s13+$0x10400];
	[tilespmem:s12+$0x4410] =	vst v11;
	v4 =	vadd.f32 v4, v9  }
0xa3: {  	v11 =	vld [tilespmem:s13+$0x10410];
	[tilespmem:s12+$0x4420] =	vst v5;
	v3 =	vadd.f32 v3, v8  }
0xa4: {  	v5 =	vld [tilespmem:s13+$0x10420];
	[tilespmem:s12+$0x4430] =	vst v4;
	v2 =	vadd.f32 v2, v6  }
0xa5: {  	v4 =	vld [tilespmem:s13+$0x10430];
	[tilespmem:s12+$0x4440] =	vst v3;
	v1 =	vadd.f32 v1, v7  }
0xa6: {  	v3 =	vld [tilespmem:s13+$0x10440];
	[tilespmem:s12+$0x4450] =	vst v2;
	v0 =	vadd.f32 v0, v10  }
0xa7: {  	v2 =	vld [tilespmem:s13+$0x10450];
	[tilespmem:s12+$0x4460] =	vst v1  }
0xa8: {  	v1 =	vld [tilespmem:s13+$0x10460];
	[tilespmem:s12+$0x4470] =	vst v0;
	s12 =	smov.u32 s13  }
0xa9: {  	v0 =	vld [tilespmem:s12+$0x10470]  }
0xaa: {  	v6 =	vld [tilespmem:s12+$0x4400]  }
0xab: {  	v7 =	vld [tilespmem:s12+$0x4410]  }
.Ltmp1:
0xac: {  	v10 =	vld [tilespmem:s12+$0x4420];
	(pc) =	sbr.rel @p0 .LBB2_4-.Ltmp1, $4  }
0xad: {  	v9 =	vld [tilespmem:s12+$0x4430]  }
0xae: {  	v8 =	vld [tilespmem:s12+$0x4440]  }
0xaf: {  	v12 =	vadd.f32 v12, v6;
	v6 =	vld [tilespmem:s12+$0x4450]  }
0xb0: {  	s17 =	sadd.s32 $0x200, s17;
	v11 =	vadd.f32 v11, v7;
	v7 =	vld [tilespmem:s12+$0x4460]  }
0xb1: {  	[tilespmem:s12+$0x4400] =	vst v12;
	v5 =	vadd.f32 v5, v10;
	v10 =	vld [tilespmem:s12+$0x4470]  }
0xb2: {  	[tilespmem:s12+$0x4410] =	vst v11;
	v4 =	vadd.f32 v4, v9  }
0xb3: {  	[tilespmem:s12+$0x4420] =	vst v5;
	v3 =	vadd.f32 v3, v8  }
0xb4: {  	[tilespmem:s12+$0x4430] =	vst v4;
	v2 =	vadd.f32 v2, v6  }
0xb5: {  	[tilespmem:s12+$0x4440] =	vst v3;
	v1 =	vadd.f32 v1, v7  }
0xb6: {  	[tilespmem:s12+$0x4450] =	vst v2;
	v0 =	vadd.f32 v0, v10  }
0xb7: {  	[tilespmem:s12+$0x4460] =	vst v1  }
0xb8: {  	s6 =	rddreg [dreg:$0x11];
	[tilespmem:s12+$0x4470] =	vst v0;
	s12 =	simm.s32 $0x0  }
0xb9: {  	[hbm4b:s6+s12] =	stream.linear.scatter [tilespmem:s19], [sflag:$0x8], $0x4000, $0x38;
	[tilespmem:$0x18400] =	vst v63  }
0xba: {  	_ =	swait.ge [sflag:s18], $0x80  }
0xbb: {  	[sflag:s18] =	ssyncset.done $0x0  }
0xbc: {  	[sflag:s18] =	ssyncadd.s32 $0xFFFFFF80  }
0xbd: {  	_ =	swait.ge [sflag:s18], $0x80  }
0xbe: {  	[sflag:s18] =	ssyncset.done $0x0  }
0xbf: {  	[sflag:s18] =	ssyncadd.s32 $0xFFFFFF80  }
0xc0: {  	_ =	swait.ge [sflag:s28], $0x4000  }
0xc1: {  	[sflag:s28] =	ssyncset.done $0x0  }
0xc2: {  	[sflag:s28] =	ssyncadd.s32 $0xFFFFC000  }
0xc3: {  	[tilespmem:s19], [sflag:$0x5] =	stream.indirect.gather [hbm4b:s1+s10], $0x80, s10, s10, $0xb8;
	[tilespmem:$0x18400] =	vst v63  }
0xc4: {  	s8 =	simm.s32 $0x10400  }
0xc5: {  	[tilespmem:s8], [sflag:$0x5] =	stream.indirect.gather [hbm4b:s3+s10], $0x80, s11, s10, $0xb8;
	[tilespmem:$0x18400] =	vst v63  }
0xc6: {  	_ =	swait.ge [sflag:s29], $0x4000  }
0xc7: {  	[sflag:s29] =	ssyncset.done $0x0  }
0xc8: {  	[sflag:s29] =	ssyncadd.s32 $0xFFFFC000  }
0xc9: {  	_ =	swait.ge [sflag:s29], $0x4000  }
0xca: {  	[sflag:s29] =	ssyncset.done $0x0  }
0xcb: {  	s8 =	simm.s32 $0x100;
	s13 =	rddreg [dreg:$0x12];
	[sflag:s29] =	ssyncadd.s32 $0xFFFFC000  }
0xcc: {  	[tilespmem:s8], [sflag:$0x3] =	stream.linear.gather [hbm4b:s13+s12], $0x80, $0x38;
	[tilespmem:$0x18400] =	vst v63  }
0xcd: {  	s20 =	simm.s32 $0x300;
	s17 =	rddreg [dreg:$0x13]  }
0xce: {  	[tilespmem:s20], [sflag:$0x3] =	stream.linear.gather [hbm4b:s17+s12], $0x80, $0x38;
	[tilespmem:$0x18400] =	vst v63  }
0xcf: {  	s12 =	simm.s32 $0x0  }
0xd0: {  	v7 =	vld [tilespmem:s12+$0x14400]  }
0xd1: {  	v11 =	vld [tilespmem:s12+$0x14410]  }
0xd2: {  	v5 =	vld [tilespmem:s12+$0x14420]  }
0xd3: {  	v4 =	vld [tilespmem:s12+$0x14430]  }
0xd4: {  	v3 =	vld [tilespmem:s12+$0x14440]  }
0xd5: {  	v2 =	vld [tilespmem:s12+$0x14450]  }
0xd6: {  	v1 =	vld [tilespmem:s12+$0x14460]  }
0xd7: {  	v0 =	vld [tilespmem:s12+$0x14470]  }
0xd8: {  	v12 =	vld [tilespmem:s12+$0x8400]  }
0xd9: {  	v13 =	vld [tilespmem:s12+$0x8410]  }
0xda: {  	v10 =	vld [tilespmem:s12+$0x8420]  }
0xdb: {  	v9 =	vld [tilespmem:s12+$0x8430]  }
0xdc: {  	v8 =	vld [tilespmem:s12+$0x8440]  }
0xdd: {  	v6 =	vld [tilespmem:s12+$0x8450];
	v12 =	vadd.f32 v7, v12  }
0xde: {  	s17 =	simm.s32 $0x200;
	v11 =	vadd.f32 v11, v13;
	v7 =	vld [tilespmem:s12+$0x8460]  }
.LBB2_6:
0xdf: {  	s13 =	sshra.s32 s17, $0x2;
	p0 =	sne.s32 s17, $0xFE00;
	[tilespmem:s12+$0x8400] =	vst v12;
	v5 =	vadd.f32 v5, v10;
	v10 =	vld [tilespmem:s12+$0x8470]  }
0xe0: {  	v12 =	vld [tilespmem:s13+$0x14400];
	[tilespmem:s12+$0x8410] =	vst v11;
	v4 =	vadd.f32 v4, v9  }
0xe1: {  	v11 =	vld [tilespmem:s13+$0x14410];
	[tilespmem:s12+$0x8420] =	vst v5;
	v3 =	vadd.f32 v3, v8  }
0xe2: {  	v5 =	vld [tilespmem:s13+$0x14420];
	[tilespmem:s12+$0x8430] =	vst v4;
	v2 =	vadd.f32 v2, v6  }
0xe3: {  	v4 =	vld [tilespmem:s13+$0x14430];
	[tilespmem:s12+$0x8440] =	vst v3;
	v1 =	vadd.f32 v1, v7  }
0xe4: {  	v3 =	vld [tilespmem:s13+$0x14440];
	[tilespmem:s12+$0x8450] =	vst v2;
	v0 =	vadd.f32 v0, v10  }
0xe5: {  	v2 =	vld [tilespmem:s13+$0x14450];
	[tilespmem:s12+$0x8460] =	vst v1  }
0xe6: {  	v1 =	vld [tilespmem:s13+$0x14460];
	[tilespmem:s12+$0x8470] =	vst v0;
	s12 =	smov.u32 s13  }
0xe7: {  	v0 =	vld [tilespmem:s12+$0x14470]  }
0xe8: {  	v6 =	vld [tilespmem:s12+$0x8400]  }
0xe9: {  	v7 =	vld [tilespmem:s12+$0x8410]  }
.Ltmp2:
0xea: {  	v10 =	vld [tilespmem:s12+$0x8420];
	(pc) =	sbr.rel @p0 .LBB2_6-.Ltmp2, $4  }
0xeb: {  	v9 =	vld [tilespmem:s12+$0x8430]  }
0xec: {  	v8 =	vld [tilespmem:s12+$0x8440]  }
0xed: {  	v12 =	vadd.f32 v12, v6;
	v6 =	vld [tilespmem:s12+$0x8450]  }
0xee: {  	s17 =	sadd.s32 $0x200, s17;
	v11 =	vadd.f32 v11, v7;
	v7 =	vld [tilespmem:s12+$0x8460]  }
0xef: {  	[tilespmem:s12+$0x8400] =	vst v12;
	v5 =	vadd.f32 v5, v10;
	v63 =	vld [tilespmem:s12+$0x8470]  }
0xf0: {  	[tilespmem:s12+$0x8410] =	vst v11;
	v4 =	vadd.f32 v4, v9  }
0xf1: {  	[tilespmem:s12+$0x8420] =	vst v5;
	v3 =	vadd.f32 v3, v8  }
0xf2: {  	[tilespmem:s12+$0x8430] =	vst v4;
	v2 =	vadd.f32 v2, v6  }
0xf3: {  	[tilespmem:s12+$0x8440] =	vst v3;
	v1 =	vadd.f32 v1, v7  }
0xf4: {  	[tilespmem:s12+$0x8450] =	vst v2;
	v0 =	vadd.f32 v0, v63  }
0xf5: {  	[tilespmem:s12+$0x8460] =	vst v1  }
0xf6: {  	s6 =	rddreg [dreg:$0x14];
	s17 =	simm.s32 $0x1;
	[tilespmem:s12+$0x8470] =	vst v0  }
0xf7: {  	[hbm4b:s6+s5] =	stream.linear.scatter [tilespmem:s22], [sflag:$0x9], $0x4000, $0x38;
	[tilespmem:$0x18400] =	vst v63  }
.LBB2_8:
0xf8: {  	_ =	swait.ge [sflag:s21], $0x80  }
0xf9: {  	[sflag:s21] =	ssyncset.done $0x0  }
0xfa: {  	[sflag:s21] =	ssyncadd.s32 $0xFFFFFF80  }
0xfb: {  	_ =	swait.ge [sflag:s21], $0x80  }
0xfc: {  	[sflag:s21] =	ssyncset.done $0x0  }
0xfd: {  	[sflag:s21] =	ssyncadd.s32 $0xFFFFFF80  }
0xfe: {  	_ =	swait.ge [sflag:s23], $0x4000  }
0xff: {  	[sflag:s23] =	ssyncset.done $0x0  }
0x100: {  	s6 =	simm.s32 $0x100;
	[sflag:s23] =	ssyncadd.s32 $0xFFFFC000  }
0x101: {  	[tilespmem:s22], [sflag:$0x6] =	stream.indirect.gather [hbm4b:s1+s10], $0x80, s6, s10, $0xb8;
	[tilespmem:$0x18400] =	vst v63  }
0x102: {  	s12 =	simm.s32 $0x300;
	s8 =	simm.s32 $0x14400  }
0x103: {  	[tilespmem:s8], [sflag:$0x6] =	stream.indirect.gather [hbm4b:s3+s10], $0x80, s12, s10, $0xb8;
	[tilespmem:$0x18400] =	vst v63  }
0x104: {  	s20 =	smul.u32 $0x3, s17;
	_ =	swait.ge [sflag:s24], $0x4000  }
0x105: {  	[sflag:s24] =	ssyncset.done $0x0;
	s13 =	rddreg [dreg:$0x18]  }
0x106: {  	[sflag:s24] =	ssyncadd.s32 $0xFFFFC000;
	s12 =	sadd.s32 s20, s13  }
0x107: {  	_ =	swait.ge [sflag:s24], $0x4000;
	s12 =	sshll.u32 s12, $0x4  }
0x108: {  	[sflag:s24] =	ssyncset.done $0x0;
	s12 =	sand.u32 $0xFFFFFF0, s12  }
0x109: {  	s8 =	simm.s32 $0x0;
	[sflag:s24] =	ssyncadd.s32 $0xFFFFC000;
	s13 =	sadd.s32 s7, s12  }
0x10a: {  	[tilespmem:s8], [sflag:$0x1] =	stream.linear.gather [hbm4b:s13+s8], $0x80, $0x38;
	[tilespmem:$0x18400] =	vst v63  }
0x10b: {  	s12 =	sadd.s32 s9, s12  }
0x10c: {  	[tilespmem:s0], [sflag:$0x1] =	stream.linear.gather [hbm4b:s12+s8], $0x80, $0x38;
	[tilespmem:$0x18400] =	vst v63  }
0x10d: {  	s12 =	simm.s32 $0x0  }
0x10e: {  	v7 =	vld [tilespmem:s12+$0xC400]  }
0x10f: {  	v11 =	vld [tilespmem:s12+$0xC410]  }
0x110: {  	v5 =	vld [tilespmem:s12+$0xC420]  }
0x111: {  	v4 =	vld [tilespmem:s12+$0xC430]  }
0x112: {  	v3 =	vld [tilespmem:s12+$0xC440]  }
0x113: {  	v2 =	vld [tilespmem:s12+$0xC450]  }
0x114: {  	v1 =	vld [tilespmem:s12+$0xC460]  }
0x115: {  	v0 =	vld [tilespmem:s12+$0xC470]  }
0x116: {  	v12 =	vld [tilespmem:s12+$0x400]  }
0x117: {  	v13 =	vld [tilespmem:s12+$0x410]  }
0x118: {  	v10 =	vld [tilespmem:s12+$0x420]  }
0x119: {  	v9 =	vld [tilespmem:s12+$0x430]  }
0x11a: {  	v8 =	vld [tilespmem:s12+$0x440]  }
0x11b: {  	v6 =	vld [tilespmem:s12+$0x450];
	v12 =	vadd.f32 v7, v12  }
0x11c: {  	s13 =	simm.s32 $0x200;
	v11 =	vadd.f32 v11, v13;
	v7 =	vld [tilespmem:s12+$0x460]  }
.LBB2_9:
0x11d: {  	s6 =	sshra.s32 s13, $0x2;
	p0 =	sne.s32 s13, $0xFE00;
	[tilespmem:s12+$0x400] =	vst v12;
	v5 =	vadd.f32 v5, v10;
	v10 =	vld [tilespmem:s12+$0x470]  }
0x11e: {  	v12 =	vld [tilespmem:s6+$0xC400];
	[tilespmem:s12+$0x410] =	vst v11;
	v4 =	vadd.f32 v4, v9  }
0x11f: {  	v11 =	vld [tilespmem:s6+$0xC410];
	[tilespmem:s12+$0x420] =	vst v5;
	v3 =	vadd.f32 v3, v8  }
0x120: {  	v5 =	vld [tilespmem:s6+$0xC420];
	[tilespmem:s12+$0x430] =	vst v4;
	v2 =	vadd.f32 v2, v6  }
0x121: {  	v4 =	vld [tilespmem:s6+$0xC430];
	[tilespmem:s12+$0x440] =	vst v3;
	v1 =	vadd.f32 v1, v7  }
0x122: {  	v3 =	vld [tilespmem:s6+$0xC440];
	[tilespmem:s12+$0x450] =	vst v2;
	v0 =	vadd.f32 v0, v10  }
0x123: {  	v2 =	vld [tilespmem:s6+$0xC450];
	[tilespmem:s12+$0x460] =	vst v1  }
0x124: {  	v1 =	vld [tilespmem:s6+$0xC460];
	[tilespmem:s12+$0x470] =	vst v0;
	s12 =	smov.u32 s6  }
0x125: {  	v0 =	vld [tilespmem:s12+$0xC470]  }
0x126: {  	v6 =	vld [tilespmem:s12+$0x400]  }
0x127: {  	v7 =	vld [tilespmem:s12+$0x410]  }
.Ltmp3:
0x128: {  	v10 =	vld [tilespmem:s12+$0x420];
	(pc) =	sbr.rel @p0 .LBB2_9-.Ltmp3, $4  }
0x129: {  	v9 =	vld [tilespmem:s12+$0x430]  }
0x12a: {  	v8 =	vld [tilespmem:s12+$0x440]  }
0x12b: {  	v12 =	vadd.f32 v12, v6;
	v6 =	vld [tilespmem:s12+$0x450]  }
0x12c: {  	s13 =	sadd.s32 $0x200, s13;
	v11 =	vadd.f32 v11, v7;
	v7 =	vld [tilespmem:s12+$0x460]  }
0x12d: {  	[tilespmem:s12+$0x400] =	vst v12;
	v5 =	vadd.f32 v5, v10;
	v10 =	vld [tilespmem:s12+$0x470]  }
0x12e: {  	[tilespmem:s12+$0x410] =	vst v11;
	v4 =	vadd.f32 v4, v9  }
0x12f: {  	[tilespmem:s12+$0x420] =	vst v5;
	v3 =	vadd.f32 v3, v8  }
0x130: {  	[tilespmem:s12+$0x430] =	vst v4;
	v2 =	vadd.f32 v2, v6  }
0x131: {  	s6 =	sadd.s32 s14, s20;
	[tilespmem:s12+$0x440] =	vst v3;
	v1 =	vadd.f32 v1, v7  }
0x132: {  	s6 =	sshll.u32 s6, $0xB;
	[tilespmem:s12+$0x450] =	vst v2;
	v0 =	vadd.f32 v0, v10  }
0x133: {  	s6 =	sand.u32 $0x1FFFF800, s6;
	[tilespmem:s12+$0x460] =	vst v1  }
0x134: {  	s6 =	sadd.s32 s4, s6;
	[tilespmem:s12+$0x470] =	vst v0;
	s12 =	simm.s32 $0x0  }
0x135: {  	[hbm4b:s6+s12] =	stream.linear.scatter [tilespmem:s16], [sflag:$0x7], $0x4000, $0x38;
	[tilespmem:$0x18400] =	vst v63  }
0x136: {  	_ =	swait.ge [sflag:s15], $0x80  }
0x137: {  	[sflag:s15] =	ssyncset.done $0x0  }
0x138: {  	[sflag:s15] =	ssyncadd.s32 $0xFFFFFF80  }
0x139: {  	_ =	swait.ge [sflag:s15], $0x80  }
0x13a: {  	[sflag:s15] =	ssyncset.done $0x0  }
0x13b: {  	[sflag:s15] =	ssyncadd.s32 $0xFFFFFF80  }
0x13c: {  	_ =	swait.ge [sflag:s25], $0x4000  }
0x13d: {  	[sflag:s25] =	ssyncset.done $0x0  }
0x13e: {  	[sflag:s25] =	ssyncadd.s32 $0xFFFFC000  }
0x13f: {  	[tilespmem:s16], [sflag:$0x4] =	stream.indirect.gather [hbm4b:s1+s10], $0x80, s12, s10, $0xb8;
	[tilespmem:$0x18400] =	vst v63  }
0x140: {  	s8 =	simm.s32 $0xC400  }
0x141: {  	[tilespmem:s8], [sflag:$0x4] =	stream.indirect.gather [hbm4b:s3+s10], $0x80, s0, s10, $0xb8;
	[tilespmem:$0x18400] =	vst v63  }
0x142: {  	_ =	swait.ge [sflag:s26], $0x4000  }
0x143: {  	[sflag:s26] =	ssyncset.done $0x0  }
0x144: {  	s13 =	sadd.s32 s20, s31;
	[sflag:s26] =	ssyncadd.s32 $0xFFFFC000  }
0x145: {  	s6 =	sshll.u32 s13, $0x4;
	_ =	swait.ge [sflag:s26], $0x4000  }
0x146: {  	s6 =	sand.u32 $0xFFFFFF0, s6;
	[sflag:s26] =	ssyncset.done $0x0  }
0x147: {  	s13 =	sadd.s32 s7, s6;
	[sflag:s26] =	ssyncadd.s32 $0xFFFFC000  }
0x148: {  	[tilespmem:s10], [sflag:$0x2] =	stream.linear.gather [hbm4b:s13+s12], $0x80, $0x38;
	[tilespmem:$0x18400] =	vst v63  }
0x149: {  	s6 =	sadd.s32 s9, s6  }
0x14a: {  	[tilespmem:s11], [sflag:$0x2] =	stream.linear.gather [hbm4b:s6+s12], $0x80, $0x38;
	[tilespmem:$0x18400] =	vst v63  }
0x14b: {  	s12 =	simm.s32 $0x0  }
0x14c: {  	v7 =	vld [tilespmem:s12+$0x10400]  }
0x14d: {  	v11 =	vld [tilespmem:s12+$0x10410]  }
0x14e: {  	v5 =	vld [tilespmem:s12+$0x10420]  }
0x14f: {  	v4 =	vld [tilespmem:s12+$0x10430]  }
0x150: {  	v3 =	vld [tilespmem:s12+$0x10440]  }
0x151: {  	v2 =	vld [tilespmem:s12+$0x10450]  }
0x152: {  	v1 =	vld [tilespmem:s12+$0x10460]  }
0x153: {  	v0 =	vld [tilespmem:s12+$0x10470]  }
0x154: {  	v12 =	vld [tilespmem:s12+$0x4400]  }
0x155: {  	v13 =	vld [tilespmem:s12+$0x4410]  }
0x156: {  	v10 =	vld [tilespmem:s12+$0x4420]  }
0x157: {  	v9 =	vld [tilespmem:s12+$0x4430]  }
0x158: {  	v8 =	vld [tilespmem:s12+$0x4440]  }
0x159: {  	v6 =	vld [tilespmem:s12+$0x4450];
	v12 =	vadd.f32 v7, v12  }
0x15a: {  	s13 =	simm.s32 $0x200;
	v11 =	vadd.f32 v11, v13;
	v7 =	vld [tilespmem:s12+$0x4460]  }
.LBB2_11:
0x15b: {  	s6 =	sshra.s32 s13, $0x2;
	p0 =	sne.s32 s13, $0xFE00;
	[tilespmem:s12+$0x4400] =	vst v12;
	v5 =	vadd.f32 v5, v10;
	v10 =	vld [tilespmem:s12+$0x4470]  }
0x15c: {  	v12 =	vld [tilespmem:s6+$0x10400];
	[tilespmem:s12+$0x4410] =	vst v11;
	v4 =	vadd.f32 v4, v9  }
0x15d: {  	v11 =	vld [tilespmem:s6+$0x10410];
	[tilespmem:s12+$0x4420] =	vst v5;
	v3 =	vadd.f32 v3, v8  }
0x15e: {  	v5 =	vld [tilespmem:s6+$0x10420];
	[tilespmem:s12+$0x4430] =	vst v4;
	v2 =	vadd.f32 v2, v6  }
0x15f: {  	v4 =	vld [tilespmem:s6+$0x10430];
	[tilespmem:s12+$0x4440] =	vst v3;
	v1 =	vadd.f32 v1, v7  }
0x160: {  	v3 =	vld [tilespmem:s6+$0x10440];
	[tilespmem:s12+$0x4450] =	vst v2;
	v0 =	vadd.f32 v0, v10  }
0x161: {  	v2 =	vld [tilespmem:s6+$0x10450];
	[tilespmem:s12+$0x4460] =	vst v1  }
0x162: {  	v1 =	vld [tilespmem:s6+$0x10460];
	[tilespmem:s12+$0x4470] =	vst v0;
	s12 =	smov.u32 s6  }
0x163: {  	v0 =	vld [tilespmem:s12+$0x10470]  }
0x164: {  	v6 =	vld [tilespmem:s12+$0x4400]  }
0x165: {  	v7 =	vld [tilespmem:s12+$0x4410]  }
.Ltmp4:
0x166: {  	v10 =	vld [tilespmem:s12+$0x4420];
	(pc) =	sbr.rel @p0 .LBB2_11-.Ltmp4, $4  }
0x167: {  	v9 =	vld [tilespmem:s12+$0x4430]  }
0x168: {  	v8 =	vld [tilespmem:s12+$0x4440]  }
0x169: {  	v12 =	vadd.f32 v12, v6;
	v6 =	vld [tilespmem:s12+$0x4450]  }
0x16a: {  	s13 =	sadd.s32 $0x200, s13;
	v11 =	vadd.f32 v11, v7;
	v7 =	vld [tilespmem:s12+$0x4460]  }
0x16b: {  	[tilespmem:s12+$0x4400] =	vst v12;
	v5 =	vadd.f32 v5, v10;
	v10 =	vld [tilespmem:s12+$0x4470]  }
0x16c: {  	[tilespmem:s12+$0x4410] =	vst v11;
	v4 =	vadd.f32 v4, v9  }
0x16d: {  	[tilespmem:s12+$0x4420] =	vst v5;
	v3 =	vadd.f32 v3, v8  }
0x16e: {  	s6 =	rddreg [dreg:$0x5];
	[tilespmem:s12+$0x4430] =	vst v4;
	v2 =	vadd.f32 v2, v6  }
0x16f: {  	s6 =	sadd.s32 s20, s6;
	[tilespmem:s12+$0x4440] =	vst v3;
	v1 =	vadd.f32 v1, v7  }
0x170: {  	s6 =	sshll.u32 s6, $0xB;
	[tilespmem:s12+$0x4450] =	vst v2;
	v0 =	vadd.f32 v0, v10  }
0x171: {  	s6 =	sand.u32 $0x1FFFF800, s6;
	[tilespmem:s12+$0x4460] =	vst v1  }
0x172: {  	s6 =	sadd.s32 s4, s6;
	[tilespmem:s12+$0x4470] =	vst v0  }
0x173: {  	[hbm4b:s6+s5] =	stream.linear.scatter [tilespmem:s19], [sflag:$0x8], $0x4000, $0x38;
	[tilespmem:$0x18400] =	vst v63  }
0x174: {  	_ =	swait.ge [sflag:s18], $0x80  }
0x175: {  	[sflag:s18] =	ssyncset.done $0x0  }
0x176: {  	[sflag:s18] =	ssyncadd.s32 $0xFFFFFF80  }
0x177: {  	_ =	swait.ge [sflag:s18], $0x80  }
0x178: {  	[sflag:s18] =	ssyncset.done $0x0  }
0x179: {  	[sflag:s18] =	ssyncadd.s32 $0xFFFFFF80  }
0x17a: {  	_ =	swait.ge [sflag:s28], $0x4000  }
0x17b: {  	[sflag:s28] =	ssyncset.done $0x0  }
0x17c: {  	[sflag:s28] =	ssyncadd.s32 $0xFFFFC000  }
0x17d: {  	[tilespmem:s19], [sflag:$0x5] =	stream.indirect.gather [hbm4b:s1+s10], $0x80, s10, s10, $0xb8;
	[tilespmem:$0x18400] =	vst v63  }
0x17e: {  	s13 =	simm.s32 $0x10400  }
0x17f: {  	[tilespmem:s13], [sflag:$0x5] =	stream.indirect.gather [hbm4b:s3+s10], $0x80, s11, s10, $0xb8;
	[tilespmem:$0x18400] =	vst v63  }
0x180: {  	_ =	swait.ge [sflag:s29], $0x4000  }
0x181: {  	p0 =	seq.s32 s17, $0x33;
	[sflag:s29] =	ssyncset.done $0x0  }
0x182: {  	s6 =	sadd.s32 @!p0 s20, s2;
	[sflag:s29] =	ssyncadd.s32 $0xFFFFC000  }
0x183: {  	s6 =	sshll.u32 @!p0 s6, $0x4;
	_ =	swait.ge [sflag:s29], $0x4000  }
0x184: {  	s8 =	simm.s32 @!p0 $0x100;
	s6 =	sand.u32 @!p0 $0xFFFFFF0, s6;
	[sflag:s29] =	ssyncset.done $0x0  }
0x185: {  	s12 =	sadd.s32 @!p0 s7, s6;
	s13 =	simm.s32 @!p0 $0x0;
	[sflag:s29] =	ssyncadd.s32 $0xFFFFC000  }
0x186: {  	[tilespmem:s8], [sflag:$0x3] =	stream.linear.gather @!p0 [hbm4b:s12+s13], $0x80, $0x38;
	[tilespmem:$0x18400] =	vst v63  }
0x187: {  	s6 =	sadd.s32 @!p0 s9, s6;
	s8 =	simm.s32 @!p0 $0x300;
	s12 =	simm.s32 $0x0  }
0x188: {  	[tilespmem:s8], [sflag:$0x3] =	stream.linear.gather @!p0 [hbm4b:s6+s13], $0x80, $0x38;
	[tilespmem:$0x18400] =	vst v63  }
0x189: {  	v7 =	vld [tilespmem:s12+$0x14400]  }
0x18a: {  	v11 =	vld [tilespmem:s12+$0x14410]  }
0x18b: {  	v5 =	vld [tilespmem:s12+$0x14420]  }
0x18c: {  	v4 =	vld [tilespmem:s12+$0x14430]  }
0x18d: {  	v3 =	vld [tilespmem:s12+$0x14440]  }
0x18e: {  	v2 =	vld [tilespmem:s12+$0x14450]  }
0x18f: {  	v1 =	vld [tilespmem:s12+$0x14460]  }
0x190: {  	v0 =	vld [tilespmem:s12+$0x14470]  }
0x191: {  	v12 =	vld [tilespmem:s12+$0x8400]  }
0x192: {  	v13 =	vld [tilespmem:s12+$0x8410]  }
0x193: {  	v10 =	vld [tilespmem:s12+$0x8420]  }
0x194: {  	v9 =	vld [tilespmem:s12+$0x8430]  }
0x195: {  	v8 =	vld [tilespmem:s12+$0x8440]  }
0x196: {  	v6 =	vld [tilespmem:s12+$0x8450];
	v12 =	vadd.f32 v7, v12  }
0x197: {  	s13 =	simm.s32 $0x200;
	v11 =	vadd.f32 v11, v13;
	v7 =	vld [tilespmem:s12+$0x8460]  }
.LBB2_13:
0x198: {  	s6 =	sshra.s32 s13, $0x2;
	p0 =	sne.s32 s13, $0xFE00;
	[tilespmem:s12+$0x8400] =	vst v12;
	v5 =	vadd.f32 v5, v10;
	v10 =	vld [tilespmem:s12+$0x8470]  }
0x199: {  	v12 =	vld [tilespmem:s6+$0x14400];
	[tilespmem:s12+$0x8410] =	vst v11;
	v4 =	vadd.f32 v4, v9  }
0x19a: {  	v11 =	vld [tilespmem:s6+$0x14410];
	[tilespmem:s12+$0x8420] =	vst v5;
	v3 =	vadd.f32 v3, v8  }
0x19b: {  	v5 =	vld [tilespmem:s6+$0x14420];
	[tilespmem:s12+$0x8430] =	vst v4;
	v2 =	vadd.f32 v2, v6  }
0x19c: {  	v4 =	vld [tilespmem:s6+$0x14430];
	[tilespmem:s12+$0x8440] =	vst v3;
	v1 =	vadd.f32 v1, v7  }
0x19d: {  	v3 =	vld [tilespmem:s6+$0x14440];
	[tilespmem:s12+$0x8450] =	vst v2;
	v0 =	vadd.f32 v0, v10  }
0x19e: {  	v2 =	vld [tilespmem:s6+$0x14450];
	[tilespmem:s12+$0x8460] =	vst v1  }
0x19f: {  	v1 =	vld [tilespmem:s6+$0x14460];
	[tilespmem:s12+$0x8470] =	vst v0;
	s12 =	smov.u32 s6  }
0x1a0: {  	v0 =	vld [tilespmem:s12+$0x14470]  }
0x1a1: {  	v6 =	vld [tilespmem:s12+$0x8400]  }
0x1a2: {  	v7 =	vld [tilespmem:s12+$0x8410]  }
.Ltmp5:
0x1a3: {  	v10 =	vld [tilespmem:s12+$0x8420];
	(pc) =	sbr.rel @p0 .LBB2_13-.Ltmp5, $4  }
0x1a4: {  	v9 =	vld [tilespmem:s12+$0x8430]  }
0x1a5: {  	v8 =	vld [tilespmem:s12+$0x8440]  }
0x1a6: {  	v12 =	vadd.f32 v12, v6;
	v6 =	vld [tilespmem:s12+$0x8450]  }
0x1a7: {  	s13 =	sadd.s32 $0x200, s13;
	v11 =	vadd.f32 v11, v7;
	v7 =	vld [tilespmem:s12+$0x8460]  }
0x1a8: {  	[tilespmem:s12+$0x8400] =	vst v12;
	v5 =	vadd.f32 v5, v10;
	v63 =	vld [tilespmem:s12+$0x8470]  }
0x1a9: {  	[tilespmem:s12+$0x8410] =	vst v11;
	v4 =	vadd.f32 v4, v9  }
0x1aa: {  	s17 =	sadd.s32 $0x1, s17;
	[tilespmem:s12+$0x8420] =	vst v5;
	v3 =	vadd.f32 v3, v8  }
0x1ab: {  	p0 =	sne.s32 s17, $0x34;
	[tilespmem:s12+$0x8430] =	vst v4;
	v2 =	vadd.f32 v2, v6  }
.Ltmp6:
0x1ac: {  	s6 =	sadd.s32 s20, s30;
	[tilespmem:s12+$0x8440] =	vst v3;
	v1 =	vadd.f32 v1, v7;
	(pc) =	sbr.rel @p0 .LBB2_8-.Ltmp6, $4  }
0x1ad: {  	s6 =	sshll.u32 s6, $0xB;
	[tilespmem:s12+$0x8450] =	vst v2;
	v0 =	vadd.f32 v0, v63  }
0x1ae: {  	s6 =	sand.u32 $0x1FFFF800, s6;
	[tilespmem:s12+$0x8460] =	vst v1  }
0x1af: {  	s6 =	sadd.s32 s4, s6;
	[tilespmem:s12+$0x8470] =	vst v0  }
0x1b0: {  	[hbm4b:s6+s5] =	stream.linear.scatter [tilespmem:s22], [sflag:$0x9], $0x4000, $0x38;
	[tilespmem:$0x18400] =	vst v63  }
0x1b1: {  	_ =	swait.ge [sflag:s24], $0x4000  }
0x1b2: {  	[sflag:s24] =	ssyncset.done $0x0  }
0x1b3: {  	[sflag:s24] =	ssyncadd.s32 $0xFFFFC000  }
0x1b4: {  	_ =	swait.ge [sflag:s24], $0x4000  }
0x1b5: {  	[sflag:s24] =	ssyncset.done $0x0  }
0x1b6: {  	s12 =	simm.s32 $0x0;
	[sflag:s24] =	ssyncadd.s32 $0xFFFFC000  }
0x1b7: {  	v7 =	vld [tilespmem:s12+$0xC400]  }
0x1b8: {  	v11 =	vld [tilespmem:s12+$0xC410]  }
0x1b9: {  	v5 =	vld [tilespmem:s12+$0xC420]  }
0x1ba: {  	v4 =	vld [tilespmem:s12+$0xC430]  }
0x1bb: {  	v3 =	vld [tilespmem:s12+$0xC440]  }
0x1bc: {  	v2 =	vld [tilespmem:s12+$0xC450]  }
0x1bd: {  	v1 =	vld [tilespmem:s12+$0xC460]  }
0x1be: {  	v0 =	vld [tilespmem:s12+$0xC470]  }
0x1bf: {  	v12 =	vld [tilespmem:s12+$0x400]  }
0x1c0: {  	v13 =	vld [tilespmem:s12+$0x410]  }
0x1c1: {  	v10 =	vld [tilespmem:s12+$0x420]  }
0x1c2: {  	v9 =	vld [tilespmem:s12+$0x430]  }
0x1c3: {  	v8 =	vld [tilespmem:s12+$0x440]  }
0x1c4: {  	v6 =	vld [tilespmem:s12+$0x450];
	v12 =	vadd.f32 v7, v12  }
0x1c5: {  	s13 =	simm.s32 $0x200;
	v11 =	vadd.f32 v11, v13;
	v7 =	vld [tilespmem:s12+$0x460]  }
.LBB2_16:
0x1c6: {  	s6 =	sshra.s32 s13, $0x2;
	p0 =	sne.s32 s13, $0xFE00;
	[tilespmem:s12+$0x400] =	vst v12;
	v5 =	vadd.f32 v5, v10;
	v10 =	vld [tilespmem:s12+$0x470]  }
0x1c7: {  	v12 =	vld [tilespmem:s6+$0xC400];
	[tilespmem:s12+$0x410] =	vst v11;
	v4 =	vadd.f32 v4, v9  }
0x1c8: {  	v11 =	vld [tilespmem:s6+$0xC410];
	[tilespmem:s12+$0x420] =	vst v5;
	v3 =	vadd.f32 v3, v8  }
0x1c9: {  	v5 =	vld [tilespmem:s6+$0xC420];
	[tilespmem:s12+$0x430] =	vst v4;
	v2 =	vadd.f32 v2, v6  }
0x1ca: {  	v4 =	vld [tilespmem:s6+$0xC430];
	[tilespmem:s12+$0x440] =	vst v3;
	v1 =	vadd.f32 v1, v7  }
0x1cb: {  	v3 =	vld [tilespmem:s6+$0xC440];
	[tilespmem:s12+$0x450] =	vst v2;
	v0 =	vadd.f32 v0, v10  }
0x1cc: {  	v2 =	vld [tilespmem:s6+$0xC450];
	[tilespmem:s12+$0x460] =	vst v1  }
0x1cd: {  	v1 =	vld [tilespmem:s6+$0xC460];
	[tilespmem:s12+$0x470] =	vst v0;
	s12 =	smov.u32 s6  }
0x1ce: {  	v0 =	vld [tilespmem:s12+$0xC470]  }
0x1cf: {  	v6 =	vld [tilespmem:s12+$0x400]  }
0x1d0: {  	v7 =	vld [tilespmem:s12+$0x410]  }
.Ltmp7:
0x1d1: {  	v10 =	vld [tilespmem:s12+$0x420];
	(pc) =	sbr.rel @p0 .LBB2_16-.Ltmp7, $4  }
0x1d2: {  	v9 =	vld [tilespmem:s12+$0x430]  }
0x1d3: {  	v8 =	vld [tilespmem:s12+$0x440]  }
0x1d4: {  	v12 =	vadd.f32 v12, v6;
	v6 =	vld [tilespmem:s12+$0x450]  }
0x1d5: {  	s13 =	sadd.s32 $0x200, s13;
	v11 =	vadd.f32 v11, v7;
	v7 =	vld [tilespmem:s12+$0x460]  }
0x1d6: {  	[tilespmem:s12+$0x400] =	vst v12;
	v5 =	vadd.f32 v5, v10;
	v10 =	vld [tilespmem:s12+$0x470]  }
0x1d7: {  	[tilespmem:s12+$0x410] =	vst v11;
	v4 =	vadd.f32 v4, v9  }
0x1d8: {  	[tilespmem:s12+$0x420] =	vst v5;
	v3 =	vadd.f32 v3, v8  }
0x1d9: {  	[tilespmem:s12+$0x430] =	vst v4;
	v2 =	vadd.f32 v2, v6  }
0x1da: {  	[tilespmem:s12+$0x440] =	vst v3;
	v1 =	vadd.f32 v1, v7  }
0x1db: {  	[tilespmem:s12+$0x450] =	vst v2;
	v0 =	vadd.f32 v0, v10  }
0x1dc: {  	[tilespmem:s12+$0x460] =	vst v1  }
0x1dd: {  	s6 =	simm.s32 $0x0;
	s8 =	rddreg [dreg:$0x15];
	[tilespmem:s12+$0x470] =	vst v0  }
0x1de: {  	[hbm4b:s8+s6] =	stream.linear.scatter [tilespmem:s16], [sflag:$0x7], $0x4000, $0x38;
	[tilespmem:$0x18400] =	vst v63  }
0x1df: {  	_ =	swait.ge [sflag:s26], $0x4000  }
0x1e0: {  	[sflag:s26] =	ssyncset.done $0x0  }
0x1e1: {  	[sflag:s26] =	ssyncadd.s32 $0xFFFFC000  }
0x1e2: {  	_ =	swait.ge [sflag:s26], $0x4000  }
0x1e3: {  	[sflag:s26] =	ssyncset.done $0x0  }
0x1e4: {  	s12 =	simm.s32 $0x0;
	[sflag:s26] =	ssyncadd.s32 $0xFFFFC000  }
0x1e5: {  	v7 =	vld [tilespmem:s12+$0x10400]  }
0x1e6: {  	v11 =	vld [tilespmem:s12+$0x10410]  }
0x1e7: {  	v5 =	vld [tilespmem:s12+$0x10420]  }
0x1e8: {  	v4 =	vld [tilespmem:s12+$0x10430]  }
0x1e9: {  	v3 =	vld [tilespmem:s12+$0x10440]  }
0x1ea: {  	v2 =	vld [tilespmem:s12+$0x10450]  }
0x1eb: {  	v1 =	vld [tilespmem:s12+$0x10460]  }
0x1ec: {  	v0 =	vld [tilespmem:s12+$0x10470]  }
0x1ed: {  	v12 =	vld [tilespmem:s12+$0x4400]  }
0x1ee: {  	v13 =	vld [tilespmem:s12+$0x4410]  }
0x1ef: {  	v10 =	vld [tilespmem:s12+$0x4420]  }
0x1f0: {  	v9 =	vld [tilespmem:s12+$0x4430]  }
0x1f1: {  	v8 =	vld [tilespmem:s12+$0x4440]  }
0x1f2: {  	v6 =	vld [tilespmem:s12+$0x4450];
	v12 =	vadd.f32 v7, v12  }
0x1f3: {  	s13 =	simm.s32 $0x200;
	v11 =	vadd.f32 v11, v13;
	v7 =	vld [tilespmem:s12+$0x4460]  }
.LBB2_18:
0x1f4: {  	s6 =	sshra.s32 s13, $0x2;
	p0 =	sne.s32 s13, $0xFE00;
	[tilespmem:s12+$0x4400] =	vst v12;
	v5 =	vadd.f32 v5, v10;
	v10 =	vld [tilespmem:s12+$0x4470]  }
0x1f5: {  	v12 =	vld [tilespmem:s6+$0x10400];
	[tilespmem:s12+$0x4410] =	vst v11;
	v4 =	vadd.f32 v4, v9  }
0x1f6: {  	v11 =	vld [tilespmem:s6+$0x10410];
	[tilespmem:s12+$0x4420] =	vst v5;
	v3 =	vadd.f32 v3, v8  }
0x1f7: {  	v5 =	vld [tilespmem:s6+$0x10420];
	[tilespmem:s12+$0x4430] =	vst v4;
	v2 =	vadd.f32 v2, v6  }
0x1f8: {  	v4 =	vld [tilespmem:s6+$0x10430];
	[tilespmem:s12+$0x4440] =	vst v3;
	v1 =	vadd.f32 v1, v7  }
0x1f9: {  	v3 =	vld [tilespmem:s6+$0x10440];
	[tilespmem:s12+$0x4450] =	vst v2;
	v0 =	vadd.f32 v0, v10  }
0x1fa: {  	v2 =	vld [tilespmem:s6+$0x10450];
	[tilespmem:s12+$0x4460] =	vst v1  }
0x1fb: {  	v1 =	vld [tilespmem:s6+$0x10460];
	[tilespmem:s12+$0x4470] =	vst v0;
	s12 =	smov.u32 s6  }
0x1fc: {  	v0 =	vld [tilespmem:s12+$0x10470]  }
0x1fd: {  	v6 =	vld [tilespmem:s12+$0x4400]  }
0x1fe: {  	v7 =	vld [tilespmem:s12+$0x4410]  }
.Ltmp8:
0x1ff: {  	v10 =	vld [tilespmem:s12+$0x4420];
	(pc) =	sbr.rel @p0 .LBB2_18-.Ltmp8, $4  }
0x200: {  	v9 =	vld [tilespmem:s12+$0x4430]  }
0x201: {  	v8 =	vld [tilespmem:s12+$0x4440]  }
0x202: {  	v12 =	vadd.f32 v12, v6;
	v6 =	vld [tilespmem:s12+$0x4450]  }
0x203: {  	s13 =	sadd.s32 $0x200, s13;
	v11 =	vadd.f32 v11, v7;
	v7 =	vld [tilespmem:s12+$0x4460]  }
0x204: {  	[tilespmem:s12+$0x4400] =	vst v12;
	v5 =	vadd.f32 v5, v10;
	v63 =	vld [tilespmem:s12+$0x4470]  }
0x205: {  	[tilespmem:s12+$0x4410] =	vst v11;
	v4 =	vadd.f32 v4, v9  }
0x206: {  	[tilespmem:s12+$0x4420] =	vst v5;
	v3 =	vadd.f32 v3, v8  }
0x207: {  	[tilespmem:s12+$0x4430] =	vst v4;
	v2 =	vadd.f32 v2, v6  }
0x208: {  	[tilespmem:s12+$0x4440] =	vst v3;
	v1 =	vadd.f32 v1, v7  }
0x209: {  	[tilespmem:s12+$0x4450] =	vst v2;
	v0 =	vadd.f32 v0, v63  }
0x20a: {  	[tilespmem:s12+$0x4460] =	vst v1  }
0x20b: {  	s6 =	rddreg [dreg:$0x16];
	[tilespmem:s12+$0x4470] =	vst v0  }
0x20c: {  	[hbm4b:s6+s5] =	stream.linear.scatter [tilespmem:s19], [sflag:$0x8], $0x4000, $0x38;
	[tilespmem:$0x18400] =	vst v63  }
0x20d: {  	_ =	swait.ge [sflag:s25], $0x4000  }
0x20e: {  	[sflag:s25] =	ssyncset.done $0x0  }
0x20f: {  	[sflag:s25] =	ssyncadd.s32 $0xFFFFC000  }
0x210: {  	_ =	swait.ge [sflag:s28], $0x4000  }
0x211: {  	[sflag:s28] =	ssyncset.done $0x0  }
0x212: {  	[sflag:s28] =	ssyncadd.s32 $0xFFFFC000  }
0x213: {  	_ =	swait.ge [sflag:s23], $0x4000  }
0x214: {  	s8 =	rddreg [dreg:$0x19]  }
0x215: {  	s20 =	rddreg [dreg:$0x17];
	s8 =	sadd.s32 $0x1, s8  }
0x216: {  	p0 =	sne.s32 s8, s20  }
.Ltmp9:
0x217: {  	_ = 	snop;
	(pc) =	sbr.rel @p0 .LBB2_1-.Ltmp9, $3  }
0x218: {  	_ =	sdelay $0x1  }
0x219: {  	[sflag:s23] =	ssyncset.done $0x0  }
0x21a: {  	[sflag:s23] =	ssyncadd.s32 $0xFFFFC000  }
0x21b: {  	_ =	sfence.sel $0x180000  }
0x21c: {  	[bflag:$0x0] =	sbarrier.arrive $0xFFFF  }
0x21d: {  	_ =	strace $0x90000047  }
0x21e: {  	s0 =	stileid.u32;
	[bflag:$0x2] =	sbarrier.arrive $0xFFFF  }
0x21f: {  	p0 =	sne.s32 s0, $0x0;
	s0 =	rddreg [dreg:$0x4]  }
0x220: {  	s0 =	sadd.s32 @!p0 $0x100000, s0  }
0x221: {  	[sflag:s0] =	ssyncadd.tile.s32 @!p0 $0x1;
	_ =	shalt  }
.Lfunc_end2:
_tile_overlayer_lowered:
.L_overlay_start_2:
0x222: {  	(tag) =	ssettag $0x2  }
0x223: {  	s0 =	rddreg [dreg:$0x0];
	s2 =	stileid.u32  }
0x224: {  	s1 =	rddreg [dreg:$0x1];
	p0 =	sne.s32 s2, $0x0  }
0x225: {  	s3 =	rddreg [dreg:$0x2];
	[bflag:$0x3] =	sbarrier.arrive $0xFFFF;
	s2 =	simm.s32 @!p0 $0x1C0A  }
0x226: {  	[timem:s3], [sflag:s2] =	dma.local @!p0 [hbm:s0], s1  }
0x227: {  	s0 =	simm.s32 @!p0 $0xA  }
0x228: {  	_ =	swait.ge @!p0 [sflag:s0], s1  }
0x229: {  	s1 =	ssub.s32 @!p0 $0x0, s1;
	[sflag:s0] =	ssyncset.done @!p0 $0x0  }
0x22a: {  	[sflag:s0] =	ssyncadd.s32 @!p0 s1  }
0x22b: {  	[bflag:$0x3] =	sbarrier.arrive $0xFFFF  }
0x22c: {  	_ =	shalt  }

</sc_bundles>
